<compile_context>
chip_gen: v7x
topology: tpu7x:2x2x1
jax: 0.10.2.dev20260603
libtpu: 0.0.44.dev20260713+nightly
codegen_flags: <defaults>
</compile_context>

<pallas_src>
import jax
import jax.numpy as jnp
from jax import lax
from jax.experimental import pallas as pl
from jax.experimental.pallas import tpu as pltpu
from jax.experimental.pallas import tpu_sc as plsc

EMB_DIM = 64
NUM_CORES = 2
NUM_SUBCORES = 16
NUM_WORKERS = NUM_CORES * NUM_SUBCORES
CHUNK = 128
LANES = 16
TB_PITCH = 129


def _transpose_block(rows_v, tb, diotas):
    def one_row(r, carry):
        col = jnp.full((LANES,), r, jnp.int32)
        for dh in range(EMB_DIM // LANES):
            v = rows_v[r, pl.ds(dh * LANES, LANES)]
            plsc.store_scatter(tb, [diotas[dh], col], v)
        return carry

    lax.fori_loop(0, CHUNK, one_row, 0, unroll=8)


def _sc_body(idx_hbm, w2_hbm, x_hbm, idx_v, rows_v, tb_v, g_sem, w_sem):
    n_tasks = idx_hbm.shape[1]
    wid = lax.axis_index("s") * NUM_CORES + lax.axis_index("c")
    t0 = wid * n_tasks
    pltpu.sync_copy(idx_hbm.at[wid], idx_v)

    iota = lax.iota(jnp.int32, LANES)
    diotas = [iota + dh * LANES for dh in range(EMB_DIM // LANES)]

    def start_gather(tl, b):
        pltpu.async_copy(w2_hbm.at[idx_v.at[tl]], rows_v.at[b], g_sem.at[b])

    def wait_gather(tl, b):
        pltpu.make_async_copy(
            w2_hbm.at[idx_v.at[tl]], rows_v.at[b], g_sem.at[b]
        ).wait()

    def tile_dst(t, dh):
        s = t // 32
        bh = t % 32
        return x_hbm.at[s, dh, bh]

    def tile_src(b, dh):
        return tb_v.at[b, pl.ds(dh * 8, 8), pl.ds(0, CHUNK)]

    def start_writes(t, b):
        for dh in range(EMB_DIM // 8):
            pltpu.async_copy(tile_src(b, dh), tile_dst(t, dh), w_sem.at[b])

    def wait_writes(t, b):
        for dh in range(EMB_DIM // 8):
            pltpu.make_async_copy(
                tile_src(b, dh), tile_dst(t, dh), w_sem.at[b]
            ).wait()

    start_gather(0, 0)
    start_gather(1, 1)

    def group(g, carry):
        for b in range(2):
            tl = g * 2 + b
            t = t0 + tl
            wait_gather(tl, b)
            @pl.when(g > 0)
            def _():
                wait_writes(t - 2, b)

            _transpose_block(rows_v.at[b], tb_v.at[b], diotas)
            start_writes(t, b)

            @pl.when(tl + 2 < n_tasks)
            def _():
                start_gather(tl + 2, b)

        return carry

    lax.fori_loop(0, n_tasks // 2, group, 0)
    wait_writes(t0 + n_tasks - 2, 0)
    wait_writes(t0 + n_tasks - 1, 1)


def kernel(words, weight):
    b, s = words.shape
    n_tiles_b = b // CHUNK
    n_tasks = s * n_tiles_b // NUM_WORKERS

    w2 = jnp.pad(weight, ((0, 0), (0, 64))).reshape(2 * weight.shape[0], 64)
    idx2 = (words.T * 2).reshape(NUM_WORKERS, n_tasks, CHUNK)

    mesh = plsc.VectorSubcoreMesh(core_axis_name="c", subcore_axis_name="s")
    x = pl.kernel(
        _sc_body,
        out_type=jax.ShapeDtypeStruct(
            (s, EMB_DIM // 8, n_tiles_b, 8, CHUNK), jnp.float32
        ),
        mesh=mesh,
        compiler_params=pltpu.CompilerParams(
            use_tc_tiling_on_sc=False, needs_layout_passes=False
        ),
        scratch_types=[
            pltpu.VMEM((n_tasks, CHUNK), jnp.int32),
            pltpu.VMEM((2, CHUNK, EMB_DIM), jnp.float32),
            pltpu.VMEM((2, EMB_DIM, TB_PITCH), jnp.float32),
            pltpu.SemaphoreType.DMA((2,)),
            pltpu.SemaphoreType.DMA((2,)),
        ],
    )(idx2, w2)
    return x.transpose(2, 4, 0, 1, 3).reshape(b, s, EMB_DIM)

# --- scband reference (transcript-rebuilt; emitter-appended) ---
"""Pipeline reference for scband-embedding-dropout-4784593568198 (READ-ONLY COPY).

The authoritative reference and input builder live on the scoring server;
editing this copy changes nothing except your own understanding.
"""

import jax, jax.numpy as jnp
import numpy as np

NUM_EMBEDDINGS = 1000000
EMBEDDING_DIM = 64


def setup_inputs(seed: int = 0) -> dict:
    key = jax.random.key(seed)
    k_idx, k_w = jax.random.split(key)
    words = jax.random.randint(k_idx, (4096, 200), 0, NUM_EMBEDDINGS, dtype=jnp.int64 if jax.config.read('jax_enable_x64') else jnp.int32)
    weight = jax.random.normal(k_w, (NUM_EMBEDDINGS, EMBEDDING_DIM), dtype=jnp.float32)
    return {"words": words, "weight": weight}


def reference(words, weight):
    # EmbeddingDropout in eval mode / dropoute=0.0: plain embedding lookup.
    # padding_idx is None in the original module, so no zeroing is applied.
    X = jnp.take(weight, words, axis=0)
    return X

if __name__ == "__main__":
    import jax
    _d = setup_inputs()
    print(jax.jit(kernel)(*tuple(_d.values())))

</pallas_src>

<mosaic_0001>
#map = affine_map<(d0, d1) -> (0, 0, 0)>
#map1 = affine_map<(d0, d1) -> (0, 0)>
#map2 = affine_map<(d0, d1) -> (0, 0, 0, 0, 0)>
module attributes {stable_mosaic.version = 14 : i64} {
  func.func @_sc_body(%arg0: i32, %arg1: i32, %arg2: memref<32x200x128xi32, #tpu.memory_space<hbm>>, %arg3: memref<2000000x64xf32, #tpu.memory_space<hbm>>, %arg4: memref<200x8x32x8x128xf32, #tpu.memory_space<hbm>>, %arg5: memref<200x128xi32, #tpu.memory_space<vmem>>, %arg6: memref<2x128x64xf32, #tpu.memory_space<vmem>>, %arg7: memref<2x64x129xf32, #tpu.memory_space<vmem>>, %arg8: memref<2x!tpu.dma_semaphore, #tpu.memory_space<semaphore_mem>>, %arg9: memref<2x!tpu.dma_semaphore, #tpu.memory_space<semaphore_mem>>) attributes {dimension_semantics = [#tpu.dimension_semantics<core_parallel>, #tpu.dimension_semantics<subcore_parallel>], iteration_bounds = array<i64: 2, 16>, scalar_prefetch = 0 : i64, scratch_operands = 5 : i64, tpu.core_type = #tpu.core_type<sc_vector_subcore>, window_params = [{transform_indices = #map}, {transform_indices = #map1}, {transform_indices = #map2}]} {
    %mul3A = arith.constant 2 : i32
    %mul3A_0 = arith.muli %arg1, %mul3A : i32
    %add3A = arith.addi %mul3A_0, %arg0 : i32
    %mul3A_1 = arith.constant 200 : i32
    %mul3A_2 = arith.muli %add3A, %mul3A_1 : i32
    "tpu.region"() ({
      %run_scoped3A = tpu.sem_alloc : memref<!tpu.dma_semaphore, #tpu.memory_space<semaphore_mem>>
      %dma_start3A_1022 = arith.constant 0 : i32
      %dma_start3A_1023 = arith.constant 0 : i32
      %dma_start3A_1024 = tpu.memref_slice %arg2[%add3A, %dma_start3A_1022, %dma_start3A_1023] : memref<32x200x128xi32, #tpu.memory_space<hbm>> -> memref<1x200x128xi32, #tpu.memory_space<hbm>>
      %dma_start3A_1025 = tpu.memref_squeeze %dma_start3A_1024 : memref<1x200x128xi32, #tpu.memory_space<hbm>> -> memref<200x128xi32, #tpu.memory_space<hbm>>
      %dma_start3A_1026 = arith.constant 0 : i32
      %dma_start3A_1027 = arith.constant 0 : i32
      %dma_start3A_1028 = tpu.memref_slice %arg2[%add3A, %dma_start3A_1026, %dma_start3A_1027] : memref<32x200x128xi32, #tpu.memory_space<hbm>> -> memref<1x200x128xi32, #tpu.memory_space<hbm>>
      %dma_start3A_1029 = tpu.memref_squeeze %dma_start3A_1028 : memref<1x200x128xi32, #tpu.memory_space<hbm>> -> memref<200x128xi32, #tpu.memory_space<hbm>>
      tpu.enqueue_dma source(%dma_start3A_1029 : memref<200x128xi32, #tpu.memory_space<hbm>>) target(%arg5 : memref<200x128xi32, #tpu.memory_space<vmem>>) target_semaphore(%run_scoped3A : memref<!tpu.dma_semaphore, #tpu.memory_space<semaphore_mem>>)
      %dma_wait3A_1030 = arith.constant 0 : i32
      %dma_wait3A_1031 = arith.constant 0 : i32
      %dma_wait3A_1032 = tpu.memref_slice %arg2[%add3A, %dma_wait3A_1030, %dma_wait3A_1031] : memref<32x200x128xi32, #tpu.memory_space<hbm>> -> memref<1x200x128xi32, #tpu.memory_space<hbm>>
      %dma_wait3A_1033 = tpu.memref_squeeze %dma_wait3A_1032 : memref<1x200x128xi32, #tpu.memory_space<hbm>> -> memref<200x128xi32, #tpu.memory_space<hbm>>
      %dma_wait3A_1034 = arith.constant 0 : i32
      %dma_wait3A_1035 = arith.constant 0 : i32
      %dma_wait3A_1036 = tpu.memref_slice %arg2[%add3A, %dma_wait3A_1034, %dma_wait3A_1035] : memref<32x200x128xi32, #tpu.memory_space<hbm>> -> memref<1x200x128xi32, #tpu.memory_space<hbm>>
      %dma_wait3A_1037 = tpu.memref_squeeze %dma_wait3A_1036 : memref<1x200x128xi32, #tpu.memory_space<hbm>> -> memref<200x128xi32, #tpu.memory_space<hbm>>
      tpu.wait_dma2 semaphore(%run_scoped3A : memref<!tpu.dma_semaphore, #tpu.memory_space<semaphore_mem>>) src(%dma_wait3A_1037 : memref<200x128xi32, #tpu.memory_space<hbm>>) dst(%arg5 : memref<200x128xi32, #tpu.memory_space<vmem>>)
      tpu.yield
    }) : () -> ()
    %iota3A = tpu.iota {dimensions = array<i32: 0>} : vector<16xi32>
    %add3A_3 = arith.constant 0 : i32
    %add3A_4 = vector.broadcast %add3A_3 : i32 to vector<16xi32>
    %add3A_5 = arith.addi %iota3A, %add3A_4 : vector<16xi32>
    %add3A_6 = arith.constant 16 : i32
    %add3A_7 = vector.broadcast %add3A_6 : i32 to vector<16xi32>
    %add3A_8 = arith.addi %iota3A, %add3A_7 : vector<16xi32>
    %add3A_9 = arith.constant 32 : i32
    %add3A_10 = vector.broadcast %add3A_9 : i32 to vector<16xi32>
    %add3A_11 = arith.addi %iota3A, %add3A_10 : vector<16xi32>
    %add3A_12 = arith.constant 48 : i32
    %add3A_13 = vector.broadcast %add3A_12 : i32 to vector<16xi32>
    %add3A_14 = arith.addi %iota3A, %add3A_13 : vector<16xi32>
    %dma_start3A = arith.constant 0 : i32
    %dma_start3A_15 = arith.constant 0 : i32
    %dma_start3A_16 = arith.constant 0 : i32
    %dma_start3A_17 = arith.constant 0 : i32
    %dma_start3A_18 = arith.constant 0 : i32
    %dma_start3A_19 = tpu.memref_slice %arg6[%dma_start3A_15, %dma_start3A_17, %dma_start3A_18] : memref<2x128x64xf32, #tpu.memory_space<vmem>> -> memref<1x128x64xf32, #tpu.memory_space<vmem>>
    %dma_start3A_20 = tpu.memref_squeeze %dma_start3A_19 : memref<1x128x64xf32, #tpu.memory_space<vmem>> -> memref<128x64xf32, #tpu.memory_space<vmem>>
    %dma_start3A_21 = arith.constant 0 : i32
    %dma_start3A_22 = tpu.memref_slice %arg5[%dma_start3A, %dma_start3A_21] : memref<200x128xi32, #tpu.memory_space<vmem>> -> memref<1x128xi32, #tpu.memory_space<vmem>>
    %dma_start3A_23 = tpu.memref_squeeze %dma_start3A_22 : memref<1x128xi32, #tpu.memory_space<vmem>> -> memref<128xi32, #tpu.memory_space<vmem>>
    %dma_start3A_24 = arith.constant 0 : i32
    %dma_start3A_25 = arith.constant 0 : i32
    %dma_start3A_26 = tpu.memref_slice %arg3[%dma_start3A_24, %dma_start3A_25] : memref<2000000x64xf32, #tpu.memory_space<hbm>> -> memref<2000000x64xf32, #tpu.memory_space<hbm>>
    %dma_start3A_27 = tpu.memref_slice %arg8[%dma_start3A_16] : memref<2x!tpu.dma_semaphore, #tpu.memory_space<semaphore_mem>> -> memref<1x!tpu.dma_semaphore, #tpu.memory_space<semaphore_mem>>
    %dma_start3A_28 = tpu.memref_squeeze %dma_start3A_27 : memref<1x!tpu.dma_semaphore, #tpu.memory_space<semaphore_mem>> -> memref<!tpu.dma_semaphore, #tpu.memory_space<semaphore_mem>>
    tpu.enqueue_indirect_dma source(%dma_start3A_26 : memref<2000000x64xf32, #tpu.memory_space<hbm>>) target(%dma_start3A_20 : memref<128x64xf32, #tpu.memory_space<vmem>>) offsets(%dma_start3A_23 : memref<128xi32, #tpu.memory_space<vmem>>) semaphore(%dma_start3A_28 : memref<!tpu.dma_semaphore, #tpu.memory_space<semaphore_mem>>)
    %dma_start3A_29 = arith.constant 1 : i32
    %dma_start3A_30 = arith.constant 1 : i32
    %dma_start3A_31 = arith.constant 1 : i32
    %dma_start3A_32 = arith.constant 0 : i32
    %dma_start3A_33 = arith.constant 0 : i32
    %dma_start3A_34 = tpu.memref_slice %arg6[%dma_start3A_30, %dma_start3A_32, %dma_start3A_33] : memref<2x128x64xf32, #tpu.memory_space<vmem>> -> memref<1x128x64xf32, #tpu.memory_space<vmem>>
    %dma_start3A_35 = tpu.memref_squeeze %dma_start3A_34 : memref<1x128x64xf32, #tpu.memory_space<vmem>> -> memref<128x64xf32, #tpu.memory_space<vmem>>
    %dma_start3A_36 = arith.constant 0 : i32
    %dma_start3A_37 = tpu.memref_slice %arg5[%dma_start3A_29, %dma_start3A_36] : memref<200x128xi32, #tpu.memory_space<vmem>> -> memref<1x128xi32, #tpu.memory_space<vmem>>
    %dma_start3A_38 = tpu.memref_squeeze %dma_start3A_37 : memref<1x128xi32, #tpu.memory_space<vmem>> -> memref<128xi32, #tpu.memory_space<vmem>>
    %dma_start3A_39 = arith.constant 0 : i32
    %dma_start3A_40 = arith.constant 0 : i32
    %dma_start3A_41 = tpu.memref_slice %arg3[%dma_start3A_39, %dma_start3A_40] : memref<2000000x64xf32, #tpu.memory_space<hbm>> -> memref<2000000x64xf32, #tpu.memory_space<hbm>>
    %dma_start3A_42 = tpu.memref_slice %arg8[%dma_start3A_31] : memref<2x!tpu.dma_semaphore, #tpu.memory_space<semaphore_mem>> -> memref<1x!tpu.dma_semaphore, #tpu.memory_space<semaphore_mem>>
    %dma_start3A_43 = tpu.memref_squeeze %dma_start3A_42 : memref<1x!tpu.dma_semaphore, #tpu.memory_space<semaphore_mem>> -> memref<!tpu.dma_semaphore, #tpu.memory_space<semaphore_mem>>
    tpu.enqueue_indirect_dma source(%dma_start3A_41 : memref<2000000x64xf32, #tpu.memory_space<hbm>>) target(%dma_start3A_35 : memref<128x64xf32, #tpu.memory_space<vmem>>) offsets(%dma_start3A_38 : memref<128xi32, #tpu.memory_space<vmem>>) semaphore(%dma_start3A_43 : memref<!tpu.dma_semaphore, #tpu.memory_space<semaphore_mem>>)
    %scan3A = arith.constant 0 : i32
    %scan3A_44 = arith.constant 0 : i32
    %scan3A_45 = arith.constant 100 : i32
    %scan3A_46 = arith.addi %scan3A_44, %scan3A_45 : i32
    %scan3A_47 = arith.constant 1 : i32
    scf.for %scan3A_1022 = %scan3A_44 to %scan3A_46 step %scan3A_47  : i32 {
      %mul3A_1023 = arith.constant 2 : i32
      %mul3A_1024 = arith.muli %scan3A_1022, %mul3A_1023 : i32
      %add3A_1025 = arith.constant 0 : i32
      %add3A_1026 = arith.addi %mul3A_1024, %add3A_1025 : i32
      %add3A_1027 = arith.addi %mul3A_2, %add3A_1026 : i32
      %dma_wait3A_1028 = arith.constant 0 : i32
      %dma_wait3A_1029 = arith.constant 0 : i32
      %dma_wait3A_1030 = arith.constant 0 : i32
      %dma_wait3A_1031 = arith.constant 0 : i32
      %dma_wait3A_1032 = tpu.memref_slice %arg6[%dma_wait3A_1028, %dma_wait3A_1030, %dma_wait3A_1031] : memref<2x128x64xf32, #tpu.memory_space<vmem>> -> memref<1x128x64xf32, #tpu.memory_space<vmem>>
      %dma_wait3A_1033 = tpu.memref_squeeze %dma_wait3A_1032 : memref<1x128x64xf32, #tpu.memory_space<vmem>> -> memref<128x64xf32, #tpu.memory_space<vmem>>
      %dma_wait3A_1034 = arith.constant 0 : i32
      %dma_wait3A_1035 = tpu.memref_slice %arg5[%add3A_1026, %dma_wait3A_1034] : memref<200x128xi32, #tpu.memory_space<vmem>> -> memref<1x128xi32, #tpu.memory_space<vmem>>
      %dma_wait3A_1036 = tpu.memref_squeeze %dma_wait3A_1035 : memref<1x128xi32, #tpu.memory_space<vmem>> -> memref<128xi32, #tpu.memory_space<vmem>>
      %dma_wait3A_1037 = arith.constant 0 : i32
      %dma_wait3A_1038 = arith.constant 0 : i32
      %dma_wait3A_1039 = tpu.memref_slice %arg3[%dma_wait3A_1037, %dma_wait3A_1038] : memref<2000000x64xf32, #tpu.memory_space<hbm>> -> memref<2000000x64xf32, #tpu.memory_space<hbm>>
      %dma_wait3A_1040 = tpu.memref_slice %arg8[%dma_wait3A_1029] : memref<2x!tpu.dma_semaphore, #tpu.memory_space<semaphore_mem>> -> memref<1x!tpu.dma_semaphore, #tpu.memory_space<semaphore_mem>>
      %dma_wait3A_1041 = tpu.memref_squeeze %dma_wait3A_1040 : memref<1x!tpu.dma_semaphore, #tpu.memory_space<semaphore_mem>> -> memref<!tpu.dma_semaphore, #tpu.memory_space<semaphore_mem>>
      tpu.wait_indirect_dma semaphore(%dma_wait3A_1041 : memref<!tpu.dma_semaphore, #tpu.memory_space<semaphore_mem>>) src(%dma_wait3A_1039 : memref<2000000x64xf32, #tpu.memory_space<hbm>>) dst(%dma_wait3A_1033 : memref<128x64xf32, #tpu.memory_space<vmem>>)
      %gt3A = arith.constant 0 : i32
      %gt3A_1042 = arith.cmpi sgt, %scan3A_1022, %gt3A : i32
      %convert_element_type3A = arith.extui %gt3A_1042 : i1 to i32
      %cond3A = arith.constant 0 : i32
      %cond3A_1043 = arith.cmpi ne, %convert_element_type3A, %cond3A : i32
      scf.if %cond3A_1043 {
        %sub3A_2074 = arith.constant 2 : i32
        %sub3A_2075 = arith.subi %add3A_1027, %sub3A_2074 : i32
        %jit3A_2076 = arith.constant 32 : i32
        %div3A_2077 = arith.divsi %sub3A_2075, %jit3A_2076 : i32
        %sign3A_2078 = arith.constant 0 : i32
        %sign3A_2079 = arith.cmpi sgt, %sub3A_2075, %sign3A_2078 : i32
        %sign3A_2080 = arith.extui %sign3A_2079 : i1 to i32
        %sign3A_2081 = arith.constant 0 : i32
        %sign3A_2082 = arith.cmpi slt, %sub3A_2075, %sign3A_2081 : i32
        %sign3A_2083 = arith.extui %sign3A_2082 : i1 to i32
        %sign3A_2084 = arith.subi %sign3A_2080, %sign3A_2083 : i32
        %sign3A_2085 = arith.constant 0 : i32
        %sign3A_2086 = arith.cmpi sgt, %jit3A_2076, %sign3A_2085 : i32
        %sign3A_2087 = arith.extui %sign3A_2086 : i1 to i32
        %sign3A_2088 = arith.constant 0 : i32
        %sign3A_2089 = arith.cmpi slt, %jit3A_2076, %sign3A_2088 : i32
        %sign3A_2090 = arith.extui %sign3A_2089 : i1 to i32
        %sign3A_2091 = arith.subi %sign3A_2087, %sign3A_2090 : i32
        %ne3A_2092 = arith.cmpi ne, %sign3A_2084, %sign3A_2091 : i32
        %rem3A_2093 = arith.remsi %sub3A_2075, %jit3A_2076 : i32
        %ne3A_2094 = arith.constant 0 : i32
        %ne3A_2095 = arith.cmpi ne, %rem3A_2093, %ne3A_2094 : i32
        %and3A_2096 = arith.andi %ne3A_2092, %ne3A_2095 : i1
        %sub3A_2097 = arith.constant 1 : i32
        %sub3A_2098 = arith.subi %div3A_2077, %sub3A_2097 : i32
        %select_n3A_2099 = arith.select %and3A_2096, %sub3A_2098, %div3A_2077 : i32
        %jit3A_2100 = arith.constant 32 : i32
        %eq3A_2101 = arith.constant 0 : i32
        %eq3A_2102 = arith.cmpi eq, %jit3A_2100, %eq3A_2101 : i32
        %jit3A_2103 = arith.constant 1 : i32
        %select_n3A_2104 = arith.select %eq3A_2102, %jit3A_2103, %jit3A_2100 : i32
        %rem3A_2105 = arith.remsi %sub3A_2075, %select_n3A_2104 : i32
        %ne3A_2106 = arith.constant 0 : i32
        %ne3A_2107 = arith.cmpi ne, %rem3A_2105, %ne3A_2106 : i32
        %lt3A_2108 = arith.constant 0 : i32
        %lt3A_2109 = arith.cmpi slt, %rem3A_2105, %lt3A_2108 : i32
        %lt3A_2110 = arith.constant 0 : i32
        %lt3A_2111 = arith.cmpi slt, %select_n3A_2104, %lt3A_2110 : i32
        %ne3A_2112 = arith.xori %lt3A_2109, %lt3A_2111 : i1
        %and3A_2113 = arith.andi %ne3A_2112, %ne3A_2107 : i1
        %add3A_2114 = arith.addi %rem3A_2105, %select_n3A_2104 : i32
        %select_n3A_2115 = arith.select %and3A_2113, %add3A_2114, %rem3A_2105 : i32
        %dma_wait3A_2116 = arith.constant 0 : i32
        %dma_wait3A_2117 = arith.constant 0 : i32
        %dma_wait3A_2118 = arith.constant 0 : i32
        %dma_wait3A_2119 = arith.constant 0 : i32
        %dma_wait3A_2120 = arith.constant 0 : i32
        %dma_wait3A_2121 = tpu.memref_slice %arg7[%dma_wait3A_2116, %dma_wait3A_2119, %dma_wait3A_2120] : memref<2x64x129xf32, #tpu.memory_space<vmem>> -> memref<1x8x128xf32, #tpu.memory_space<vmem>>
        %dma_wait3A_2122 = tpu.memref_squeeze %dma_wait3A_2121 : memref<1x8x128xf32, #tpu.memory_space<vmem>> -> memref<8x128xf32, #tpu.memory_space<vmem>>
        %dma_wait3A_2123 = arith.constant 0 : i32
        %dma_wait3A_2124 = arith.constant 0 : i32
        %dma_wait3A_2125 = tpu.memref_slice %arg4[%select_n3A_2099, %dma_wait3A_2117, %select_n3A_2115, %dma_wait3A_2123, %dma_wait3A_2124] : memref<200x8x32x8x128xf32, #tpu.memory_space<hbm>> -> memref<1x1x1x8x128xf32, #tpu.memory_space<hbm>>
        %dma_wait3A_2126 = tpu.memref_squeeze %dma_wait3A_2125 : memref<1x1x1x8x128xf32, #tpu.memory_space<hbm>> -> memref<8x128xf32, #tpu.memory_space<hbm>>
        %dma_wait3A_2127 = tpu.memref_slice %arg9[%dma_wait3A_2118] : memref<2x!tpu.dma_semaphore, #tpu.memory_space<semaphore_mem>> -> memref<1x!tpu.dma_semaphore, #tpu.memory_space<semaphore_mem>>
        %dma_wait3A_2128 = tpu.memref_squeeze %dma_wait3A_2127 : memref<1x!tpu.dma_semaphore, #tpu.memory_space<semaphore_mem>> -> memref<!tpu.dma_semaphore, #tpu.memory_space<semaphore_mem>>
        %dma_wait3A_2129 = arith.constant 0 : i32
        %dma_wait3A_2130 = arith.constant 0 : i32
        %dma_wait3A_2131 = tpu.memref_slice %arg4[%select_n3A_2099, %dma_wait3A_2117, %select_n3A_2115, %dma_wait3A_2129, %dma_wait3A_2130] : memref<200x8x32x8x128xf32, #tpu.memory_space<hbm>> -> memref<1x1x1x8x128xf32, #tpu.memory_space<hbm>>
        %dma_wait3A_2132 = tpu.memref_squeeze %dma_wait3A_2131 : memref<1x1x1x8x128xf32, #tpu.memory_space<hbm>> -> memref<8x128xf32, #tpu.memory_space<hbm>>
        %dma_wait3A_2133 = arith.constant 0 : i32
        %dma_wait3A_2134 = arith.constant 0 : i32
        %dma_wait3A_2135 = tpu.memref_slice %arg7[%dma_wait3A_2116, %dma_wait3A_2133, %dma_wait3A_2134] : memref<2x64x129xf32, #tpu.memory_space<vmem>> -> memref<1x8x128xf32, #tpu.memory_space<vmem>>
        %dma_wait3A_2136 = tpu.memref_squeeze %dma_wait3A_2135 : memref<1x8x128xf32, #tpu.memory_space<vmem>> -> memref<8x128xf32, #tpu.memory_space<vmem>>
        tpu.wait_dma2 semaphore(%dma_wait3A_2128 : memref<!tpu.dma_semaphore, #tpu.memory_space<semaphore_mem>>) src(%dma_wait3A_2136 : memref<8x128xf32, #tpu.memory_space<vmem>>) dst(%dma_wait3A_2132 : memref<8x128xf32, #tpu.memory_space<hbm>>)
        %jit3A_2137 = arith.constant 32 : i32
        %div3A_2138 = arith.divsi %sub3A_2075, %jit3A_2137 : i32
        %sign3A_2139 = arith.constant 0 : i32
        %sign3A_2140 = arith.cmpi sgt, %sub3A_2075, %sign3A_2139 : i32
        %sign3A_2141 = arith.extui %sign3A_2140 : i1 to i32
        %sign3A_2142 = arith.constant 0 : i32
        %sign3A_2143 = arith.cmpi slt, %sub3A_2075, %sign3A_2142 : i32
        %sign3A_2144 = arith.extui %sign3A_2143 : i1 to i32
        %sign3A_2145 = arith.subi %sign3A_2141, %sign3A_2144 : i32
        %sign3A_2146 = arith.constant 0 : i32
        %sign3A_2147 = arith.cmpi sgt, %jit3A_2137, %sign3A_2146 : i32
        %sign3A_2148 = arith.extui %sign3A_2147 : i1 to i32
        %sign3A_2149 = arith.constant 0 : i32
        %sign3A_2150 = arith.cmpi slt, %jit3A_2137, %sign3A_2149 : i32
        %sign3A_2151 = arith.extui %sign3A_2150 : i1 to i32
        %sign3A_2152 = arith.subi %sign3A_2148, %sign3A_2151 : i32
        %ne3A_2153 = arith.cmpi ne, %sign3A_2145, %sign3A_2152 : i32
        %rem3A_2154 = arith.remsi %sub3A_2075, %jit3A_2137 : i32
        %ne3A_2155 = arith.constant 0 : i32
        %ne3A_2156 = arith.cmpi ne, %rem3A_2154, %ne3A_2155 : i32
        %and3A_2157 = arith.andi %ne3A_2153, %ne3A_2156 : i1
        %sub3A_2158 = arith.constant 1 : i32
        %sub3A_2159 = arith.subi %div3A_2138, %sub3A_2158 : i32
        %select_n3A_2160 = arith.select %and3A_2157, %sub3A_2159, %div3A_2138 : i32
        %jit3A_2161 = arith.constant 32 : i32
        %eq3A_2162 = arith.constant 0 : i32
        %eq3A_2163 = arith.cmpi eq, %jit3A_2161, %eq3A_2162 : i32
        %jit3A_2164 = arith.constant 1 : i32
        %select_n3A_2165 = arith.select %eq3A_2163, %jit3A_2164, %jit3A_2161 : i32
        %rem3A_2166 = arith.remsi %sub3A_2075, %select_n3A_2165 : i32
        %ne3A_2167 = arith.constant 0 : i32
        %ne3A_2168 = arith.cmpi ne, %rem3A_2166, %ne3A_2167 : i32
        %lt3A_2169 = arith.constant 0 : i32
        %lt3A_2170 = arith.cmpi slt, %rem3A_2166, %lt3A_2169 : i32
        %lt3A_2171 = arith.constant 0 : i32
        %lt3A_2172 = arith.cmpi slt, %select_n3A_2165, %lt3A_2171 : i32
        %ne3A_2173 = arith.xori %lt3A_2170, %lt3A_2172 : i1
        %and3A_2174 = arith.andi %ne3A_2173, %ne3A_2168 : i1
        %add3A_2175 = arith.addi %rem3A_2166, %select_n3A_2165 : i32
        %select_n3A_2176 = arith.select %and3A_2174, %add3A_2175, %rem3A_2166 : i32
        %dma_wait3A_2177 = arith.constant 0 : i32
        %dma_wait3A_2178 = arith.constant 1 : i32
        %dma_wait3A_2179 = arith.constant 0 : i32
        %dma_wait3A_2180 = arith.constant 8 : i32
        %dma_wait3A_2181 = arith.constant 0 : i32
        %dma_wait3A_2182 = tpu.memref_slice %arg7[%dma_wait3A_2177, %dma_wait3A_2180, %dma_wait3A_2181] : memref<2x64x129xf32, #tpu.memory_space<vmem>> -> memref<1x8x128xf32, #tpu.memory_space<vmem>>
        %dma_wait3A_2183 = tpu.memref_squeeze %dma_wait3A_2182 : memref<1x8x128xf32, #tpu.memory_space<vmem>> -> memref<8x128xf32, #tpu.memory_space<vmem>>
        %dma_wait3A_2184 = arith.constant 0 : i32
        %dma_wait3A_2185 = arith.constant 0 : i32
        %dma_wait3A_2186 = tpu.memref_slice %arg4[%select_n3A_2160, %dma_wait3A_2178, %select_n3A_2176, %dma_wait3A_2184, %dma_wait3A_2185] : memref<200x8x32x8x128xf32, #tpu.memory_space<hbm>> -> memref<1x1x1x8x128xf32, #tpu.memory_space<hbm>>
        %dma_wait3A_2187 = tpu.memref_squeeze %dma_wait3A_2186 : memref<1x1x1x8x128xf32, #tpu.memory_space<hbm>> -> memref<8x128xf32, #tpu.memory_space<hbm>>
        %dma_wait3A_2188 = tpu.memref_slice %arg9[%dma_wait3A_2179] : memref<2x!tpu.dma_semaphore, #tpu.memory_space<semaphore_mem>> -> memref<1x!tpu.dma_semaphore, #tpu.memory_space<semaphore_mem>>
        %dma_wait3A_2189 = tpu.memref_squeeze %dma_wait3A_2188 : memref<1x!tpu.dma_semaphore, #tpu.memory_space<semaphore_mem>> -> memref<!tpu.dma_semaphore, #tpu.memory_space<semaphore_mem>>
        %dma_wait3A_2190 = arith.constant 0 : i32
        %dma_wait3A_2191 = arith.constant 0 : i32
        %dma_wait3A_2192 = tpu.memref_slice %arg4[%select_n3A_2160, %dma_wait3A_2178, %select_n3A_2176, %dma_wait3A_2190, %dma_wait3A_2191] : memref<200x8x32x8x128xf32, #tpu.memory_space<hbm>> -> memref<1x1x1x8x128xf32, #tpu.memory_space<hbm>>
        %dma_wait3A_2193 = tpu.memref_squeeze %dma_wait3A_2192 : memref<1x1x1x8x128xf32, #tpu.memory_space<hbm>> -> memref<8x128xf32, #tpu.memory_space<hbm>>
        %dma_wait3A_2194 = arith.constant 8 : i32
        %dma_wait3A_2195 = arith.constant 0 : i32
        %dma_wait3A_2196 = tpu.memref_slice %arg7[%dma_wait3A_2177, %dma_wait3A_2194, %dma_wait3A_2195] : memref<2x64x129xf32, #tpu.memory_space<vmem>> -> memref<1x8x128xf32, #tpu.memory_space<vmem>>
        %dma_wait3A_2197 = tpu.memref_squeeze %dma_wait3A_2196 : memref<1x8x128xf32, #tpu.memory_space<vmem>> -> memref<8x128xf32, #tpu.memory_space<vmem>>
        tpu.wait_dma2 semaphore(%dma_wait3A_2189 : memref<!tpu.dma_semaphore, #tpu.memory_space<semaphore_mem>>) src(%dma_wait3A_2197 : memref<8x128xf32, #tpu.memory_space<vmem>>) dst(%dma_wait3A_2193 : memref<8x128xf32, #tpu.memory_space<hbm>>)
        %jit3A_2198 = arith.constant 32 : i32
        %div3A_2199 = arith.divsi %sub3A_2075, %jit3A_2198 : i32
        %sign3A_2200 = arith.constant 0 : i32
        %sign3A_2201 = arith.cmpi sgt, %sub3A_2075, %sign3A_2200 : i32
        %sign3A_2202 = arith.extui %sign3A_2201 : i1 to i32
        %sign3A_2203 = arith.constant 0 : i32
        %sign3A_2204 = arith.cmpi slt, %sub3A_2075, %sign3A_2203 : i32
        %sign3A_2205 = arith.extui %sign3A_2204 : i1 to i32
        %sign3A_2206 = arith.subi %sign3A_2202, %sign3A_2205 : i32
        %sign3A_2207 = arith.constant 0 : i32
        %sign3A_2208 = arith.cmpi sgt, %jit3A_2198, %sign3A_2207 : i32
        %sign3A_2209 = arith.extui %sign3A_2208 : i1 to i32
        %sign3A_2210 = arith.constant 0 : i32
        %sign3A_2211 = arith.cmpi slt, %jit3A_2198, %sign3A_2210 : i32
        %sign3A_2212 = arith.extui %sign3A_2211 : i1 to i32
        %sign3A_2213 = arith.subi %sign3A_2209, %sign3A_2212 : i32
        %ne3A_2214 = arith.cmpi ne, %sign3A_2206, %sign3A_2213 : i32
        %rem3A_2215 = arith.remsi %sub3A_2075, %jit3A_2198 : i32
        %ne3A_2216 = arith.constant 0 : i32
        %ne3A_2217 = arith.cmpi ne, %rem3A_2215, %ne3A_2216 : i32
        %and3A_2218 = arith.andi %ne3A_2214, %ne3A_2217 : i1
        %sub3A_2219 = arith.constant 1 : i32
        %sub3A_2220 = arith.subi %div3A_2199, %sub3A_2219 : i32
        %select_n3A_2221 = arith.select %and3A_2218, %sub3A_2220, %div3A_2199 : i32
        %jit3A_2222 = arith.constant 32 : i32
        %eq3A_2223 = arith.constant 0 : i32
        %eq3A_2224 = arith.cmpi eq, %jit3A_2222, %eq3A_2223 : i32
        %jit3A_2225 = arith.constant 1 : i32
        %select_n3A_2226 = arith.select %eq3A_2224, %jit3A_2225, %jit3A_2222 : i32
        %rem3A_2227 = arith.remsi %sub3A_2075, %select_n3A_2226 : i32
        %ne3A_2228 = arith.constant 0 : i32
        %ne3A_2229 = arith.cmpi ne, %rem3A_2227, %ne3A_2228 : i32
        %lt3A_2230 = arith.constant 0 : i32
        %lt3A_2231 = arith.cmpi slt, %rem3A_2227, %lt3A_2230 : i32
        %lt3A_2232 = arith.constant 0 : i32
        %lt3A_2233 = arith.cmpi slt, %select_n3A_2226, %lt3A_2232 : i32
        %ne3A_2234 = arith.xori %lt3A_2231, %lt3A_2233 : i1
        %and3A_2235 = arith.andi %ne3A_2234, %ne3A_2229 : i1
        %add3A_2236 = arith.addi %rem3A_2227, %select_n3A_2226 : i32
        %select_n3A_2237 = arith.select %and3A_2235, %add3A_2236, %rem3A_2227 : i32
        %dma_wait3A_2238 = arith.constant 0 : i32
        %dma_wait3A_2239 = arith.constant 2 : i32
        %dma_wait3A_2240 = arith.constant 0 : i32
        %dma_wait3A_2241 = arith.constant 16 : i32
        %dma_wait3A_2242 = arith.constant 0 : i32
        %dma_wait3A_2243 = tpu.memref_slice %arg7[%dma_wait3A_2238, %dma_wait3A_2241, %dma_wait3A_2242] : memref<2x64x129xf32, #tpu.memory_space<vmem>> -> memref<1x8x128xf32, #tpu.memory_space<vmem>>
        %dma_wait3A_2244 = tpu.memref_squeeze %dma_wait3A_2243 : memref<1x8x128xf32, #tpu.memory_space<vmem>> -> memref<8x128xf32, #tpu.memory_space<vmem>>
        %dma_wait3A_2245 = arith.constant 0 : i32
        %dma_wait3A_2246 = arith.constant 0 : i32
        %dma_wait3A_2247 = tpu.memref_slice %arg4[%select_n3A_2221, %dma_wait3A_2239, %select_n3A_2237, %dma_wait3A_2245, %dma_wait3A_2246] : memref<200x8x32x8x128xf32, #tpu.memory_space<hbm>> -> memref<1x1x1x8x128xf32, #tpu.memory_space<hbm>>
        %dma_wait3A_2248 = tpu.memref_squeeze %dma_wait3A_2247 : memref<1x1x1x8x128xf32, #tpu.memory_space<hbm>> -> memref<8x128xf32, #tpu.memory_space<hbm>>
        %dma_wait3A_2249 = tpu.memref_slice %arg9[%dma_wait3A_2240] : memref<2x!tpu.dma_semaphore, #tpu.memory_space<semaphore_mem>> -> memref<1x!tpu.dma_semaphore, #tpu.memory_space<semaphore_mem>>
        %dma_wait3A_2250 = tpu.memref_squeeze %dma_wait3A_2249 : memref<1x!tpu.dma_semaphore, #tpu.memory_space<semaphore_mem>> -> memref<!tpu.dma_semaphore, #tpu.memory_space<semaphore_mem>>
        %dma_wait3A_2251 = arith.constant 0 : i32
        %dma_wait3A_2252 = arith.constant 0 : i32
        %dma_wait3A_2253 = tpu.memref_slice %arg4[%select_n3A_2221, %dma_wait3A_2239, %select_n3A_2237, %dma_wait3A_2251, %dma_wait3A_2252] : memref<200x8x32x8x128xf32, #tpu.memory_space<hbm>> -> memref<1x1x1x8x128xf32, #tpu.memory_space<hbm>>
        %dma_wait3A_2254 = tpu.memref_squeeze %dma_wait3A_2253 : memref<1x1x1x8x128xf32, #tpu.memory_space<hbm>> -> memref<8x128xf32, #tpu.memory_space<hbm>>
        %dma_wait3A_2255 = arith.constant 16 : i32
        %dma_wait3A_2256 = arith.constant 0 : i32
        %dma_wait3A_2257 = tpu.memref_slice %arg7[%dma_wait3A_2238, %dma_wait3A_2255, %dma_wait3A_2256] : memref<2x64x129xf32, #tpu.memory_space<vmem>> -> memref<1x8x128xf32, #tpu.memory_space<vmem>>
        %dma_wait3A_2258 = tpu.memref_squeeze %dma_wait3A_2257 : memref<1x8x128xf32, #tpu.memory_space<vmem>> -> memref<8x128xf32, #tpu.memory_space<vmem>>
        tpu.wait_dma2 semaphore(%dma_wait3A_2250 : memref<!tpu.dma_semaphore, #tpu.memory_space<semaphore_mem>>) src(%dma_wait3A_2258 : memref<8x128xf32, #tpu.memory_space<vmem>>) dst(%dma_wait3A_2254 : memref<8x128xf32, #tpu.memory_space<hbm>>)
        %jit3A_2259 = arith.constant 32 : i32
        %div3A_2260 = arith.divsi %sub3A_2075, %jit3A_2259 : i32
        %sign3A_2261 = arith.constant 0 : i32
        %sign3A_2262 = arith.cmpi sgt, %sub3A_2075, %sign3A_2261 : i32
        %sign3A_2263 = arith.extui %sign3A_2262 : i1 to i32
        %sign3A_2264 = arith.constant 0 : i32
        %sign3A_2265 = arith.cmpi slt, %sub3A_2075, %sign3A_2264 : i32
        %sign3A_2266 = arith.extui %sign3A_2265 : i1 to i32
        %sign3A_2267 = arith.subi %sign3A_2263, %sign3A_2266 : i32
        %sign3A_2268 = arith.constant 0 : i32
        %sign3A_2269 = arith.cmpi sgt, %jit3A_2259, %sign3A_2268 : i32
        %sign3A_2270 = arith.extui %sign3A_2269 : i1 to i32
        %sign3A_2271 = arith.constant 0 : i32
        %sign3A_2272 = arith.cmpi slt, %jit3A_2259, %sign3A_2271 : i32
        %sign3A_2273 = arith.extui %sign3A_2272 : i1 to i32
        %sign3A_2274 = arith.subi %sign3A_2270, %sign3A_2273 : i32
        %ne3A_2275 = arith.cmpi ne, %sign3A_2267, %sign3A_2274 : i32
        %rem3A_2276 = arith.remsi %sub3A_2075, %jit3A_2259 : i32
        %ne3A_2277 = arith.constant 0 : i32
        %ne3A_2278 = arith.cmpi ne, %rem3A_2276, %ne3A_2277 : i32
        %and3A_2279 = arith.andi %ne3A_2275, %ne3A_2278 : i1
        %sub3A_2280 = arith.constant 1 : i32
        %sub3A_2281 = arith.subi %div3A_2260, %sub3A_2280 : i32
        %select_n3A_2282 = arith.select %and3A_2279, %sub3A_2281, %div3A_2260 : i32
        %jit3A_2283 = arith.constant 32 : i32
        %eq3A_2284 = arith.constant 0 : i32
        %eq3A_2285 = arith.cmpi eq, %jit3A_2283, %eq3A_2284 : i32
        %jit3A_2286 = arith.constant 1 : i32
        %select_n3A_2287 = arith.select %eq3A_2285, %jit3A_2286, %jit3A_2283 : i32
        %rem3A_2288 = arith.remsi %sub3A_2075, %select_n3A_2287 : i32
        %ne3A_2289 = arith.constant 0 : i32
        %ne3A_2290 = arith.cmpi ne, %rem3A_2288, %ne3A_2289 : i32
        %lt3A_2291 = arith.constant 0 : i32
        %lt3A_2292 = arith.cmpi slt, %rem3A_2288, %lt3A_2291 : i32
        %lt3A_2293 = arith.constant 0 : i32
        %lt3A_2294 = arith.cmpi slt, %select_n3A_2287, %lt3A_2293 : i32
        %ne3A_2295 = arith.xori %lt3A_2292, %lt3A_2294 : i1
        %and3A_2296 = arith.andi %ne3A_2295, %ne3A_2290 : i1
        %add3A_2297 = arith.addi %rem3A_2288, %select_n3A_2287 : i32
        %select_n3A_2298 = arith.select %and3A_2296, %add3A_2297, %rem3A_2288 : i32
        %dma_wait3A_2299 = arith.constant 0 : i32
        %dma_wait3A_2300 = arith.constant 3 : i32
        %dma_wait3A_2301 = arith.constant 0 : i32
        %dma_wait3A_2302 = arith.constant 24 : i32
        %dma_wait3A_2303 = arith.constant 0 : i32
        %dma_wait3A_2304 = tpu.memref_slice %arg7[%dma_wait3A_2299, %dma_wait3A_2302, %dma_wait3A_2303] : memref<2x64x129xf32, #tpu.memory_space<vmem>> -> memref<1x8x128xf32, #tpu.memory_space<vmem>>
        %dma_wait3A_2305 = tpu.memref_squeeze %dma_wait3A_2304 : memref<1x8x128xf32, #tpu.memory_space<vmem>> -> memref<8x128xf32, #tpu.memory_space<vmem>>
        %dma_wait3A_2306 = arith.constant 0 : i32
        %dma_wait3A_2307 = arith.constant 0 : i32
        %dma_wait3A_2308 = tpu.memref_slice %arg4[%select_n3A_2282, %dma_wait3A_2300, %select_n3A_2298, %dma_wait3A_2306, %dma_wait3A_2307] : memref<200x8x32x8x128xf32, #tpu.memory_space<hbm>> -> memref<1x1x1x8x128xf32, #tpu.memory_space<hbm>>
        %dma_wait3A_2309 = tpu.memref_squeeze %dma_wait3A_2308 : memref<1x1x1x8x128xf32, #tpu.memory_space<hbm>> -> memref<8x128xf32, #tpu.memory_space<hbm>>
        %dma_wait3A_2310 = tpu.memref_slice %arg9[%dma_wait3A_2301] : memref<2x!tpu.dma_semaphore, #tpu.memory_space<semaphore_mem>> -> memref<1x!tpu.dma_semaphore, #tpu.memory_space<semaphore_mem>>
        %dma_wait3A_2311 = tpu.memref_squeeze %dma_wait3A_2310 : memref<1x!tpu.dma_semaphore, #tpu.memory_space<semaphore_mem>> -> memref<!tpu.dma_semaphore, #tpu.memory_space<semaphore_mem>>
        %dma_wait3A_2312 = arith.constant 0 : i32
        %dma_wait3A_2313 = arith.constant 0 : i32
        %dma_wait3A_2314 = tpu.memref_slice %arg4[%select_n3A_2282, %dma_wait3A_2300, %select_n3A_2298, %dma_wait3A_2312, %dma_wait3A_2313] : memref<200x8x32x8x128xf32, #tpu.memory_space<hbm>> -> memref<1x1x1x8x128xf32, #tpu.memory_space<hbm>>
        %dma_wait3A_2315 = tpu.memref_squeeze %dma_wait3A_2314 : memref<1x1x1x8x128xf32, #tpu.memory_space<hbm>> -> memref<8x128xf32, #tpu.memory_space<hbm>>
        %dma_wait3A_2316 = arith.constant 24 : i32
        %dma_wait3A_2317 = arith.constant 0 : i32
        %dma_wait3A_2318 = tpu.memref_slice %arg7[%dma_wait3A_2299, %dma_wait3A_2316, %dma_wait3A_2317] : memref<2x64x129xf32, #tpu.memory_space<vmem>> -> memref<1x8x128xf32, #tpu.memory_space<vmem>>
        %dma_wait3A_2319 = tpu.memref_squeeze %dma_wait3A_2318 : memref<1x8x128xf32, #tpu.memory_space<vmem>> -> memref<8x128xf32, #tpu.memory_space<vmem>>
        tpu.wait_dma2 semaphore(%dma_wait3A_2311 : memref<!tpu.dma_semaphore, #tpu.memory_space<semaphore_mem>>) src(%dma_wait3A_2319 : memref<8x128xf32, #tpu.memory_space<vmem>>) dst(%dma_wait3A_2315 : memref<8x128xf32, #tpu.memory_space<hbm>>)
        %jit3A_2320 = arith.constant 32 : i32
        %div3A_2321 = arith.divsi %sub3A_2075, %jit3A_2320 : i32
        %sign3A_2322 = arith.constant 0 : i32
        %sign3A_2323 = arith.cmpi sgt, %sub3A_2075, %sign3A_2322 : i32
        %sign3A_2324 = arith.extui %sign3A_2323 : i1 to i32
        %sign3A_2325 = arith.constant 0 : i32
        %sign3A_2326 = arith.cmpi slt, %sub3A_2075, %sign3A_2325 : i32
        %sign3A_2327 = arith.extui %sign3A_2326 : i1 to i32
        %sign3A_2328 = arith.subi %sign3A_2324, %sign3A_2327 : i32
        %sign3A_2329 = arith.constant 0 : i32
        %sign3A_2330 = arith.cmpi sgt, %jit3A_2320, %sign3A_2329 : i32
        %sign3A_2331 = arith.extui %sign3A_2330 : i1 to i32
        %sign3A_2332 = arith.constant 0 : i32
        %sign3A_2333 = arith.cmpi slt, %jit3A_2320, %sign3A_2332 : i32
        %sign3A_2334 = arith.extui %sign3A_2333 : i1 to i32
        %sign3A_2335 = arith.subi %sign3A_2331, %sign3A_2334 : i32
        %ne3A_2336 = arith.cmpi ne, %sign3A_2328, %sign3A_2335 : i32
        %rem3A_2337 = arith.remsi %sub3A_2075, %jit3A_2320 : i32
        %ne3A_2338 = arith.constant 0 : i32
        %ne3A_2339 = arith.cmpi ne, %rem3A_2337, %ne3A_2338 : i32
        %and3A_2340 = arith.andi %ne3A_2336, %ne3A_2339 : i1
        %sub3A_2341 = arith.constant 1 : i32
        %sub3A_2342 = arith.subi %div3A_2321, %sub3A_2341 : i32
        %select_n3A_2343 = arith.select %and3A_2340, %sub3A_2342, %div3A_2321 : i32
        %jit3A_2344 = arith.constant 32 : i32
        %eq3A_2345 = arith.constant 0 : i32
        %eq3A_2346 = arith.cmpi eq, %jit3A_2344, %eq3A_2345 : i32
        %jit3A_2347 = arith.constant 1 : i32
        %select_n3A_2348 = arith.select %eq3A_2346, %jit3A_2347, %jit3A_2344 : i32
        %rem3A_2349 = arith.remsi %sub3A_2075, %select_n3A_2348 : i32
        %ne3A_2350 = arith.constant 0 : i32
        %ne3A_2351 = arith.cmpi ne, %rem3A_2349, %ne3A_2350 : i32
        %lt3A_2352 = arith.constant 0 : i32
        %lt3A_2353 = arith.cmpi slt, %rem3A_2349, %lt3A_2352 : i32
        %lt3A_2354 = arith.constant 0 : i32
        %lt3A_2355 = arith.cmpi slt, %select_n3A_2348, %lt3A_2354 : i32
        %ne3A_2356 = arith.xori %lt3A_2353, %lt3A_2355 : i1
        %and3A_2357 = arith.andi %ne3A_2356, %ne3A_2351 : i1
        %add3A_2358 = arith.addi %rem3A_2349, %select_n3A_2348 : i32
        %select_n3A_2359 = arith.select %and3A_2357, %add3A_2358, %rem3A_2349 : i32
        %dma_wait3A_2360 = arith.constant 0 : i32
        %dma_wait3A_2361 = arith.constant 4 : i32
        %dma_wait3A_2362 = arith.constant 0 : i32
        %dma_wait3A_2363 = arith.constant 32 : i32
        %dma_wait3A_2364 = arith.constant 0 : i32
        %dma_wait3A_2365 = tpu.memref_slice %arg7[%dma_wait3A_2360, %dma_wait3A_2363, %dma_wait3A_2364] : memref<2x64x129xf32, #tpu.memory_space<vmem>> -> memref<1x8x128xf32, #tpu.memory_space<vmem>>
        %dma_wait3A_2366 = tpu.memref_squeeze %dma_wait3A_2365 : memref<1x8x128xf32, #tpu.memory_space<vmem>> -> memref<8x128xf32, #tpu.memory_space<vmem>>
        %dma_wait3A_2367 = arith.constant 0 : i32
        %dma_wait3A_2368 = arith.constant 0 : i32
        %dma_wait3A_2369 = tpu.memref_slice %arg4[%select_n3A_2343, %dma_wait3A_2361, %select_n3A_2359, %dma_wait3A_2367, %dma_wait3A_2368] : memref<200x8x32x8x128xf32, #tpu.memory_space<hbm>> -> memref<1x1x1x8x128xf32, #tpu.memory_space<hbm>>
        %dma_wait3A_2370 = tpu.memref_squeeze %dma_wait3A_2369 : memref<1x1x1x8x128xf32, #tpu.memory_space<hbm>> -> memref<8x128xf32, #tpu.memory_space<hbm>>
        %dma_wait3A_2371 = tpu.memref_slice %arg9[%dma_wait3A_2362] : memref<2x!tpu.dma_semaphore, #tpu.memory_space<semaphore_mem>> -> memref<1x!tpu.dma_semaphore, #tpu.memory_space<semaphore_mem>>
        %dma_wait3A_2372 = tpu.memref_squeeze %dma_wait3A_2371 : memref<1x!tpu.dma_semaphore, #tpu.memory_space<semaphore_mem>> -> memref<!tpu.dma_semaphore, #tpu.memory_space<semaphore_mem>>
        %dma_wait3A_2373 = arith.constant 0 : i32
        %dma_wait3A_2374 = arith.constant 0 : i32
        %dma_wait3A_2375 = tpu.memref_slice %arg4[%select_n3A_2343, %dma_wait3A_2361, %select_n3A_2359, %dma_wait3A_2373, %dma_wait3A_2374] : memref<200x8x32x8x128xf32, #tpu.memory_space<hbm>> -> memref<1x1x1x8x128xf32, #tpu.memory_space<hbm>>
        %dma_wait3A_2376 = tpu.memref_squeeze %dma_wait3A_2375 : memref<1x1x1x8x128xf32, #tpu.memory_space<hbm>> -> memref<8x128xf32, #tpu.memory_space<hbm>>
        %dma_wait3A_2377 = arith.constant 32 : i32
        %dma_wait3A_2378 = arith.constant 0 : i32
        %dma_wait3A_2379 = tpu.memref_slice %arg7[%dma_wait3A_2360, %dma_wait3A_2377, %dma_wait3A_2378] : memref<2x64x129xf32, #tpu.memory_space<vmem>> -> memref<1x8x128xf32, #tpu.memory_space<vmem>>
        %dma_wait3A_2380 = tpu.memref_squeeze %dma_wait3A_2379 : memref<1x8x128xf32, #tpu.memory_space<vmem>> -> memref<8x128xf32, #tpu.memory_space<vmem>>
        tpu.wait_dma2 semaphore(%dma_wait3A_2372 : memref<!tpu.dma_semaphore, #tpu.memory_space<semaphore_mem>>) src(%dma_wait3A_2380 : memref<8x128xf32, #tpu.memory_space<vmem>>) dst(%dma_wait3A_2376 : memref<8x128xf32, #tpu.memory_space<hbm>>)
        %jit3A_2381 = arith.constant 32 : i32
        %div3A_2382 = arith.divsi %sub3A_2075, %jit3A_2381 : i32
        %sign3A_2383 = arith.constant 0 : i32
        %sign3A_2384 = arith.cmpi sgt, %sub3A_2075, %sign3A_2383 : i32
        %sign3A_2385 = arith.extui %sign3A_2384 : i1 to i32
        %sign3A_2386 = arith.constant 0 : i32
        %sign3A_2387 = arith.cmpi slt, %sub3A_2075, %sign3A_2386 : i32
        %sign3A_2388 = arith.extui %sign3A_2387 : i1 to i32
        %sign3A_2389 = arith.subi %sign3A_2385, %sign3A_2388 : i32
        %sign3A_2390 = arith.constant 0 : i32
        %sign3A_2391 = arith.cmpi sgt, %jit3A_2381, %sign3A_2390 : i32
        %sign3A_2392 = arith.extui %sign3A_2391 : i1 to i32
        %sign3A_2393 = arith.constant 0 : i32
        %sign3A_2394 = arith.cmpi slt, %jit3A_2381, %sign3A_2393 : i32
        %sign3A_2395 = arith.extui %sign3A_2394 : i1 to i32
        %sign3A_2396 = arith.subi %sign3A_2392, %sign3A_2395 : i32
        %ne3A_2397 = arith.cmpi ne, %sign3A_2389, %sign3A_2396 : i32
        %rem3A_2398 = arith.remsi %sub3A_2075, %jit3A_2381 : i32
        %ne3A_2399 = arith.constant 0 : i32
        %ne3A_2400 = arith.cmpi ne, %rem3A_2398, %ne3A_2399 : i32
        %and3A_2401 = arith.andi %ne3A_2397, %ne3A_2400 : i1
        %sub3A_2402 = arith.constant 1 : i32
        %sub3A_2403 = arith.subi %div3A_2382, %sub3A_2402 : i32
        %select_n3A_2404 = arith.select %and3A_2401, %sub3A_2403, %div3A_2382 : i32
        %jit3A_2405 = arith.constant 32 : i32
        %eq3A_2406 = arith.constant 0 : i32
        %eq3A_2407 = arith.cmpi eq, %jit3A_2405, %eq3A_2406 : i32
        %jit3A_2408 = arith.constant 1 : i32
        %select_n3A_2409 = arith.select %eq3A_2407, %jit3A_2408, %jit3A_2405 : i32
        %rem3A_2410 = arith.remsi %sub3A_2075, %select_n3A_2409 : i32
        %ne3A_2411 = arith.constant 0 : i32
        %ne3A_2412 = arith.cmpi ne, %rem3A_2410, %ne3A_2411 : i32
        %lt3A_2413 = arith.constant 0 : i32
        %lt3A_2414 = arith.cmpi slt, %rem3A_2410, %lt3A_2413 : i32
        %lt3A_2415 = arith.constant 0 : i32
        %lt3A_2416 = arith.cmpi slt, %select_n3A_2409, %lt3A_2415 : i32
        %ne3A_2417 = arith.xori %lt3A_2414, %lt3A_2416 : i1
        %and3A_2418 = arith.andi %ne3A_2417, %ne3A_2412 : i1
        %add3A_2419 = arith.addi %rem3A_2410, %select_n3A_2409 : i32
        %select_n3A_2420 = arith.select %and3A_2418, %add3A_2419, %rem3A_2410 : i32
        %dma_wait3A_2421 = arith.constant 0 : i32
        %dma_wait3A_2422 = arith.constant 5 : i32
        %dma_wait3A_2423 = arith.constant 0 : i32
        %dma_wait3A_2424 = arith.constant 40 : i32
        %dma_wait3A_2425 = arith.constant 0 : i32
        %dma_wait3A_2426 = tpu.memref_slice %arg7[%dma_wait3A_2421, %dma_wait3A_2424, %dma_wait3A_2425] : memref<2x64x129xf32, #tpu.memory_space<vmem>> -> memref<1x8x128xf32, #tpu.memory_space<vmem>>
        %dma_wait3A_2427 = tpu.memref_squeeze %dma_wait3A_2426 : memref<1x8x128xf32, #tpu.memory_space<vmem>> -> memref<8x128xf32, #tpu.memory_space<vmem>>
        %dma_wait3A_2428 = arith.constant 0 : i32
        %dma_wait3A_2429 = arith.constant 0 : i32
        %dma_wait3A_2430 = tpu.memref_slice %arg4[%select_n3A_2404, %dma_wait3A_2422, %select_n3A_2420, %dma_wait3A_2428, %dma_wait3A_2429] : memref<200x8x32x8x128xf32, #tpu.memory_space<hbm>> -> memref<1x1x1x8x128xf32, #tpu.memory_space<hbm>>
        %dma_wait3A_2431 = tpu.memref_squeeze %dma_wait3A_2430 : memref<1x1x1x8x128xf32, #tpu.memory_space<hbm>> -> memref<8x128xf32, #tpu.memory_space<hbm>>
        %dma_wait3A_2432 = tpu.memref_slice %arg9[%dma_wait3A_2423] : memref<2x!tpu.dma_semaphore, #tpu.memory_space<semaphore_mem>> -> memref<1x!tpu.dma_semaphore, #tpu.memory_space<semaphore_mem>>
        %dma_wait3A_2433 = tpu.memref_squeeze %dma_wait3A_2432 : memref<1x!tpu.dma_semaphore, #tpu.memory_space<semaphore_mem>> -> memref<!tpu.dma_semaphore, #tpu.memory_space<semaphore_mem>>
        %dma_wait3A_2434 = arith.constant 0 : i32
        %dma_wait3A_2435 = arith.constant 0 : i32
        %dma_wait3A_2436 = tpu.memref_slice %arg4[%select_n3A_2404, %dma_wait3A_2422, %select_n3A_2420, %dma_wait3A_2434, %dma_wait3A_2435] : memref<200x8x32x8x128xf32, #tpu.memory_space<hbm>> -> memref<1x1x1x8x128xf32, #tpu.memory_space<hbm>>
        %dma_wait3A_2437 = tpu.memref_squeeze %dma_wait3A_2436 : memref<1x1x1x8x128xf32, #tpu.memory_space<hbm>> -> memref<8x128xf32, #tpu.memory_space<hbm>>
        %dma_wait3A_2438 = arith.constant 40 : i32
        %dma_wait3A_2439 = arith.constant 0 : i32
        %dma_wait3A_2440 = tpu.memref_slice %arg7[%dma_wait3A_2421, %dma_wait3A_2438, %dma_wait3A_2439] : memref<2x64x129xf32, #tpu.memory_space<vmem>> -> memref<1x8x128xf32, #tpu.memory_space<vmem>>
        %dma_wait3A_2441 = tpu.memref_squeeze %dma_wait3A_2440 : memref<1x8x128xf32, #tpu.memory_space<vmem>> -> memref<8x128xf32, #tpu.memory_space<vmem>>
        tpu.wait_dma2 semaphore(%dma_wait3A_2433 : memref<!tpu.dma_semaphore, #tpu.memory_space<semaphore_mem>>) src(%dma_wait3A_2441 : memref<8x128xf32, #tpu.memory_space<vmem>>) dst(%dma_wait3A_2437 : memref<8x128xf32, #tpu.memory_space<hbm>>)
        %jit3A_2442 = arith.constant 32 : i32
        %div3A_2443 = arith.divsi %sub3A_2075, %jit3A_2442 : i32
        %sign3A_2444 = arith.constant 0 : i32
        %sign3A_2445 = arith.cmpi sgt, %sub3A_2075, %sign3A_2444 : i32
        %sign3A_2446 = arith.extui %sign3A_2445 : i1 to i32
        %sign3A_2447 = arith.constant 0 : i32
        %sign3A_2448 = arith.cmpi slt, %sub3A_2075, %sign3A_2447 : i32
        %sign3A_2449 = arith.extui %sign3A_2448 : i1 to i32
        %sign3A_2450 = arith.subi %sign3A_2446, %sign3A_2449 : i32
        %sign3A_2451 = arith.constant 0 : i32
        %sign3A_2452 = arith.cmpi sgt, %jit3A_2442, %sign3A_2451 : i32
        %sign3A_2453 = arith.extui %sign3A_2452 : i1 to i32
        %sign3A_2454 = arith.constant 0 : i32
        %sign3A_2455 = arith.cmpi slt, %jit3A_2442, %sign3A_2454 : i32
        %sign3A_2456 = arith.extui %sign3A_2455 : i1 to i32
        %sign3A_2457 = arith.subi %sign3A_2453, %sign3A_2456 : i32
        %ne3A_2458 = arith.cmpi ne, %sign3A_2450, %sign3A_2457 : i32
        %rem3A_2459 = arith.remsi %sub3A_2075, %jit3A_2442 : i32
        %ne3A_2460 = arith.constant 0 : i32
        %ne3A_2461 = arith.cmpi ne, %rem3A_2459, %ne3A_2460 : i32
        %and3A_2462 = arith.andi %ne3A_2458, %ne3A_2461 : i1
        %sub3A_2463 = arith.constant 1 : i32
        %sub3A_2464 = arith.subi %div3A_2443, %sub3A_2463 : i32
        %select_n3A_2465 = arith.select %and3A_2462, %sub3A_2464, %div3A_2443 : i32
        %jit3A_2466 = arith.constant 32 : i32
        %eq3A_2467 = arith.constant 0 : i32
        %eq3A_2468 = arith.cmpi eq, %jit3A_2466, %eq3A_2467 : i32
        %jit3A_2469 = arith.constant 1 : i32
        %select_n3A_2470 = arith.select %eq3A_2468, %jit3A_2469, %jit3A_2466 : i32
        %rem3A_2471 = arith.remsi %sub3A_2075, %select_n3A_2470 : i32
        %ne3A_2472 = arith.constant 0 : i32
        %ne3A_2473 = arith.cmpi ne, %rem3A_2471, %ne3A_2472 : i32
        %lt3A_2474 = arith.constant 0 : i32
        %lt3A_2475 = arith.cmpi slt, %rem3A_2471, %lt3A_2474 : i32
        %lt3A_2476 = arith.constant 0 : i32
        %lt3A_2477 = arith.cmpi slt, %select_n3A_2470, %lt3A_2476 : i32
        %ne3A_2478 = arith.xori %lt3A_2475, %lt3A_2477 : i1
        %and3A_2479 = arith.andi %ne3A_2478, %ne3A_2473 : i1
        %add3A_2480 = arith.addi %rem3A_2471, %select_n3A_2470 : i32
        %select_n3A_2481 = arith.select %and3A_2479, %add3A_2480, %rem3A_2471 : i32
        %dma_wait3A_2482 = arith.constant 0 : i32
        %dma_wait3A_2483 = arith.constant 6 : i32
        %dma_wait3A_2484 = arith.constant 0 : i32
        %dma_wait3A_2485 = arith.constant 48 : i32
        %dma_wait3A_2486 = arith.constant 0 : i32
        %dma_wait3A_2487 = tpu.memref_slice %arg7[%dma_wait3A_2482, %dma_wait3A_2485, %dma_wait3A_2486] : memref<2x64x129xf32, #tpu.memory_space<vmem>> -> memref<1x8x128xf32, #tpu.memory_space<vmem>>
        %dma_wait3A_2488 = tpu.memref_squeeze %dma_wait3A_2487 : memref<1x8x128xf32, #tpu.memory_space<vmem>> -> memref<8x128xf32, #tpu.memory_space<vmem>>
        %dma_wait3A_2489 = arith.constant 0 : i32
        %dma_wait3A_2490 = arith.constant 0 : i32
        %dma_wait3A_2491 = tpu.memref_slice %arg4[%select_n3A_2465, %dma_wait3A_2483, %select_n3A_2481, %dma_wait3A_2489, %dma_wait3A_2490] : memref<200x8x32x8x128xf32, #tpu.memory_space<hbm>> -> memref<1x1x1x8x128xf32, #tpu.memory_space<hbm>>
        %dma_wait3A_2492 = tpu.memref_squeeze %dma_wait3A_2491 : memref<1x1x1x8x128xf32, #tpu.memory_space<hbm>> -> memref<8x128xf32, #tpu.memory_space<hbm>>
        %dma_wait3A_2493 = tpu.memref_slice %arg9[%dma_wait3A_2484] : memref<2x!tpu.dma_semaphore, #tpu.memory_space<semaphore_mem>> -> memref<1x!tpu.dma_semaphore, #tpu.memory_space<semaphore_mem>>
        %dma_wait3A_2494 = tpu.memref_squeeze %dma_wait3A_2493 : memref<1x!tpu.dma_semaphore, #tpu.memory_space<semaphore_mem>> -> memref<!tpu.dma_semaphore, #tpu.memory_space<semaphore_mem>>
        %dma_wait3A_2495 = arith.constant 0 : i32
        %dma_wait3A_2496 = arith.constant 0 : i32
        %dma_wait3A_2497 = tpu.memref_slice %arg4[%select_n3A_2465, %dma_wait3A_2483, %select_n3A_2481, %dma_wait3A_2495, %dma_wait3A_2496] : memref<200x8x32x8x128xf32, #tpu.memory_space<hbm>> -> memref<1x1x1x8x128xf32, #tpu.memory_space<hbm>>
        %dma_wait3A_2498 = tpu.memref_squeeze %dma_wait3A_2497 : memref<1x1x1x8x128xf32, #tpu.memory_space<hbm>> -> memref<8x128xf32, #tpu.memory_space<hbm>>
        %dma_wait3A_2499 = arith.constant 48 : i32
        %dma_wait3A_2500 = arith.constant 0 : i32
        %dma_wait3A_2501 = tpu.memref_slice %arg7[%dma_wait3A_2482, %dma_wait3A_2499, %dma_wait3A_2500] : memref<2x64x129xf32, #tpu.memory_space<vmem>> -> memref<1x8x128xf32, #tpu.memory_space<vmem>>
        %dma_wait3A_2502 = tpu.memref_squeeze %dma_wait3A_2501 : memref<1x8x128xf32, #tpu.memory_space<vmem>> -> memref<8x128xf32, #tpu.memory_space<vmem>>
        tpu.wait_dma2 semaphore(%dma_wait3A_2494 : memref<!tpu.dma_semaphore, #tpu.memory_space<semaphore_mem>>) src(%dma_wait3A_2502 : memref<8x128xf32, #tpu.memory_space<vmem>>) dst(%dma_wait3A_2498 : memref<8x128xf32, #tpu.memory_space<hbm>>)
        %jit3A_2503 = arith.constant 32 : i32
        %div3A_2504 = arith.divsi %sub3A_2075, %jit3A_2503 : i32
        %sign3A_2505 = arith.constant 0 : i32
        %sign3A_2506 = arith.cmpi sgt, %sub3A_2075, %sign3A_2505 : i32
        %sign3A_2507 = arith.extui %sign3A_2506 : i1 to i32
        %sign3A_2508 = arith.constant 0 : i32
        %sign3A_2509 = arith.cmpi slt, %sub3A_2075, %sign3A_2508 : i32
        %sign3A_2510 = arith.extui %sign3A_2509 : i1 to i32
        %sign3A_2511 = arith.subi %sign3A_2507, %sign3A_2510 : i32
        %sign3A_2512 = arith.constant 0 : i32
        %sign3A_2513 = arith.cmpi sgt, %jit3A_2503, %sign3A_2512 : i32
        %sign3A_2514 = arith.extui %sign3A_2513 : i1 to i32
        %sign3A_2515 = arith.constant 0 : i32
        %sign3A_2516 = arith.cmpi slt, %jit3A_2503, %sign3A_2515 : i32
        %sign3A_2517 = arith.extui %sign3A_2516 : i1 to i32
        %sign3A_2518 = arith.subi %sign3A_2514, %sign3A_2517 : i32
        %ne3A_2519 = arith.cmpi ne, %sign3A_2511, %sign3A_2518 : i32
        %rem3A_2520 = arith.remsi %sub3A_2075, %jit3A_2503 : i32
        %ne3A_2521 = arith.constant 0 : i32
        %ne3A_2522 = arith.cmpi ne, %rem3A_2520, %ne3A_2521 : i32
        %and3A_2523 = arith.andi %ne3A_2519, %ne3A_2522 : i1
        %sub3A_2524 = arith.constant 1 : i32
        %sub3A_2525 = arith.subi %div3A_2504, %sub3A_2524 : i32
        %select_n3A_2526 = arith.select %and3A_2523, %sub3A_2525, %div3A_2504 : i32
        %jit3A_2527 = arith.constant 32 : i32
        %eq3A_2528 = arith.constant 0 : i32
        %eq3A_2529 = arith.cmpi eq, %jit3A_2527, %eq3A_2528 : i32
        %jit3A_2530 = arith.constant 1 : i32
        %select_n3A_2531 = arith.select %eq3A_2529, %jit3A_2530, %jit3A_2527 : i32
        %rem3A_2532 = arith.remsi %sub3A_2075, %select_n3A_2531 : i32
        %ne3A_2533 = arith.constant 0 : i32
        %ne3A_2534 = arith.cmpi ne, %rem3A_2532, %ne3A_2533 : i32
        %lt3A_2535 = arith.constant 0 : i32
        %lt3A_2536 = arith.cmpi slt, %rem3A_2532, %lt3A_2535 : i32
        %lt3A_2537 = arith.constant 0 : i32
        %lt3A_2538 = arith.cmpi slt, %select_n3A_2531, %lt3A_2537 : i32
        %ne3A_2539 = arith.xori %lt3A_2536, %lt3A_2538 : i1
        %and3A_2540 = arith.andi %ne3A_2539, %ne3A_2534 : i1
        %add3A_2541 = arith.addi %rem3A_2532, %select_n3A_2531 : i32
        %select_n3A_2542 = arith.select %and3A_2540, %add3A_2541, %rem3A_2532 : i32
        %dma_wait3A_2543 = arith.constant 0 : i32
        %dma_wait3A_2544 = arith.constant 7 : i32
        %dma_wait3A_2545 = arith.constant 0 : i32
        %dma_wait3A_2546 = arith.constant 56 : i32
        %dma_wait3A_2547 = arith.constant 0 : i32
        %dma_wait3A_2548 = tpu.memref_slice %arg7[%dma_wait3A_2543, %dma_wait3A_2546, %dma_wait3A_2547] : memref<2x64x129xf32, #tpu.memory_space<vmem>> -> memref<1x8x128xf32, #tpu.memory_space<vmem>>
        %dma_wait3A_2549 = tpu.memref_squeeze %dma_wait3A_2548 : memref<1x8x128xf32, #tpu.memory_space<vmem>> -> memref<8x128xf32, #tpu.memory_space<vmem>>
        %dma_wait3A_2550 = arith.constant 0 : i32
        %dma_wait3A_2551 = arith.constant 0 : i32
        %dma_wait3A_2552 = tpu.memref_slice %arg4[%select_n3A_2526, %dma_wait3A_2544, %select_n3A_2542, %dma_wait3A_2550, %dma_wait3A_2551] : memref<200x8x32x8x128xf32, #tpu.memory_space<hbm>> -> memref<1x1x1x8x128xf32, #tpu.memory_space<hbm>>
        %dma_wait3A_2553 = tpu.memref_squeeze %dma_wait3A_2552 : memref<1x1x1x8x128xf32, #tpu.memory_space<hbm>> -> memref<8x128xf32, #tpu.memory_space<hbm>>
        %dma_wait3A_2554 = tpu.memref_slice %arg9[%dma_wait3A_2545] : memref<2x!tpu.dma_semaphore, #tpu.memory_space<semaphore_mem>> -> memref<1x!tpu.dma_semaphore, #tpu.memory_space<semaphore_mem>>
        %dma_wait3A_2555 = tpu.memref_squeeze %dma_wait3A_2554 : memref<1x!tpu.dma_semaphore, #tpu.memory_space<semaphore_mem>> -> memref<!tpu.dma_semaphore, #tpu.memory_space<semaphore_mem>>
        %dma_wait3A_2556 = arith.constant 0 : i32
        %dma_wait3A_2557 = arith.constant 0 : i32
        %dma_wait3A_2558 = tpu.memref_slice %arg4[%select_n3A_2526, %dma_wait3A_2544, %select_n3A_2542, %dma_wait3A_2556, %dma_wait3A_2557] : memref<200x8x32x8x128xf32, #tpu.memory_space<hbm>> -> memref<1x1x1x8x128xf32, #tpu.memory_space<hbm>>
        %dma_wait3A_2559 = tpu.memref_squeeze %dma_wait3A_2558 : memref<1x1x1x8x128xf32, #tpu.memory_space<hbm>> -> memref<8x128xf32, #tpu.memory_space<hbm>>
        %dma_wait3A_2560 = arith.constant 56 : i32
        %dma_wait3A_2561 = arith.constant 0 : i32
        %dma_wait3A_2562 = tpu.memref_slice %arg7[%dma_wait3A_2543, %dma_wait3A_2560, %dma_wait3A_2561] : memref<2x64x129xf32, #tpu.memory_space<vmem>> -> memref<1x8x128xf32, #tpu.memory_space<vmem>>
        %dma_wait3A_2563 = tpu.memref_squeeze %dma_wait3A_2562 : memref<1x8x128xf32, #tpu.memory_space<vmem>> -> memref<8x128xf32, #tpu.memory_space<vmem>>
        tpu.wait_dma2 semaphore(%dma_wait3A_2555 : memref<!tpu.dma_semaphore, #tpu.memory_space<semaphore_mem>>) src(%dma_wait3A_2563 : memref<8x128xf32, #tpu.memory_space<vmem>>) dst(%dma_wait3A_2559 : memref<8x128xf32, #tpu.memory_space<hbm>>)
      } else {
      }
      %scan3A_1044 = arith.constant 0 : i32
      %scan3A_1045 = arith.constant 0 : i32
      %scan3A_1046 = arith.constant 0 : i32
      %scan3A_1047 = arith.constant 0 : i32
      %scan3A_1048 = arith.constant 128 : i32
      %scan3A_1049 = arith.addi %scan3A_1047, %scan3A_1048 : i32
      %scan3A_1050 = arith.constant 8 : i32
      scf.for %scan3A_2074 = %scan3A_1047 to %scan3A_1049 step %scan3A_1050  : i32 {
        %broadcast_in_dim3A = vector.broadcast %scan3A_2074 : i32 to vector<16xi32>
        %get3A = arith.constant 0 : i32
        %get3A_2075 = arith.constant 0 : i32
        %get3A_2076 = tpu.memref_slice %arg6[%scan3A_1045, %get3A, %get3A_2075] : memref<2x128x64xf32, #tpu.memory_space<vmem>> -> memref<1x128x64xf32, #tpu.memory_space<vmem>>
        %get3A_2077 = tpu.memref_squeeze %get3A_2076 : memref<1x128x64xf32, #tpu.memory_space<vmem>> -> memref<128x64xf32, #tpu.memory_space<vmem>>
        %get3A_2078 = arith.index_cast %scan3A_2074 : i32 to index
        %get3A_2079 = arith.constant 0 : index
        %get3A_2080 = tpu.vector_load %get3A_2077[%get3A_2078, %get3A_2079] {strides = array<i32>} : memref<128x64xf32, #tpu.memory_space<vmem>>, vector<16xf32>,
        %scatter3A = arith.constant 0 : i32
        %scatter3A_2081 = arith.constant 0 : i32
        %scatter3A_2082 = tpu.memref_slice %arg7[%scan3A_1046, %scatter3A, %scatter3A_2081] : memref<2x64x129xf32, #tpu.memory_space<vmem>> -> memref<1x64x129xf32, #tpu.memory_space<vmem>>
        %scatter3A_2083 = tpu.memref_squeeze %scatter3A_2082 : memref<1x64x129xf32, #tpu.memory_space<vmem>> -> memref<64x129xf32, #tpu.memory_space<vmem>>
        tpu.vector_store_idx %scatter3A_2083[%add3A_5, %broadcast_in_dim3A], %get3A_2080 : memref<64x129xf32, #tpu.memory_space<vmem>>[vector<16xi32>, vector<16xi32>], vector<16xf32>,
        %get3A_2084 = arith.constant 0 : i32
        %get3A_2085 = arith.constant 0 : i32
        %get3A_2086 = tpu.memref_slice %arg6[%scan3A_1045, %get3A_2084, %get3A_2085] : memref<2x128x64xf32, #tpu.memory_space<vmem>> -> memref<1x128x64xf32, #tpu.memory_space<vmem>>
        %get3A_2087 = tpu.memref_squeeze %get3A_2086 : memref<1x128x64xf32, #tpu.memory_space<vmem>> -> memref<128x64xf32, #tpu.memory_space<vmem>>
        %get3A_2088 = arith.index_cast %scan3A_2074 : i32 to index
        %get3A_2089 = arith.constant 16 : index
        %get3A_2090 = tpu.vector_load %get3A_2087[%get3A_2088, %get3A_2089] {strides = array<i32>} : memref<128x64xf32, #tpu.memory_space<vmem>>, vector<16xf32>,
        %scatter3A_2091 = arith.constant 0 : i32
        %scatter3A_2092 = arith.constant 0 : i32
        %scatter3A_2093 = tpu.memref_slice %arg7[%scan3A_1046, %scatter3A_2091, %scatter3A_2092] : memref<2x64x129xf32, #tpu.memory_space<vmem>> -> memref<1x64x129xf32, #tpu.memory_space<vmem>>
        %scatter3A_2094 = tpu.memref_squeeze %scatter3A_2093 : memref<1x64x129xf32, #tpu.memory_space<vmem>> -> memref<64x129xf32, #tpu.memory_space<vmem>>
        tpu.vector_store_idx %scatter3A_2094[%add3A_8, %broadcast_in_dim3A], %get3A_2090 : memref<64x129xf32, #tpu.memory_space<vmem>>[vector<16xi32>, vector<16xi32>], vector<16xf32>,
        %get3A_2095 = arith.constant 0 : i32
        %get3A_2096 = arith.constant 0 : i32
        %get3A_2097 = tpu.memref_slice %arg6[%scan3A_1045, %get3A_2095, %get3A_2096] : memref<2x128x64xf32, #tpu.memory_space<vmem>> -> memref<1x128x64xf32, #tpu.memory_space<vmem>>
        %get3A_2098 = tpu.memref_squeeze %get3A_2097 : memref<1x128x64xf32, #tpu.memory_space<vmem>> -> memref<128x64xf32, #tpu.memory_space<vmem>>
        %get3A_2099 = arith.index_cast %scan3A_2074 : i32 to index
        %get3A_2100 = arith.constant 32 : index
        %get3A_2101 = tpu.vector_load %get3A_2098[%get3A_2099, %get3A_2100] {strides = array<i32>} : memref<128x64xf32, #tpu.memory_space<vmem>>, vector<16xf32>,
        %scatter3A_2102 = arith.constant 0 : i32
        %scatter3A_2103 = arith.constant 0 : i32
        %scatter3A_2104 = tpu.memref_slice %arg7[%scan3A_1046, %scatter3A_2102, %scatter3A_2103] : memref<2x64x129xf32, #tpu.memory_space<vmem>> -> memref<1x64x129xf32, #tpu.memory_space<vmem>>
        %scatter3A_2105 = tpu.memref_squeeze %scatter3A_2104 : memref<1x64x129xf32, #tpu.memory_space<vmem>> -> memref<64x129xf32, #tpu.memory_space<vmem>>
        tpu.vector_store_idx %scatter3A_2105[%add3A_11, %broadcast_in_dim3A], %get3A_2101 : memref<64x129xf32, #tpu.memory_space<vmem>>[vector<16xi32>, vector<16xi32>], vector<16xf32>,
        %get3A_2106 = arith.constant 0 : i32
        %get3A_2107 = arith.constant 0 : i32
        %get3A_2108 = tpu.memref_slice %arg6[%scan3A_1045, %get3A_2106, %get3A_2107] : memref<2x128x64xf32, #tpu.memory_space<vmem>> -> memref<1x128x64xf32, #tpu.memory_space<vmem>>
        %get3A_2109 = tpu.memref_squeeze %get3A_2108 : memref<1x128x64xf32, #tpu.memory_space<vmem>> -> memref<128x64xf32, #tpu.memory_space<vmem>>
        %get3A_2110 = arith.index_cast %scan3A_2074 : i32 to index
        %get3A_2111 = arith.constant 48 : index
        %get3A_2112 = tpu.vector_load %get3A_2109[%get3A_2110, %get3A_2111] {strides = array<i32>} : memref<128x64xf32, #tpu.memory_space<vmem>>, vector<16xf32>,
        %scatter3A_2113 = arith.constant 0 : i32
        %scatter3A_2114 = arith.constant 0 : i32
        %scatter3A_2115 = tpu.memref_slice %arg7[%scan3A_1046, %scatter3A_2113, %scatter3A_2114] : memref<2x64x129xf32, #tpu.memory_space<vmem>> -> memref<1x64x129xf32, #tpu.memory_space<vmem>>
        %scatter3A_2116 = tpu.memref_squeeze %scatter3A_2115 : memref<1x64x129xf32, #tpu.memory_space<vmem>> -> memref<64x129xf32, #tpu.memory_space<vmem>>
        tpu.vector_store_idx %scatter3A_2116[%add3A_14, %broadcast_in_dim3A], %get3A_2112 : memref<64x129xf32, #tpu.memory_space<vmem>>[vector<16xi32>, vector<16xi32>], vector<16xf32>,
        %scan3A_2117 = arith.constant 1 : i32
        %scan3A_2118 = arith.addi %scan3A_2074, %scan3A_2117 : i32
        %broadcast_in_dim3A_2119 = vector.broadcast %scan3A_2118 : i32 to vector<16xi32>
        %get3A_2120 = arith.constant 0 : i32
        %get3A_2121 = arith.constant 0 : i32
        %get3A_2122 = tpu.memref_slice %arg6[%scan3A_1045, %get3A_2120, %get3A_2121] : memref<2x128x64xf32, #tpu.memory_space<vmem>> -> memref<1x128x64xf32, #tpu.memory_space<vmem>>
        %get3A_2123 = tpu.memref_squeeze %get3A_2122 : memref<1x128x64xf32, #tpu.memory_space<vmem>> -> memref<128x64xf32, #tpu.memory_space<vmem>>
        %get3A_2124 = arith.index_cast %scan3A_2118 : i32 to index
        %get3A_2125 = arith.constant 0 : index
        %get3A_2126 = tpu.vector_load %get3A_2123[%get3A_2124, %get3A_2125] {strides = array<i32>} : memref<128x64xf32, #tpu.memory_space<vmem>>, vector<16xf32>,
        %scatter3A_2127 = arith.constant 0 : i32
        %scatter3A_2128 = arith.constant 0 : i32
        %scatter3A_2129 = tpu.memref_slice %arg7[%scan3A_1046, %scatter3A_2127, %scatter3A_2128] : memref<2x64x129xf32, #tpu.memory_space<vmem>> -> memref<1x64x129xf32, #tpu.memory_space<vmem>>
        %scatter3A_2130 = tpu.memref_squeeze %scatter3A_2129 : memref<1x64x129xf32, #tpu.memory_space<vmem>> -> memref<64x129xf32, #tpu.memory_space<vmem>>
        tpu.vector_store_idx %scatter3A_2130[%add3A_5, %broadcast_in_dim3A_2119], %get3A_2126 : memref<64x129xf32, #tpu.memory_space<vmem>>[vector<16xi32>, vector<16xi32>], vector<16xf32>,
        %get3A_2131 = arith.constant 0 : i32
        %get3A_2132 = arith.constant 0 : i32
        %get3A_2133 = tpu.memref_slice %arg6[%scan3A_1045, %get3A_2131, %get3A_2132] : memref<2x128x64xf32, #tpu.memory_space<vmem>> -> memref<1x128x64xf32, #tpu.memory_space<vmem>>
        %get3A_2134 = tpu.memref_squeeze %get3A_2133 : memref<1x128x64xf32, #tpu.memory_space<vmem>> -> memref<128x64xf32, #tpu.memory_space<vmem>>
        %get3A_2135 = arith.index_cast %scan3A_2118 : i32 to index
        %get3A_2136 = arith.constant 16 : index
        %get3A_2137 = tpu.vector_load %get3A_2134[%get3A_2135, %get3A_2136] {strides = array<i32>} : memref<128x64xf32, #tpu.memory_space<vmem>>, vector<16xf32>,
        %scatter3A_2138 = arith.constant 0 : i32
        %scatter3A_2139 = arith.constant 0 : i32
        %scatter3A_2140 = tpu.memref_slice %arg7[%scan3A_1046, %scatter3A_2138, %scatter3A_2139] : memref<2x64x129xf32, #tpu.memory_space<vmem>> -> memref<1x64x129xf32, #tpu.memory_space<vmem>>
        %scatter3A_2141 = tpu.memref_squeeze %scatter3A_2140 : memref<1x64x129xf32, #tpu.memory_space<vmem>> -> memref<64x129xf32, #tpu.memory_space<vmem>>
        tpu.vector_store_idx %scatter3A_2141[%add3A_8, %broadcast_in_dim3A_2119], %get3A_2137 : memref<64x129xf32, #tpu.memory_space<vmem>>[vector<16xi32>, vector<16xi32>], vector<16xf32>,
        %get3A_2142 = arith.constant 0 : i32
        %get3A_2143 = arith.constant 0 : i32
        %get3A_2144 = tpu.memref_slice %arg6[%scan3A_1045, %get3A_2142, %get3A_2143] : memref<2x128x64xf32, #tpu.memory_space<vmem>> -> memref<1x128x64xf32, #tpu.memory_space<vmem>>
        %get3A_2145 = tpu.memref_squeeze %get3A_2144 : memref<1x128x64xf32, #tpu.memory_space<vmem>> -> memref<128x64xf32, #tpu.memory_space<vmem>>
        %get3A_2146 = arith.index_cast %scan3A_2118 : i32 to index
        %get3A_2147 = arith.constant 32 : index
        %get3A_2148 = tpu.vector_load %get3A_2145[%get3A_2146, %get3A_2147] {strides = array<i32>} : memref<128x64xf32, #tpu.memory_space<vmem>>, vector<16xf32>,
        %scatter3A_2149 = arith.constant 0 : i32
        %scatter3A_2150 = arith.constant 0 : i32
        %scatter3A_2151 = tpu.memref_slice %arg7[%scan3A_1046, %scatter3A_2149, %scatter3A_2150] : memref<2x64x129xf32, #tpu.memory_space<vmem>> -> memref<1x64x129xf32, #tpu.memory_space<vmem>>
        %scatter3A_2152 = tpu.memref_squeeze %scatter3A_2151 : memref<1x64x129xf32, #tpu.memory_space<vmem>> -> memref<64x129xf32, #tpu.memory_space<vmem>>
        tpu.vector_store_idx %scatter3A_2152[%add3A_11, %broadcast_in_dim3A_2119], %get3A_2148 : memref<64x129xf32, #tpu.memory_space<vmem>>[vector<16xi32>, vector<16xi32>], vector<16xf32>,
        %get3A_2153 = arith.constant 0 : i32
        %get3A_2154 = arith.constant 0 : i32
        %get3A_2155 = tpu.memref_slice %arg6[%scan3A_1045, %get3A_2153, %get3A_2154] : memref<2x128x64xf32, #tpu.memory_space<vmem>> -> memref<1x128x64xf32, #tpu.memory_space<vmem>>
        %get3A_2156 = tpu.memref_squeeze %get3A_2155 : memref<1x128x64xf32, #tpu.memory_space<vmem>> -> memref<128x64xf32, #tpu.memory_space<vmem>>
        %get3A_2157 = arith.index_cast %scan3A_2118 : i32 to index
        %get3A_2158 = arith.constant 48 : index
        %get3A_2159 = tpu.vector_load %get3A_2156[%get3A_2157, %get3A_2158] {strides = array<i32>} : memref<128x64xf32, #tpu.memory_space<vmem>>, vector<16xf32>,
        %scatter3A_2160 = arith.constant 0 : i32
        %scatter3A_2161 = arith.constant 0 : i32
        %scatter3A_2162 = tpu.memref_slice %arg7[%scan3A_1046, %scatter3A_2160, %scatter3A_2161] : memref<2x64x129xf32, #tpu.memory_space<vmem>> -> memref<1x64x129xf32, #tpu.memory_space<vmem>>
        %scatter3A_2163 = tpu.memref_squeeze %scatter3A_2162 : memref<1x64x129xf32, #tpu.memory_space<vmem>> -> memref<64x129xf32, #tpu.memory_space<vmem>>
        tpu.vector_store_idx %scatter3A_2163[%add3A_14, %broadcast_in_dim3A_2119], %get3A_2159 : memref<64x129xf32, #tpu.memory_space<vmem>>[vector<16xi32>, vector<16xi32>], vector<16xf32>,
        %scan3A_2164 = arith.constant 2 : i32
        %scan3A_2165 = arith.addi %scan3A_2074, %scan3A_2164 : i32
        %broadcast_in_dim3A_2166 = vector.broadcast %scan3A_2165 : i32 to vector<16xi32>
        %get3A_2167 = arith.constant 0 : i32
        %get3A_2168 = arith.constant 0 : i32
        %get3A_2169 = tpu.memref_slice %arg6[%scan3A_1045, %get3A_2167, %get3A_2168] : memref<2x128x64xf32, #tpu.memory_space<vmem>> -> memref<1x128x64xf32, #tpu.memory_space<vmem>>
        %get3A_2170 = tpu.memref_squeeze %get3A_2169 : memref<1x128x64xf32, #tpu.memory_space<vmem>> -> memref<128x64xf32, #tpu.memory_space<vmem>>
        %get3A_2171 = arith.index_cast %scan3A_2165 : i32 to index
        %get3A_2172 = arith.constant 0 : index
        %get3A_2173 = tpu.vector_load %get3A_2170[%get3A_2171, %get3A_2172] {strides = array<i32>} : memref<128x64xf32, #tpu.memory_space<vmem>>, vector<16xf32>,
        %scatter3A_2174 = arith.constant 0 : i32
        %scatter3A_2175 = arith.constant 0 : i32
        %scatter3A_2176 = tpu.memref_slice %arg7[%scan3A_1046, %scatter3A_2174, %scatter3A_2175] : memref<2x64x129xf32, #tpu.memory_space<vmem>> -> memref<1x64x129xf32, #tpu.memory_space<vmem>>
        %scatter3A_2177 = tpu.memref_squeeze %scatter3A_2176 : memref<1x64x129xf32, #tpu.memory_space<vmem>> -> memref<64x129xf32, #tpu.memory_space<vmem>>
        tpu.vector_store_idx %scatter3A_2177[%add3A_5, %broadcast_in_dim3A_2166], %get3A_2173 : memref<64x129xf32, #tpu.memory_space<vmem>>[vector<16xi32>, vector<16xi32>], vector<16xf32>,
        %get3A_2178 = arith.constant 0 : i32
        %get3A_2179 = arith.constant 0 : i32
        %get3A_2180 = tpu.memref_slice %arg6[%scan3A_1045, %get3A_2178, %get3A_2179] : memref<2x128x64xf32, #tpu.memory_space<vmem>> -> memref<1x128x64xf32, #tpu.memory_space<vmem>>
        %get3A_2181 = tpu.memref_squeeze %get3A_2180 : memref<1x128x64xf32, #tpu.memory_space<vmem>> -> memref<128x64xf32, #tpu.memory_space<vmem>>
        %get3A_2182 = arith.index_cast %scan3A_2165 : i32 to index
        %get3A_2183 = arith.constant 16 : index
        %get3A_2184 = tpu.vector_load %get3A_2181[%get3A_2182, %get3A_2183] {strides = array<i32>} : memref<128x64xf32, #tpu.memory_space<vmem>>, vector<16xf32>,
        %scatter3A_2185 = arith.constant 0 : i32
        %scatter3A_2186 = arith.constant 0 : i32
        %scatter3A_2187 = tpu.memref_slice %arg7[%scan3A_1046, %scatter3A_2185, %scatter3A_2186] : memref<2x64x129xf32, #tpu.memory_space<vmem>> -> memref<1x64x129xf32, #tpu.memory_space<vmem>>
        %scatter3A_2188 = tpu.memref_squeeze %scatter3A_2187 : memref<1x64x129xf32, #tpu.memory_space<vmem>> -> memref<64x129xf32, #tpu.memory_space<vmem>>
        tpu.vector_store_idx %scatter3A_2188[%add3A_8, %broadcast_in_dim3A_2166], %get3A_2184 : memref<64x129xf32, #tpu.memory_space<vmem>>[vector<16xi32>, vector<16xi32>], vector<16xf32>,
        %get3A_2189 = arith.constant 0 : i32
        %get3A_2190 = arith.constant 0 : i32
        %get3A_2191 = tpu.memref_slice %arg6[%scan3A_1045, %get3A_2189, %get3A_2190] : memref<2x128x64xf32, #tpu.memory_space<vmem>> -> memref<1x128x64xf32, #tpu.memory_space<vmem>>
        %get3A_2192 = tpu.memref_squeeze %get3A_2191 : memref<1x128x64xf32, #tpu.memory_space<vmem>> -> memref<128x64xf32, #tpu.memory_space<vmem>>
        %get3A_2193 = arith.index_cast %scan3A_2165 : i32 to index
        %get3A_2194 = arith.constant 32 : index
        %get3A_2195 = tpu.vector_load %get3A_2192[%get3A_2193, %get3A_2194] {strides = array<i32>} : memref<128x64xf32, #tpu.memory_space<vmem>>, vector<16xf32>,
        %scatter3A_2196 = arith.constant 0 : i32
        %scatter3A_2197 = arith.constant 0 : i32
        %scatter3A_2198 = tpu.memref_slice %arg7[%scan3A_1046, %scatter3A_2196, %scatter3A_2197] : memref<2x64x129xf32, #tpu.memory_space<vmem>> -> memref<1x64x129xf32, #tpu.memory_space<vmem>>
        %scatter3A_2199 = tpu.memref_squeeze %scatter3A_2198 : memref<1x64x129xf32, #tpu.memory_space<vmem>> -> memref<64x129xf32, #tpu.memory_space<vmem>>
        tpu.vector_store_idx %scatter3A_2199[%add3A_11, %broadcast_in_dim3A_2166], %get3A_2195 : memref<64x129xf32, #tpu.memory_space<vmem>>[vector<16xi32>, vector<16xi32>], vector<16xf32>,
        %get3A_2200 = arith.constant 0 : i32
        %get3A_2201 = arith.constant 0 : i32
        %get3A_2202 = tpu.memref_slice %arg6[%scan3A_1045, %get3A_2200, %get3A_2201] : memref<2x128x64xf32, #tpu.memory_space<vmem>> -> memref<1x128x64xf32, #tpu.memory_space<vmem>>
        %get3A_2203 = tpu.memref_squeeze %get3A_2202 : memref<1x128x64xf32, #tpu.memory_space<vmem>> -> memref<128x64xf32, #tpu.memory_space<vmem>>
        %get3A_2204 = arith.index_cast %scan3A_2165 : i32 to index
        %get3A_2205 = arith.constant 48 : index
        %get3A_2206 = tpu.vector_load %get3A_2203[%get3A_2204, %get3A_2205] {strides = array<i32>} : memref<128x64xf32, #tpu.memory_space<vmem>>, vector<16xf32>,
        %scatter3A_2207 = arith.constant 0 : i32
        %scatter3A_2208 = arith.constant 0 : i32
        %scatter3A_2209 = tpu.memref_slice %arg7[%scan3A_1046, %scatter3A_2207, %scatter3A_2208] : memref<2x64x129xf32, #tpu.memory_space<vmem>> -> memref<1x64x129xf32, #tpu.memory_space<vmem>>
        %scatter3A_2210 = tpu.memref_squeeze %scatter3A_2209 : memref<1x64x129xf32, #tpu.memory_space<vmem>> -> memref<64x129xf32, #tpu.memory_space<vmem>>
        tpu.vector_store_idx %scatter3A_2210[%add3A_14, %broadcast_in_dim3A_2166], %get3A_2206 : memref<64x129xf32, #tpu.memory_space<vmem>>[vector<16xi32>, vector<16xi32>], vector<16xf32>,
        %scan3A_2211 = arith.constant 3 : i32
        %scan3A_2212 = arith.addi %scan3A_2074, %scan3A_2211 : i32
        %broadcast_in_dim3A_2213 = vector.broadcast %scan3A_2212 : i32 to vector<16xi32>
        %get3A_2214 = arith.constant 0 : i32
        %get3A_2215 = arith.constant 0 : i32
        %get3A_2216 = tpu.memref_slice %arg6[%scan3A_1045, %get3A_2214, %get3A_2215] : memref<2x128x64xf32, #tpu.memory_space<vmem>> -> memref<1x128x64xf32, #tpu.memory_space<vmem>>
        %get3A_2217 = tpu.memref_squeeze %get3A_2216 : memref<1x128x64xf32, #tpu.memory_space<vmem>> -> memref<128x64xf32, #tpu.memory_space<vmem>>
        %get3A_2218 = arith.index_cast %scan3A_2212 : i32 to index
        %get3A_2219 = arith.constant 0 : index
        %get3A_2220 = tpu.vector_load %get3A_2217[%get3A_2218, %get3A_2219] {strides = array<i32>} : memref<128x64xf32, #tpu.memory_space<vmem>>, vector<16xf32>,
        %scatter3A_2221 = arith.constant 0 : i32
        %scatter3A_2222 = arith.constant 0 : i32
        %scatter3A_2223 = tpu.memref_slice %arg7[%scan3A_1046, %scatter3A_2221, %scatter3A_2222] : memref<2x64x129xf32, #tpu.memory_space<vmem>> -> memref<1x64x129xf32, #tpu.memory_space<vmem>>
        %scatter3A_2224 = tpu.memref_squeeze %scatter3A_2223 : memref<1x64x129xf32, #tpu.memory_space<vmem>> -> memref<64x129xf32, #tpu.memory_space<vmem>>
        tpu.vector_store_idx %scatter3A_2224[%add3A_5, %broadcast_in_dim3A_2213], %get3A_2220 : memref<64x129xf32, #tpu.memory_space<vmem>>[vector<16xi32>, vector<16xi32>], vector<16xf32>,
        %get3A_2225 = arith.constant 0 : i32
        %get3A_2226 = arith.constant 0 : i32
        %get3A_2227 = tpu.memref_slice %arg6[%scan3A_1045, %get3A_2225, %get3A_2226] : memref<2x128x64xf32, #tpu.memory_space<vmem>> -> memref<1x128x64xf32, #tpu.memory_space<vmem>>
        %get3A_2228 = tpu.memref_squeeze %get3A_2227 : memref<1x128x64xf32, #tpu.memory_space<vmem>> -> memref<128x64xf32, #tpu.memory_space<vmem>>
        %get3A_2229 = arith.index_cast %scan3A_2212 : i32 to index
        %get3A_2230 = arith.constant 16 : index
        %get3A_2231 = tpu.vector_load %get3A_2228[%get3A_2229, %get3A_2230] {strides = array<i32>} : memref<128x64xf32, #tpu.memory_space<vmem>>, vector<16xf32>,
        %scatter3A_2232 = arith.constant 0 : i32
        %scatter3A_2233 = arith.constant 0 : i32
        %scatter3A_2234 = tpu.memref_slice %arg7[%scan3A_1046, %scatter3A_2232, %scatter3A_2233] : memref<2x64x129xf32, #tpu.memory_space<vmem>> -> memref<1x64x129xf32, #tpu.memory_space<vmem>>
        %scatter3A_2235 = tpu.memref_squeeze %scatter3A_2234 : memref<1x64x129xf32, #tpu.memory_space<vmem>> -> memref<64x129xf32, #tpu.memory_space<vmem>>
        tpu.vector_store_idx %scatter3A_2235[%add3A_8, %broadcast_in_dim3A_2213], %get3A_2231 : memref<64x129xf32, #tpu.memory_space<vmem>>[vector<16xi32>, vector<16xi32>], vector<16xf32>,
        %get3A_2236 = arith.constant 0 : i32
        %get3A_2237 = arith.constant 0 : i32
        %get3A_2238 = tpu.memref_slice %arg6[%scan3A_1045, %get3A_2236, %get3A_2237] : memref<2x128x64xf32, #tpu.memory_space<vmem>> -> memref<1x128x64xf32, #tpu.memory_space<vmem>>
        %get3A_2239 = tpu.memref_squeeze %get3A_2238 : memref<1x128x64xf32, #tpu.memory_space<vmem>> -> memref<128x64xf32, #tpu.memory_space<vmem>>
        %get3A_2240 = arith.index_cast %scan3A_2212 : i32 to index
        %get3A_2241 = arith.constant 32 : index
        %get3A_2242 = tpu.vector_load %get3A_2239[%get3A_2240, %get3A_2241] {strides = array<i32>} : memref<128x64xf32, #tpu.memory_space<vmem>>, vector<16xf32>,
        %scatter3A_2243 = arith.constant 0 : i32
        %scatter3A_2244 = arith.constant 0 : i32
        %scatter3A_2245 = tpu.memref_slice %arg7[%scan3A_1046, %scatter3A_2243, %scatter3A_2244] : memref<2x64x129xf32, #tpu.memory_space<vmem>> -> memref<1x64x129xf32, #tpu.memory_space<vmem>>
        %scatter3A_2246 = tpu.memref_squeeze %scatter3A_2245 : memref<1x64x129xf32, #tpu.memory_space<vmem>> -> memref<64x129xf32, #tpu.memory_space<vmem>>
        tpu.vector_store_idx %scatter3A_2246[%add3A_11, %broadcast_in_dim3A_2213], %get3A_2242 : memref<64x129xf32, #tpu.memory_space<vmem>>[vector<16xi32>, vector<16xi32>], vector<16xf32>,
        %get3A_2247 = arith.constant 0 : i32
        %get3A_2248 = arith.constant 0 : i32
        %get3A_2249 = tpu.memref_slice %arg6[%scan3A_1045, %get3A_2247, %get3A_2248] : memref<2x128x64xf32, #tpu.memory_space<vmem>> -> memref<1x128x64xf32, #tpu.memory_space<vmem>>
        %get3A_2250 = tpu.memref_squeeze %get3A_2249 : memref<1x128x64xf32, #tpu.memory_space<vmem>> -> memref<128x64xf32, #tpu.memory_space<vmem>>
        %get3A_2251 = arith.index_cast %scan3A_2212 : i32 to index
        %get3A_2252 = arith.constant 48 : index
        %get3A_2253 = tpu.vector_load %get3A_2250[%get3A_2251, %get3A_2252] {strides = array<i32>} : memref<128x64xf32, #tpu.memory_space<vmem>>, vector<16xf32>,
        %scatter3A_2254 = arith.constant 0 : i32
        %scatter3A_2255 = arith.constant 0 : i32
        %scatter3A_2256 = tpu.memref_slice %arg7[%scan3A_1046, %scatter3A_2254, %scatter3A_2255] : memref<2x64x129xf32, #tpu.memory_space<vmem>> -> memref<1x64x129xf32, #tpu.memory_space<vmem>>
        %scatter3A_2257 = tpu.memref_squeeze %scatter3A_2256 : memref<1x64x129xf32, #tpu.memory_space<vmem>> -> memref<64x129xf32, #tpu.memory_space<vmem>>
        tpu.vector_store_idx %scatter3A_2257[%add3A_14, %broadcast_in_dim3A_2213], %get3A_2253 : memref<64x129xf32, #tpu.memory_space<vmem>>[vector<16xi32>, vector<16xi32>], vector<16xf32>,
        %scan3A_2258 = arith.constant 4 : i32
        %scan3A_2259 = arith.addi %scan3A_2074, %scan3A_2258 : i32
        %broadcast_in_dim3A_2260 = vector.broadcast %scan3A_2259 : i32 to vector<16xi32>
        %get3A_2261 = arith.constant 0 : i32
        %get3A_2262 = arith.constant 0 : i32
        %get3A_2263 = tpu.memref_slice %arg6[%scan3A_1045, %get3A_2261, %get3A_2262] : memref<2x128x64xf32, #tpu.memory_space<vmem>> -> memref<1x128x64xf32, #tpu.memory_space<vmem>>
        %get3A_2264 = tpu.memref_squeeze %get3A_2263 : memref<1x128x64xf32, #tpu.memory_space<vmem>> -> memref<128x64xf32, #tpu.memory_space<vmem>>
        %get3A_2265 = arith.index_cast %scan3A_2259 : i32 to index
        %get3A_2266 = arith.constant 0 : index
        %get3A_2267 = tpu.vector_load %get3A_2264[%get3A_2265, %get3A_2266] {strides = array<i32>} : memref<128x64xf32, #tpu.memory_space<vmem>>, vector<16xf32>,
        %scatter3A_2268 = arith.constant 0 : i32
        %scatter3A_2269 = arith.constant 0 : i32
        %scatter3A_2270 = tpu.memref_slice %arg7[%scan3A_1046, %scatter3A_2268, %scatter3A_2269] : memref<2x64x129xf32, #tpu.memory_space<vmem>> -> memref<1x64x129xf32, #tpu.memory_space<vmem>>
        %scatter3A_2271 = tpu.memref_squeeze %scatter3A_2270 : memref<1x64x129xf32, #tpu.memory_space<vmem>> -> memref<64x129xf32, #tpu.memory_space<vmem>>
        tpu.vector_store_idx %scatter3A_2271[%add3A_5, %broadcast_in_dim3A_2260], %get3A_2267 : memref<64x129xf32, #tpu.memory_space<vmem>>[vector<16xi32>, vector<16xi32>], vector<16xf32>,
        %get3A_2272 = arith.constant 0 : i32
        %get3A_2273 = arith.constant 0 : i32
        %get3A_2274 = tpu.memref_slice %arg6[%scan3A_1045, %get3A_2272, %get3A_2273] : memref<2x128x64xf32, #tpu.memory_space<vmem>> -> memref<1x128x64xf32, #tpu.memory_space<vmem>>
        %get3A_2275 = tpu.memref_squeeze %get3A_2274 : memref<1x128x64xf32, #tpu.memory_space<vmem>> -> memref<128x64xf32, #tpu.memory_space<vmem>>
        %get3A_2276 = arith.index_cast %scan3A_2259 : i32 to index
        %get3A_2277 = arith.constant 16 : index
        %get3A_2278 = tpu.vector_load %get3A_2275[%get3A_2276, %get3A_2277] {strides = array<i32>} : memref<128x64xf32, #tpu.memory_space<vmem>>, vector<16xf32>,
        %scatter3A_2279 = arith.constant 0 : i32
        %scatter3A_2280 = arith.constant 0 : i32
        %scatter3A_2281 = tpu.memref_slice %arg7[%scan3A_1046, %scatter3A_2279, %scatter3A_2280] : memref<2x64x129xf32, #tpu.memory_space<vmem>> -> memref<1x64x129xf32, #tpu.memory_space<vmem>>
        %scatter3A_2282 = tpu.memref_squeeze %scatter3A_2281 : memref<1x64x129xf32, #tpu.memory_space<vmem>> -> memref<64x129xf32, #tpu.memory_space<vmem>>
        tpu.vector_store_idx %scatter3A_2282[%add3A_8, %broadcast_in_dim3A_2260], %get3A_2278 : memref<64x129xf32, #tpu.memory_space<vmem>>[vector<16xi32>, vector<16xi32>], vector<16xf32>,
        %get3A_2283 = arith.constant 0 : i32
        %get3A_2284 = arith.constant 0 : i32
        %get3A_2285 = tpu.memref_slice %arg6[%scan3A_1045, %get3A_2283, %get3A_2284] : memref<2x128x64xf32, #tpu.memory_space<vmem>> -> memref<1x128x64xf32, #tpu.memory_space<vmem>>
        %get3A_2286 = tpu.memref_squeeze %get3A_2285 : memref<1x128x64xf32, #tpu.memory_space<vmem>> -> memref<128x64xf32, #tpu.memory_space<vmem>>
        %get3A_2287 = arith.index_cast %scan3A_2259 : i32 to index
        %get3A_2288 = arith.constant 32 : index
        %get3A_2289 = tpu.vector_load %get3A_2286[%get3A_2287, %get3A_2288] {strides = array<i32>} : memref<128x64xf32, #tpu.memory_space<vmem>>, vector<16xf32>,
        %scatter3A_2290 = arith.constant 0 : i32
        %scatter3A_2291 = arith.constant 0 : i32
        %scatter3A_2292 = tpu.memref_slice %arg7[%scan3A_1046, %scatter3A_2290, %scatter3A_2291] : memref<2x64x129xf32, #tpu.memory_space<vmem>> -> memref<1x64x129xf32, #tpu.memory_space<vmem>>
        %scatter3A_2293 = tpu.memref_squeeze %scatter3A_2292 : memref<1x64x129xf32, #tpu.memory_space<vmem>> -> memref<64x129xf32, #tpu.memory_space<vmem>>
        tpu.vector_store_idx %scatter3A_2293[%add3A_11, %broadcast_in_dim3A_2260], %get3A_2289 : memref<64x129xf32, #tpu.memory_space<vmem>>[vector<16xi32>, vector<16xi32>], vector<16xf32>,
        %get3A_2294 = arith.constant 0 : i32
        %get3A_2295 = arith.constant 0 : i32
        %get3A_2296 = tpu.memref_slice %arg6[%scan3A_1045, %get3A_2294, %get3A_2295] : memref<2x128x64xf32, #tpu.memory_space<vmem>> -> memref<1x128x64xf32, #tpu.memory_space<vmem>>
        %get3A_2297 = tpu.memref_squeeze %get3A_2296 : memref<1x128x64xf32, #tpu.memory_space<vmem>> -> memref<128x64xf32, #tpu.memory_space<vmem>>
        %get3A_2298 = arith.index_cast %scan3A_2259 : i32 to index
        %get3A_2299 = arith.constant 48 : index
        %get3A_2300 = tpu.vector_load %get3A_2297[%get3A_2298, %get3A_2299] {strides = array<i32>} : memref<128x64xf32, #tpu.memory_space<vmem>>, vector<16xf32>,
        %scatter3A_2301 = arith.constant 0 : i32
        %scatter3A_2302 = arith.constant 0 : i32
        %scatter3A_2303 = tpu.memref_slice %arg7[%scan3A_1046, %scatter3A_2301, %scatter3A_2302] : memref<2x64x129xf32, #tpu.memory_space<vmem>> -> memref<1x64x129xf32, #tpu.memory_space<vmem>>
        %scatter3A_2304 = tpu.memref_squeeze %scatter3A_2303 : memref<1x64x129xf32, #tpu.memory_space<vmem>> -> memref<64x129xf32, #tpu.memory_space<vmem>>
        tpu.vector_store_idx %scatter3A_2304[%add3A_14, %broadcast_in_dim3A_2260], %get3A_2300 : memref<64x129xf32, #tpu.memory_space<vmem>>[vector<16xi32>, vector<16xi32>], vector<16xf32>,
        %scan3A_2305 = arith.constant 5 : i32
        %scan3A_2306 = arith.addi %scan3A_2074, %scan3A_2305 : i32
        %broadcast_in_dim3A_2307 = vector.broadcast %scan3A_2306 : i32 to vector<16xi32>
        %get3A_2308 = arith.constant 0 : i32
        %get3A_2309 = arith.constant 0 : i32
        %get3A_2310 = tpu.memref_slice %arg6[%scan3A_1045, %get3A_2308, %get3A_2309] : memref<2x128x64xf32, #tpu.memory_space<vmem>> -> memref<1x128x64xf32, #tpu.memory_space<vmem>>
        %get3A_2311 = tpu.memref_squeeze %get3A_2310 : memref<1x128x64xf32, #tpu.memory_space<vmem>> -> memref<128x64xf32, #tpu.memory_space<vmem>>
        %get3A_2312 = arith.index_cast %scan3A_2306 : i32 to index
        %get3A_2313 = arith.constant 0 : index
        %get3A_2314 = tpu.vector_load %get3A_2311[%get3A_2312, %get3A_2313] {strides = array<i32>} : memref<128x64xf32, #tpu.memory_space<vmem>>, vector<16xf32>,
        %scatter3A_2315 = arith.constant 0 : i32
        %scatter3A_2316 = arith.constant 0 : i32
        %scatter3A_2317 = tpu.memref_slice %arg7[%scan3A_1046, %scatter3A_2315, %scatter3A_2316] : memref<2x64x129xf32, #tpu.memory_space<vmem>> -> memref<1x64x129xf32, #tpu.memory_space<vmem>>
        %scatter3A_2318 = tpu.memref_squeeze %scatter3A_2317 : memref<1x64x129xf32, #tpu.memory_space<vmem>> -> memref<64x129xf32, #tpu.memory_space<vmem>>
        tpu.vector_store_idx %scatter3A_2318[%add3A_5, %broadcast_in_dim3A_2307], %get3A_2314 : memref<64x129xf32, #tpu.memory_space<vmem>>[vector<16xi32>, vector<16xi32>], vector<16xf32>,
        %get3A_2319 = arith.constant 0 : i32
        %get3A_2320 = arith.constant 0 : i32
        %get3A_2321 = tpu.memref_slice %arg6[%scan3A_1045, %get3A_2319, %get3A_2320] : memref<2x128x64xf32, #tpu.memory_space<vmem>> -> memref<1x128x64xf32, #tpu.memory_space<vmem>>
        %get3A_2322 = tpu.memref_squeeze %get3A_2321 : memref<1x128x64xf32, #tpu.memory_space<vmem>> -> memref<128x64xf32, #tpu.memory_space<vmem>>
        %get3A_2323 = arith.index_cast %scan3A_2306 : i32 to index
        %get3A_2324 = arith.constant 16 : index
        %get3A_2325 = tpu.vector_load %get3A_2322[%get3A_2323, %get3A_2324] {strides = array<i32>} : memref<128x64xf32, #tpu.memory_space<vmem>>, vector<16xf32>,
        %scatter3A_2326 = arith.constant 0 : i32
        %scatter3A_2327 = arith.constant 0 : i32
        %scatter3A_2328 = tpu.memref_slice %arg7[%scan3A_1046, %scatter3A_2326, %scatter3A_2327] : memref<2x64x129xf32, #tpu.memory_space<vmem>> -> memref<1x64x129xf32, #tpu.memory_space<vmem>>
        %scatter3A_2329 = tpu.memref_squeeze %scatter3A_2328 : memref<1x64x129xf32, #tpu.memory_space<vmem>> -> memref<64x129xf32, #tpu.memory_space<vmem>>
        tpu.vector_store_idx %scatter3A_2329[%add3A_8, %broadcast_in_dim3A_2307], %get3A_2325 : memref<64x129xf32, #tpu.memory_space<vmem>>[vector<16xi32>, vector<16xi32>], vector<16xf32>,
        %get3A_2330 = arith.constant 0 : i32
        %get3A_2331 = arith.constant 0 : i32
        %get3A_2332 = tpu.memref_slice %arg6[%scan3A_1045, %get3A_2330, %get3A_2331] : memref<2x128x64xf32, #tpu.memory_space<vmem>> -> memref<1x128x64xf32, #tpu.memory_space<vmem>>
        %get3A_2333 = tpu.memref_squeeze %get3A_2332 : memref<1x128x64xf32, #tpu.memory_space<vmem>> -> memref<128x64xf32, #tpu.memory_space<vmem>>
        %get3A_2334 = arith.index_cast %scan3A_2306 : i32 to index
        %get3A_2335 = arith.constant 32 : index
        %get3A_2336 = tpu.vector_load %get3A_2333[%get3A_2334, %get3A_2335] {strides = array<i32>} : memref<128x64xf32, #tpu.memory_space<vmem>>, vector<16xf32>,
        %scatter3A_2337 = arith.constant 0 : i32
        %scatter3A_2338 = arith.constant 0 : i32
        %scatter3A_2339 = tpu.memref_slice %arg7[%scan3A_1046, %scatter3A_2337, %scatter3A_2338] : memref<2x64x129xf32, #tpu.memory_space<vmem>> -> memref<1x64x129xf32, #tpu.memory_space<vmem>>
        %scatter3A_2340 = tpu.memref_squeeze %scatter3A_2339 : memref<1x64x129xf32, #tpu.memory_space<vmem>> -> memref<64x129xf32, #tpu.memory_space<vmem>>
        tpu.vector_store_idx %scatter3A_2340[%add3A_11, %broadcast_in_dim3A_2307], %get3A_2336 : memref<64x129xf32, #tpu.memory_space<vmem>>[vector<16xi32>, vector<16xi32>], vector<16xf32>,
        %get3A_2341 = arith.constant 0 : i32
        %get3A_2342 = arith.constant 0 : i32
        %get3A_2343 = tpu.memref_slice %arg6[%scan3A_1045, %get3A_2341, %get3A_2342] : memref<2x128x64xf32, #tpu.memory_space<vmem>> -> memref<1x128x64xf32, #tpu.memory_space<vmem>>
        %get3A_2344 = tpu.memref_squeeze %get3A_2343 : memref<1x128x64xf32, #tpu.memory_space<vmem>> -> memref<128x64xf32, #tpu.memory_space<vmem>>
        %get3A_2345 = arith.index_cast %scan3A_2306 : i32 to index
        %get3A_2346 = arith.constant 48 : index
        %get3A_2347 = tpu.vector_load %get3A_2344[%get3A_2345, %get3A_2346] {strides = array<i32>} : memref<128x64xf32, #tpu.memory_space<vmem>>, vector<16xf32>,
        %scatter3A_2348 = arith.constant 0 : i32
        %scatter3A_2349 = arith.constant 0 : i32
        %scatter3A_2350 = tpu.memref_slice %arg7[%scan3A_1046, %scatter3A_2348, %scatter3A_2349] : memref<2x64x129xf32, #tpu.memory_space<vmem>> -> memref<1x64x129xf32, #tpu.memory_space<vmem>>
        %scatter3A_2351 = tpu.memref_squeeze %scatter3A_2350 : memref<1x64x129xf32, #tpu.memory_space<vmem>> -> memref<64x129xf32, #tpu.memory_space<vmem>>
        tpu.vector_store_idx %scatter3A_2351[%add3A_14, %broadcast_in_dim3A_2307], %get3A_2347 : memref<64x129xf32, #tpu.memory_space<vmem>>[vector<16xi32>, vector<16xi32>], vector<16xf32>,
        %scan3A_2352 = arith.constant 6 : i32
        %scan3A_2353 = arith.addi %scan3A_2074, %scan3A_2352 : i32
        %broadcast_in_dim3A_2354 = vector.broadcast %scan3A_2353 : i32 to vector<16xi32>
        %get3A_2355 = arith.constant 0 : i32
        %get3A_2356 = arith.constant 0 : i32
        %get3A_2357 = tpu.memref_slice %arg6[%scan3A_1045, %get3A_2355, %get3A_2356] : memref<2x128x64xf32, #tpu.memory_space<vmem>> -> memref<1x128x64xf32, #tpu.memory_space<vmem>>
        %get3A_2358 = tpu.memref_squeeze %get3A_2357 : memref<1x128x64xf32, #tpu.memory_space<vmem>> -> memref<128x64xf32, #tpu.memory_space<vmem>>
        %get3A_2359 = arith.index_cast %scan3A_2353 : i32 to index
        %get3A_2360 = arith.constant 0 : index
        %get3A_2361 = tpu.vector_load %get3A_2358[%get3A_2359, %get3A_2360] {strides = array<i32>} : memref<128x64xf32, #tpu.memory_space<vmem>>, vector<16xf32>,
        %scatter3A_2362 = arith.constant 0 : i32
        %scatter3A_2363 = arith.constant 0 : i32
        %scatter3A_2364 = tpu.memref_slice %arg7[%scan3A_1046, %scatter3A_2362, %scatter3A_2363] : memref<2x64x129xf32, #tpu.memory_space<vmem>> -> memref<1x64x129xf32, #tpu.memory_space<vmem>>
        %scatter3A_2365 = tpu.memref_squeeze %scatter3A_2364 : memref<1x64x129xf32, #tpu.memory_space<vmem>> -> memref<64x129xf32, #tpu.memory_space<vmem>>
        tpu.vector_store_idx %scatter3A_2365[%add3A_5, %broadcast_in_dim3A_2354], %get3A_2361 : memref<64x129xf32, #tpu.memory_space<vmem>>[vector<16xi32>, vector<16xi32>], vector<16xf32>,
        %get3A_2366 = arith.constant 0 : i32
        %get3A_2367 = arith.constant 0 : i32
        %get3A_2368 = tpu.memref_slice %arg6[%scan3A_1045, %get3A_2366, %get3A_2367] : memref<2x128x64xf32, #tpu.memory_space<vmem>> -> memref<1x128x64xf32, #tpu.memory_space<vmem>>
        %get3A_2369 = tpu.memref_squeeze %get3A_2368 : memref<1x128x64xf32, #tpu.memory_space<vmem>> -> memref<128x64xf32, #tpu.memory_space<vmem>>
        %get3A_2370 = arith.index_cast %scan3A_2353 : i32 to index
        %get3A_2371 = arith.constant 16 : index
        %get3A_2372 = tpu.vector_load %get3A_2369[%get3A_2370, %get3A_2371] {strides = array<i32>} : memref<128x64xf32, #tpu.memory_space<vmem>>, vector<16xf32>,
        %scatter3A_2373 = arith.constant 0 : i32
        %scatter3A_2374 = arith.constant 0 : i32
        %scatter3A_2375 = tpu.memref_slice %arg7[%scan3A_1046, %scatter3A_2373, %scatter3A_2374] : memref<2x64x129xf32, #tpu.memory_space<vmem>> -> memref<1x64x129xf32, #tpu.memory_space<vmem>>
        %scatter3A_2376 = tpu.memref_squeeze %scatter3A_2375 : memref<1x64x129xf32, #tpu.memory_space<vmem>> -> memref<64x129xf32, #tpu.memory_space<vmem>>
        tpu.vector_store_idx %scatter3A_2376[%add3A_8, %broadcast_in_dim3A_2354], %get3A_2372 : memref<64x129xf32, #tpu.memory_space<vmem>>[vector<16xi32>, vector<16xi32>], vector<16xf32>,
        %get3A_2377 = arith.constant 0 : i32
        %get3A_2378 = arith.constant 0 : i32
        %get3A_2379 = tpu.memref_slice %arg6[%scan3A_1045, %get3A_2377, %get3A_2378] : memref<2x128x64xf32, #tpu.memory_space<vmem>> -> memref<1x128x64xf32, #tpu.memory_space<vmem>>
        %get3A_2380 = tpu.memref_squeeze %get3A_2379 : memref<1x128x64xf32, #tpu.memory_space<vmem>> -> memref<128x64xf32, #tpu.memory_space<vmem>>
        %get3A_2381 = arith.index_cast %scan3A_2353 : i32 to index
        %get3A_2382 = arith.constant 32 : index
        %get3A_2383 = tpu.vector_load %get3A_2380[%get3A_2381, %get3A_2382] {strides = array<i32>} : memref<128x64xf32, #tpu.memory_space<vmem>>, vector<16xf32>,
        %scatter3A_2384 = arith.constant 0 : i32
        %scatter3A_2385 = arith.constant 0 : i32
        %scatter3A_2386 = tpu.memref_slice %arg7[%scan3A_1046, %scatter3A_2384, %scatter3A_2385] : memref<2x64x129xf32, #tpu.memory_space<vmem>> -> memref<1x64x129xf32, #tpu.memory_space<vmem>>
        %scatter3A_2387 = tpu.memref_squeeze %scatter3A_2386 : memref<1x64x129xf32, #tpu.memory_space<vmem>> -> memref<64x129xf32, #tpu.memory_space<vmem>>
        tpu.vector_store_idx %scatter3A_2387[%add3A_11, %broadcast_in_dim3A_2354], %get3A_2383 : memref<64x129xf32, #tpu.memory_space<vmem>>[vector<16xi32>, vector<16xi32>], vector<16xf32>,
        %get3A_2388 = arith.constant 0 : i32
        %get3A_2389 = arith.constant 0 : i32
        %get3A_2390 = tpu.memref_slice %arg6[%scan3A_1045, %get3A_2388, %get3A_2389] : memref<2x128x64xf32, #tpu.memory_space<vmem>> -> memref<1x128x64xf32, #tpu.memory_space<vmem>>
        %get3A_2391 = tpu.memref_squeeze %get3A_2390 : memref<1x128x64xf32, #tpu.memory_space<vmem>> -> memref<128x64xf32, #tpu.memory_space<vmem>>
        %get3A_2392 = arith.index_cast %scan3A_2353 : i32 to index
        %get3A_2393 = arith.constant 48 : index
        %get3A_2394 = tpu.vector_load %get3A_2391[%get3A_2392, %get3A_2393] {strides = array<i32>} : memref<128x64xf32, #tpu.memory_space<vmem>>, vector<16xf32>,
        %scatter3A_2395 = arith.constant 0 : i32
        %scatter3A_2396 = arith.constant 0 : i32
        %scatter3A_2397 = tpu.memref_slice %arg7[%scan3A_1046, %scatter3A_2395, %scatter3A_2396] : memref<2x64x129xf32, #tpu.memory_space<vmem>> -> memref<1x64x129xf32, #tpu.memory_space<vmem>>
        %scatter3A_2398 = tpu.memref_squeeze %scatter3A_2397 : memref<1x64x129xf32, #tpu.memory_space<vmem>> -> memref<64x129xf32, #tpu.memory_space<vmem>>
        tpu.vector_store_idx %scatter3A_2398[%add3A_14, %broadcast_in_dim3A_2354], %get3A_2394 : memref<64x129xf32, #tpu.memory_space<vmem>>[vector<16xi32>, vector<16xi32>], vector<16xf32>,
        %scan3A_2399 = arith.constant 7 : i32
        %scan3A_2400 = arith.addi %scan3A_2074, %scan3A_2399 : i32
        %broadcast_in_dim3A_2401 = vector.broadcast %scan3A_2400 : i32 to vector<16xi32>
        %get3A_2402 = arith.constant 0 : i32
        %get3A_2403 = arith.constant 0 : i32
        %get3A_2404 = tpu.memref_slice %arg6[%scan3A_1045, %get3A_2402, %get3A_2403] : memref<2x128x64xf32, #tpu.memory_space<vmem>> -> memref<1x128x64xf32, #tpu.memory_space<vmem>>
        %get3A_2405 = tpu.memref_squeeze %get3A_2404 : memref<1x128x64xf32, #tpu.memory_space<vmem>> -> memref<128x64xf32, #tpu.memory_space<vmem>>
        %get3A_2406 = arith.index_cast %scan3A_2400 : i32 to index
        %get3A_2407 = arith.constant 0 : index
        %get3A_2408 = tpu.vector_load %get3A_2405[%get3A_2406, %get3A_2407] {strides = array<i32>} : memref<128x64xf32, #tpu.memory_space<vmem>>, vector<16xf32>,
        %scatter3A_2409 = arith.constant 0 : i32
        %scatter3A_2410 = arith.constant 0 : i32
        %scatter3A_2411 = tpu.memref_slice %arg7[%scan3A_1046, %scatter3A_2409, %scatter3A_2410] : memref<2x64x129xf32, #tpu.memory_space<vmem>> -> memref<1x64x129xf32, #tpu.memory_space<vmem>>
        %scatter3A_2412 = tpu.memref_squeeze %scatter3A_2411 : memref<1x64x129xf32, #tpu.memory_space<vmem>> -> memref<64x129xf32, #tpu.memory_space<vmem>>
        tpu.vector_store_idx %scatter3A_2412[%add3A_5, %broadcast_in_dim3A_2401], %get3A_2408 : memref<64x129xf32, #tpu.memory_space<vmem>>[vector<16xi32>, vector<16xi32>], vector<16xf32>,
        %get3A_2413 = arith.constant 0 : i32
        %get3A_2414 = arith.constant 0 : i32
        %get3A_2415 = tpu.memref_slice %arg6[%scan3A_1045, %get3A_2413, %get3A_2414] : memref<2x128x64xf32, #tpu.memory_space<vmem>> -> memref<1x128x64xf32, #tpu.memory_space<vmem>>
        %get3A_2416 = tpu.memref_squeeze %get3A_2415 : memref<1x128x64xf32, #tpu.memory_space<vmem>> -> memref<128x64xf32, #tpu.memory_space<vmem>>
        %get3A_2417 = arith.index_cast %scan3A_2400 : i32 to index
        %get3A_2418 = arith.constant 16 : index
        %get3A_2419 = tpu.vector_load %get3A_2416[%get3A_2417, %get3A_2418] {strides = array<i32>} : memref<128x64xf32, #tpu.memory_space<vmem>>, vector<16xf32>,
        %scatter3A_2420 = arith.constant 0 : i32
        %scatter3A_2421 = arith.constant 0 : i32
        %scatter3A_2422 = tpu.memref_slice %arg7[%scan3A_1046, %scatter3A_2420, %scatter3A_2421] : memref<2x64x129xf32, #tpu.memory_space<vmem>> -> memref<1x64x129xf32, #tpu.memory_space<vmem>>
        %scatter3A_2423 = tpu.memref_squeeze %scatter3A_2422 : memref<1x64x129xf32, #tpu.memory_space<vmem>> -> memref<64x129xf32, #tpu.memory_space<vmem>>
        tpu.vector_store_idx %scatter3A_2423[%add3A_8, %broadcast_in_dim3A_2401], %get3A_2419 : memref<64x129xf32, #tpu.memory_space<vmem>>[vector<16xi32>, vector<16xi32>], vector<16xf32>,
        %get3A_2424 = arith.constant 0 : i32
        %get3A_2425 = arith.constant 0 : i32
        %get3A_2426 = tpu.memref_slice %arg6[%scan3A_1045, %get3A_2424, %get3A_2425] : memref<2x128x64xf32, #tpu.memory_space<vmem>> -> memref<1x128x64xf32, #tpu.memory_space<vmem>>
        %get3A_2427 = tpu.memref_squeeze %get3A_2426 : memref<1x128x64xf32, #tpu.memory_space<vmem>> -> memref<128x64xf32, #tpu.memory_space<vmem>>
        %get3A_2428 = arith.index_cast %scan3A_2400 : i32 to index
        %get3A_2429 = arith.constant 32 : index
        %get3A_2430 = tpu.vector_load %get3A_2427[%get3A_2428, %get3A_2429] {strides = array<i32>} : memref<128x64xf32, #tpu.memory_space<vmem>>, vector<16xf32>,
        %scatter3A_2431 = arith.constant 0 : i32
        %scatter3A_2432 = arith.constant 0 : i32
        %scatter3A_2433 = tpu.memref_slice %arg7[%scan3A_1046, %scatter3A_2431, %scatter3A_2432] : memref<2x64x129xf32, #tpu.memory_space<vmem>> -> memref<1x64x129xf32, #tpu.memory_space<vmem>>
        %scatter3A_2434 = tpu.memref_squeeze %scatter3A_2433 : memref<1x64x129xf32, #tpu.memory_space<vmem>> -> memref<64x129xf32, #tpu.memory_space<vmem>>
        tpu.vector_store_idx %scatter3A_2434[%add3A_11, %broadcast_in_dim3A_2401], %get3A_2430 : memref<64x129xf32, #tpu.memory_space<vmem>>[vector<16xi32>, vector<16xi32>], vector<16xf32>,
        %get3A_2435 = arith.constant 0 : i32
        %get3A_2436 = arith.constant 0 : i32
        %get3A_2437 = tpu.memref_slice %arg6[%scan3A_1045, %get3A_2435, %get3A_2436] : memref<2x128x64xf32, #tpu.memory_space<vmem>> -> memref<1x128x64xf32, #tpu.memory_space<vmem>>
        %get3A_2438 = tpu.memref_squeeze %get3A_2437 : memref<1x128x64xf32, #tpu.memory_space<vmem>> -> memref<128x64xf32, #tpu.memory_space<vmem>>
        %get3A_2439 = arith.index_cast %scan3A_2400 : i32 to index
        %get3A_2440 = arith.constant 48 : index
        %get3A_2441 = tpu.vector_load %get3A_2438[%get3A_2439, %get3A_2440] {strides = array<i32>} : memref<128x64xf32, #tpu.memory_space<vmem>>, vector<16xf32>,
        %scatter3A_2442 = arith.constant 0 : i32
        %scatter3A_2443 = arith.constant 0 : i32
        %scatter3A_2444 = tpu.memref_slice %arg7[%scan3A_1046, %scatter3A_2442, %scatter3A_2443] : memref<2x64x129xf32, #tpu.memory_space<vmem>> -> memref<1x64x129xf32, #tpu.memory_space<vmem>>
        %scatter3A_2445 = tpu.memref_squeeze %scatter3A_2444 : memref<1x64x129xf32, #tpu.memory_space<vmem>> -> memref<64x129xf32, #tpu.memory_space<vmem>>
        tpu.vector_store_idx %scatter3A_2445[%add3A_14, %broadcast_in_dim3A_2401], %get3A_2441 : memref<64x129xf32, #tpu.memory_space<vmem>>[vector<16xi32>, vector<16xi32>], vector<16xf32>,
      }
      %scan3A_1051 = arith.constant 128 : i32
      %jit3A_1052 = arith.constant 32 : i32
      %div3A_1053 = arith.divsi %add3A_1027, %jit3A_1052 : i32
      %sign3A_1054 = arith.constant 0 : i32
      %sign3A_1055 = arith.cmpi sgt, %add3A_1027, %sign3A_1054 : i32
      %sign3A_1056 = arith.extui %sign3A_1055 : i1 to i32
      %sign3A_1057 = arith.constant 0 : i32
      %sign3A_1058 = arith.cmpi slt, %add3A_1027, %sign3A_1057 : i32
      %sign3A_1059 = arith.extui %sign3A_1058 : i1 to i32
      %sign3A_1060 = arith.subi %sign3A_1056, %sign3A_1059 : i32
      %sign3A_1061 = arith.constant 0 : i32
      %sign3A_1062 = arith.cmpi sgt, %jit3A_1052, %sign3A_1061 : i32
      %sign3A_1063 = arith.extui %sign3A_1062 : i1 to i32
      %sign3A_1064 = arith.constant 0 : i32
      %sign3A_1065 = arith.cmpi slt, %jit3A_1052, %sign3A_1064 : i32
      %sign3A_1066 = arith.extui %sign3A_1065 : i1 to i32
      %sign3A_1067 = arith.subi %sign3A_1063, %sign3A_1066 : i32
      %ne3A_1068 = arith.cmpi ne, %sign3A_1060, %sign3A_1067 : i32
      %rem3A_1069 = arith.remsi %add3A_1027, %jit3A_1052 : i32
      %ne3A_1070 = arith.constant 0 : i32
      %ne3A_1071 = arith.cmpi ne, %rem3A_1069, %ne3A_1070 : i32
      %and3A_1072 = arith.andi %ne3A_1068, %ne3A_1071 : i1
      %sub3A_1073 = arith.constant 1 : i32
      %sub3A_1074 = arith.subi %div3A_1053, %sub3A_1073 : i32
      %select_n3A_1075 = arith.select %and3A_1072, %sub3A_1074, %div3A_1053 : i32
      %jit3A_1076 = arith.constant 32 : i32
      %eq3A_1077 = arith.constant 0 : i32
      %eq3A_1078 = arith.cmpi eq, %jit3A_1076, %eq3A_1077 : i32
      %jit3A_1079 = arith.constant 1 : i32
      %select_n3A_1080 = arith.select %eq3A_1078, %jit3A_1079, %jit3A_1076 : i32
      %rem3A_1081 = arith.remsi %add3A_1027, %select_n3A_1080 : i32
      %ne3A_1082 = arith.constant 0 : i32
      %ne3A_1083 = arith.cmpi ne, %rem3A_1081, %ne3A_1082 : i32
      %lt3A_1084 = arith.constant 0 : i32
      %lt3A_1085 = arith.cmpi slt, %rem3A_1081, %lt3A_1084 : i32
      %lt3A_1086 = arith.constant 0 : i32
      %lt3A_1087 = arith.cmpi slt, %select_n3A_1080, %lt3A_1086 : i32
      %ne3A_1088 = arith.xori %lt3A_1085, %lt3A_1087 : i1
      %and3A_1089 = arith.andi %ne3A_1088, %ne3A_1083 : i1
      %add3A_1090 = arith.addi %rem3A_1081, %select_n3A_1080 : i32
      %select_n3A_1091 = arith.select %and3A_1089, %add3A_1090, %rem3A_1081 : i32
      %dma_start3A_1092 = arith.constant 0 : i32
      %dma_start3A_1093 = arith.constant 0 : i32
      %dma_start3A_1094 = arith.constant 0 : i32
      %dma_start3A_1095 = arith.constant 0 : i32
      %dma_start3A_1096 = arith.constant 0 : i32
      %dma_start3A_1097 = tpu.memref_slice %arg7[%dma_start3A_1092, %dma_start3A_1095, %dma_start3A_1096] : memref<2x64x129xf32, #tpu.memory_space<vmem>> -> memref<1x8x128xf32, #tpu.memory_space<vmem>>
      %dma_start3A_1098 = tpu.memref_squeeze %dma_start3A_1097 : memref<1x8x128xf32, #tpu.memory_space<vmem>> -> memref<8x128xf32, #tpu.memory_space<vmem>>
      %dma_start3A_1099 = arith.constant 0 : i32
      %dma_start3A_1100 = arith.constant 0 : i32
      %dma_start3A_1101 = tpu.memref_slice %arg4[%select_n3A_1075, %dma_start3A_1093, %select_n3A_1091, %dma_start3A_1099, %dma_start3A_1100] : memref<200x8x32x8x128xf32, #tpu.memory_space<hbm>> -> memref<1x1x1x8x128xf32, #tpu.memory_space<hbm>>
      %dma_start3A_1102 = tpu.memref_squeeze %dma_start3A_1101 : memref<1x1x1x8x128xf32, #tpu.memory_space<hbm>> -> memref<8x128xf32, #tpu.memory_space<hbm>>
      %dma_start3A_1103 = tpu.memref_slice %arg9[%dma_start3A_1094] : memref<2x!tpu.dma_semaphore, #tpu.memory_space<semaphore_mem>> -> memref<1x!tpu.dma_semaphore, #tpu.memory_space<semaphore_mem>>
      %dma_start3A_1104 = tpu.memref_squeeze %dma_start3A_1103 : memref<1x!tpu.dma_semaphore, #tpu.memory_space<semaphore_mem>> -> memref<!tpu.dma_semaphore, #tpu.memory_space<semaphore_mem>>
      %dma_start3A_1105 = arith.constant 0 : i32
      %dma_start3A_1106 = arith.constant 0 : i32
      %dma_start3A_1107 = tpu.memref_slice %arg4[%select_n3A_1075, %dma_start3A_1093, %select_n3A_1091, %dma_start3A_1105, %dma_start3A_1106] : memref<200x8x32x8x128xf32, #tpu.memory_space<hbm>> -> memref<1x1x1x8x128xf32, #tpu.memory_space<hbm>>
      %dma_start3A_1108 = tpu.memref_squeeze %dma_start3A_1107 : memref<1x1x1x8x128xf32, #tpu.memory_space<hbm>> -> memref<8x128xf32, #tpu.memory_space<hbm>>
      %dma_start3A_1109 = arith.constant 0 : i32
      %dma_start3A_1110 = arith.constant 0 : i32
      %dma_start3A_1111 = tpu.memref_slice %arg7[%dma_start3A_1092, %dma_start3A_1109, %dma_start3A_1110] : memref<2x64x129xf32, #tpu.memory_space<vmem>> -> memref<1x8x128xf32, #tpu.memory_space<vmem>>
      %dma_start3A_1112 = tpu.memref_squeeze %dma_start3A_1111 : memref<1x8x128xf32, #tpu.memory_space<vmem>> -> memref<8x128xf32, #tpu.memory_space<vmem>>
      tpu.enqueue_dma source(%dma_start3A_1112 : memref<8x128xf32, #tpu.memory_space<vmem>>) target(%dma_start3A_1108 : memref<8x128xf32, #tpu.memory_space<hbm>>) target_semaphore(%dma_start3A_1104 : memref<!tpu.dma_semaphore, #tpu.memory_space<semaphore_mem>>)
      %jit3A_1113 = arith.constant 32 : i32
      %div3A_1114 = arith.divsi %add3A_1027, %jit3A_1113 : i32
      %sign3A_1115 = arith.constant 0 : i32
      %sign3A_1116 = arith.cmpi sgt, %add3A_1027, %sign3A_1115 : i32
      %sign3A_1117 = arith.extui %sign3A_1116 : i1 to i32
      %sign3A_1118 = arith.constant 0 : i32
      %sign3A_1119 = arith.cmpi slt, %add3A_1027, %sign3A_1118 : i32
      %sign3A_1120 = arith.extui %sign3A_1119 : i1 to i32
      %sign3A_1121 = arith.subi %sign3A_1117, %sign3A_1120 : i32
      %sign3A_1122 = arith.constant 0 : i32
      %sign3A_1123 = arith.cmpi sgt, %jit3A_1113, %sign3A_1122 : i32
      %sign3A_1124 = arith.extui %sign3A_1123 : i1 to i32
      %sign3A_1125 = arith.constant 0 : i32
      %sign3A_1126 = arith.cmpi slt, %jit3A_1113, %sign3A_1125 : i32
      %sign3A_1127 = arith.extui %sign3A_1126 : i1 to i32
      %sign3A_1128 = arith.subi %sign3A_1124, %sign3A_1127 : i32
      %ne3A_1129 = arith.cmpi ne, %sign3A_1121, %sign3A_1128 : i32
      %rem3A_1130 = arith.remsi %add3A_1027, %jit3A_1113 : i32
      %ne3A_1131 = arith.constant 0 : i32
      %ne3A_1132 = arith.cmpi ne, %rem3A_1130, %ne3A_1131 : i32
      %and3A_1133 = arith.andi %ne3A_1129, %ne3A_1132 : i1
      %sub3A_1134 = arith.constant 1 : i32
      %sub3A_1135 = arith.subi %div3A_1114, %sub3A_1134 : i32
      %select_n3A_1136 = arith.select %and3A_1133, %sub3A_1135, %div3A_1114 : i32
      %jit3A_1137 = arith.constant 32 : i32
      %eq3A_1138 = arith.constant 0 : i32
      %eq3A_1139 = arith.cmpi eq, %jit3A_1137, %eq3A_1138 : i32
      %jit3A_1140 = arith.constant 1 : i32
      %select_n3A_1141 = arith.select %eq3A_1139, %jit3A_1140, %jit3A_1137 : i32
      %rem3A_1142 = arith.remsi %add3A_1027, %select_n3A_1141 : i32
      %ne3A_1143 = arith.constant 0 : i32
      %ne3A_1144 = arith.cmpi ne, %rem3A_1142, %ne3A_1143 : i32
      %lt3A_1145 = arith.constant 0 : i32
      %lt3A_1146 = arith.cmpi slt, %rem3A_1142, %lt3A_1145 : i32
      %lt3A_1147 = arith.constant 0 : i32
      %lt3A_1148 = arith.cmpi slt, %select_n3A_1141, %lt3A_1147 : i32
      %ne3A_1149 = arith.xori %lt3A_1146, %lt3A_1148 : i1
      %and3A_1150 = arith.andi %ne3A_1149, %ne3A_1144 : i1
      %add3A_1151 = arith.addi %rem3A_1142, %select_n3A_1141 : i32
      %select_n3A_1152 = arith.select %and3A_1150, %add3A_1151, %rem3A_1142 : i32
      %dma_start3A_1153 = arith.constant 0 : i32
      %dma_start3A_1154 = arith.constant 1 : i32
      %dma_start3A_1155 = arith.constant 0 : i32
      %dma_start3A_1156 = arith.constant 8 : i32
      %dma_start3A_1157 = arith.constant 0 : i32
      %dma_start3A_1158 = tpu.memref_slice %arg7[%dma_start3A_1153, %dma_start3A_1156, %dma_start3A_1157] : memref<2x64x129xf32, #tpu.memory_space<vmem>> -> memref<1x8x128xf32, #tpu.memory_space<vmem>>
      %dma_start3A_1159 = tpu.memref_squeeze %dma_start3A_1158 : memref<1x8x128xf32, #tpu.memory_space<vmem>> -> memref<8x128xf32, #tpu.memory_space<vmem>>
      %dma_start3A_1160 = arith.constant 0 : i32
      %dma_start3A_1161 = arith.constant 0 : i32
      %dma_start3A_1162 = tpu.memref_slice %arg4[%select_n3A_1136, %dma_start3A_1154, %select_n3A_1152, %dma_start3A_1160, %dma_start3A_1161] : memref<200x8x32x8x128xf32, #tpu.memory_space<hbm>> -> memref<1x1x1x8x128xf32, #tpu.memory_space<hbm>>
      %dma_start3A_1163 = tpu.memref_squeeze %dma_start3A_1162 : memref<1x1x1x8x128xf32, #tpu.memory_space<hbm>> -> memref<8x128xf32, #tpu.memory_space<hbm>>
      %dma_start3A_1164 = tpu.memref_slice %arg9[%dma_start3A_1155] : memref<2x!tpu.dma_semaphore, #tpu.memory_space<semaphore_mem>> -> memref<1x!tpu.dma_semaphore, #tpu.memory_space<semaphore_mem>>
      %dma_start3A_1165 = tpu.memref_squeeze %dma_start3A_1164 : memref<1x!tpu.dma_semaphore, #tpu.memory_space<semaphore_mem>> -> memref<!tpu.dma_semaphore, #tpu.memory_space<semaphore_mem>>
      %dma_start3A_1166 = arith.constant 0 : i32
      %dma_start3A_1167 = arith.constant 0 : i32
      %dma_start3A_1168 = tpu.memref_slice %arg4[%select_n3A_1136, %dma_start3A_1154, %select_n3A_1152, %dma_start3A_1166, %dma_start3A_1167] : memref<200x8x32x8x128xf32, #tpu.memory_space<hbm>> -> memref<1x1x1x8x128xf32, #tpu.memory_space<hbm>>
      %dma_start3A_1169 = tpu.memref_squeeze %dma_start3A_1168 : memref<1x1x1x8x128xf32, #tpu.memory_space<hbm>> -> memref<8x128xf32, #tpu.memory_space<hbm>>
      %dma_start3A_1170 = arith.constant 8 : i32
      %dma_start3A_1171 = arith.constant 0 : i32
      %dma_start3A_1172 = tpu.memref_slice %arg7[%dma_start3A_1153, %dma_start3A_1170, %dma_start3A_1171] : memref<2x64x129xf32, #tpu.memory_space<vmem>> -> memref<1x8x128xf32, #tpu.memory_space<vmem>>
      %dma_start3A_1173 = tpu.memref_squeeze %dma_start3A_1172 : memref<1x8x128xf32, #tpu.memory_space<vmem>> -> memref<8x128xf32, #tpu.memory_space<vmem>>
      tpu.enqueue_dma source(%dma_start3A_1173 : memref<8x128xf32, #tpu.memory_space<vmem>>) target(%dma_start3A_1169 : memref<8x128xf32, #tpu.memory_space<hbm>>) target_semaphore(%dma_start3A_1165 : memref<!tpu.dma_semaphore, #tpu.memory_space<semaphore_mem>>)
      %jit3A_1174 = arith.constant 32 : i32
      %div3A_1175 = arith.divsi %add3A_1027, %jit3A_1174 : i32
      %sign3A_1176 = arith.constant 0 : i32
      %sign3A_1177 = arith.cmpi sgt, %add3A_1027, %sign3A_1176 : i32
      %sign3A_1178 = arith.extui %sign3A_1177 : i1 to i32
      %sign3A_1179 = arith.constant 0 : i32
      %sign3A_1180 = arith.cmpi slt, %add3A_1027, %sign3A_1179 : i32
      %sign3A_1181 = arith.extui %sign3A_1180 : i1 to i32
      %sign3A_1182 = arith.subi %sign3A_1178, %sign3A_1181 : i32
      %sign3A_1183 = arith.constant 0 : i32
      %sign3A_1184 = arith.cmpi sgt, %jit3A_1174, %sign3A_1183 : i32
      %sign3A_1185 = arith.extui %sign3A_1184 : i1 to i32
      %sign3A_1186 = arith.constant 0 : i32
      %sign3A_1187 = arith.cmpi slt, %jit3A_1174, %sign3A_1186 : i32
      %sign3A_1188 = arith.extui %sign3A_1187 : i1 to i32
      %sign3A_1189 = arith.subi %sign3A_1185, %sign3A_1188 : i32
      %ne3A_1190 = arith.cmpi ne, %sign3A_1182, %sign3A_1189 : i32
      %rem3A_1191 = arith.remsi %add3A_1027, %jit3A_1174 : i32
      %ne3A_1192 = arith.constant 0 : i32
      %ne3A_1193 = arith.cmpi ne, %rem3A_1191, %ne3A_1192 : i32
      %and3A_1194 = arith.andi %ne3A_1190, %ne3A_1193 : i1
      %sub3A_1195 = arith.constant 1 : i32
      %sub3A_1196 = arith.subi %div3A_1175, %sub3A_1195 : i32
      %select_n3A_1197 = arith.select %and3A_1194, %sub3A_1196, %div3A_1175 : i32
      %jit3A_1198 = arith.constant 32 : i32
      %eq3A_1199 = arith.constant 0 : i32
      %eq3A_1200 = arith.cmpi eq, %jit3A_1198, %eq3A_1199 : i32
      %jit3A_1201 = arith.constant 1 : i32
      %select_n3A_1202 = arith.select %eq3A_1200, %jit3A_1201, %jit3A_1198 : i32
      %rem3A_1203 = arith.remsi %add3A_1027, %select_n3A_1202 : i32
      %ne3A_1204 = arith.constant 0 : i32
      %ne3A_1205 = arith.cmpi ne, %rem3A_1203, %ne3A_1204 : i32
      %lt3A_1206 = arith.constant 0 : i32
      %lt3A_1207 = arith.cmpi slt, %rem3A_1203, %lt3A_1206 : i32
      %lt3A_1208 = arith.constant 0 : i32
      %lt3A_1209 = arith.cmpi slt, %select_n3A_1202, %lt3A_1208 : i32
      %ne3A_1210 = arith.xori %lt3A_1207, %lt3A_1209 : i1
      %and3A_1211 = arith.andi %ne3A_1210, %ne3A_1205 : i1
      %add3A_1212 = arith.addi %rem3A_1203, %select_n3A_1202 : i32
      %select_n3A_1213 = arith.select %and3A_1211, %add3A_1212, %rem3A_1203 : i32
      %dma_start3A_1214 = arith.constant 0 : i32
      %dma_start3A_1215 = arith.constant 2 : i32
      %dma_start3A_1216 = arith.constant 0 : i32
      %dma_start3A_1217 = arith.constant 16 : i32
      %dma_start3A_1218 = arith.constant 0 : i32
      %dma_start3A_1219 = tpu.memref_slice %arg7[%dma_start3A_1214, %dma_start3A_1217, %dma_start3A_1218] : memref<2x64x129xf32, #tpu.memory_space<vmem>> -> memref<1x8x128xf32, #tpu.memory_space<vmem>>
      %dma_start3A_1220 = tpu.memref_squeeze %dma_start3A_1219 : memref<1x8x128xf32, #tpu.memory_space<vmem>> -> memref<8x128xf32, #tpu.memory_space<vmem>>
      %dma_start3A_1221 = arith.constant 0 : i32
      %dma_start3A_1222 = arith.constant 0 : i32
      %dma_start3A_1223 = tpu.memref_slice %arg4[%select_n3A_1197, %dma_start3A_1215, %select_n3A_1213, %dma_start3A_1221, %dma_start3A_1222] : memref<200x8x32x8x128xf32, #tpu.memory_space<hbm>> -> memref<1x1x1x8x128xf32, #tpu.memory_space<hbm>>
      %dma_start3A_1224 = tpu.memref_squeeze %dma_start3A_1223 : memref<1x1x1x8x128xf32, #tpu.memory_space<hbm>> -> memref<8x128xf32, #tpu.memory_space<hbm>>
      %dma_start3A_1225 = tpu.memref_slice %arg9[%dma_start3A_1216] : memref<2x!tpu.dma_semaphore, #tpu.memory_space<semaphore_mem>> -> memref<1x!tpu.dma_semaphore, #tpu.memory_space<semaphore_mem>>
      %dma_start3A_1226 = tpu.memref_squeeze %dma_start3A_1225 : memref<1x!tpu.dma_semaphore, #tpu.memory_space<semaphore_mem>> -> memref<!tpu.dma_semaphore, #tpu.memory_space<semaphore_mem>>
      %dma_start3A_1227 = arith.constant 0 : i32
      %dma_start3A_1228 = arith.constant 0 : i32
      %dma_start3A_1229 = tpu.memref_slice %arg4[%select_n3A_1197, %dma_start3A_1215, %select_n3A_1213, %dma_start3A_1227, %dma_start3A_1228] : memref<200x8x32x8x128xf32, #tpu.memory_space<hbm>> -> memref<1x1x1x8x128xf32, #tpu.memory_space<hbm>>
      %dma_start3A_1230 = tpu.memref_squeeze %dma_start3A_1229 : memref<1x1x1x8x128xf32, #tpu.memory_space<hbm>> -> memref<8x128xf32, #tpu.memory_space<hbm>>
      %dma_start3A_1231 = arith.constant 16 : i32
      %dma_start3A_1232 = arith.constant 0 : i32
      %dma_start3A_1233 = tpu.memref_slice %arg7[%dma_start3A_1214, %dma_start3A_1231, %dma_start3A_1232] : memref<2x64x129xf32, #tpu.memory_space<vmem>> -> memref<1x8x128xf32, #tpu.memory_space<vmem>>
      %dma_start3A_1234 = tpu.memref_squeeze %dma_start3A_1233 : memref<1x8x128xf32, #tpu.memory_space<vmem>> -> memref<8x128xf32, #tpu.memory_space<vmem>>
      tpu.enqueue_dma source(%dma_start3A_1234 : memref<8x128xf32, #tpu.memory_space<vmem>>) target(%dma_start3A_1230 : memref<8x128xf32, #tpu.memory_space<hbm>>) target_semaphore(%dma_start3A_1226 : memref<!tpu.dma_semaphore, #tpu.memory_space<semaphore_mem>>)
      %jit3A_1235 = arith.constant 32 : i32
      %div3A_1236 = arith.divsi %add3A_1027, %jit3A_1235 : i32
      %sign3A_1237 = arith.constant 0 : i32
      %sign3A_1238 = arith.cmpi sgt, %add3A_1027, %sign3A_1237 : i32
      %sign3A_1239 = arith.extui %sign3A_1238 : i1 to i32
      %sign3A_1240 = arith.constant 0 : i32
      %sign3A_1241 = arith.cmpi slt, %add3A_1027, %sign3A_1240 : i32
      %sign3A_1242 = arith.extui %sign3A_1241 : i1 to i32
      %sign3A_1243 = arith.subi %sign3A_1239, %sign3A_1242 : i32
      %sign3A_1244 = arith.constant 0 : i32
      %sign3A_1245 = arith.cmpi sgt, %jit3A_1235, %sign3A_1244 : i32
      %sign3A_1246 = arith.extui %sign3A_1245 : i1 to i32
      %sign3A_1247 = arith.constant 0 : i32
      %sign3A_1248 = arith.cmpi slt, %jit3A_1235, %sign3A_1247 : i32
      %sign3A_1249 = arith.extui %sign3A_1248 : i1 to i32
      %sign3A_1250 = arith.subi %sign3A_1246, %sign3A_1249 : i32
      %ne3A_1251 = arith.cmpi ne, %sign3A_1243, %sign3A_1250 : i32
      %rem3A_1252 = arith.remsi %add3A_1027, %jit3A_1235 : i32
      %ne3A_1253 = arith.constant 0 : i32
      %ne3A_1254 = arith.cmpi ne, %rem3A_1252, %ne3A_1253 : i32
      %and3A_1255 = arith.andi %ne3A_1251, %ne3A_1254 : i1
      %sub3A_1256 = arith.constant 1 : i32
      %sub3A_1257 = arith.subi %div3A_1236, %sub3A_1256 : i32
      %select_n3A_1258 = arith.select %and3A_1255, %sub3A_1257, %div3A_1236 : i32
      %jit3A_1259 = arith.constant 32 : i32
      %eq3A_1260 = arith.constant 0 : i32
      %eq3A_1261 = arith.cmpi eq, %jit3A_1259, %eq3A_1260 : i32
      %jit3A_1262 = arith.constant 1 : i32
      %select_n3A_1263 = arith.select %eq3A_1261, %jit3A_1262, %jit3A_1259 : i32
      %rem3A_1264 = arith.remsi %add3A_1027, %select_n3A_1263 : i32
      %ne3A_1265 = arith.constant 0 : i32
      %ne3A_1266 = arith.cmpi ne, %rem3A_1264, %ne3A_1265 : i32
      %lt3A_1267 = arith.constant 0 : i32
      %lt3A_1268 = arith.cmpi slt, %rem3A_1264, %lt3A_1267 : i32
      %lt3A_1269 = arith.constant 0 : i32
      %lt3A_1270 = arith.cmpi slt, %select_n3A_1263, %lt3A_1269 : i32
      %ne3A_1271 = arith.xori %lt3A_1268, %lt3A_1270 : i1
      %and3A_1272 = arith.andi %ne3A_1271, %ne3A_1266 : i1
      %add3A_1273 = arith.addi %rem3A_1264, %select_n3A_1263 : i32
      %select_n3A_1274 = arith.select %and3A_1272, %add3A_1273, %rem3A_1264 : i32
      %dma_start3A_1275 = arith.constant 0 : i32
      %dma_start3A_1276 = arith.constant 3 : i32
      %dma_start3A_1277 = arith.constant 0 : i32
      %dma_start3A_1278 = arith.constant 24 : i32
      %dma_start3A_1279 = arith.constant 0 : i32
      %dma_start3A_1280 = tpu.memref_slice %arg7[%dma_start3A_1275, %dma_start3A_1278, %dma_start3A_1279] : memref<2x64x129xf32, #tpu.memory_space<vmem>> -> memref<1x8x128xf32, #tpu.memory_space<vmem>>
      %dma_start3A_1281 = tpu.memref_squeeze %dma_start3A_1280 : memref<1x8x128xf32, #tpu.memory_space<vmem>> -> memref<8x128xf32, #tpu.memory_space<vmem>>
      %dma_start3A_1282 = arith.constant 0 : i32
      %dma_start3A_1283 = arith.constant 0 : i32
      %dma_start3A_1284 = tpu.memref_slice %arg4[%select_n3A_1258, %dma_start3A_1276, %select_n3A_1274, %dma_start3A_1282, %dma_start3A_1283] : memref<200x8x32x8x128xf32, #tpu.memory_space<hbm>> -> memref<1x1x1x8x128xf32, #tpu.memory_space<hbm>>
      %dma_start3A_1285 = tpu.memref_squeeze %dma_start3A_1284 : memref<1x1x1x8x128xf32, #tpu.memory_space<hbm>> -> memref<8x128xf32, #tpu.memory_space<hbm>>
      %dma_start3A_1286 = tpu.memref_slice %arg9[%dma_start3A_1277] : memref<2x!tpu.dma_semaphore, #tpu.memory_space<semaphore_mem>> -> memref<1x!tpu.dma_semaphore, #tpu.memory_space<semaphore_mem>>
      %dma_start3A_1287 = tpu.memref_squeeze %dma_start3A_1286 : memref<1x!tpu.dma_semaphore, #tpu.memory_space<semaphore_mem>> -> memref<!tpu.dma_semaphore, #tpu.memory_space<semaphore_mem>>
      %dma_start3A_1288 = arith.constant 0 : i32
      %dma_start3A_1289 = arith.constant 0 : i32
      %dma_start3A_1290 = tpu.memref_slice %arg4[%select_n3A_1258, %dma_start3A_1276, %select_n3A_1274, %dma_start3A_1288, %dma_start3A_1289] : memref<200x8x32x8x128xf32, #tpu.memory_space<hbm>> -> memref<1x1x1x8x128xf32, #tpu.memory_space<hbm>>
      %dma_start3A_1291 = tpu.memref_squeeze %dma_start3A_1290 : memref<1x1x1x8x128xf32, #tpu.memory_space<hbm>> -> memref<8x128xf32, #tpu.memory_space<hbm>>
      %dma_start3A_1292 = arith.constant 24 : i32
      %dma_start3A_1293 = arith.constant 0 : i32
      %dma_start3A_1294 = tpu.memref_slice %arg7[%dma_start3A_1275, %dma_start3A_1292, %dma_start3A_1293] : memref<2x64x129xf32, #tpu.memory_space<vmem>> -> memref<1x8x128xf32, #tpu.memory_space<vmem>>
      %dma_start3A_1295 = tpu.memref_squeeze %dma_start3A_1294 : memref<1x8x128xf32, #tpu.memory_space<vmem>> -> memref<8x128xf32, #tpu.memory_space<vmem>>
      tpu.enqueue_dma source(%dma_start3A_1295 : memref<8x128xf32, #tpu.memory_space<vmem>>) target(%dma_start3A_1291 : memref<8x128xf32, #tpu.memory_space<hbm>>) target_semaphore(%dma_start3A_1287 : memref<!tpu.dma_semaphore, #tpu.memory_space<semaphore_mem>>)
      %jit3A_1296 = arith.constant 32 : i32
      %div3A_1297 = arith.divsi %add3A_1027, %jit3A_1296 : i32
      %sign3A_1298 = arith.constant 0 : i32
      %sign3A_1299 = arith.cmpi sgt, %add3A_1027, %sign3A_1298 : i32
      %sign3A_1300 = arith.extui %sign3A_1299 : i1 to i32
      %sign3A_1301 = arith.constant 0 : i32
      %sign3A_1302 = arith.cmpi slt, %add3A_1027, %sign3A_1301 : i32
      %sign3A_1303 = arith.extui %sign3A_1302 : i1 to i32
      %sign3A_1304 = arith.subi %sign3A_1300, %sign3A_1303 : i32
      %sign3A_1305 = arith.constant 0 : i32
      %sign3A_1306 = arith.cmpi sgt, %jit3A_1296, %sign3A_1305 : i32
      %sign3A_1307 = arith.extui %sign3A_1306 : i1 to i32
      %sign3A_1308 = arith.constant 0 : i32
      %sign3A_1309 = arith.cmpi slt, %jit3A_1296, %sign3A_1308 : i32
      %sign3A_1310 = arith.extui %sign3A_1309 : i1 to i32
      %sign3A_1311 = arith.subi %sign3A_1307, %sign3A_1310 : i32
      %ne3A_1312 = arith.cmpi ne, %sign3A_1304, %sign3A_1311 : i32
      %rem3A_1313 = arith.remsi %add3A_1027, %jit3A_1296 : i32
      %ne3A_1314 = arith.constant 0 : i32
      %ne3A_1315 = arith.cmpi ne, %rem3A_1313, %ne3A_1314 : i32
      %and3A_1316 = arith.andi %ne3A_1312, %ne3A_1315 : i1
      %sub3A_1317 = arith.constant 1 : i32
      %sub3A_1318 = arith.subi %div3A_1297, %sub3A_1317 : i32
      %select_n3A_1319 = arith.select %and3A_1316, %sub3A_1318, %div3A_1297 : i32
      %jit3A_1320 = arith.constant 32 : i32
      %eq3A_1321 = arith.constant 0 : i32
      %eq3A_1322 = arith.cmpi eq, %jit3A_1320, %eq3A_1321 : i32
      %jit3A_1323 = arith.constant 1 : i32
      %select_n3A_1324 = arith.select %eq3A_1322, %jit3A_1323, %jit3A_1320 : i32
      %rem3A_1325 = arith.remsi %add3A_1027, %select_n3A_1324 : i32
      %ne3A_1326 = arith.constant 0 : i32
      %ne3A_1327 = arith.cmpi ne, %rem3A_1325, %ne3A_1326 : i32
      %lt3A_1328 = arith.constant 0 : i32
      %lt3A_1329 = arith.cmpi slt, %rem3A_1325, %lt3A_1328 : i32
      %lt3A_1330 = arith.constant 0 : i32
      %lt3A_1331 = arith.cmpi slt, %select_n3A_1324, %lt3A_1330 : i32
      %ne3A_1332 = arith.xori %lt3A_1329, %lt3A_1331 : i1
      %and3A_1333 = arith.andi %ne3A_1332, %ne3A_1327 : i1
      %add3A_1334 = arith.addi %rem3A_1325, %select_n3A_1324 : i32
      %select_n3A_1335 = arith.select %and3A_1333, %add3A_1334, %rem3A_1325 : i32
      %dma_start3A_1336 = arith.constant 0 : i32
      %dma_start3A_1337 = arith.constant 4 : i32
      %dma_start3A_1338 = arith.constant 0 : i32
      %dma_start3A_1339 = arith.constant 32 : i32
      %dma_start3A_1340 = arith.constant 0 : i32
      %dma_start3A_1341 = tpu.memref_slice %arg7[%dma_start3A_1336, %dma_start3A_1339, %dma_start3A_1340] : memref<2x64x129xf32, #tpu.memory_space<vmem>> -> memref<1x8x128xf32, #tpu.memory_space<vmem>>
      %dma_start3A_1342 = tpu.memref_squeeze %dma_start3A_1341 : memref<1x8x128xf32, #tpu.memory_space<vmem>> -> memref<8x128xf32, #tpu.memory_space<vmem>>
      %dma_start3A_1343 = arith.constant 0 : i32
      %dma_start3A_1344 = arith.constant 0 : i32
      %dma_start3A_1345 = tpu.memref_slice %arg4[%select_n3A_1319, %dma_start3A_1337, %select_n3A_1335, %dma_start3A_1343, %dma_start3A_1344] : memref<200x8x32x8x128xf32, #tpu.memory_space<hbm>> -> memref<1x1x1x8x128xf32, #tpu.memory_space<hbm>>
      %dma_start3A_1346 = tpu.memref_squeeze %dma_start3A_1345 : memref<1x1x1x8x128xf32, #tpu.memory_space<hbm>> -> memref<8x128xf32, #tpu.memory_space<hbm>>
      %dma_start3A_1347 = tpu.memref_slice %arg9[%dma_start3A_1338] : memref<2x!tpu.dma_semaphore, #tpu.memory_space<semaphore_mem>> -> memref<1x!tpu.dma_semaphore, #tpu.memory_space<semaphore_mem>>
      %dma_start3A_1348 = tpu.memref_squeeze %dma_start3A_1347 : memref<1x!tpu.dma_semaphore, #tpu.memory_space<semaphore_mem>> -> memref<!tpu.dma_semaphore, #tpu.memory_space<semaphore_mem>>
      %dma_start3A_1349 = arith.constant 0 : i32
      %dma_start3A_1350 = arith.constant 0 : i32
      %dma_start3A_1351 = tpu.memref_slice %arg4[%select_n3A_1319, %dma_start3A_1337, %select_n3A_1335, %dma_start3A_1349, %dma_start3A_1350] : memref<200x8x32x8x128xf32, #tpu.memory_space<hbm>> -> memref<1x1x1x8x128xf32, #tpu.memory_space<hbm>>
      %dma_start3A_1352 = tpu.memref_squeeze %dma_start3A_1351 : memref<1x1x1x8x128xf32, #tpu.memory_space<hbm>> -> memref<8x128xf32, #tpu.memory_space<hbm>>
      %dma_start3A_1353 = arith.constant 32 : i32
      %dma_start3A_1354 = arith.constant 0 : i32
      %dma_start3A_1355 = tpu.memref_slice %arg7[%dma_start3A_1336, %dma_start3A_1353, %dma_start3A_1354] : memref<2x64x129xf32, #tpu.memory_space<vmem>> -> memref<1x8x128xf32, #tpu.memory_space<vmem>>
      %dma_start3A_1356 = tpu.memref_squeeze %dma_start3A_1355 : memref<1x8x128xf32, #tpu.memory_space<vmem>> -> memref<8x128xf32, #tpu.memory_space<vmem>>
      tpu.enqueue_dma source(%dma_start3A_1356 : memref<8x128xf32, #tpu.memory_space<vmem>>) target(%dma_start3A_1352 : memref<8x128xf32, #tpu.memory_space<hbm>>) target_semaphore(%dma_start3A_1348 : memref<!tpu.dma_semaphore, #tpu.memory_space<semaphore_mem>>)
      %jit3A_1357 = arith.constant 32 : i32
      %div3A_1358 = arith.divsi %add3A_1027, %jit3A_1357 : i32
      %sign3A_1359 = arith.constant 0 : i32
      %sign3A_1360 = arith.cmpi sgt, %add3A_1027, %sign3A_1359 : i32
      %sign3A_1361 = arith.extui %sign3A_1360 : i1 to i32
      %sign3A_1362 = arith.constant 0 : i32
      %sign3A_1363 = arith.cmpi slt, %add3A_1027, %sign3A_1362 : i32
      %sign3A_1364 = arith.extui %sign3A_1363 : i1 to i32
      %sign3A_1365 = arith.subi %sign3A_1361, %sign3A_1364 : i32
      %sign3A_1366 = arith.constant 0 : i32
      %sign3A_1367 = arith.cmpi sgt, %jit3A_1357, %sign3A_1366 : i32
      %sign3A_1368 = arith.extui %sign3A_1367 : i1 to i32
      %sign3A_1369 = arith.constant 0 : i32
      %sign3A_1370 = arith.cmpi slt, %jit3A_1357, %sign3A_1369 : i32
      %sign3A_1371 = arith.extui %sign3A_1370 : i1 to i32
      %sign3A_1372 = arith.subi %sign3A_1368, %sign3A_1371 : i32
      %ne3A_1373 = arith.cmpi ne, %sign3A_1365, %sign3A_1372 : i32
      %rem3A_1374 = arith.remsi %add3A_1027, %jit3A_1357 : i32
      %ne3A_1375 = arith.constant 0 : i32
      %ne3A_1376 = arith.cmpi ne, %rem3A_1374, %ne3A_1375 : i32
      %and3A_1377 = arith.andi %ne3A_1373, %ne3A_1376 : i1
      %sub3A_1378 = arith.constant 1 : i32
      %sub3A_1379 = arith.subi %div3A_1358, %sub3A_1378 : i32
      %select_n3A_1380 = arith.select %and3A_1377, %sub3A_1379, %div3A_1358 : i32
      %jit3A_1381 = arith.constant 32 : i32
      %eq3A_1382 = arith.constant 0 : i32
      %eq3A_1383 = arith.cmpi eq, %jit3A_1381, %eq3A_1382 : i32
      %jit3A_1384 = arith.constant 1 : i32
      %select_n3A_1385 = arith.select %eq3A_1383, %jit3A_1384, %jit3A_1381 : i32
      %rem3A_1386 = arith.remsi %add3A_1027, %select_n3A_1385 : i32
      %ne3A_1387 = arith.constant 0 : i32
      %ne3A_1388 = arith.cmpi ne, %rem3A_1386, %ne3A_1387 : i32
      %lt3A_1389 = arith.constant 0 : i32
      %lt3A_1390 = arith.cmpi slt, %rem3A_1386, %lt3A_1389 : i32
      %lt3A_1391 = arith.constant 0 : i32
      %lt3A_1392 = arith.cmpi slt, %select_n3A_1385, %lt3A_1391 : i32
      %ne3A_1393 = arith.xori %lt3A_1390, %lt3A_1392 : i1
      %and3A_1394 = arith.andi %ne3A_1393, %ne3A_1388 : i1
      %add3A_1395 = arith.addi %rem3A_1386, %select_n3A_1385 : i32
      %select_n3A_1396 = arith.select %and3A_1394, %add3A_1395, %rem3A_1386 : i32
      %dma_start3A_1397 = arith.constant 0 : i32
      %dma_start3A_1398 = arith.constant 5 : i32
      %dma_start3A_1399 = arith.constant 0 : i32
      %dma_start3A_1400 = arith.constant 40 : i32
      %dma_start3A_1401 = arith.constant 0 : i32
      %dma_start3A_1402 = tpu.memref_slice %arg7[%dma_start3A_1397, %dma_start3A_1400, %dma_start3A_1401] : memref<2x64x129xf32, #tpu.memory_space<vmem>> -> memref<1x8x128xf32, #tpu.memory_space<vmem>>
      %dma_start3A_1403 = tpu.memref_squeeze %dma_start3A_1402 : memref<1x8x128xf32, #tpu.memory_space<vmem>> -> memref<8x128xf32, #tpu.memory_space<vmem>>
      %dma_start3A_1404 = arith.constant 0 : i32
      %dma_start3A_1405 = arith.constant 0 : i32
      %dma_start3A_1406 = tpu.memref_slice %arg4[%select_n3A_1380, %dma_start3A_1398, %select_n3A_1396, %dma_start3A_1404, %dma_start3A_1405] : memref<200x8x32x8x128xf32, #tpu.memory_space<hbm>> -> memref<1x1x1x8x128xf32, #tpu.memory_space<hbm>>
      %dma_start3A_1407 = tpu.memref_squeeze %dma_start3A_1406 : memref<1x1x1x8x128xf32, #tpu.memory_space<hbm>> -> memref<8x128xf32, #tpu.memory_space<hbm>>
      %dma_start3A_1408 = tpu.memref_slice %arg9[%dma_start3A_1399] : memref<2x!tpu.dma_semaphore, #tpu.memory_space<semaphore_mem>> -> memref<1x!tpu.dma_semaphore, #tpu.memory_space<semaphore_mem>>
      %dma_start3A_1409 = tpu.memref_squeeze %dma_start3A_1408 : memref<1x!tpu.dma_semaphore, #tpu.memory_space<semaphore_mem>> -> memref<!tpu.dma_semaphore, #tpu.memory_space<semaphore_mem>>
      %dma_start3A_1410 = arith.constant 0 : i32
      %dma_start3A_1411 = arith.constant 0 : i32
      %dma_start3A_1412 = tpu.memref_slice %arg4[%select_n3A_1380, %dma_start3A_1398, %select_n3A_1396, %dma_start3A_1410, %dma_start3A_1411] : memref<200x8x32x8x128xf32, #tpu.memory_space<hbm>> -> memref<1x1x1x8x128xf32, #tpu.memory_space<hbm>>
      %dma_start3A_1413 = tpu.memref_squeeze %dma_start3A_1412 : memref<1x1x1x8x128xf32, #tpu.memory_space<hbm>> -> memref<8x128xf32, #tpu.memory_space<hbm>>
      %dma_start3A_1414 = arith.constant 40 : i32
      %dma_start3A_1415 = arith.constant 0 : i32
      %dma_start3A_1416 = tpu.memref_slice %arg7[%dma_start3A_1397, %dma_start3A_1414, %dma_start3A_1415] : memref<2x64x129xf32, #tpu.memory_space<vmem>> -> memref<1x8x128xf32, #tpu.memory_space<vmem>>
      %dma_start3A_1417 = tpu.memref_squeeze %dma_start3A_1416 : memref<1x8x128xf32, #tpu.memory_space<vmem>> -> memref<8x128xf32, #tpu.memory_space<vmem>>
      tpu.enqueue_dma source(%dma_start3A_1417 : memref<8x128xf32, #tpu.memory_space<vmem>>) target(%dma_start3A_1413 : memref<8x128xf32, #tpu.memory_space<hbm>>) target_semaphore(%dma_start3A_1409 : memref<!tpu.dma_semaphore, #tpu.memory_space<semaphore_mem>>)
      %jit3A_1418 = arith.constant 32 : i32
      %div3A_1419 = arith.divsi %add3A_1027, %jit3A_1418 : i32
      %sign3A_1420 = arith.constant 0 : i32
      %sign3A_1421 = arith.cmpi sgt, %add3A_1027, %sign3A_1420 : i32
      %sign3A_1422 = arith.extui %sign3A_1421 : i1 to i32
      %sign3A_1423 = arith.constant 0 : i32
      %sign3A_1424 = arith.cmpi slt, %add3A_1027, %sign3A_1423 : i32
      %sign3A_1425 = arith.extui %sign3A_1424 : i1 to i32
      %sign3A_1426 = arith.subi %sign3A_1422, %sign3A_1425 : i32
      %sign3A_1427 = arith.constant 0 : i32
      %sign3A_1428 = arith.cmpi sgt, %jit3A_1418, %sign3A_1427 : i32
      %sign3A_1429 = arith.extui %sign3A_1428 : i1 to i32
      %sign3A_1430 = arith.constant 0 : i32
      %sign3A_1431 = arith.cmpi slt, %jit3A_1418, %sign3A_1430 : i32
      %sign3A_1432 = arith.extui %sign3A_1431 : i1 to i32
      %sign3A_1433 = arith.subi %sign3A_1429, %sign3A_1432 : i32
      %ne3A_1434 = arith.cmpi ne, %sign3A_1426, %sign3A_1433 : i32
      %rem3A_1435 = arith.remsi %add3A_1027, %jit3A_1418 : i32
      %ne3A_1436 = arith.constant 0 : i32
      %ne3A_1437 = arith.cmpi ne, %rem3A_1435, %ne3A_1436 : i32
      %and3A_1438 = arith.andi %ne3A_1434, %ne3A_1437 : i1
      %sub3A_1439 = arith.constant 1 : i32
      %sub3A_1440 = arith.subi %div3A_1419, %sub3A_1439 : i32
      %select_n3A_1441 = arith.select %and3A_1438, %sub3A_1440, %div3A_1419 : i32
      %jit3A_1442 = arith.constant 32 : i32
      %eq3A_1443 = arith.constant 0 : i32
      %eq3A_1444 = arith.cmpi eq, %jit3A_1442, %eq3A_1443 : i32
      %jit3A_1445 = arith.constant 1 : i32
      %select_n3A_1446 = arith.select %eq3A_1444, %jit3A_1445, %jit3A_1442 : i32
      %rem3A_1447 = arith.remsi %add3A_1027, %select_n3A_1446 : i32
      %ne3A_1448 = arith.constant 0 : i32
      %ne3A_1449 = arith.cmpi ne, %rem3A_1447, %ne3A_1448 : i32
      %lt3A_1450 = arith.constant 0 : i32
      %lt3A_1451 = arith.cmpi slt, %rem3A_1447, %lt3A_1450 : i32
      %lt3A_1452 = arith.constant 0 : i32
      %lt3A_1453 = arith.cmpi slt, %select_n3A_1446, %lt3A_1452 : i32
      %ne3A_1454 = arith.xori %lt3A_1451, %lt3A_1453 : i1
      %and3A_1455 = arith.andi %ne3A_1454, %ne3A_1449 : i1
      %add3A_1456 = arith.addi %rem3A_1447, %select_n3A_1446 : i32
      %select_n3A_1457 = arith.select %and3A_1455, %add3A_1456, %rem3A_1447 : i32
      %dma_start3A_1458 = arith.constant 0 : i32
      %dma_start3A_1459 = arith.constant 6 : i32
      %dma_start3A_1460 = arith.constant 0 : i32
      %dma_start3A_1461 = arith.constant 48 : i32
      %dma_start3A_1462 = arith.constant 0 : i32
      %dma_start3A_1463 = tpu.memref_slice %arg7[%dma_start3A_1458, %dma_start3A_1461, %dma_start3A_1462] : memref<2x64x129xf32, #tpu.memory_space<vmem>> -> memref<1x8x128xf32, #tpu.memory_space<vmem>>
      %dma_start3A_1464 = tpu.memref_squeeze %dma_start3A_1463 : memref<1x8x128xf32, #tpu.memory_space<vmem>> -> memref<8x128xf32, #tpu.memory_space<vmem>>
      %dma_start3A_1465 = arith.constant 0 : i32
      %dma_start3A_1466 = arith.constant 0 : i32
      %dma_start3A_1467 = tpu.memref_slice %arg4[%select_n3A_1441, %dma_start3A_1459, %select_n3A_1457, %dma_start3A_1465, %dma_start3A_1466] : memref<200x8x32x8x128xf32, #tpu.memory_space<hbm>> -> memref<1x1x1x8x128xf32, #tpu.memory_space<hbm>>
      %dma_start3A_1468 = tpu.memref_squeeze %dma_start3A_1467 : memref<1x1x1x8x128xf32, #tpu.memory_space<hbm>> -> memref<8x128xf32, #tpu.memory_space<hbm>>
      %dma_start3A_1469 = tpu.memref_slice %arg9[%dma_start3A_1460] : memref<2x!tpu.dma_semaphore, #tpu.memory_space<semaphore_mem>> -> memref<1x!tpu.dma_semaphore, #tpu.memory_space<semaphore_mem>>
      %dma_start3A_1470 = tpu.memref_squeeze %dma_start3A_1469 : memref<1x!tpu.dma_semaphore, #tpu.memory_space<semaphore_mem>> -> memref<!tpu.dma_semaphore, #tpu.memory_space<semaphore_mem>>
      %dma_start3A_1471 = arith.constant 0 : i32
      %dma_start3A_1472 = arith.constant 0 : i32
      %dma_start3A_1473 = tpu.memref_slice %arg4[%select_n3A_1441, %dma_start3A_1459, %select_n3A_1457, %dma_start3A_1471, %dma_start3A_1472] : memref<200x8x32x8x128xf32, #tpu.memory_space<hbm>> -> memref<1x1x1x8x128xf32, #tpu.memory_space<hbm>>
      %dma_start3A_1474 = tpu.memref_squeeze %dma_start3A_1473 : memref<1x1x1x8x128xf32, #tpu.memory_space<hbm>> -> memref<8x128xf32, #tpu.memory_space<hbm>>
      %dma_start3A_1475 = arith.constant 48 : i32
      %dma_start3A_1476 = arith.constant 0 : i32
      %dma_start3A_1477 = tpu.memref_slice %arg7[%dma_start3A_1458, %dma_start3A_1475, %dma_start3A_1476] : memref<2x64x129xf32, #tpu.memory_space<vmem>> -> memref<1x8x128xf32, #tpu.memory_space<vmem>>
      %dma_start3A_1478 = tpu.memref_squeeze %dma_start3A_1477 : memref<1x8x128xf32, #tpu.memory_space<vmem>> -> memref<8x128xf32, #tpu.memory_space<vmem>>
      tpu.enqueue_dma source(%dma_start3A_1478 : memref<8x128xf32, #tpu.memory_space<vmem>>) target(%dma_start3A_1474 : memref<8x128xf32, #tpu.memory_space<hbm>>) target_semaphore(%dma_start3A_1470 : memref<!tpu.dma_semaphore, #tpu.memory_space<semaphore_mem>>)
      %jit3A_1479 = arith.constant 32 : i32
      %div3A_1480 = arith.divsi %add3A_1027, %jit3A_1479 : i32
      %sign3A_1481 = arith.constant 0 : i32
      %sign3A_1482 = arith.cmpi sgt, %add3A_1027, %sign3A_1481 : i32
      %sign3A_1483 = arith.extui %sign3A_1482 : i1 to i32
      %sign3A_1484 = arith.constant 0 : i32
      %sign3A_1485 = arith.cmpi slt, %add3A_1027, %sign3A_1484 : i32
      %sign3A_1486 = arith.extui %sign3A_1485 : i1 to i32
      %sign3A_1487 = arith.subi %sign3A_1483, %sign3A_1486 : i32
      %sign3A_1488 = arith.constant 0 : i32
      %sign3A_1489 = arith.cmpi sgt, %jit3A_1479, %sign3A_1488 : i32
      %sign3A_1490 = arith.extui %sign3A_1489 : i1 to i32
      %sign3A_1491 = arith.constant 0 : i32
      %sign3A_1492 = arith.cmpi slt, %jit3A_1479, %sign3A_1491 : i32
      %sign3A_1493 = arith.extui %sign3A_1492 : i1 to i32
      %sign3A_1494 = arith.subi %sign3A_1490, %sign3A_1493 : i32
      %ne3A_1495 = arith.cmpi ne, %sign3A_1487, %sign3A_1494 : i32
      %rem3A_1496 = arith.remsi %add3A_1027, %jit3A_1479 : i32
      %ne3A_1497 = arith.constant 0 : i32
      %ne3A_1498 = arith.cmpi ne, %rem3A_1496, %ne3A_1497 : i32
      %and3A_1499 = arith.andi %ne3A_1495, %ne3A_1498 : i1
      %sub3A_1500 = arith.constant 1 : i32
      %sub3A_1501 = arith.subi %div3A_1480, %sub3A_1500 : i32
      %select_n3A_1502 = arith.select %and3A_1499, %sub3A_1501, %div3A_1480 : i32
      %jit3A_1503 = arith.constant 32 : i32
      %eq3A_1504 = arith.constant 0 : i32
      %eq3A_1505 = arith.cmpi eq, %jit3A_1503, %eq3A_1504 : i32
      %jit3A_1506 = arith.constant 1 : i32
      %select_n3A_1507 = arith.select %eq3A_1505, %jit3A_1506, %jit3A_1503 : i32
      %rem3A_1508 = arith.remsi %add3A_1027, %select_n3A_1507 : i32
      %ne3A_1509 = arith.constant 0 : i32
      %ne3A_1510 = arith.cmpi ne, %rem3A_1508, %ne3A_1509 : i32
      %lt3A_1511 = arith.constant 0 : i32
      %lt3A_1512 = arith.cmpi slt, %rem3A_1508, %lt3A_1511 : i32
      %lt3A_1513 = arith.constant 0 : i32
      %lt3A_1514 = arith.cmpi slt, %select_n3A_1507, %lt3A_1513 : i32
      %ne3A_1515 = arith.xori %lt3A_1512, %lt3A_1514 : i1
      %and3A_1516 = arith.andi %ne3A_1515, %ne3A_1510 : i1
      %add3A_1517 = arith.addi %rem3A_1508, %select_n3A_1507 : i32
      %select_n3A_1518 = arith.select %and3A_1516, %add3A_1517, %rem3A_1508 : i32
      %dma_start3A_1519 = arith.constant 0 : i32
      %dma_start3A_1520 = arith.constant 7 : i32
      %dma_start3A_1521 = arith.constant 0 : i32
      %dma_start3A_1522 = arith.constant 56 : i32
      %dma_start3A_1523 = arith.constant 0 : i32
      %dma_start3A_1524 = tpu.memref_slice %arg7[%dma_start3A_1519, %dma_start3A_1522, %dma_start3A_1523] : memref<2x64x129xf32, #tpu.memory_space<vmem>> -> memref<1x8x128xf32, #tpu.memory_space<vmem>>
      %dma_start3A_1525 = tpu.memref_squeeze %dma_start3A_1524 : memref<1x8x128xf32, #tpu.memory_space<vmem>> -> memref<8x128xf32, #tpu.memory_space<vmem>>
      %dma_start3A_1526 = arith.constant 0 : i32
      %dma_start3A_1527 = arith.constant 0 : i32
      %dma_start3A_1528 = tpu.memref_slice %arg4[%select_n3A_1502, %dma_start3A_1520, %select_n3A_1518, %dma_start3A_1526, %dma_start3A_1527] : memref<200x8x32x8x128xf32, #tpu.memory_space<hbm>> -> memref<1x1x1x8x128xf32, #tpu.memory_space<hbm>>
      %dma_start3A_1529 = tpu.memref_squeeze %dma_start3A_1528 : memref<1x1x1x8x128xf32, #tpu.memory_space<hbm>> -> memref<8x128xf32, #tpu.memory_space<hbm>>
      %dma_start3A_1530 = tpu.memref_slice %arg9[%dma_start3A_1521] : memref<2x!tpu.dma_semaphore, #tpu.memory_space<semaphore_mem>> -> memref<1x!tpu.dma_semaphore, #tpu.memory_space<semaphore_mem>>
      %dma_start3A_1531 = tpu.memref_squeeze %dma_start3A_1530 : memref<1x!tpu.dma_semaphore, #tpu.memory_space<semaphore_mem>> -> memref<!tpu.dma_semaphore, #tpu.memory_space<semaphore_mem>>
      %dma_start3A_1532 = arith.constant 0 : i32
      %dma_start3A_1533 = arith.constant 0 : i32
      %dma_start3A_1534 = tpu.memref_slice %arg4[%select_n3A_1502, %dma_start3A_1520, %select_n3A_1518, %dma_start3A_1532, %dma_start3A_1533] : memref<200x8x32x8x128xf32, #tpu.memory_space<hbm>> -> memref<1x1x1x8x128xf32, #tpu.memory_space<hbm>>
      %dma_start3A_1535 = tpu.memref_squeeze %dma_start3A_1534 : memref<1x1x1x8x128xf32, #tpu.memory_space<hbm>> -> memref<8x128xf32, #tpu.memory_space<hbm>>
      %dma_start3A_1536 = arith.constant 56 : i32
      %dma_start3A_1537 = arith.constant 0 : i32
      %dma_start3A_1538 = tpu.memref_slice %arg7[%dma_start3A_1519, %dma_start3A_1536, %dma_start3A_1537] : memref<2x64x129xf32, #tpu.memory_space<vmem>> -> memref<1x8x128xf32, #tpu.memory_space<vmem>>
      %dma_start3A_1539 = tpu.memref_squeeze %dma_start3A_1538 : memref<1x8x128xf32, #tpu.memory_space<vmem>> -> memref<8x128xf32, #tpu.memory_space<vmem>>
      tpu.enqueue_dma source(%dma_start3A_1539 : memref<8x128xf32, #tpu.memory_space<vmem>>) target(%dma_start3A_1535 : memref<8x128xf32, #tpu.memory_space<hbm>>) target_semaphore(%dma_start3A_1531 : memref<!tpu.dma_semaphore, #tpu.memory_space<semaphore_mem>>)
      %add3A_1540 = arith.constant 2 : i32
      %add3A_1541 = arith.addi %add3A_1026, %add3A_1540 : i32
      %lt3A_1542 = arith.constant 200 : i32
      %lt3A_1543 = arith.cmpi slt, %add3A_1541, %lt3A_1542 : i32
      %convert_element_type3A_1544 = arith.extui %lt3A_1543 : i1 to i32
      %cond3A_1545 = arith.constant 0 : i32
      %cond3A_1546 = arith.cmpi ne, %convert_element_type3A_1544, %cond3A_1545 : i32
      scf.if %cond3A_1546 {
        %add3A_2074 = arith.constant 2 : i32
        %add3A_2075 = arith.addi %add3A_1026, %add3A_2074 : i32
        %dma_start3A_2076 = arith.constant 0 : i32
        %dma_start3A_2077 = arith.constant 0 : i32
        %dma_start3A_2078 = arith.constant 0 : i32
        %dma_start3A_2079 = arith.constant 0 : i32
        %dma_start3A_2080 = tpu.memref_slice %arg6[%dma_start3A_2076, %dma_start3A_2078, %dma_start3A_2079] : memref<2x128x64xf32, #tpu.memory_space<vmem>> -> memref<1x128x64xf32, #tpu.memory_space<vmem>>
        %dma_start3A_2081 = tpu.memref_squeeze %dma_start3A_2080 : memref<1x128x64xf32, #tpu.memory_space<vmem>> -> memref<128x64xf32, #tpu.memory_space<vmem>>
        %dma_start3A_2082 = arith.constant 0 : i32
        %dma_start3A_2083 = tpu.memref_slice %arg5[%add3A_2075, %dma_start3A_2082] : memref<200x128xi32, #tpu.memory_space<vmem>> -> memref<1x128xi32, #tpu.memory_space<vmem>>
        %dma_start3A_2084 = tpu.memref_squeeze %dma_start3A_2083 : memref<1x128xi32, #tpu.memory_space<vmem>> -> memref<128xi32, #tpu.memory_space<vmem>>
        %dma_start3A_2085 = arith.constant 0 : i32
        %dma_start3A_2086 = arith.constant 0 : i32
        %dma_start3A_2087 = tpu.memref_slice %arg3[%dma_start3A_2085, %dma_start3A_2086] : memref<2000000x64xf32, #tpu.memory_space<hbm>> -> memref<2000000x64xf32, #tpu.memory_space<hbm>>
        %dma_start3A_2088 = tpu.memref_slice %arg8[%dma_start3A_2077] : memref<2x!tpu.dma_semaphore, #tpu.memory_space<semaphore_mem>> -> memref<1x!tpu.dma_semaphore, #tpu.memory_space<semaphore_mem>>
        %dma_start3A_2089 = tpu.memref_squeeze %dma_start3A_2088 : memref<1x!tpu.dma_semaphore, #tpu.memory_space<semaphore_mem>> -> memref<!tpu.dma_semaphore, #tpu.memory_space<semaphore_mem>>
        tpu.enqueue_indirect_dma source(%dma_start3A_2087 : memref<2000000x64xf32, #tpu.memory_space<hbm>>) target(%dma_start3A_2081 : memref<128x64xf32, #tpu.memory_space<vmem>>) offsets(%dma_start3A_2084 : memref<128xi32, #tpu.memory_space<vmem>>) semaphore(%dma_start3A_2089 : memref<!tpu.dma_semaphore, #tpu.memory_space<semaphore_mem>>)
      } else {
      }
      %mul3A_1547 = arith.constant 2 : i32
      %mul3A_1548 = arith.muli %scan3A_1022, %mul3A_1547 : i32
      %add3A_1549 = arith.constant 1 : i32
      %add3A_1550 = arith.addi %mul3A_1548, %add3A_1549 : i32
      %add3A_1551 = arith.addi %mul3A_2, %add3A_1550 : i32
      %dma_wait3A_1552 = arith.constant 1 : i32
      %dma_wait3A_1553 = arith.constant 1 : i32
      %dma_wait3A_1554 = arith.constant 0 : i32
      %dma_wait3A_1555 = arith.constant 0 : i32
      %dma_wait3A_1556 = tpu.memref_slice %arg6[%dma_wait3A_1552, %dma_wait3A_1554, %dma_wait3A_1555] : memref<2x128x64xf32, #tpu.memory_space<vmem>> -> memref<1x128x64xf32, #tpu.memory_space<vmem>>
      %dma_wait3A_1557 = tpu.memref_squeeze %dma_wait3A_1556 : memref<1x128x64xf32, #tpu.memory_space<vmem>> -> memref<128x64xf32, #tpu.memory_space<vmem>>
      %dma_wait3A_1558 = arith.constant 0 : i32
      %dma_wait3A_1559 = tpu.memref_slice %arg5[%add3A_1550, %dma_wait3A_1558] : memref<200x128xi32, #tpu.memory_space<vmem>> -> memref<1x128xi32, #tpu.memory_space<vmem>>
      %dma_wait3A_1560 = tpu.memref_squeeze %dma_wait3A_1559 : memref<1x128xi32, #tpu.memory_space<vmem>> -> memref<128xi32, #tpu.memory_space<vmem>>
      %dma_wait3A_1561 = arith.constant 0 : i32
      %dma_wait3A_1562 = arith.constant 0 : i32
      %dma_wait3A_1563 = tpu.memref_slice %arg3[%dma_wait3A_1561, %dma_wait3A_1562] : memref<2000000x64xf32, #tpu.memory_space<hbm>> -> memref<2000000x64xf32, #tpu.memory_space<hbm>>
      %dma_wait3A_1564 = tpu.memref_slice %arg8[%dma_wait3A_1553] : memref<2x!tpu.dma_semaphore, #tpu.memory_space<semaphore_mem>> -> memref<1x!tpu.dma_semaphore, #tpu.memory_space<semaphore_mem>>
      %dma_wait3A_1565 = tpu.memref_squeeze %dma_wait3A_1564 : memref<1x!tpu.dma_semaphore, #tpu.memory_space<semaphore_mem>> -> memref<!tpu.dma_semaphore, #tpu.memory_space<semaphore_mem>>
      tpu.wait_indirect_dma semaphore(%dma_wait3A_1565 : memref<!tpu.dma_semaphore, #tpu.memory_space<semaphore_mem>>) src(%dma_wait3A_1563 : memref<2000000x64xf32, #tpu.memory_space<hbm>>) dst(%dma_wait3A_1557 : memref<128x64xf32, #tpu.memory_space<vmem>>)
      %gt3A_1566 = arith.constant 0 : i32
      %gt3A_1567 = arith.cmpi sgt, %scan3A_1022, %gt3A_1566 : i32
      %convert_element_type3A_1568 = arith.extui %gt3A_1567 : i1 to i32
      %cond3A_1569 = arith.constant 0 : i32
      %cond3A_1570 = arith.cmpi ne, %convert_element_type3A_1568, %cond3A_1569 : i32
      scf.if %cond3A_1570 {
        %sub3A_2074 = arith.constant 2 : i32
        %sub3A_2075 = arith.subi %add3A_1551, %sub3A_2074 : i32
        %jit3A_2076 = arith.constant 32 : i32
        %div3A_2077 = arith.divsi %sub3A_2075, %jit3A_2076 : i32
        %sign3A_2078 = arith.constant 0 : i32
        %sign3A_2079 = arith.cmpi sgt, %sub3A_2075, %sign3A_2078 : i32
        %sign3A_2080 = arith.extui %sign3A_2079 : i1 to i32
        %sign3A_2081 = arith.constant 0 : i32
        %sign3A_2082 = arith.cmpi slt, %sub3A_2075, %sign3A_2081 : i32
        %sign3A_2083 = arith.extui %sign3A_2082 : i1 to i32
        %sign3A_2084 = arith.subi %sign3A_2080, %sign3A_2083 : i32
        %sign3A_2085 = arith.constant 0 : i32
        %sign3A_2086 = arith.cmpi sgt, %jit3A_2076, %sign3A_2085 : i32
        %sign3A_2087 = arith.extui %sign3A_2086 : i1 to i32
        %sign3A_2088 = arith.constant 0 : i32
        %sign3A_2089 = arith.cmpi slt, %jit3A_2076, %sign3A_2088 : i32
        %sign3A_2090 = arith.extui %sign3A_2089 : i1 to i32
        %sign3A_2091 = arith.subi %sign3A_2087, %sign3A_2090 : i32
        %ne3A_2092 = arith.cmpi ne, %sign3A_2084, %sign3A_2091 : i32
        %rem3A_2093 = arith.remsi %sub3A_2075, %jit3A_2076 : i32
        %ne3A_2094 = arith.constant 0 : i32
        %ne3A_2095 = arith.cmpi ne, %rem3A_2093, %ne3A_2094 : i32
        %and3A_2096 = arith.andi %ne3A_2092, %ne3A_2095 : i1
        %sub3A_2097 = arith.constant 1 : i32
        %sub3A_2098 = arith.subi %div3A_2077, %sub3A_2097 : i32
        %select_n3A_2099 = arith.select %and3A_2096, %sub3A_2098, %div3A_2077 : i32
        %jit3A_2100 = arith.constant 32 : i32
        %eq3A_2101 = arith.constant 0 : i32
        %eq3A_2102 = arith.cmpi eq, %jit3A_2100, %eq3A_2101 : i32
        %jit3A_2103 = arith.constant 1 : i32
        %select_n3A_2104 = arith.select %eq3A_2102, %jit3A_2103, %jit3A_2100 : i32
        %rem3A_2105 = arith.remsi %sub3A_2075, %select_n3A_2104 : i32
        %ne3A_2106 = arith.constant 0 : i32
        %ne3A_2107 = arith.cmpi ne, %rem3A_2105, %ne3A_2106 : i32
        %lt3A_2108 = arith.constant 0 : i32
        %lt3A_2109 = arith.cmpi slt, %rem3A_2105, %lt3A_2108 : i32
        %lt3A_2110 = arith.constant 0 : i32
        %lt3A_2111 = arith.cmpi slt, %select_n3A_2104, %lt3A_2110 : i32
        %ne3A_2112 = arith.xori %lt3A_2109, %lt3A_2111 : i1
        %and3A_2113 = arith.andi %ne3A_2112, %ne3A_2107 : i1
        %add3A_2114 = arith.addi %rem3A_2105, %select_n3A_2104 : i32
        %select_n3A_2115 = arith.select %and3A_2113, %add3A_2114, %rem3A_2105 : i32
        %dma_wait3A_2116 = arith.constant 1 : i32
        %dma_wait3A_2117 = arith.constant 0 : i32
        %dma_wait3A_2118 = arith.constant 1 : i32
        %dma_wait3A_2119 = arith.constant 0 : i32
        %dma_wait3A_2120 = arith.constant 0 : i32
        %dma_wait3A_2121 = tpu.memref_slice %arg7[%dma_wait3A_2116, %dma_wait3A_2119, %dma_wait3A_2120] : memref<2x64x129xf32, #tpu.memory_space<vmem>> -> memref<1x8x128xf32, #tpu.memory_space<vmem>>
        %dma_wait3A_2122 = tpu.memref_squeeze %dma_wait3A_2121 : memref<1x8x128xf32, #tpu.memory_space<vmem>> -> memref<8x128xf32, #tpu.memory_space<vmem>>
        %dma_wait3A_2123 = arith.constant 0 : i32
        %dma_wait3A_2124 = arith.constant 0 : i32
        %dma_wait3A_2125 = tpu.memref_slice %arg4[%select_n3A_2099, %dma_wait3A_2117, %select_n3A_2115, %dma_wait3A_2123, %dma_wait3A_2124] : memref<200x8x32x8x128xf32, #tpu.memory_space<hbm>> -> memref<1x1x1x8x128xf32, #tpu.memory_space<hbm>>
        %dma_wait3A_2126 = tpu.memref_squeeze %dma_wait3A_2125 : memref<1x1x1x8x128xf32, #tpu.memory_space<hbm>> -> memref<8x128xf32, #tpu.memory_space<hbm>>
        %dma_wait3A_2127 = tpu.memref_slice %arg9[%dma_wait3A_2118] : memref<2x!tpu.dma_semaphore, #tpu.memory_space<semaphore_mem>> -> memref<1x!tpu.dma_semaphore, #tpu.memory_space<semaphore_mem>>
        %dma_wait3A_2128 = tpu.memref_squeeze %dma_wait3A_2127 : memref<1x!tpu.dma_semaphore, #tpu.memory_space<semaphore_mem>> -> memref<!tpu.dma_semaphore, #tpu.memory_space<semaphore_mem>>
        %dma_wait3A_2129 = arith.constant 0 : i32
        %dma_wait3A_2130 = arith.constant 0 : i32
        %dma_wait3A_2131 = tpu.memref_slice %arg4[%select_n3A_2099, %dma_wait3A_2117, %select_n3A_2115, %dma_wait3A_2129, %dma_wait3A_2130] : memref<200x8x32x8x128xf32, #tpu.memory_space<hbm>> -> memref<1x1x1x8x128xf32, #tpu.memory_space<hbm>>
        %dma_wait3A_2132 = tpu.memref_squeeze %dma_wait3A_2131 : memref<1x1x1x8x128xf32, #tpu.memory_space<hbm>> -> memref<8x128xf32, #tpu.memory_space<hbm>>
        %dma_wait3A_2133 = arith.constant 0 : i32
        %dma_wait3A_2134 = arith.constant 0 : i32
        %dma_wait3A_2135 = tpu.memref_slice %arg7[%dma_wait3A_2116, %dma_wait3A_2133, %dma_wait3A_2134] : memref<2x64x129xf32, #tpu.memory_space<vmem>> -> memref<1x8x128xf32, #tpu.memory_space<vmem>>
        %dma_wait3A_2136 = tpu.memref_squeeze %dma_wait3A_2135 : memref<1x8x128xf32, #tpu.memory_space<vmem>> -> memref<8x128xf32, #tpu.memory_space<vmem>>
        tpu.wait_dma2 semaphore(%dma_wait3A_2128 : memref<!tpu.dma_semaphore, #tpu.memory_space<semaphore_mem>>) src(%dma_wait3A_2136 : memref<8x128xf32, #tpu.memory_space<vmem>>) dst(%dma_wait3A_2132 : memref<8x128xf32, #tpu.memory_space<hbm>>)
        %jit3A_2137 = arith.constant 32 : i32
        %div3A_2138 = arith.divsi %sub3A_2075, %jit3A_2137 : i32
        %sign3A_2139 = arith.constant 0 : i32
        %sign3A_2140 = arith.cmpi sgt, %sub3A_2075, %sign3A_2139 : i32
        %sign3A_2141 = arith.extui %sign3A_2140 : i1 to i32
        %sign3A_2142 = arith.constant 0 : i32
        %sign3A_2143 = arith.cmpi slt, %sub3A_2075, %sign3A_2142 : i32
        %sign3A_2144 = arith.extui %sign3A_2143 : i1 to i32
        %sign3A_2145 = arith.subi %sign3A_2141, %sign3A_2144 : i32
        %sign3A_2146 = arith.constant 0 : i32
        %sign3A_2147 = arith.cmpi sgt, %jit3A_2137, %sign3A_2146 : i32
        %sign3A_2148 = arith.extui %sign3A_2147 : i1 to i32
        %sign3A_2149 = arith.constant 0 : i32
        %sign3A_2150 = arith.cmpi slt, %jit3A_2137, %sign3A_2149 : i32
        %sign3A_2151 = arith.extui %sign3A_2150 : i1 to i32
        %sign3A_2152 = arith.subi %sign3A_2148, %sign3A_2151 : i32
        %ne3A_2153 = arith.cmpi ne, %sign3A_2145, %sign3A_2152 : i32
        %rem3A_2154 = arith.remsi %sub3A_2075, %jit3A_2137 : i32
        %ne3A_2155 = arith.constant 0 : i32
        %ne3A_2156 = arith.cmpi ne, %rem3A_2154, %ne3A_2155 : i32
        %and3A_2157 = arith.andi %ne3A_2153, %ne3A_2156 : i1
        %sub3A_2158 = arith.constant 1 : i32
        %sub3A_2159 = arith.subi %div3A_2138, %sub3A_2158 : i32
        %select_n3A_2160 = arith.select %and3A_2157, %sub3A_2159, %div3A_2138 : i32
        %jit3A_2161 = arith.constant 32 : i32
        %eq3A_2162 = arith.constant 0 : i32
        %eq3A_2163 = arith.cmpi eq, %jit3A_2161, %eq3A_2162 : i32
        %jit3A_2164 = arith.constant 1 : i32
        %select_n3A_2165 = arith.select %eq3A_2163, %jit3A_2164, %jit3A_2161 : i32
        %rem3A_2166 = arith.remsi %sub3A_2075, %select_n3A_2165 : i32
        %ne3A_2167 = arith.constant 0 : i32
        %ne3A_2168 = arith.cmpi ne, %rem3A_2166, %ne3A_2167 : i32
        %lt3A_2169 = arith.constant 0 : i32
        %lt3A_2170 = arith.cmpi slt, %rem3A_2166, %lt3A_2169 : i32
        %lt3A_2171 = arith.constant 0 : i32
        %lt3A_2172 = arith.cmpi slt, %select_n3A_2165, %lt3A_2171 : i32
        %ne3A_2173 = arith.xori %lt3A_2170, %lt3A_2172 : i1
        %and3A_2174 = arith.andi %ne3A_2173, %ne3A_2168 : i1
        %add3A_2175 = arith.addi %rem3A_2166, %select_n3A_2165 : i32
        %select_n3A_2176 = arith.select %and3A_2174, %add3A_2175, %rem3A_2166 : i32
        %dma_wait3A_2177 = arith.constant 1 : i32
        %dma_wait3A_2178 = arith.constant 1 : i32
        %dma_wait3A_2179 = arith.constant 1 : i32
        %dma_wait3A_2180 = arith.constant 8 : i32
        %dma_wait3A_2181 = arith.constant 0 : i32
        %dma_wait3A_2182 = tpu.memref_slice %arg7[%dma_wait3A_2177, %dma_wait3A_2180, %dma_wait3A_2181] : memref<2x64x129xf32, #tpu.memory_space<vmem>> -> memref<1x8x128xf32, #tpu.memory_space<vmem>>
        %dma_wait3A_2183 = tpu.memref_squeeze %dma_wait3A_2182 : memref<1x8x128xf32, #tpu.memory_space<vmem>> -> memref<8x128xf32, #tpu.memory_space<vmem>>
        %dma_wait3A_2184 = arith.constant 0 : i32
        %dma_wait3A_2185 = arith.constant 0 : i32
        %dma_wait3A_2186 = tpu.memref_slice %arg4[%select_n3A_2160, %dma_wait3A_2178, %select_n3A_2176, %dma_wait3A_2184, %dma_wait3A_2185] : memref<200x8x32x8x128xf32, #tpu.memory_space<hbm>> -> memref<1x1x1x8x128xf32, #tpu.memory_space<hbm>>
        %dma_wait3A_2187 = tpu.memref_squeeze %dma_wait3A_2186 : memref<1x1x1x8x128xf32, #tpu.memory_space<hbm>> -> memref<8x128xf32, #tpu.memory_space<hbm>>
        %dma_wait3A_2188 = tpu.memref_slice %arg9[%dma_wait3A_2179] : memref<2x!tpu.dma_semaphore, #tpu.memory_space<semaphore_mem>> -> memref<1x!tpu.dma_semaphore, #tpu.memory_space<semaphore_mem>>
        %dma_wait3A_2189 = tpu.memref_squeeze %dma_wait3A_2188 : memref<1x!tpu.dma_semaphore, #tpu.memory_space<semaphore_mem>> -> memref<!tpu.dma_semaphore, #tpu.memory_space<semaphore_mem>>
        %dma_wait3A_2190 = arith.constant 0 : i32
        %dma_wait3A_2191 = arith.constant 0 : i32
        %dma_wait3A_2192 = tpu.memref_slice %arg4[%select_n3A_2160, %dma_wait3A_2178, %select_n3A_2176, %dma_wait3A_2190, %dma_wait3A_2191] : memref<200x8x32x8x128xf32, #tpu.memory_space<hbm>> -> memref<1x1x1x8x128xf32, #tpu.memory_space<hbm>>
        %dma_wait3A_2193 = tpu.memref_squeeze %dma_wait3A_2192 : memref<1x1x1x8x128xf32, #tpu.memory_space<hbm>> -> memref<8x128xf32, #tpu.memory_space<hbm>>
        %dma_wait3A_2194 = arith.constant 8 : i32
        %dma_wait3A_2195 = arith.constant 0 : i32
        %dma_wait3A_2196 = tpu.memref_slice %arg7[%dma_wait3A_2177, %dma_wait3A_2194, %dma_wait3A_2195] : memref<2x64x129xf32, #tpu.memory_space<vmem>> -> memref<1x8x128xf32, #tpu.memory_space<vmem>>
        %dma_wait3A_2197 = tpu.memref_squeeze %dma_wait3A_2196 : memref<1x8x128xf32, #tpu.memory_space<vmem>> -> memref<8x128xf32, #tpu.memory_space<vmem>>
        tpu.wait_dma2 semaphore(%dma_wait3A_2189 : memref<!tpu.dma_semaphore, #tpu.memory_space<semaphore_mem>>) src(%dma_wait3A_2197 : memref<8x128xf32, #tpu.memory_space<vmem>>) dst(%dma_wait3A_2193 : memref<8x128xf32, #tpu.memory_space<hbm>>)
        %jit3A_2198 = arith.constant 32 : i32
        %div3A_2199 = arith.divsi %sub3A_2075, %jit3A_2198 : i32
        %sign3A_2200 = arith.constant 0 : i32
        %sign3A_2201 = arith.cmpi sgt, %sub3A_2075, %sign3A_2200 : i32
        %sign3A_2202 = arith.extui %sign3A_2201 : i1 to i32
        %sign3A_2203 = arith.constant 0 : i32
        %sign3A_2204 = arith.cmpi slt, %sub3A_2075, %sign3A_2203 : i32
        %sign3A_2205 = arith.extui %sign3A_2204 : i1 to i32
        %sign3A_2206 = arith.subi %sign3A_2202, %sign3A_2205 : i32
        %sign3A_2207 = arith.constant 0 : i32
        %sign3A_2208 = arith.cmpi sgt, %jit3A_2198, %sign3A_2207 : i32
        %sign3A_2209 = arith.extui %sign3A_2208 : i1 to i32
        %sign3A_2210 = arith.constant 0 : i32
        %sign3A_2211 = arith.cmpi slt, %jit3A_2198, %sign3A_2210 : i32
        %sign3A_2212 = arith.extui %sign3A_2211 : i1 to i32
        %sign3A_2213 = arith.subi %sign3A_2209, %sign3A_2212 : i32
        %ne3A_2214 = arith.cmpi ne, %sign3A_2206, %sign3A_2213 : i32
        %rem3A_2215 = arith.remsi %sub3A_2075, %jit3A_2198 : i32
        %ne3A_2216 = arith.constant 0 : i32
        %ne3A_2217 = arith.cmpi ne, %rem3A_2215, %ne3A_2216 : i32
        %and3A_2218 = arith.andi %ne3A_2214, %ne3A_2217 : i1
        %sub3A_2219 = arith.constant 1 : i32
        %sub3A_2220 = arith.subi %div3A_2199, %sub3A_2219 : i32
        %select_n3A_2221 = arith.select %and3A_2218, %sub3A_2220, %div3A_2199 : i32
        %jit3A_2222 = arith.constant 32 : i32
        %eq3A_2223 = arith.constant 0 : i32
        %eq3A_2224 = arith.cmpi eq, %jit3A_2222, %eq3A_2223 : i32
        %jit3A_2225 = arith.constant 1 : i32
        %select_n3A_2226 = arith.select %eq3A_2224, %jit3A_2225, %jit3A_2222 : i32
        %rem3A_2227 = arith.remsi %sub3A_2075, %select_n3A_2226 : i32
        %ne3A_2228 = arith.constant 0 : i32
        %ne3A_2229 = arith.cmpi ne, %rem3A_2227, %ne3A_2228 : i32
        %lt3A_2230 = arith.constant 0 : i32
        %lt3A_2231 = arith.cmpi slt, %rem3A_2227, %lt3A_2230 : i32
        %lt3A_2232 = arith.constant 0 : i32
        %lt3A_2233 = arith.cmpi slt, %select_n3A_2226, %lt3A_2232 : i32
        %ne3A_2234 = arith.xori %lt3A_2231, %lt3A_2233 : i1
        %and3A_2235 = arith.andi %ne3A_2234, %ne3A_2229 : i1
        %add3A_2236 = arith.addi %rem3A_2227, %select_n3A_2226 : i32
        %select_n3A_2237 = arith.select %and3A_2235, %add3A_2236, %rem3A_2227 : i32
        %dma_wait3A_2238 = arith.constant 1 : i32
        %dma_wait3A_2239 = arith.constant 2 : i32
        %dma_wait3A_2240 = arith.constant 1 : i32
        %dma_wait3A_2241 = arith.constant 16 : i32
        %dma_wait3A_2242 = arith.constant 0 : i32
        %dma_wait3A_2243 = tpu.memref_slice %arg7[%dma_wait3A_2238, %dma_wait3A_2241, %dma_wait3A_2242] : memref<2x64x129xf32, #tpu.memory_space<vmem>> -> memref<1x8x128xf32, #tpu.memory_space<vmem>>
        %dma_wait3A_2244 = tpu.memref_squeeze %dma_wait3A_2243 : memref<1x8x128xf32, #tpu.memory_space<vmem>> -> memref<8x128xf32, #tpu.memory_space<vmem>>
        %dma_wait3A_2245 = arith.constant 0 : i32
        %dma_wait3A_2246 = arith.constant 0 : i32
        %dma_wait3A_2247 = tpu.memref_slice %arg4[%select_n3A_2221, %dma_wait3A_2239, %select_n3A_2237, %dma_wait3A_2245, %dma_wait3A_2246] : memref<200x8x32x8x128xf32, #tpu.memory_space<hbm>> -> memref<1x1x1x8x128xf32, #tpu.memory_space<hbm>>
        %dma_wait3A_2248 = tpu.memref_squeeze %dma_wait3A_2247 : memref<1x1x1x8x128xf32, #tpu.memory_space<hbm>> -> memref<8x128xf32, #tpu.memory_space<hbm>>
        %dma_wait3A_2249 = tpu.memref_slice %arg9[%dma_wait3A_2240] : memref<2x!tpu.dma_semaphore, #tpu.memory_space<semaphore_mem>> -> memref<1x!tpu.dma_semaphore, #tpu.memory_space<semaphore_mem>>
        %dma_wait3A_2250 = tpu.memref_squeeze %dma_wait3A_2249 : memref<1x!tpu.dma_semaphore, #tpu.memory_space<semaphore_mem>> -> memref<!tpu.dma_semaphore, #tpu.memory_space<semaphore_mem>>
        %dma_wait3A_2251 = arith.constant 0 : i32
        %dma_wait3A_2252 = arith.constant 0 : i32
        %dma_wait3A_2253 = tpu.memref_slice %arg4[%select_n3A_2221, %dma_wait3A_2239, %select_n3A_2237, %dma_wait3A_2251, %dma_wait3A_2252] : memref<200x8x32x8x128xf32, #tpu.memory_space<hbm>> -> memref<1x1x1x8x128xf32, #tpu.memory_space<hbm>>
        %dma_wait3A_2254 = tpu.memref_squeeze %dma_wait3A_2253 : memref<1x1x1x8x128xf32, #tpu.memory_space<hbm>> -> memref<8x128xf32, #tpu.memory_space<hbm>>
        %dma_wait3A_2255 = arith.constant 16 : i32
        %dma_wait3A_2256 = arith.constant 0 : i32
        %dma_wait3A_2257 = tpu.memref_slice %arg7[%dma_wait3A_2238, %dma_wait3A_2255, %dma_wait3A_2256] : memref<2x64x129xf32, #tpu.memory_space<vmem>> -> memref<1x8x128xf32, #tpu.memory_space<vmem>>
        %dma_wait3A_2258 = tpu.memref_squeeze %dma_wait3A_2257 : memref<1x8x128xf32, #tpu.memory_space<vmem>> -> memref<8x128xf32, #tpu.memory_space<vmem>>
        tpu.wait_dma2 semaphore(%dma_wait3A_2250 : memref<!tpu.dma_semaphore, #tpu.memory_space<semaphore_mem>>) src(%dma_wait3A_2258 : memref<8x128xf32, #tpu.memory_space<vmem>>) dst(%dma_wait3A_2254 : memref<8x128xf32, #tpu.memory_space<hbm>>)
        %jit3A_2259 = arith.constant 32 : i32
        %div3A_2260 = arith.divsi %sub3A_2075, %jit3A_2259 : i32
        %sign3A_2261 = arith.constant 0 : i32
        %sign3A_2262 = arith.cmpi sgt, %sub3A_2075, %sign3A_2261 : i32
        %sign3A_2263 = arith.extui %sign3A_2262 : i1 to i32
        %sign3A_2264 = arith.constant 0 : i32
        %sign3A_2265 = arith.cmpi slt, %sub3A_2075, %sign3A_2264 : i32
        %sign3A_2266 = arith.extui %sign3A_2265 : i1 to i32
        %sign3A_2267 = arith.subi %sign3A_2263, %sign3A_2266 : i32
        %sign3A_2268 = arith.constant 0 : i32
        %sign3A_2269 = arith.cmpi sgt, %jit3A_2259, %sign3A_2268 : i32
        %sign3A_2270 = arith.extui %sign3A_2269 : i1 to i32
        %sign3A_2271 = arith.constant 0 : i32
        %sign3A_2272 = arith.cmpi slt, %jit3A_2259, %sign3A_2271 : i32
        %sign3A_2273 = arith.extui %sign3A_2272 : i1 to i32
        %sign3A_2274 = arith.subi %sign3A_2270, %sign3A_2273 : i32
        %ne3A_2275 = arith.cmpi ne, %sign3A_2267, %sign3A_2274 : i32
        %rem3A_2276 = arith.remsi %sub3A_2075, %jit3A_2259 : i32
        %ne3A_2277 = arith.constant 0 : i32
        %ne3A_2278 = arith.cmpi ne, %rem3A_2276, %ne3A_2277 : i32
        %and3A_2279 = arith.andi %ne3A_2275, %ne3A_2278 : i1
        %sub3A_2280 = arith.constant 1 : i32
        %sub3A_2281 = arith.subi %div3A_2260, %sub3A_2280 : i32
        %select_n3A_2282 = arith.select %and3A_2279, %sub3A_2281, %div3A_2260 : i32
        %jit3A_2283 = arith.constant 32 : i32
        %eq3A_2284 = arith.constant 0 : i32
        %eq3A_2285 = arith.cmpi eq, %jit3A_2283, %eq3A_2284 : i32
        %jit3A_2286 = arith.constant 1 : i32
        %select_n3A_2287 = arith.select %eq3A_2285, %jit3A_2286, %jit3A_2283 : i32
        %rem3A_2288 = arith.remsi %sub3A_2075, %select_n3A_2287 : i32
        %ne3A_2289 = arith.constant 0 : i32
        %ne3A_2290 = arith.cmpi ne, %rem3A_2288, %ne3A_2289 : i32
        %lt3A_2291 = arith.constant 0 : i32
        %lt3A_2292 = arith.cmpi slt, %rem3A_2288, %lt3A_2291 : i32
        %lt3A_2293 = arith.constant 0 : i32
        %lt3A_2294 = arith.cmpi slt, %select_n3A_2287, %lt3A_2293 : i32
        %ne3A_2295 = arith.xori %lt3A_2292, %lt3A_2294 : i1
        %and3A_2296 = arith.andi %ne3A_2295, %ne3A_2290 : i1
        %add3A_2297 = arith.addi %rem3A_2288, %select_n3A_2287 : i32
        %select_n3A_2298 = arith.select %and3A_2296, %add3A_2297, %rem3A_2288 : i32
        %dma_wait3A_2299 = arith.constant 1 : i32
        %dma_wait3A_2300 = arith.constant 3 : i32
        %dma_wait3A_2301 = arith.constant 1 : i32
        %dma_wait3A_2302 = arith.constant 24 : i32
        %dma_wait3A_2303 = arith.constant 0 : i32
        %dma_wait3A_2304 = tpu.memref_slice %arg7[%dma_wait3A_2299, %dma_wait3A_2302, %dma_wait3A_2303] : memref<2x64x129xf32, #tpu.memory_space<vmem>> -> memref<1x8x128xf32, #tpu.memory_space<vmem>>
        %dma_wait3A_2305 = tpu.memref_squeeze %dma_wait3A_2304 : memref<1x8x128xf32, #tpu.memory_space<vmem>> -> memref<8x128xf32, #tpu.memory_space<vmem>>
        %dma_wait3A_2306 = arith.constant 0 : i32
        %dma_wait3A_2307 = arith.constant 0 : i32
        %dma_wait3A_2308 = tpu.memref_slice %arg4[%select_n3A_2282, %dma_wait3A_2300, %select_n3A_2298, %dma_wait3A_2306, %dma_wait3A_2307] : memref<200x8x32x8x128xf32, #tpu.memory_space<hbm>> -> memref<1x1x1x8x128xf32, #tpu.memory_space<hbm>>
        %dma_wait3A_2309 = tpu.memref_squeeze %dma_wait3A_2308 : memref<1x1x1x8x128xf32, #tpu.memory_space<hbm>> -> memref<8x128xf32, #tpu.memory_space<hbm>>
        %dma_wait3A_2310 = tpu.memref_slice %arg9[%dma_wait3A_2301] : memref<2x!tpu.dma_semaphore, #tpu.memory_space<semaphore_mem>> -> memref<1x!tpu.dma_semaphore, #tpu.memory_space<semaphore_mem>>
        %dma_wait3A_2311 = tpu.memref_squeeze %dma_wait3A_2310 : memref<1x!tpu.dma_semaphore, #tpu.memory_space<semaphore_mem>> -> memref<!tpu.dma_semaphore, #tpu.memory_space<semaphore_mem>>
        %dma_wait3A_2312 = arith.constant 0 : i32
        %dma_wait3A_2313 = arith.constant 0 : i32
        %dma_wait3A_2314 = tpu.memref_slice %arg4[%select_n3A_2282, %dma_wait3A_2300, %select_n3A_2298, %dma_wait3A_2312, %dma_wait3A_2313] : memref<200x8x32x8x128xf32, #tpu.memory_space<hbm>> -> memref<1x1x1x8x128xf32, #tpu.memory_space<hbm>>
        %dma_wait3A_2315 = tpu.memref_squeeze %dma_wait3A_2314 : memref<1x1x1x8x128xf32, #tpu.memory_space<hbm>> -> memref<8x128xf32, #tpu.memory_space<hbm>>
        %dma_wait3A_2316 = arith.constant 24 : i32
        %dma_wait3A_2317 = arith.constant 0 : i32
        %dma_wait3A_2318 = tpu.memref_slice %arg7[%dma_wait3A_2299, %dma_wait3A_2316, %dma_wait3A_2317] : memref<2x64x129xf32, #tpu.memory_space<vmem>> -> memref<1x8x128xf32, #tpu.memory_space<vmem>>
        %dma_wait3A_2319 = tpu.memref_squeeze %dma_wait3A_2318 : memref<1x8x128xf32, #tpu.memory_space<vmem>> -> memref<8x128xf32, #tpu.memory_space<vmem>>
        tpu.wait_dma2 semaphore(%dma_wait3A_2311 : memref<!tpu.dma_semaphore, #tpu.memory_space<semaphore_mem>>) src(%dma_wait3A_2319 : memref<8x128xf32, #tpu.memory_space<vmem>>) dst(%dma_wait3A_2315 : memref<8x128xf32, #tpu.memory_space<hbm>>)
        %jit3A_2320 = arith.constant 32 : i32
        %div3A_2321 = arith.divsi %sub3A_2075, %jit3A_2320 : i32
        %sign3A_2322 = arith.constant 0 : i32
        %sign3A_2323 = arith.cmpi sgt, %sub3A_2075, %sign3A_2322 : i32
        %sign3A_2324 = arith.extui %sign3A_2323 : i1 to i32
        %sign3A_2325 = arith.constant 0 : i32
        %sign3A_2326 = arith.cmpi slt, %sub3A_2075, %sign3A_2325 : i32
        %sign3A_2327 = arith.extui %sign3A_2326 : i1 to i32
        %sign3A_2328 = arith.subi %sign3A_2324, %sign3A_2327 : i32
        %sign3A_2329 = arith.constant 0 : i32
        %sign3A_2330 = arith.cmpi sgt, %jit3A_2320, %sign3A_2329 : i32
        %sign3A_2331 = arith.extui %sign3A_2330 : i1 to i32
        %sign3A_2332 = arith.constant 0 : i32
        %sign3A_2333 = arith.cmpi slt, %jit3A_2320, %sign3A_2332 : i32
        %sign3A_2334 = arith.extui %sign3A_2333 : i1 to i32
        %sign3A_2335 = arith.subi %sign3A_2331, %sign3A_2334 : i32
        %ne3A_2336 = arith.cmpi ne, %sign3A_2328, %sign3A_2335 : i32
        %rem3A_2337 = arith.remsi %sub3A_2075, %jit3A_2320 : i32
        %ne3A_2338 = arith.constant 0 : i32
        %ne3A_2339 = arith.cmpi ne, %rem3A_2337, %ne3A_2338 : i32
        %and3A_2340 = arith.andi %ne3A_2336, %ne3A_2339 : i1
        %sub3A_2341 = arith.constant 1 : i32
        %sub3A_2342 = arith.subi %div3A_2321, %sub3A_2341 : i32
        %select_n3A_2343 = arith.select %and3A_2340, %sub3A_2342, %div3A_2321 : i32
        %jit3A_2344 = arith.constant 32 : i32
        %eq3A_2345 = arith.constant 0 : i32
        %eq3A_2346 = arith.cmpi eq, %jit3A_2344, %eq3A_2345 : i32
        %jit3A_2347 = arith.constant 1 : i32
        %select_n3A_2348 = arith.select %eq3A_2346, %jit3A_2347, %jit3A_2344 : i32
        %rem3A_2349 = arith.remsi %sub3A_2075, %select_n3A_2348 : i32
        %ne3A_2350 = arith.constant 0 : i32
        %ne3A_2351 = arith.cmpi ne, %rem3A_2349, %ne3A_2350 : i32
        %lt3A_2352 = arith.constant 0 : i32
        %lt3A_2353 = arith.cmpi slt, %rem3A_2349, %lt3A_2352 : i32
        %lt3A_2354 = arith.constant 0 : i32
        %lt3A_2355 = arith.cmpi slt, %select_n3A_2348, %lt3A_2354 : i32
        %ne3A_2356 = arith.xori %lt3A_2353, %lt3A_2355 : i1
        %and3A_2357 = arith.andi %ne3A_2356, %ne3A_2351 : i1
        %add3A_2358 = arith.addi %rem3A_2349, %select_n3A_2348 : i32
        %select_n3A_2359 = arith.select %and3A_2357, %add3A_2358, %rem3A_2349 : i32
        %dma_wait3A_2360 = arith.constant 1 : i32
        %dma_wait3A_2361 = arith.constant 4 : i32
        %dma_wait3A_2362 = arith.constant 1 : i32
        %dma_wait3A_2363 = arith.constant 32 : i32
        %dma_wait3A_2364 = arith.constant 0 : i32
        %dma_wait3A_2365 = tpu.memref_slice %arg7[%dma_wait3A_2360, %dma_wait3A_2363, %dma_wait3A_2364] : memref<2x64x129xf32, #tpu.memory_space<vmem>> -> memref<1x8x128xf32, #tpu.memory_space<vmem>>
        %dma_wait3A_2366 = tpu.memref_squeeze %dma_wait3A_2365 : memref<1x8x128xf32, #tpu.memory_space<vmem>> -> memref<8x128xf32, #tpu.memory_space<vmem>>
        %dma_wait3A_2367 = arith.constant 0 : i32
        %dma_wait3A_2368 = arith.constant 0 : i32
        %dma_wait3A_2369 = tpu.memref_slice %arg4[%select_n3A_2343, %dma_wait3A_2361, %select_n3A_2359, %dma_wait3A_2367, %dma_wait3A_2368] : memref<200x8x32x8x128xf32, #tpu.memory_space<hbm>> -> memref<1x1x1x8x128xf32, #tpu.memory_space<hbm>>
        %dma_wait3A_2370 = tpu.memref_squeeze %dma_wait3A_2369 : memref<1x1x1x8x128xf32, #tpu.memory_space<hbm>> -> memref<8x128xf32, #tpu.memory_space<hbm>>
        %dma_wait3A_2371 = tpu.memref_slice %arg9[%dma_wait3A_2362] : memref<2x!tpu.dma_semaphore, #tpu.memory_space<semaphore_mem>> -> memref<1x!tpu.dma_semaphore, #tpu.memory_space<semaphore_mem>>
        %dma_wait3A_2372 = tpu.memref_squeeze %dma_wait3A_2371 : memref<1x!tpu.dma_semaphore, #tpu.memory_space<semaphore_mem>> -> memref<!tpu.dma_semaphore, #tpu.memory_space<semaphore_mem>>
        %dma_wait3A_2373 = arith.constant 0 : i32
        %dma_wait3A_2374 = arith.constant 0 : i32
        %dma_wait3A_2375 = tpu.memref_slice %arg4[%select_n3A_2343, %dma_wait3A_2361, %select_n3A_2359, %dma_wait3A_2373, %dma_wait3A_2374] : memref<200x8x32x8x128xf32, #tpu.memory_space<hbm>> -> memref<1x1x1x8x128xf32, #tpu.memory_space<hbm>>
        %dma_wait3A_2376 = tpu.memref_squeeze %dma_wait3A_2375 : memref<1x1x1x8x128xf32, #tpu.memory_space<hbm>> -> memref<8x128xf32, #tpu.memory_space<hbm>>
        %dma_wait3A_2377 = arith.constant 32 : i32
        %dma_wait3A_2378 = arith.constant 0 : i32
        %dma_wait3A_2379 = tpu.memref_slice %arg7[%dma_wait3A_2360, %dma_wait3A_2377, %dma_wait3A_2378] : memref<2x64x129xf32, #tpu.memory_space<vmem>> -> memref<1x8x128xf32, #tpu.memory_space<vmem>>
        %dma_wait3A_2380 = tpu.memref_squeeze %dma_wait3A_2379 : memref<1x8x128xf32, #tpu.memory_space<vmem>> -> memref<8x128xf32, #tpu.memory_space<vmem>>
        tpu.wait_dma2 semaphore(%dma_wait3A_2372 : memref<!tpu.dma_semaphore, #tpu.memory_space<semaphore_mem>>) src(%dma_wait3A_2380 : memref<8x128xf32, #tpu.memory_space<vmem>>) dst(%dma_wait3A_2376 : memref<8x128xf32, #tpu.memory_space<hbm>>)
        %jit3A_2381 = arith.constant 32 : i32
        %div3A_2382 = arith.divsi %sub3A_2075, %jit3A_2381 : i32
        %sign3A_2383 = arith.constant 0 : i32
        %sign3A_2384 = arith.cmpi sgt, %sub3A_2075, %sign3A_2383 : i32
        %sign3A_2385 = arith.extui %sign3A_2384 : i1 to i32
        %sign3A_2386 = arith.constant 0 : i32
        %sign3A_2387 = arith.cmpi slt, %sub3A_2075, %sign3A_2386 : i32
        %sign3A_2388 = arith.extui %sign3A_2387 : i1 to i32
        %sign3A_2389 = arith.subi %sign3A_2385, %sign3A_2388 : i32
        %sign3A_2390 = arith.constant 0 : i32
        %sign3A_2391 = arith.cmpi sgt, %jit3A_2381, %sign3A_2390 : i32
        %sign3A_2392 = arith.extui %sign3A_2391 : i1 to i32
        %sign3A_2393 = arith.constant 0 : i32
        %sign3A_2394 = arith.cmpi slt, %jit3A_2381, %sign3A_2393 : i32
        %sign3A_2395 = arith.extui %sign3A_2394 : i1 to i32
        %sign3A_2396 = arith.subi %sign3A_2392, %sign3A_2395 : i32
        %ne3A_2397 = arith.cmpi ne, %sign3A_2389, %sign3A_2396 : i32
        %rem3A_2398 = arith.remsi %sub3A_2075, %jit3A_2381 : i32
        %ne3A_2399 = arith.constant 0 : i32
        %ne3A_2400 = arith.cmpi ne, %rem3A_2398, %ne3A_2399 : i32
        %and3A_2401 = arith.andi %ne3A_2397, %ne3A_2400 : i1
        %sub3A_2402 = arith.constant 1 : i32
        %sub3A_2403 = arith.subi %div3A_2382, %sub3A_2402 : i32
        %select_n3A_2404 = arith.select %and3A_2401, %sub3A_2403, %div3A_2382 : i32
        %jit3A_2405 = arith.constant 32 : i32
        %eq3A_2406 = arith.constant 0 : i32
        %eq3A_2407 = arith.cmpi eq, %jit3A_2405, %eq3A_2406 : i32
        %jit3A_2408 = arith.constant 1 : i32
        %select_n3A_2409 = arith.select %eq3A_2407, %jit3A_2408, %jit3A_2405 : i32
        %rem3A_2410 = arith.remsi %sub3A_2075, %select_n3A_2409 : i32
        %ne3A_2411 = arith.constant 0 : i32
        %ne3A_2412 = arith.cmpi ne, %rem3A_2410, %ne3A_2411 : i32
        %lt3A_2413 = arith.constant 0 : i32
        %lt3A_2414 = arith.cmpi slt, %rem3A_2410, %lt3A_2413 : i32
        %lt3A_2415 = arith.constant 0 : i32
        %lt3A_2416 = arith.cmpi slt, %select_n3A_2409, %lt3A_2415 : i32
        %ne3A_2417 = arith.xori %lt3A_2414, %lt3A_2416 : i1
        %and3A_2418 = arith.andi %ne3A_2417, %ne3A_2412 : i1
        %add3A_2419 = arith.addi %rem3A_2410, %select_n3A_2409 : i32
        %select_n3A_2420 = arith.select %and3A_2418, %add3A_2419, %rem3A_2410 : i32
        %dma_wait3A_2421 = arith.constant 1 : i32
        %dma_wait3A_2422 = arith.constant 5 : i32
        %dma_wait3A_2423 = arith.constant 1 : i32
        %dma_wait3A_2424 = arith.constant 40 : i32
        %dma_wait3A_2425 = arith.constant 0 : i32
        %dma_wait3A_2426 = tpu.memref_slice %arg7[%dma_wait3A_2421, %dma_wait3A_2424, %dma_wait3A_2425] : memref<2x64x129xf32, #tpu.memory_space<vmem>> -> memref<1x8x128xf32, #tpu.memory_space<vmem>>
        %dma_wait3A_2427 = tpu.memref_squeeze %dma_wait3A_2426 : memref<1x8x128xf32, #tpu.memory_space<vmem>> -> memref<8x128xf32, #tpu.memory_space<vmem>>
        %dma_wait3A_2428 = arith.constant 0 : i32
        %dma_wait3A_2429 = arith.constant 0 : i32
        %dma_wait3A_2430 = tpu.memref_slice %arg4[%select_n3A_2404, %dma_wait3A_2422, %select_n3A_2420, %dma_wait3A_2428, %dma_wait3A_2429] : memref<200x8x32x8x128xf32, #tpu.memory_space<hbm>> -> memref<1x1x1x8x128xf32, #tpu.memory_space<hbm>>
        %dma_wait3A_2431 = tpu.memref_squeeze %dma_wait3A_2430 : memref<1x1x1x8x128xf32, #tpu.memory_space<hbm>> -> memref<8x128xf32, #tpu.memory_space<hbm>>
        %dma_wait3A_2432 = tpu.memref_slice %arg9[%dma_wait3A_2423] : memref<2x!tpu.dma_semaphore, #tpu.memory_space<semaphore_mem>> -> memref<1x!tpu.dma_semaphore, #tpu.memory_space<semaphore_mem>>
        %dma_wait3A_2433 = tpu.memref_squeeze %dma_wait3A_2432 : memref<1x!tpu.dma_semaphore, #tpu.memory_space<semaphore_mem>> -> memref<!tpu.dma_semaphore, #tpu.memory_space<semaphore_mem>>
        %dma_wait3A_2434 = arith.constant 0 : i32
        %dma_wait3A_2435 = arith.constant 0 : i32
        %dma_wait3A_2436 = tpu.memref_slice %arg4[%select_n3A_2404, %dma_wait3A_2422, %select_n3A_2420, %dma_wait3A_2434, %dma_wait3A_2435] : memref<200x8x32x8x128xf32, #tpu.memory_space<hbm>> -> memref<1x1x1x8x128xf32, #tpu.memory_space<hbm>>
        %dma_wait3A_2437 = tpu.memref_squeeze %dma_wait3A_2436 : memref<1x1x1x8x128xf32, #tpu.memory_space<hbm>> -> memref<8x128xf32, #tpu.memory_space<hbm>>
        %dma_wait3A_2438 = arith.constant 40 : i32
        %dma_wait3A_2439 = arith.constant 0 : i32
        %dma_wait3A_2440 = tpu.memref_slice %arg7[%dma_wait3A_2421, %dma_wait3A_2438, %dma_wait3A_2439] : memref<2x64x129xf32, #tpu.memory_space<vmem>> -> memref<1x8x128xf32, #tpu.memory_space<vmem>>
        %dma_wait3A_2441 = tpu.memref_squeeze %dma_wait3A_2440 : memref<1x8x128xf32, #tpu.memory_space<vmem>> -> memref<8x128xf32, #tpu.memory_space<vmem>>
        tpu.wait_dma2 semaphore(%dma_wait3A_2433 : memref<!tpu.dma_semaphore, #tpu.memory_space<semaphore_mem>>) src(%dma_wait3A_2441 : memref<8x128xf32, #tpu.memory_space<vmem>>) dst(%dma_wait3A_2437 : memref<8x128xf32, #tpu.memory_space<hbm>>)
        %jit3A_2442 = arith.constant 32 : i32
        %div3A_2443 = arith.divsi %sub3A_2075, %jit3A_2442 : i32
        %sign3A_2444 = arith.constant 0 : i32
        %sign3A_2445 = arith.cmpi sgt, %sub3A_2075, %sign3A_2444 : i32
        %sign3A_2446 = arith.extui %sign3A_2445 : i1 to i32
        %sign3A_2447 = arith.constant 0 : i32
        %sign3A_2448 = arith.cmpi slt, %sub3A_2075, %sign3A_2447 : i32
        %sign3A_2449 = arith.extui %sign3A_2448 : i1 to i32
        %sign3A_2450 = arith.subi %sign3A_2446, %sign3A_2449 : i32
        %sign3A_2451 = arith.constant 0 : i32
        %sign3A_2452 = arith.cmpi sgt, %jit3A_2442, %sign3A_2451 : i32
        %sign3A_2453 = arith.extui %sign3A_2452 : i1 to i32
        %sign3A_2454 = arith.constant 0 : i32
        %sign3A_2455 = arith.cmpi slt, %jit3A_2442, %sign3A_2454 : i32
        %sign3A_2456 = arith.extui %sign3A_2455 : i1 to i32
        %sign3A_2457 = arith.subi %sign3A_2453, %sign3A_2456 : i32
        %ne3A_2458 = arith.cmpi ne, %sign3A_2450, %sign3A_2457 : i32
        %rem3A_2459 = arith.remsi %sub3A_2075, %jit3A_2442 : i32
        %ne3A_2460 = arith.constant 0 : i32
        %ne3A_2461 = arith.cmpi ne, %rem3A_2459, %ne3A_2460 : i32
        %and3A_2462 = arith.andi %ne3A_2458, %ne3A_2461 : i1
        %sub3A_2463 = arith.constant 1 : i32
        %sub3A_2464 = arith.subi %div3A_2443, %sub3A_2463 : i32
        %select_n3A_2465 = arith.select %and3A_2462, %sub3A_2464, %div3A_2443 : i32
        %jit3A_2466 = arith.constant 32 : i32
        %eq3A_2467 = arith.constant 0 : i32
        %eq3A_2468 = arith.cmpi eq, %jit3A_2466, %eq3A_2467 : i32
        %jit3A_2469 = arith.constant 1 : i32
        %select_n3A_2470 = arith.select %eq3A_2468, %jit3A_2469, %jit3A_2466 : i32
        %rem3A_2471 = arith.remsi %sub3A_2075, %select_n3A_2470 : i32
        %ne3A_2472 = arith.constant 0 : i32
        %ne3A_2473 = arith.cmpi ne, %rem3A_2471, %ne3A_2472 : i32
        %lt3A_2474 = arith.constant 0 : i32
        %lt3A_2475 = arith.cmpi slt, %rem3A_2471, %lt3A_2474 : i32
        %lt3A_2476 = arith.constant 0 : i32
        %lt3A_2477 = arith.cmpi slt, %select_n3A_2470, %lt3A_2476 : i32
        %ne3A_2478 = arith.xori %lt3A_2475, %lt3A_2477 : i1
        %and3A_2479 = arith.andi %ne3A_2478, %ne3A_2473 : i1
        %add3A_2480 = arith.addi %rem3A_2471, %select_n3A_2470 : i32
        %select_n3A_2481 = arith.select %and3A_2479, %add3A_2480, %rem3A_2471 : i32
        %dma_wait3A_2482 = arith.constant 1 : i32
        %dma_wait3A_2483 = arith.constant 6 : i32
        %dma_wait3A_2484 = arith.constant 1 : i32
        %dma_wait3A_2485 = arith.constant 48 : i32
        %dma_wait3A_2486 = arith.constant 0 : i32
        %dma_wait3A_2487 = tpu.memref_slice %arg7[%dma_wait3A_2482, %dma_wait3A_2485, %dma_wait3A_2486] : memref<2x64x129xf32, #tpu.memory_space<vmem>> -> memref<1x8x128xf32, #tpu.memory_space<vmem>>
        %dma_wait3A_2488 = tpu.memref_squeeze %dma_wait3A_2487 : memref<1x8x128xf32, #tpu.memory_space<vmem>> -> memref<8x128xf32, #tpu.memory_space<vmem>>
        %dma_wait3A_2489 = arith.constant 0 : i32
        %dma_wait3A_2490 = arith.constant 0 : i32
        %dma_wait3A_2491 = tpu.memref_slice %arg4[%select_n3A_2465, %dma_wait3A_2483, %select_n3A_2481, %dma_wait3A_2489, %dma_wait3A_2490] : memref<200x8x32x8x128xf32, #tpu.memory_space<hbm>> -> memref<1x1x1x8x128xf32, #tpu.memory_space<hbm>>
        %dma_wait3A_2492 = tpu.memref_squeeze %dma_wait3A_2491 : memref<1x1x1x8x128xf32, #tpu.memory_space<hbm>> -> memref<8x128xf32, #tpu.memory_space<hbm>>
        %dma_wait3A_2493 = tpu.memref_slice %arg9[%dma_wait3A_2484] : memref<2x!tpu.dma_semaphore, #tpu.memory_space<semaphore_mem>> -> memref<1x!tpu.dma_semaphore, #tpu.memory_space<semaphore_mem>>
        %dma_wait3A_2494 = tpu.memref_squeeze %dma_wait3A_2493 : memref<1x!tpu.dma_semaphore, #tpu.memory_space<semaphore_mem>> -> memref<!tpu.dma_semaphore, #tpu.memory_space<semaphore_mem>>
        %dma_wait3A_2495 = arith.constant 0 : i32
        %dma_wait3A_2496 = arith.constant 0 : i32
        %dma_wait3A_2497 = tpu.memref_slice %arg4[%select_n3A_2465, %dma_wait3A_2483, %select_n3A_2481, %dma_wait3A_2495, %dma_wait3A_2496] : memref<200x8x32x8x128xf32, #tpu.memory_space<hbm>> -> memref<1x1x1x8x128xf32, #tpu.memory_space<hbm>>
        %dma_wait3A_2498 = tpu.memref_squeeze %dma_wait3A_2497 : memref<1x1x1x8x128xf32, #tpu.memory_space<hbm>> -> memref<8x128xf32, #tpu.memory_space<hbm>>
        %dma_wait3A_2499 = arith.constant 48 : i32
        %dma_wait3A_2500 = arith.constant 0 : i32
        %dma_wait3A_2501 = tpu.memref_slice %arg7[%dma_wait3A_2482, %dma_wait3A_2499, %dma_wait3A_2500] : memref<2x64x129xf32, #tpu.memory_space<vmem>> -> memref<1x8x128xf32, #tpu.memory_space<vmem>>
        %dma_wait3A_2502 = tpu.memref_squeeze %dma_wait3A_2501 : memref<1x8x128xf32, #tpu.memory_space<vmem>> -> memref<8x128xf32, #tpu.memory_space<vmem>>
        tpu.wait_dma2 semaphore(%dma_wait3A_2494 : memref<!tpu.dma_semaphore, #tpu.memory_space<semaphore_mem>>) src(%dma_wait3A_2502 : memref<8x128xf32, #tpu.memory_space<vmem>>) dst(%dma_wait3A_2498 : memref<8x128xf32, #tpu.memory_space<hbm>>)
        %jit3A_2503 = arith.constant 32 : i32
        %div3A_2504 = arith.divsi %sub3A_2075, %jit3A_2503 : i32
        %sign3A_2505 = arith.constant 0 : i32
        %sign3A_2506 = arith.cmpi sgt, %sub3A_2075, %sign3A_2505 : i32
        %sign3A_2507 = arith.extui %sign3A_2506 : i1 to i32
        %sign3A_2508 = arith.constant 0 : i32
        %sign3A_2509 = arith.cmpi slt, %sub3A_2075, %sign3A_2508 : i32
        %sign3A_2510 = arith.extui %sign3A_2509 : i1 to i32
        %sign3A_2511 = arith.subi %sign3A_2507, %sign3A_2510 : i32
        %sign3A_2512 = arith.constant 0 : i32
        %sign3A_2513 = arith.cmpi sgt, %jit3A_2503, %sign3A_2512 : i32
        %sign3A_2514 = arith.extui %sign3A_2513 : i1 to i32
        %sign3A_2515 = arith.constant 0 : i32
        %sign3A_2516 = arith.cmpi slt, %jit3A_2503, %sign3A_2515 : i32
        %sign3A_2517 = arith.extui %sign3A_2516 : i1 to i32
        %sign3A_2518 = arith.subi %sign3A_2514, %sign3A_2517 : i32
        %ne3A_2519 = arith.cmpi ne, %sign3A_2511, %sign3A_2518 : i32
        %rem3A_2520 = arith.remsi %sub3A_2075, %jit3A_2503 : i32
        %ne3A_2521 = arith.constant 0 : i32
        %ne3A_2522 = arith.cmpi ne, %rem3A_2520, %ne3A_2521 : i32
        %and3A_2523 = arith.andi %ne3A_2519, %ne3A_2522 : i1
        %sub3A_2524 = arith.constant 1 : i32
        %sub3A_2525 = arith.subi %div3A_2504, %sub3A_2524 : i32
        %select_n3A_2526 = arith.select %and3A_2523, %sub3A_2525, %div3A_2504 : i32
        %jit3A_2527 = arith.constant 32 : i32
        %eq3A_2528 = arith.constant 0 : i32
        %eq3A_2529 = arith.cmpi eq, %jit3A_2527, %eq3A_2528 : i32
        %jit3A_2530 = arith.constant 1 : i32
        %select_n3A_2531 = arith.select %eq3A_2529, %jit3A_2530, %jit3A_2527 : i32
        %rem3A_2532 = arith.remsi %sub3A_2075, %select_n3A_2531 : i32
        %ne3A_2533 = arith.constant 0 : i32
        %ne3A_2534 = arith.cmpi ne, %rem3A_2532, %ne3A_2533 : i32
        %lt3A_2535 = arith.constant 0 : i32
        %lt3A_2536 = arith.cmpi slt, %rem3A_2532, %lt3A_2535 : i32
        %lt3A_2537 = arith.constant 0 : i32
        %lt3A_2538 = arith.cmpi slt, %select_n3A_2531, %lt3A_2537 : i32
        %ne3A_2539 = arith.xori %lt3A_2536, %lt3A_2538 : i1
        %and3A_2540 = arith.andi %ne3A_2539, %ne3A_2534 : i1
        %add3A_2541 = arith.addi %rem3A_2532, %select_n3A_2531 : i32
        %select_n3A_2542 = arith.select %and3A_2540, %add3A_2541, %rem3A_2532 : i32
        %dma_wait3A_2543 = arith.constant 1 : i32
        %dma_wait3A_2544 = arith.constant 7 : i32
        %dma_wait3A_2545 = arith.constant 1 : i32
        %dma_wait3A_2546 = arith.constant 56 : i32
        %dma_wait3A_2547 = arith.constant 0 : i32
        %dma_wait3A_2548 = tpu.memref_slice %arg7[%dma_wait3A_2543, %dma_wait3A_2546, %dma_wait3A_2547] : memref<2x64x129xf32, #tpu.memory_space<vmem>> -> memref<1x8x128xf32, #tpu.memory_space<vmem>>
        %dma_wait3A_2549 = tpu.memref_squeeze %dma_wait3A_2548 : memref<1x8x128xf32, #tpu.memory_space<vmem>> -> memref<8x128xf32, #tpu.memory_space<vmem>>
        %dma_wait3A_2550 = arith.constant 0 : i32
        %dma_wait3A_2551 = arith.constant 0 : i32
        %dma_wait3A_2552 = tpu.memref_slice %arg4[%select_n3A_2526, %dma_wait3A_2544, %select_n3A_2542, %dma_wait3A_2550, %dma_wait3A_2551] : memref<200x8x32x8x128xf32, #tpu.memory_space<hbm>> -> memref<1x1x1x8x128xf32, #tpu.memory_space<hbm>>
        %dma_wait3A_2553 = tpu.memref_squeeze %dma_wait3A_2552 : memref<1x1x1x8x128xf32, #tpu.memory_space<hbm>> -> memref<8x128xf32, #tpu.memory_space<hbm>>
        %dma_wait3A_2554 = tpu.memref_slice %arg9[%dma_wait3A_2545] : memref<2x!tpu.dma_semaphore, #tpu.memory_space<semaphore_mem>> -> memref<1x!tpu.dma_semaphore, #tpu.memory_space<semaphore_mem>>
        %dma_wait3A_2555 = tpu.memref_squeeze %dma_wait3A_2554 : memref<1x!tpu.dma_semaphore, #tpu.memory_space<semaphore_mem>> -> memref<!tpu.dma_semaphore, #tpu.memory_space<semaphore_mem>>
        %dma_wait3A_2556 = arith.constant 0 : i32
        %dma_wait3A_2557 = arith.constant 0 : i32
        %dma_wait3A_2558 = tpu.memref_slice %arg4[%select_n3A_2526, %dma_wait3A_2544, %select_n3A_2542, %dma_wait3A_2556, %dma_wait3A_2557] : memref<200x8x32x8x128xf32, #tpu.memory_space<hbm>> -> memref<1x1x1x8x128xf32, #tpu.memory_space<hbm>>
        %dma_wait3A_2559 = tpu.memref_squeeze %dma_wait3A_2558 : memref<1x1x1x8x128xf32, #tpu.memory_space<hbm>> -> memref<8x128xf32, #tpu.memory_space<hbm>>
        %dma_wait3A_2560 = arith.constant 56 : i32
        %dma_wait3A_2561 = arith.constant 0 : i32
        %dma_wait3A_2562 = tpu.memref_slice %arg7[%dma_wait3A_2543, %dma_wait3A_2560, %dma_wait3A_2561] : memref<2x64x129xf32, #tpu.memory_space<vmem>> -> memref<1x8x128xf32, #tpu.memory_space<vmem>>
        %dma_wait3A_2563 = tpu.memref_squeeze %dma_wait3A_2562 : memref<1x8x128xf32, #tpu.memory_space<vmem>> -> memref<8x128xf32, #tpu.memory_space<vmem>>
        tpu.wait_dma2 semaphore(%dma_wait3A_2555 : memref<!tpu.dma_semaphore, #tpu.memory_space<semaphore_mem>>) src(%dma_wait3A_2563 : memref<8x128xf32, #tpu.memory_space<vmem>>) dst(%dma_wait3A_2559 : memref<8x128xf32, #tpu.memory_space<hbm>>)
      } else {
      }
      %scan3A_1571 = arith.constant 0 : i32
      %scan3A_1572 = arith.constant 1 : i32
      %scan3A_1573 = arith.constant 1 : i32
      %scan3A_1574 = arith.constant 0 : i32
      %scan3A_1575 = arith.constant 128 : i32
      %scan3A_1576 = arith.addi %scan3A_1574, %scan3A_1575 : i32
      %scan3A_1577 = arith.constant 8 : i32
      scf.for %scan3A_2074 = %scan3A_1574 to %scan3A_1576 step %scan3A_1577  : i32 {
        %broadcast_in_dim3A = vector.broadcast %scan3A_2074 : i32 to vector<16xi32>
        %get3A = arith.constant 0 : i32
        %get3A_2075 = arith.constant 0 : i32
        %get3A_2076 = tpu.memref_slice %arg6[%scan3A_1572, %get3A, %get3A_2075] : memref<2x128x64xf32, #tpu.memory_space<vmem>> -> memref<1x128x64xf32, #tpu.memory_space<vmem>>
        %get3A_2077 = tpu.memref_squeeze %get3A_2076 : memref<1x128x64xf32, #tpu.memory_space<vmem>> -> memref<128x64xf32, #tpu.memory_space<vmem>>
        %get3A_2078 = arith.index_cast %scan3A_2074 : i32 to index
        %get3A_2079 = arith.constant 0 : index
        %get3A_2080 = tpu.vector_load %get3A_2077[%get3A_2078, %get3A_2079] {strides = array<i32>} : memref<128x64xf32, #tpu.memory_space<vmem>>, vector<16xf32>,
        %scatter3A = arith.constant 0 : i32
        %scatter3A_2081 = arith.constant 0 : i32
        %scatter3A_2082 = tpu.memref_slice %arg7[%scan3A_1573, %scatter3A, %scatter3A_2081] : memref<2x64x129xf32, #tpu.memory_space<vmem>> -> memref<1x64x129xf32, #tpu.memory_space<vmem>>
        %scatter3A_2083 = tpu.memref_squeeze %scatter3A_2082 : memref<1x64x129xf32, #tpu.memory_space<vmem>> -> memref<64x129xf32, #tpu.memory_space<vmem>>
        tpu.vector_store_idx %scatter3A_2083[%add3A_5, %broadcast_in_dim3A], %get3A_2080 : memref<64x129xf32, #tpu.memory_space<vmem>>[vector<16xi32>, vector<16xi32>], vector<16xf32>,
        %get3A_2084 = arith.constant 0 : i32
        %get3A_2085 = arith.constant 0 : i32
        %get3A_2086 = tpu.memref_slice %arg6[%scan3A_1572, %get3A_2084, %get3A_2085] : memref<2x128x64xf32, #tpu.memory_space<vmem>> -> memref<1x128x64xf32, #tpu.memory_space<vmem>>
        %get3A_2087 = tpu.memref_squeeze %get3A_2086 : memref<1x128x64xf32, #tpu.memory_space<vmem>> -> memref<128x64xf32, #tpu.memory_space<vmem>>
        %get3A_2088 = arith.index_cast %scan3A_2074 : i32 to index
        %get3A_2089 = arith.constant 16 : index
        %get3A_2090 = tpu.vector_load %get3A_2087[%get3A_2088, %get3A_2089] {strides = array<i32>} : memref<128x64xf32, #tpu.memory_space<vmem>>, vector<16xf32>,
        %scatter3A_2091 = arith.constant 0 : i32
        %scatter3A_2092 = arith.constant 0 : i32
        %scatter3A_2093 = tpu.memref_slice %arg7[%scan3A_1573, %scatter3A_2091, %scatter3A_2092] : memref<2x64x129xf32, #tpu.memory_space<vmem>> -> memref<1x64x129xf32, #tpu.memory_space<vmem>>
        %scatter3A_2094 = tpu.memref_squeeze %scatter3A_2093 : memref<1x64x129xf32, #tpu.memory_space<vmem>> -> memref<64x129xf32, #tpu.memory_space<vmem>>
        tpu.vector_store_idx %scatter3A_2094[%add3A_8, %broadcast_in_dim3A], %get3A_2090 : memref<64x129xf32, #tpu.memory_space<vmem>>[vector<16xi32>, vector<16xi32>], vector<16xf32>,
        %get3A_2095 = arith.constant 0 : i32
        %get3A_2096 = arith.constant 0 : i32
        %get3A_2097 = tpu.memref_slice %arg6[%scan3A_1572, %get3A_2095, %get3A_2096] : memref<2x128x64xf32, #tpu.memory_space<vmem>> -> memref<1x128x64xf32, #tpu.memory_space<vmem>>
        %get3A_2098 = tpu.memref_squeeze %get3A_2097 : memref<1x128x64xf32, #tpu.memory_space<vmem>> -> memref<128x64xf32, #tpu.memory_space<vmem>>
        %get3A_2099 = arith.index_cast %scan3A_2074 : i32 to index
        %get3A_2100 = arith.constant 32 : index
        %get3A_2101 = tpu.vector_load %get3A_2098[%get3A_2099, %get3A_2100] {strides = array<i32>} : memref<128x64xf32, #tpu.memory_space<vmem>>, vector<16xf32>,
        %scatter3A_2102 = arith.constant 0 : i32
        %scatter3A_2103 = arith.constant 0 : i32
        %scatter3A_2104 = tpu.memref_slice %arg7[%scan3A_1573, %scatter3A_2102, %scatter3A_2103] : memref<2x64x129xf32, #tpu.memory_space<vmem>> -> memref<1x64x129xf32, #tpu.memory_space<vmem>>
        %scatter3A_2105 = tpu.memref_squeeze %scatter3A_2104 : memref<1x64x129xf32, #tpu.memory_space<vmem>> -> memref<64x129xf32, #tpu.memory_space<vmem>>
        tpu.vector_store_idx %scatter3A_2105[%add3A_11, %broadcast_in_dim3A], %get3A_2101 : memref<64x129xf32, #tpu.memory_space<vmem>>[vector<16xi32>, vector<16xi32>], vector<16xf32>,
        %get3A_2106 = arith.constant 0 : i32
        %get3A_2107 = arith.constant 0 : i32
        %get3A_2108 = tpu.memref_slice %arg6[%scan3A_1572, %get3A_2106, %get3A_2107] : memref<2x128x64xf32, #tpu.memory_space<vmem>> -> memref<1x128x64xf32, #tpu.memory_space<vmem>>
        %get3A_2109 = tpu.memref_squeeze %get3A_2108 : memref<1x128x64xf32, #tpu.memory_space<vmem>> -> memref<128x64xf32, #tpu.memory_space<vmem>>
        %get3A_2110 = arith.index_cast %scan3A_2074 : i32 to index
        %get3A_2111 = arith.constant 48 : index
        %get3A_2112 = tpu.vector_load %get3A_2109[%get3A_2110, %get3A_2111] {strides = array<i32>} : memref<128x64xf32, #tpu.memory_space<vmem>>, vector<16xf32>,
        %scatter3A_2113 = arith.constant 0 : i32
        %scatter3A_2114 = arith.constant 0 : i32
        %scatter3A_2115 = tpu.memref_slice %arg7[%scan3A_1573, %scatter3A_2113, %scatter3A_2114] : memref<2x64x129xf32, #tpu.memory_space<vmem>> -> memref<1x64x129xf32, #tpu.memory_space<vmem>>
        %scatter3A_2116 = tpu.memref_squeeze %scatter3A_2115 : memref<1x64x129xf32, #tpu.memory_space<vmem>> -> memref<64x129xf32, #tpu.memory_space<vmem>>
        tpu.vector_store_idx %scatter3A_2116[%add3A_14, %broadcast_in_dim3A], %get3A_2112 : memref<64x129xf32, #tpu.memory_space<vmem>>[vector<16xi32>, vector<16xi32>], vector<16xf32>,
        %scan3A_2117 = arith.constant 1 : i32
        %scan3A_2118 = arith.addi %scan3A_2074, %scan3A_2117 : i32
        %broadcast_in_dim3A_2119 = vector.broadcast %scan3A_2118 : i32 to vector<16xi32>
        %get3A_2120 = arith.constant 0 : i32
        %get3A_2121 = arith.constant 0 : i32
        %get3A_2122 = tpu.memref_slice %arg6[%scan3A_1572, %get3A_2120, %get3A_2121] : memref<2x128x64xf32, #tpu.memory_space<vmem>> -> memref<1x128x64xf32, #tpu.memory_space<vmem>>
        %get3A_2123 = tpu.memref_squeeze %get3A_2122 : memref<1x128x64xf32, #tpu.memory_space<vmem>> -> memref<128x64xf32, #tpu.memory_space<vmem>>
        %get3A_2124 = arith.index_cast %scan3A_2118 : i32 to index
        %get3A_2125 = arith.constant 0 : index
        %get3A_2126 = tpu.vector_load %get3A_2123[%get3A_2124, %get3A_2125] {strides = array<i32>} : memref<128x64xf32, #tpu.memory_space<vmem>>, vector<16xf32>,
        %scatter3A_2127 = arith.constant 0 : i32
        %scatter3A_2128 = arith.constant 0 : i32
        %scatter3A_2129 = tpu.memref_slice %arg7[%scan3A_1573, %scatter3A_2127, %scatter3A_2128] : memref<2x64x129xf32, #tpu.memory_space<vmem>> -> memref<1x64x129xf32, #tpu.memory_space<vmem>>
        %scatter3A_2130 = tpu.memref_squeeze %scatter3A_2129 : memref<1x64x129xf32, #tpu.memory_space<vmem>> -> memref<64x129xf32, #tpu.memory_space<vmem>>
        tpu.vector_store_idx %scatter3A_2130[%add3A_5, %broadcast_in_dim3A_2119], %get3A_2126 : memref<64x129xf32, #tpu.memory_space<vmem>>[vector<16xi32>, vector<16xi32>], vector<16xf32>,
        %get3A_2131 = arith.constant 0 : i32
        %get3A_2132 = arith.constant 0 : i32
        %get3A_2133 = tpu.memref_slice %arg6[%scan3A_1572, %get3A_2131, %get3A_2132] : memref<2x128x64xf32, #tpu.memory_space<vmem>> -> memref<1x128x64xf32, #tpu.memory_space<vmem>>
        %get3A_2134 = tpu.memref_squeeze %get3A_2133 : memref<1x128x64xf32, #tpu.memory_space<vmem>> -> memref<128x64xf32, #tpu.memory_space<vmem>>
        %get3A_2135 = arith.index_cast %scan3A_2118 : i32 to index
        %get3A_2136 = arith.constant 16 : index
        %get3A_2137 = tpu.vector_load %get3A_2134[%get3A_2135, %get3A_2136] {strides = array<i32>} : memref<128x64xf32, #tpu.memory_space<vmem>>, vector<16xf32>,
        %scatter3A_2138 = arith.constant 0 : i32
        %scatter3A_2139 = arith.constant 0 : i32
        %scatter3A_2140 = tpu.memref_slice %arg7[%scan3A_1573, %scatter3A_2138, %scatter3A_2139] : memref<2x64x129xf32, #tpu.memory_space<vmem>> -> memref<1x64x129xf32, #tpu.memory_space<vmem>>
        %scatter3A_2141 = tpu.memref_squeeze %scatter3A_2140 : memref<1x64x129xf32, #tpu.memory_space<vmem>> -> memref<64x129xf32, #tpu.memory_space<vmem>>
        tpu.vector_store_idx %scatter3A_2141[%add3A_8, %broadcast_in_dim3A_2119], %get3A_2137 : memref<64x129xf32, #tpu.memory_space<vmem>>[vector<16xi32>, vector<16xi32>], vector<16xf32>,
        %get3A_2142 = arith.constant 0 : i32
        %get3A_2143 = arith.constant 0 : i32
        %get3A_2144 = tpu.memref_slice %arg6[%scan3A_1572, %get3A_2142, %get3A_2143] : memref<2x128x64xf32, #tpu.memory_space<vmem>> -> memref<1x128x64xf32, #tpu.memory_space<vmem>>
        %get3A_2145 = tpu.memref_squeeze %get3A_2144 : memref<1x128x64xf32, #tpu.memory_space<vmem>> -> memref<128x64xf32, #tpu.memory_space<vmem>>
        %get3A_2146 = arith.index_cast %scan3A_2118 : i32 to index
        %get3A_2147 = arith.constant 32 : index
        %get3A_2148 = tpu.vector_load %get3A_2145[%get3A_2146, %get3A_2147] {strides = array<i32>} : memref<128x64xf32, #tpu.memory_space<vmem>>, vector<16xf32>,
        %scatter3A_2149 = arith.constant 0 : i32
        %scatter3A_2150 = arith.constant 0 : i32
        %scatter3A_2151 = tpu.memref_slice %arg7[%scan3A_1573, %scatter3A_2149, %scatter3A_2150] : memref<2x64x129xf32, #tpu.memory_space<vmem>> -> memref<1x64x129xf32, #tpu.memory_space<vmem>>
        %scatter3A_2152 = tpu.memref_squeeze %scatter3A_2151 : memref<1x64x129xf32, #tpu.memory_space<vmem>> -> memref<64x129xf32, #tpu.memory_space<vmem>>
        tpu.vector_store_idx %scatter3A_2152[%add3A_11, %broadcast_in_dim3A_2119], %get3A_2148 : memref<64x129xf32, #tpu.memory_space<vmem>>[vector<16xi32>, vector<16xi32>], vector<16xf32>,
        %get3A_2153 = arith.constant 0 : i32
        %get3A_2154 = arith.constant 0 : i32
        %get3A_2155 = tpu.memref_slice %arg6[%scan3A_1572, %get3A_2153, %get3A_2154] : memref<2x128x64xf32, #tpu.memory_space<vmem>> -> memref<1x128x64xf32, #tpu.memory_space<vmem>>
        %get3A_2156 = tpu.memref_squeeze %get3A_2155 : memref<1x128x64xf32, #tpu.memory_space<vmem>> -> memref<128x64xf32, #tpu.memory_space<vmem>>
        %get3A_2157 = arith.index_cast %scan3A_2118 : i32 to index
        %get3A_2158 = arith.constant 48 : index
        %get3A_2159 = tpu.vector_load %get3A_2156[%get3A_2157, %get3A_2158] {strides = array<i32>} : memref<128x64xf32, #tpu.memory_space<vmem>>, vector<16xf32>,
        %scatter3A_2160 = arith.constant 0 : i32
        %scatter3A_2161 = arith.constant 0 : i32
        %scatter3A_2162 = tpu.memref_slice %arg7[%scan3A_1573, %scatter3A_2160, %scatter3A_2161] : memref<2x64x129xf32, #tpu.memory_space<vmem>> -> memref<1x64x129xf32, #tpu.memory_space<vmem>>
        %scatter3A_2163 = tpu.memref_squeeze %scatter3A_2162 : memref<1x64x129xf32, #tpu.memory_space<vmem>> -> memref<64x129xf32, #tpu.memory_space<vmem>>
        tpu.vector_store_idx %scatter3A_2163[%add3A_14, %broadcast_in_dim3A_2119], %get3A_2159 : memref<64x129xf32, #tpu.memory_space<vmem>>[vector<16xi32>, vector<16xi32>], vector<16xf32>,
        %scan3A_2164 = arith.constant 2 : i32
        %scan3A_2165 = arith.addi %scan3A_2074, %scan3A_2164 : i32
        %broadcast_in_dim3A_2166 = vector.broadcast %scan3A_2165 : i32 to vector<16xi32>
        %get3A_2167 = arith.constant 0 : i32
        %get3A_2168 = arith.constant 0 : i32
        %get3A_2169 = tpu.memref_slice %arg6[%scan3A_1572, %get3A_2167, %get3A_2168] : memref<2x128x64xf32, #tpu.memory_space<vmem>> -> memref<1x128x64xf32, #tpu.memory_space<vmem>>
        %get3A_2170 = tpu.memref_squeeze %get3A_2169 : memref<1x128x64xf32, #tpu.memory_space<vmem>> -> memref<128x64xf32, #tpu.memory_space<vmem>>
        %get3A_2171 = arith.index_cast %scan3A_2165 : i32 to index
        %get3A_2172 = arith.constant 0 : index
        %get3A_2173 = tpu.vector_load %get3A_2170[%get3A_2171, %get3A_2172] {strides = array<i32>} : memref<128x64xf32, #tpu.memory_space<vmem>>, vector<16xf32>,
        %scatter3A_2174 = arith.constant 0 : i32
        %scatter3A_2175 = arith.constant 0 : i32
        %scatter3A_2176 = tpu.memref_slice %arg7[%scan3A_1573, %scatter3A_2174, %scatter3A_2175] : memref<2x64x129xf32, #tpu.memory_space<vmem>> -> memref<1x64x129xf32, #tpu.memory_space<vmem>>
        %scatter3A_2177 = tpu.memref_squeeze %scatter3A_2176 : memref<1x64x129xf32, #tpu.memory_space<vmem>> -> memref<64x129xf32, #tpu.memory_space<vmem>>
        tpu.vector_store_idx %scatter3A_2177[%add3A_5, %broadcast_in_dim3A_2166], %get3A_2173 : memref<64x129xf32, #tpu.memory_space<vmem>>[vector<16xi32>, vector<16xi32>], vector<16xf32>,
        %get3A_2178 = arith.constant 0 : i32
        %get3A_2179 = arith.constant 0 : i32
        %get3A_2180 = tpu.memref_slice %arg6[%scan3A_1572, %get3A_2178, %get3A_2179] : memref<2x128x64xf32, #tpu.memory_space<vmem>> -> memref<1x128x64xf32, #tpu.memory_space<vmem>>
        %get3A_2181 = tpu.memref_squeeze %get3A_2180 : memref<1x128x64xf32, #tpu.memory_space<vmem>> -> memref<128x64xf32, #tpu.memory_space<vmem>>
        %get3A_2182 = arith.index_cast %scan3A_2165 : i32 to index
        %get3A_2183 = arith.constant 16 : index
        %get3A_2184 = tpu.vector_load %get3A_2181[%get3A_2182, %get3A_2183] {strides = array<i32>} : memref<128x64xf32, #tpu.memory_space<vmem>>, vector<16xf32>,
        %scatter3A_2185 = arith.constant 0 : i32
        %scatter3A_2186 = arith.constant 0 : i32
        %scatter3A_2187 = tpu.memref_slice %arg7[%scan3A_1573, %scatter3A_2185, %scatter3A_2186] : memref<2x64x129xf32, #tpu.memory_space<vmem>> -> memref<1x64x129xf32, #tpu.memory_space<vmem>>
        %scatter3A_2188 = tpu.memref_squeeze %scatter3A_2187 : memref<1x64x129xf32, #tpu.memory_space<vmem>> -> memref<64x129xf32, #tpu.memory_space<vmem>>
        tpu.vector_store_idx %scatter3A_2188[%add3A_8, %broadcast_in_dim3A_2166], %get3A_2184 : memref<64x129xf32, #tpu.memory_space<vmem>>[vector<16xi32>, vector<16xi32>], vector<16xf32>,
        %get3A_2189 = arith.constant 0 : i32
        %get3A_2190 = arith.constant 0 : i32
        %get3A_2191 = tpu.memref_slice %arg6[%scan3A_1572, %get3A_2189, %get3A_2190] : memref<2x128x64xf32, #tpu.memory_space<vmem>> -> memref<1x128x64xf32, #tpu.memory_space<vmem>>
        %get3A_2192 = tpu.memref_squeeze %get3A_2191 : memref<1x128x64xf32, #tpu.memory_space<vmem>> -> memref<128x64xf32, #tpu.memory_space<vmem>>
        %get3A_2193 = arith.index_cast %scan3A_2165 : i32 to index
        %get3A_2194 = arith.constant 32 : index
        %get3A_2195 = tpu.vector_load %get3A_2192[%get3A_2193, %get3A_2194] {strides = array<i32>} : memref<128x64xf32, #tpu.memory_space<vmem>>, vector<16xf32>,
        %scatter3A_2196 = arith.constant 0 : i32
        %scatter3A_2197 = arith.constant 0 : i32
        %scatter3A_2198 = tpu.memref_slice %arg7[%scan3A_1573, %scatter3A_2196, %scatter3A_2197] : memref<2x64x129xf32, #tpu.memory_space<vmem>> -> memref<1x64x129xf32, #tpu.memory_space<vmem>>
        %scatter3A_2199 = tpu.memref_squeeze %scatter3A_2198 : memref<1x64x129xf32, #tpu.memory_space<vmem>> -> memref<64x129xf32, #tpu.memory_space<vmem>>
        tpu.vector_store_idx %scatter3A_2199[%add3A_11, %broadcast_in_dim3A_2166], %get3A_2195 : memref<64x129xf32, #tpu.memory_space<vmem>>[vector<16xi32>, vector<16xi32>], vector<16xf32>,
        %get3A_2200 = arith.constant 0 : i32
        %get3A_2201 = arith.constant 0 : i32
        %get3A_2202 = tpu.memref_slice %arg6[%scan3A_1572, %get3A_2200, %get3A_2201] : memref<2x128x64xf32, #tpu.memory_space<vmem>> -> memref<1x128x64xf32, #tpu.memory_space<vmem>>
        %get3A_2203 = tpu.memref_squeeze %get3A_2202 : memref<1x128x64xf32, #tpu.memory_space<vmem>> -> memref<128x64xf32, #tpu.memory_space<vmem>>
        %get3A_2204 = arith.index_cast %scan3A_2165 : i32 to index
        %get3A_2205 = arith.constant 48 : index
        %get3A_2206 = tpu.vector_load %get3A_2203[%get3A_2204, %get3A_2205] {strides = array<i32>} : memref<128x64xf32, #tpu.memory_space<vmem>>, vector<16xf32>,
        %scatter3A_2207 = arith.constant 0 : i32
        %scatter3A_2208 = arith.constant 0 : i32
        %scatter3A_2209 = tpu.memref_slice %arg7[%scan3A_1573, %scatter3A_2207, %scatter3A_2208] : memref<2x64x129xf32, #tpu.memory_space<vmem>> -> memref<1x64x129xf32, #tpu.memory_space<vmem>>
        %scatter3A_2210 = tpu.memref_squeeze %scatter3A_2209 : memref<1x64x129xf32, #tpu.memory_space<vmem>> -> memref<64x129xf32, #tpu.memory_space<vmem>>
        tpu.vector_store_idx %scatter3A_2210[%add3A_14, %broadcast_in_dim3A_2166], %get3A_2206 : memref<64x129xf32, #tpu.memory_space<vmem>>[vector<16xi32>, vector<16xi32>], vector<16xf32>,
        %scan3A_2211 = arith.constant 3 : i32
        %scan3A_2212 = arith.addi %scan3A_2074, %scan3A_2211 : i32
        %broadcast_in_dim3A_2213 = vector.broadcast %scan3A_2212 : i32 to vector<16xi32>
        %get3A_2214 = arith.constant 0 : i32
        %get3A_2215 = arith.constant 0 : i32
        %get3A_2216 = tpu.memref_slice %arg6[%scan3A_1572, %get3A_2214, %get3A_2215] : memref<2x128x64xf32, #tpu.memory_space<vmem>> -> memref<1x128x64xf32, #tpu.memory_space<vmem>>
        %get3A_2217 = tpu.memref_squeeze %get3A_2216 : memref<1x128x64xf32, #tpu.memory_space<vmem>> -> memref<128x64xf32, #tpu.memory_space<vmem>>
        %get3A_2218 = arith.index_cast %scan3A_2212 : i32 to index
        %get3A_2219 = arith.constant 0 : index
        %get3A_2220 = tpu.vector_load %get3A_2217[%get3A_2218, %get3A_2219] {strides = array<i32>} : memref<128x64xf32, #tpu.memory_space<vmem>>, vector<16xf32>,
        %scatter3A_2221 = arith.constant 0 : i32
        %scatter3A_2222 = arith.constant 0 : i32
        %scatter3A_2223 = tpu.memref_slice %arg7[%scan3A_1573, %scatter3A_2221, %scatter3A_2222] : memref<2x64x129xf32, #tpu.memory_space<vmem>> -> memref<1x64x129xf32, #tpu.memory_space<vmem>>
        %scatter3A_2224 = tpu.memref_squeeze %scatter3A_2223 : memref<1x64x129xf32, #tpu.memory_space<vmem>> -> memref<64x129xf32, #tpu.memory_space<vmem>>
        tpu.vector_store_idx %scatter3A_2224[%add3A_5, %broadcast_in_dim3A_2213], %get3A_2220 : memref<64x129xf32, #tpu.memory_space<vmem>>[vector<16xi32>, vector<16xi32>], vector<16xf32>,
        %get3A_2225 = arith.constant 0 : i32
        %get3A_2226 = arith.constant 0 : i32
        %get3A_2227 = tpu.memref_slice %arg6[%scan3A_1572, %get3A_2225, %get3A_2226] : memref<2x128x64xf32, #tpu.memory_space<vmem>> -> memref<1x128x64xf32, #tpu.memory_space<vmem>>
        %get3A_2228 = tpu.memref_squeeze %get3A_2227 : memref<1x128x64xf32, #tpu.memory_space<vmem>> -> memref<128x64xf32, #tpu.memory_space<vmem>>
        %get3A_2229 = arith.index_cast %scan3A_2212 : i32 to index
        %get3A_2230 = arith.constant 16 : index
        %get3A_2231 = tpu.vector_load %get3A_2228[%get3A_2229, %get3A_2230] {strides = array<i32>} : memref<128x64xf32, #tpu.memory_space<vmem>>, vector<16xf32>,
        %scatter3A_2232 = arith.constant 0 : i32
        %scatter3A_2233 = arith.constant 0 : i32
        %scatter3A_2234 = tpu.memref_slice %arg7[%scan3A_1573, %scatter3A_2232, %scatter3A_2233] : memref<2x64x129xf32, #tpu.memory_space<vmem>> -> memref<1x64x129xf32, #tpu.memory_space<vmem>>
        %scatter3A_2235 = tpu.memref_squeeze %scatter3A_2234 : memref<1x64x129xf32, #tpu.memory_space<vmem>> -> memref<64x129xf32, #tpu.memory_space<vmem>>
        tpu.vector_store_idx %scatter3A_2235[%add3A_8, %broadcast_in_dim3A_2213], %get3A_2231 : memref<64x129xf32, #tpu.memory_space<vmem>>[vector<16xi32>, vector<16xi32>], vector<16xf32>,
        %get3A_2236 = arith.constant 0 : i32
        %get3A_2237 = arith.constant 0 : i32
        %get3A_2238 = tpu.memref_slice %arg6[%scan3A_1572, %get3A_2236, %get3A_2237] : memref<2x128x64xf32, #tpu.memory_space<vmem>> -> memref<1x128x64xf32, #tpu.memory_space<vmem>>
        %get3A_2239 = tpu.memref_squeeze %get3A_2238 : memref<1x128x64xf32, #tpu.memory_space<vmem>> -> memref<128x64xf32, #tpu.memory_space<vmem>>
        %get3A_2240 = arith.index_cast %scan3A_2212 : i32 to index
        %get3A_2241 = arith.constant 32 : index
        %get3A_2242 = tpu.vector_load %get3A_2239[%get3A_2240, %get3A_2241] {strides = array<i32>} : memref<128x64xf32, #tpu.memory_space<vmem>>, vector<16xf32>,
        %scatter3A_2243 = arith.constant 0 : i32
        %scatter3A_2244 = arith.constant 0 : i32
        %scatter3A_2245 = tpu.memref_slice %arg7[%scan3A_1573, %scatter3A_2243, %scatter3A_2244] : memref<2x64x129xf32, #tpu.memory_space<vmem>> -> memref<1x64x129xf32, #tpu.memory_space<vmem>>
        %scatter3A_2246 = tpu.memref_squeeze %scatter3A_2245 : memref<1x64x129xf32, #tpu.memory_space<vmem>> -> memref<64x129xf32, #tpu.memory_space<vmem>>
        tpu.vector_store_idx %scatter3A_2246[%add3A_11, %broadcast_in_dim3A_2213], %get3A_2242 : memref<64x129xf32, #tpu.memory_space<vmem>>[vector<16xi32>, vector<16xi32>], vector<16xf32>,
        %get3A_2247 = arith.constant 0 : i32
        %get3A_2248 = arith.constant 0 : i32
        %get3A_2249 = tpu.memref_slice %arg6[%scan3A_1572, %get3A_2247, %get3A_2248] : memref<2x128x64xf32, #tpu.memory_space<vmem>> -> memref<1x128x64xf32, #tpu.memory_space<vmem>>
        %get3A_2250 = tpu.memref_squeeze %get3A_2249 : memref<1x128x64xf32, #tpu.memory_space<vmem>> -> memref<128x64xf32, #tpu.memory_space<vmem>>
        %get3A_2251 = arith.index_cast %scan3A_2212 : i32 to index
        %get3A_2252 = arith.constant 48 : index
        %get3A_2253 = tpu.vector_load %get3A_2250[%get3A_2251, %get3A_2252] {strides = array<i32>} : memref<128x64xf32, #tpu.memory_space<vmem>>, vector<16xf32>,
        %scatter3A_2254 = arith.constant 0 : i32
        %scatter3A_2255 = arith.constant 0 : i32
        %scatter3A_2256 = tpu.memref_slice %arg7[%scan3A_1573, %scatter3A_2254, %scatter3A_2255] : memref<2x64x129xf32, #tpu.memory_space<vmem>> -> memref<1x64x129xf32, #tpu.memory_space<vmem>>
        %scatter3A_2257 = tpu.memref_squeeze %scatter3A_2256 : memref<1x64x129xf32, #tpu.memory_space<vmem>> -> memref<64x129xf32, #tpu.memory_space<vmem>>
        tpu.vector_store_idx %scatter3A_2257[%add3A_14, %broadcast_in_dim3A_2213], %get3A_2253 : memref<64x129xf32, #tpu.memory_space<vmem>>[vector<16xi32>, vector<16xi32>], vector<16xf32>,
        %scan3A_2258 = arith.constant 4 : i32
        %scan3A_2259 = arith.addi %scan3A_2074, %scan3A_2258 : i32
        %broadcast_in_dim3A_2260 = vector.broadcast %scan3A_2259 : i32 to vector<16xi32>
        %get3A_2261 = arith.constant 0 : i32
        %get3A_2262 = arith.constant 0 : i32
        %get3A_2263 = tpu.memref_slice %arg6[%scan3A_1572, %get3A_2261, %get3A_2262] : memref<2x128x64xf32, #tpu.memory_space<vmem>> -> memref<1x128x64xf32, #tpu.memory_space<vmem>>
        %get3A_2264 = tpu.memref_squeeze %get3A_2263 : memref<1x128x64xf32, #tpu.memory_space<vmem>> -> memref<128x64xf32, #tpu.memory_space<vmem>>
        %get3A_2265 = arith.index_cast %scan3A_2259 : i32 to index
        %get3A_2266 = arith.constant 0 : index
        %get3A_2267 = tpu.vector_load %get3A_2264[%get3A_2265, %get3A_2266] {strides = array<i32>} : memref<128x64xf32, #tpu.memory_space<vmem>>, vector<16xf32>,
        %scatter3A_2268 = arith.constant 0 : i32
        %scatter3A_2269 = arith.constant 0 : i32
        %scatter3A_2270 = tpu.memref_slice %arg7[%scan3A_1573, %scatter3A_2268, %scatter3A_2269] : memref<2x64x129xf32, #tpu.memory_space<vmem>> -> memref<1x64x129xf32, #tpu.memory_space<vmem>>
        %scatter3A_2271 = tpu.memref_squeeze %scatter3A_2270 : memref<1x64x129xf32, #tpu.memory_space<vmem>> -> memref<64x129xf32, #tpu.memory_space<vmem>>
        tpu.vector_store_idx %scatter3A_2271[%add3A_5, %broadcast_in_dim3A_2260], %get3A_2267 : memref<64x129xf32, #tpu.memory_space<vmem>>[vector<16xi32>, vector<16xi32>], vector<16xf32>,
        %get3A_2272 = arith.constant 0 : i32
        %get3A_2273 = arith.constant 0 : i32
        %get3A_2274 = tpu.memref_slice %arg6[%scan3A_1572, %get3A_2272, %get3A_2273] : memref<2x128x64xf32, #tpu.memory_space<vmem>> -> memref<1x128x64xf32, #tpu.memory_space<vmem>>
        %get3A_2275 = tpu.memref_squeeze %get3A_2274 : memref<1x128x64xf32, #tpu.memory_space<vmem>> -> memref<128x64xf32, #tpu.memory_space<vmem>>
        %get3A_2276 = arith.index_cast %scan3A_2259 : i32 to index
        %get3A_2277 = arith.constant 16 : index
        %get3A_2278 = tpu.vector_load %get3A_2275[%get3A_2276, %get3A_2277] {strides = array<i32>} : memref<128x64xf32, #tpu.memory_space<vmem>>, vector<16xf32>,
        %scatter3A_2279 = arith.constant 0 : i32
        %scatter3A_2280 = arith.constant 0 : i32
        %scatter3A_2281 = tpu.memref_slice %arg7[%scan3A_1573, %scatter3A_2279, %scatter3A_2280] : memref<2x64x129xf32, #tpu.memory_space<vmem>> -> memref<1x64x129xf32, #tpu.memory_space<vmem>>
        %scatter3A_2282 = tpu.memref_squeeze %scatter3A_2281 : memref<1x64x129xf32, #tpu.memory_space<vmem>> -> memref<64x129xf32, #tpu.memory_space<vmem>>
        tpu.vector_store_idx %scatter3A_2282[%add3A_8, %broadcast_in_dim3A_2260], %get3A_2278 : memref<64x129xf32, #tpu.memory_space<vmem>>[vector<16xi32>, vector<16xi32>], vector<16xf32>,
        %get3A_2283 = arith.constant 0 : i32
        %get3A_2284 = arith.constant 0 : i32
        %get3A_2285 = tpu.memref_slice %arg6[%scan3A_1572, %get3A_2283, %get3A_2284] : memref<2x128x64xf32, #tpu.memory_space<vmem>> -> memref<1x128x64xf32, #tpu.memory_space<vmem>>
        %get3A_2286 = tpu.memref_squeeze %get3A_2285 : memref<1x128x64xf32, #tpu.memory_space<vmem>> -> memref<128x64xf32, #tpu.memory_space<vmem>>
        %get3A_2287 = arith.index_cast %scan3A_2259 : i32 to index
        %get3A_2288 = arith.constant 32 : index
        %get3A_2289 = tpu.vector_load %get3A_2286[%get3A_2287, %get3A_2288] {strides = array<i32>} : memref<128x64xf32, #tpu.memory_space<vmem>>, vector<16xf32>,
        %scatter3A_2290 = arith.constant 0 : i32
        %scatter3A_2291 = arith.constant 0 : i32
        %scatter3A_2292 = tpu.memref_slice %arg7[%scan3A_1573, %scatter3A_2290, %scatter3A_2291] : memref<2x64x129xf32, #tpu.memory_space<vmem>> -> memref<1x64x129xf32, #tpu.memory_space<vmem>>
        %scatter3A_2293 = tpu.memref_squeeze %scatter3A_2292 : memref<1x64x129xf32, #tpu.memory_space<vmem>> -> memref<64x129xf32, #tpu.memory_space<vmem>>
        tpu.vector_store_idx %scatter3A_2293[%add3A_11, %broadcast_in_dim3A_2260], %get3A_2289 : memref<64x129xf32, #tpu.memory_space<vmem>>[vector<16xi32>, vector<16xi32>], vector<16xf32>,
        %get3A_2294 = arith.constant 0 : i32
        %get3A_2295 = arith.constant 0 : i32
        %get3A_2296 = tpu.memref_slice %arg6[%scan3A_1572, %get3A_2294, %get3A_2295] : memref<2x128x64xf32, #tpu.memory_space<vmem>> -> memref<1x128x64xf32, #tpu.memory_space<vmem>>
        %get3A_2297 = tpu.memref_squeeze %get3A_2296 : memref<1x128x64xf32, #tpu.memory_space<vmem>> -> memref<128x64xf32, #tpu.memory_space<vmem>>
        %get3A_2298 = arith.index_cast %scan3A_2259 : i32 to index
        %get3A_2299 = arith.constant 48 : index
        %get3A_2300 = tpu.vector_load %get3A_2297[%get3A_2298, %get3A_2299] {strides = array<i32>} : memref<128x64xf32, #tpu.memory_space<vmem>>, vector<16xf32>,
        %scatter3A_2301 = arith.constant 0 : i32
        %scatter3A_2302 = arith.constant 0 : i32
        %scatter3A_2303 = tpu.memref_slice %arg7[%scan3A_1573, %scatter3A_2301, %scatter3A_2302] : memref<2x64x129xf32, #tpu.memory_space<vmem>> -> memref<1x64x129xf32, #tpu.memory_space<vmem>>
        %scatter3A_2304 = tpu.memref_squeeze %scatter3A_2303 : memref<1x64x129xf32, #tpu.memory_space<vmem>> -> memref<64x129xf32, #tpu.memory_space<vmem>>
        tpu.vector_store_idx %scatter3A_2304[%add3A_14, %broadcast_in_dim3A_2260], %get3A_2300 : memref<64x129xf32, #tpu.memory_space<vmem>>[vector<16xi32>, vector<16xi32>], vector<16xf32>,
        %scan3A_2305 = arith.constant 5 : i32
        %scan3A_2306 = arith.addi %scan3A_2074, %scan3A_2305 : i32
        %broadcast_in_dim3A_2307 = vector.broadcast %scan3A_2306 : i32 to vector<16xi32>
        %get3A_2308 = arith.constant 0 : i32
        %get3A_2309 = arith.constant 0 : i32
        %get3A_2310 = tpu.memref_slice %arg6[%scan3A_1572, %get3A_2308, %get3A_2309] : memref<2x128x64xf32, #tpu.memory_space<vmem>> -> memref<1x128x64xf32, #tpu.memory_space<vmem>>
        %get3A_2311 = tpu.memref_squeeze %get3A_2310 : memref<1x128x64xf32, #tpu.memory_space<vmem>> -> memref<128x64xf32, #tpu.memory_space<vmem>>
        %get3A_2312 = arith.index_cast %scan3A_2306 : i32 to index
        %get3A_2313 = arith.constant 0 : index
        %get3A_2314 = tpu.vector_load %get3A_2311[%get3A_2312, %get3A_2313] {strides = array<i32>} : memref<128x64xf32, #tpu.memory_space<vmem>>, vector<16xf32>,
        %scatter3A_2315 = arith.constant 0 : i32
        %scatter3A_2316 = arith.constant 0 : i32
        %scatter3A_2317 = tpu.memref_slice %arg7[%scan3A_1573, %scatter3A_2315, %scatter3A_2316] : memref<2x64x129xf32, #tpu.memory_space<vmem>> -> memref<1x64x129xf32, #tpu.memory_space<vmem>>
        %scatter3A_2318 = tpu.memref_squeeze %scatter3A_2317 : memref<1x64x129xf32, #tpu.memory_space<vmem>> -> memref<64x129xf32, #tpu.memory_space<vmem>>
        tpu.vector_store_idx %scatter3A_2318[%add3A_5, %broadcast_in_dim3A_2307], %get3A_2314 : memref<64x129xf32, #tpu.memory_space<vmem>>[vector<16xi32>, vector<16xi32>], vector<16xf32>,
        %get3A_2319 = arith.constant 0 : i32
        %get3A_2320 = arith.constant 0 : i32
        %get3A_2321 = tpu.memref_slice %arg6[%scan3A_1572, %get3A_2319, %get3A_2320] : memref<2x128x64xf32, #tpu.memory_space<vmem>> -> memref<1x128x64xf32, #tpu.memory_space<vmem>>
        %get3A_2322 = tpu.memref_squeeze %get3A_2321 : memref<1x128x64xf32, #tpu.memory_space<vmem>> -> memref<128x64xf32, #tpu.memory_space<vmem>>
        %get3A_2323 = arith.index_cast %scan3A_2306 : i32 to index
        %get3A_2324 = arith.constant 16 : index
        %get3A_2325 = tpu.vector_load %get3A_2322[%get3A_2323, %get3A_2324] {strides = array<i32>} : memref<128x64xf32, #tpu.memory_space<vmem>>, vector<16xf32>,
        %scatter3A_2326 = arith.constant 0 : i32
        %scatter3A_2327 = arith.constant 0 : i32
        %scatter3A_2328 = tpu.memref_slice %arg7[%scan3A_1573, %scatter3A_2326, %scatter3A_2327] : memref<2x64x129xf32, #tpu.memory_space<vmem>> -> memref<1x64x129xf32, #tpu.memory_space<vmem>>
        %scatter3A_2329 = tpu.memref_squeeze %scatter3A_2328 : memref<1x64x129xf32, #tpu.memory_space<vmem>> -> memref<64x129xf32, #tpu.memory_space<vmem>>
        tpu.vector_store_idx %scatter3A_2329[%add3A_8, %broadcast_in_dim3A_2307], %get3A_2325 : memref<64x129xf32, #tpu.memory_space<vmem>>[vector<16xi32>, vector<16xi32>], vector<16xf32>,
        %get3A_2330 = arith.constant 0 : i32
        %get3A_2331 = arith.constant 0 : i32
        %get3A_2332 = tpu.memref_slice %arg6[%scan3A_1572, %get3A_2330, %get3A_2331] : memref<2x128x64xf32, #tpu.memory_space<vmem>> -> memref<1x128x64xf32, #tpu.memory_space<vmem>>
        %get3A_2333 = tpu.memref_squeeze %get3A_2332 : memref<1x128x64xf32, #tpu.memory_space<vmem>> -> memref<128x64xf32, #tpu.memory_space<vmem>>
        %get3A_2334 = arith.index_cast %scan3A_2306 : i32 to index
        %get3A_2335 = arith.constant 32 : index
        %get3A_2336 = tpu.vector_load %get3A_2333[%get3A_2334, %get3A_2335] {strides = array<i32>} : memref<128x64xf32, #tpu.memory_space<vmem>>, vector<16xf32>,
        %scatter3A_2337 = arith.constant 0 : i32
        %scatter3A_2338 = arith.constant 0 : i32
        %scatter3A_2339 = tpu.memref_slice %arg7[%scan3A_1573, %scatter3A_2337, %scatter3A_2338] : memref<2x64x129xf32, #tpu.memory_space<vmem>> -> memref<1x64x129xf32, #tpu.memory_space<vmem>>
        %scatter3A_2340 = tpu.memref_squeeze %scatter3A_2339 : memref<1x64x129xf32, #tpu.memory_space<vmem>> -> memref<64x129xf32, #tpu.memory_space<vmem>>
        tpu.vector_store_idx %scatter3A_2340[%add3A_11, %broadcast_in_dim3A_2307], %get3A_2336 : memref<64x129xf32, #tpu.memory_space<vmem>>[vector<16xi32>, vector<16xi32>], vector<16xf32>,
        %get3A_2341 = arith.constant 0 : i32
        %get3A_2342 = arith.constant 0 : i32
        %get3A_2343 = tpu.memref_slice %arg6[%scan3A_1572, %get3A_2341, %get3A_2342] : memref<2x128x64xf32, #tpu.memory_space<vmem>> -> memref<1x128x64xf32, #tpu.memory_space<vmem>>
        %get3A_2344 = tpu.memref_squeeze %get3A_2343 : memref<1x128x64xf32, #tpu.memory_space<vmem>> -> memref<128x64xf32, #tpu.memory_space<vmem>>
        %get3A_2345 = arith.index_cast %scan3A_2306 : i32 to index
        %get3A_2346 = arith.constant 48 : index
        %get3A_2347 = tpu.vector_load %get3A_2344[%get3A_2345, %get3A_2346] {strides = array<i32>} : memref<128x64xf32, #tpu.memory_space<vmem>>, vector<16xf32>,
        %scatter3A_2348 = arith.constant 0 : i32
        %scatter3A_2349 = arith.constant 0 : i32
        %scatter3A_2350 = tpu.memref_slice %arg7[%scan3A_1573, %scatter3A_2348, %scatter3A_2349] : memref<2x64x129xf32, #tpu.memory_space<vmem>> -> memref<1x64x129xf32, #tpu.memory_space<vmem>>
        %scatter3A_2351 = tpu.memref_squeeze %scatter3A_2350 : memref<1x64x129xf32, #tpu.memory_space<vmem>> -> memref<64x129xf32, #tpu.memory_space<vmem>>
        tpu.vector_store_idx %scatter3A_2351[%add3A_14, %broadcast_in_dim3A_2307], %get3A_2347 : memref<64x129xf32, #tpu.memory_space<vmem>>[vector<16xi32>, vector<16xi32>], vector<16xf32>,
        %scan3A_2352 = arith.constant 6 : i32
        %scan3A_2353 = arith.addi %scan3A_2074, %scan3A_2352 : i32
        %broadcast_in_dim3A_2354 = vector.broadcast %scan3A_2353 : i32 to vector<16xi32>
        %get3A_2355 = arith.constant 0 : i32
        %get3A_2356 = arith.constant 0 : i32
        %get3A_2357 = tpu.memref_slice %arg6[%scan3A_1572, %get3A_2355, %get3A_2356] : memref<2x128x64xf32, #tpu.memory_space<vmem>> -> memref<1x128x64xf32, #tpu.memory_space<vmem>>
        %get3A_2358 = tpu.memref_squeeze %get3A_2357 : memref<1x128x64xf32, #tpu.memory_space<vmem>> -> memref<128x64xf32, #tpu.memory_space<vmem>>
        %get3A_2359 = arith.index_cast %scan3A_2353 : i32 to index
        %get3A_2360 = arith.constant 0 : index
        %get3A_2361 = tpu.vector_load %get3A_2358[%get3A_2359, %get3A_2360] {strides = array<i32>} : memref<128x64xf32, #tpu.memory_space<vmem>>, vector<16xf32>,
        %scatter3A_2362 = arith.constant 0 : i32
        %scatter3A_2363 = arith.constant 0 : i32
        %scatter3A_2364 = tpu.memref_slice %arg7[%scan3A_1573, %scatter3A_2362, %scatter3A_2363] : memref<2x64x129xf32, #tpu.memory_space<vmem>> -> memref<1x64x129xf32, #tpu.memory_space<vmem>>
        %scatter3A_2365 = tpu.memref_squeeze %scatter3A_2364 : memref<1x64x129xf32, #tpu.memory_space<vmem>> -> memref<64x129xf32, #tpu.memory_space<vmem>>
        tpu.vector_store_idx %scatter3A_2365[%add3A_5, %broadcast_in_dim3A_2354], %get3A_2361 : memref<64x129xf32, #tpu.memory_space<vmem>>[vector<16xi32>, vector<16xi32>], vector<16xf32>,
        %get3A_2366 = arith.constant 0 : i32
        %get3A_2367 = arith.constant 0 : i32
        %get3A_2368 = tpu.memref_slice %arg6[%scan3A_1572, %get3A_2366, %get3A_2367] : memref<2x128x64xf32, #tpu.memory_space<vmem>> -> memref<1x128x64xf32, #tpu.memory_space<vmem>>
        %get3A_2369 = tpu.memref_squeeze %get3A_2368 : memref<1x128x64xf32, #tpu.memory_space<vmem>> -> memref<128x64xf32, #tpu.memory_space<vmem>>
        %get3A_2370 = arith.index_cast %scan3A_2353 : i32 to index
        %get3A_2371 = arith.constant 16 : index
        %get3A_2372 = tpu.vector_load %get3A_2369[%get3A_2370, %get3A_2371] {strides = array<i32>} : memref<128x64xf32, #tpu.memory_space<vmem>>, vector<16xf32>,
        %scatter3A_2373 = arith.constant 0 : i32
        %scatter3A_2374 = arith.constant 0 : i32
        %scatter3A_2375 = tpu.memref_slice %arg7[%scan3A_1573, %scatter3A_2373, %scatter3A_2374] : memref<2x64x129xf32, #tpu.memory_space<vmem>> -> memref<1x64x129xf32, #tpu.memory_space<vmem>>
        %scatter3A_2376 = tpu.memref_squeeze %scatter3A_2375 : memref<1x64x129xf32, #tpu.memory_space<vmem>> -> memref<64x129xf32, #tpu.memory_space<vmem>>
        tpu.vector_store_idx %scatter3A_2376[%add3A_8, %broadcast_in_dim3A_2354], %get3A_2372 : memref<64x129xf32, #tpu.memory_space<vmem>>[vector<16xi32>, vector<16xi32>], vector<16xf32>,
        %get3A_2377 = arith.constant 0 : i32
        %get3A_2378 = arith.constant 0 : i32
        %get3A_2379 = tpu.memref_slice %arg6[%scan3A_1572, %get3A_2377, %get3A_2378] : memref<2x128x64xf32, #tpu.memory_space<vmem>> -> memref<1x128x64xf32, #tpu.memory_space<vmem>>
        %get3A_2380 = tpu.memref_squeeze %get3A_2379 : memref<1x128x64xf32, #tpu.memory_space<vmem>> -> memref<128x64xf32, #tpu.memory_space<vmem>>
        %get3A_2381 = arith.index_cast %scan3A_2353 : i32 to index
        %get3A_2382 = arith.constant 32 : index
        %get3A_2383 = tpu.vector_load %get3A_2380[%get3A_2381, %get3A_2382] {strides = array<i32>} : memref<128x64xf32, #tpu.memory_space<vmem>>, vector<16xf32>,
        %scatter3A_2384 = arith.constant 0 : i32
        %scatter3A_2385 = arith.constant 0 : i32
        %scatter3A_2386 = tpu.memref_slice %arg7[%scan3A_1573, %scatter3A_2384, %scatter3A_2385] : memref<2x64x129xf32, #tpu.memory_space<vmem>> -> memref<1x64x129xf32, #tpu.memory_space<vmem>>
        %scatter3A_2387 = tpu.memref_squeeze %scatter3A_2386 : memref<1x64x129xf32, #tpu.memory_space<vmem>> -> memref<64x129xf32, #tpu.memory_space<vmem>>
        tpu.vector_store_idx %scatter3A_2387[%add3A_11, %broadcast_in_dim3A_2354], %get3A_2383 : memref<64x129xf32, #tpu.memory_space<vmem>>[vector<16xi32>, vector<16xi32>], vector<16xf32>,
        %get3A_2388 = arith.constant 0 : i32
        %get3A_2389 = arith.constant 0 : i32
        %get3A_2390 = tpu.memref_slice %arg6[%scan3A_1572, %get3A_2388, %get3A_2389] : memref<2x128x64xf32, #tpu.memory_space<vmem>> -> memref<1x128x64xf32, #tpu.memory_space<vmem>>
        %get3A_2391 = tpu.memref_squeeze %get3A_2390 : memref<1x128x64xf32, #tpu.memory_space<vmem>> -> memref<128x64xf32, #tpu.memory_space<vmem>>
        %get3A_2392 = arith.index_cast %scan3A_2353 : i32 to index
        %get3A_2393 = arith.constant 48 : index
        %get3A_2394 = tpu.vector_load %get3A_2391[%get3A_2392, %get3A_2393] {strides = array<i32>} : memref<128x64xf32, #tpu.memory_space<vmem>>, vector<16xf32>,
        %scatter3A_2395 = arith.constant 0 : i32
        %scatter3A_2396 = arith.constant 0 : i32
        %scatter3A_2397 = tpu.memref_slice %arg7[%scan3A_1573, %scatter3A_2395, %scatter3A_2396] : memref<2x64x129xf32, #tpu.memory_space<vmem>> -> memref<1x64x129xf32, #tpu.memory_space<vmem>>
        %scatter3A_2398 = tpu.memref_squeeze %scatter3A_2397 : memref<1x64x129xf32, #tpu.memory_space<vmem>> -> memref<64x129xf32, #tpu.memory_space<vmem>>
        tpu.vector_store_idx %scatter3A_2398[%add3A_14, %broadcast_in_dim3A_2354], %get3A_2394 : memref<64x129xf32, #tpu.memory_space<vmem>>[vector<16xi32>, vector<16xi32>], vector<16xf32>,
        %scan3A_2399 = arith.constant 7 : i32
        %scan3A_2400 = arith.addi %scan3A_2074, %scan3A_2399 : i32
        %broadcast_in_dim3A_2401 = vector.broadcast %scan3A_2400 : i32 to vector<16xi32>
        %get3A_2402 = arith.constant 0 : i32
        %get3A_2403 = arith.constant 0 : i32
        %get3A_2404 = tpu.memref_slice %arg6[%scan3A_1572, %get3A_2402, %get3A_2403] : memref<2x128x64xf32, #tpu.memory_space<vmem>> -> memref<1x128x64xf32, #tpu.memory_space<vmem>>
        %get3A_2405 = tpu.memref_squeeze %get3A_2404 : memref<1x128x64xf32, #tpu.memory_space<vmem>> -> memref<128x64xf32, #tpu.memory_space<vmem>>
        %get3A_2406 = arith.index_cast %scan3A_2400 : i32 to index
        %get3A_2407 = arith.constant 0 : index
        %get3A_2408 = tpu.vector_load %get3A_2405[%get3A_2406, %get3A_2407] {strides = array<i32>} : memref<128x64xf32, #tpu.memory_space<vmem>>, vector<16xf32>,
        %scatter3A_2409 = arith.constant 0 : i32
        %scatter3A_2410 = arith.constant 0 : i32
        %scatter3A_2411 = tpu.memref_slice %arg7[%scan3A_1573, %scatter3A_2409, %scatter3A_2410] : memref<2x64x129xf32, #tpu.memory_space<vmem>> -> memref<1x64x129xf32, #tpu.memory_space<vmem>>
        %scatter3A_2412 = tpu.memref_squeeze %scatter3A_2411 : memref<1x64x129xf32, #tpu.memory_space<vmem>> -> memref<64x129xf32, #tpu.memory_space<vmem>>
        tpu.vector_store_idx %scatter3A_2412[%add3A_5, %broadcast_in_dim3A_2401], %get3A_2408 : memref<64x129xf32, #tpu.memory_space<vmem>>[vector<16xi32>, vector<16xi32>], vector<16xf32>,
        %get3A_2413 = arith.constant 0 : i32
        %get3A_2414 = arith.constant 0 : i32
        %get3A_2415 = tpu.memref_slice %arg6[%scan3A_1572, %get3A_2413, %get3A_2414] : memref<2x128x64xf32, #tpu.memory_space<vmem>> -> memref<1x128x64xf32, #tpu.memory_space<vmem>>
        %get3A_2416 = tpu.memref_squeeze %get3A_2415 : memref<1x128x64xf32, #tpu.memory_space<vmem>> -> memref<128x64xf32, #tpu.memory_space<vmem>>
        %get3A_2417 = arith.index_cast %scan3A_2400 : i32 to index
        %get3A_2418 = arith.constant 16 : index
        %get3A_2419 = tpu.vector_load %get3A_2416[%get3A_2417, %get3A_2418] {strides = array<i32>} : memref<128x64xf32, #tpu.memory_space<vmem>>, vector<16xf32>,
        %scatter3A_2420 = arith.constant 0 : i32
        %scatter3A_2421 = arith.constant 0 : i32
        %scatter3A_2422 = tpu.memref_slice %arg7[%scan3A_1573, %scatter3A_2420, %scatter3A_2421] : memref<2x64x129xf32, #tpu.memory_space<vmem>> -> memref<1x64x129xf32, #tpu.memory_space<vmem>>
        %scatter3A_2423 = tpu.memref_squeeze %scatter3A_2422 : memref<1x64x129xf32, #tpu.memory_space<vmem>> -> memref<64x129xf32, #tpu.memory_space<vmem>>
        tpu.vector_store_idx %scatter3A_2423[%add3A_8, %broadcast_in_dim3A_2401], %get3A_2419 : memref<64x129xf32, #tpu.memory_space<vmem>>[vector<16xi32>, vector<16xi32>], vector<16xf32>,
        %get3A_2424 = arith.constant 0 : i32
        %get3A_2425 = arith.constant 0 : i32
        %get3A_2426 = tpu.memref_slice %arg6[%scan3A_1572, %get3A_2424, %get3A_2425] : memref<2x128x64xf32, #tpu.memory_space<vmem>> -> memref<1x128x64xf32, #tpu.memory_space<vmem>>
        %get3A_2427 = tpu.memref_squeeze %get3A_2426 : memref<1x128x64xf32, #tpu.memory_space<vmem>> -> memref<128x64xf32, #tpu.memory_space<vmem>>
        %get3A_2428 = arith.index_cast %scan3A_2400 : i32 to index
        %get3A_2429 = arith.constant 32 : index
        %get3A_2430 = tpu.vector_load %get3A_2427[%get3A_2428, %get3A_2429] {strides = array<i32>} : memref<128x64xf32, #tpu.memory_space<vmem>>, vector<16xf32>,
        %scatter3A_2431 = arith.constant 0 : i32
        %scatter3A_2432 = arith.constant 0 : i32
        %scatter3A_2433 = tpu.memref_slice %arg7[%scan3A_1573, %scatter3A_2431, %scatter3A_2432] : memref<2x64x129xf32, #tpu.memory_space<vmem>> -> memref<1x64x129xf32, #tpu.memory_space<vmem>>
        %scatter3A_2434 = tpu.memref_squeeze %scatter3A_2433 : memref<1x64x129xf32, #tpu.memory_space<vmem>> -> memref<64x129xf32, #tpu.memory_space<vmem>>
        tpu.vector_store_idx %scatter3A_2434[%add3A_11, %broadcast_in_dim3A_2401], %get3A_2430 : memref<64x129xf32, #tpu.memory_space<vmem>>[vector<16xi32>, vector<16xi32>], vector<16xf32>,
        %get3A_2435 = arith.constant 0 : i32
        %get3A_2436 = arith.constant 0 : i32
        %get3A_2437 = tpu.memref_slice %arg6[%scan3A_1572, %get3A_2435, %get3A_2436] : memref<2x128x64xf32, #tpu.memory_space<vmem>> -> memref<1x128x64xf32, #tpu.memory_space<vmem>>
        %get3A_2438 = tpu.memref_squeeze %get3A_2437 : memref<1x128x64xf32, #tpu.memory_space<vmem>> -> memref<128x64xf32, #tpu.memory_space<vmem>>
        %get3A_2439 = arith.index_cast %scan3A_2400 : i32 to index
        %get3A_2440 = arith.constant 48 : index
        %get3A_2441 = tpu.vector_load %get3A_2438[%get3A_2439, %get3A_2440] {strides = array<i32>} : memref<128x64xf32, #tpu.memory_space<vmem>>, vector<16xf32>,
        %scatter3A_2442 = arith.constant 0 : i32
        %scatter3A_2443 = arith.constant 0 : i32
        %scatter3A_2444 = tpu.memref_slice %arg7[%scan3A_1573, %scatter3A_2442, %scatter3A_2443] : memref<2x64x129xf32, #tpu.memory_space<vmem>> -> memref<1x64x129xf32, #tpu.memory_space<vmem>>
        %scatter3A_2445 = tpu.memref_squeeze %scatter3A_2444 : memref<1x64x129xf32, #tpu.memory_space<vmem>> -> memref<64x129xf32, #tpu.memory_space<vmem>>
        tpu.vector_store_idx %scatter3A_2445[%add3A_14, %broadcast_in_dim3A_2401], %get3A_2441 : memref<64x129xf32, #tpu.memory_space<vmem>>[vector<16xi32>, vector<16xi32>], vector<16xf32>,
      }
      %scan3A_1578 = arith.constant 128 : i32
      %jit3A_1579 = arith.constant 32 : i32
      %div3A_1580 = arith.divsi %add3A_1551, %jit3A_1579 : i32
      %sign3A_1581 = arith.constant 0 : i32
      %sign3A_1582 = arith.cmpi sgt, %add3A_1551, %sign3A_1581 : i32
      %sign3A_1583 = arith.extui %sign3A_1582 : i1 to i32
      %sign3A_1584 = arith.constant 0 : i32
      %sign3A_1585 = arith.cmpi slt, %add3A_1551, %sign3A_1584 : i32
      %sign3A_1586 = arith.extui %sign3A_1585 : i1 to i32
      %sign3A_1587 = arith.subi %sign3A_1583, %sign3A_1586 : i32
      %sign3A_1588 = arith.constant 0 : i32
      %sign3A_1589 = arith.cmpi sgt, %jit3A_1579, %sign3A_1588 : i32
      %sign3A_1590 = arith.extui %sign3A_1589 : i1 to i32
      %sign3A_1591 = arith.constant 0 : i32
      %sign3A_1592 = arith.cmpi slt, %jit3A_1579, %sign3A_1591 : i32
      %sign3A_1593 = arith.extui %sign3A_1592 : i1 to i32
      %sign3A_1594 = arith.subi %sign3A_1590, %sign3A_1593 : i32
      %ne3A_1595 = arith.cmpi ne, %sign3A_1587, %sign3A_1594 : i32
      %rem3A_1596 = arith.remsi %add3A_1551, %jit3A_1579 : i32
      %ne3A_1597 = arith.constant 0 : i32
      %ne3A_1598 = arith.cmpi ne, %rem3A_1596, %ne3A_1597 : i32
      %and3A_1599 = arith.andi %ne3A_1595, %ne3A_1598 : i1
      %sub3A_1600 = arith.constant 1 : i32
      %sub3A_1601 = arith.subi %div3A_1580, %sub3A_1600 : i32
      %select_n3A_1602 = arith.select %and3A_1599, %sub3A_1601, %div3A_1580 : i32
      %jit3A_1603 = arith.constant 32 : i32
      %eq3A_1604 = arith.constant 0 : i32
      %eq3A_1605 = arith.cmpi eq, %jit3A_1603, %eq3A_1604 : i32
      %jit3A_1606 = arith.constant 1 : i32
      %select_n3A_1607 = arith.select %eq3A_1605, %jit3A_1606, %jit3A_1603 : i32
      %rem3A_1608 = arith.remsi %add3A_1551, %select_n3A_1607 : i32
      %ne3A_1609 = arith.constant 0 : i32
      %ne3A_1610 = arith.cmpi ne, %rem3A_1608, %ne3A_1609 : i32
      %lt3A_1611 = arith.constant 0 : i32
      %lt3A_1612 = arith.cmpi slt, %rem3A_1608, %lt3A_1611 : i32
      %lt3A_1613 = arith.constant 0 : i32
      %lt3A_1614 = arith.cmpi slt, %select_n3A_1607, %lt3A_1613 : i32
      %ne3A_1615 = arith.xori %lt3A_1612, %lt3A_1614 : i1
      %and3A_1616 = arith.andi %ne3A_1615, %ne3A_1610 : i1
      %add3A_1617 = arith.addi %rem3A_1608, %select_n3A_1607 : i32
      %select_n3A_1618 = arith.select %and3A_1616, %add3A_1617, %rem3A_1608 : i32
      %dma_start3A_1619 = arith.constant 1 : i32
      %dma_start3A_1620 = arith.constant 0 : i32
      %dma_start3A_1621 = arith.constant 1 : i32
      %dma_start3A_1622 = arith.constant 0 : i32
      %dma_start3A_1623 = arith.constant 0 : i32
      %dma_start3A_1624 = tpu.memref_slice %arg7[%dma_start3A_1619, %dma_start3A_1622, %dma_start3A_1623] : memref<2x64x129xf32, #tpu.memory_space<vmem>> -> memref<1x8x128xf32, #tpu.memory_space<vmem>>
      %dma_start3A_1625 = tpu.memref_squeeze %dma_start3A_1624 : memref<1x8x128xf32, #tpu.memory_space<vmem>> -> memref<8x128xf32, #tpu.memory_space<vmem>>
      %dma_start3A_1626 = arith.constant 0 : i32
      %dma_start3A_1627 = arith.constant 0 : i32
      %dma_start3A_1628 = tpu.memref_slice %arg4[%select_n3A_1602, %dma_start3A_1620, %select_n3A_1618, %dma_start3A_1626, %dma_start3A_1627] : memref<200x8x32x8x128xf32, #tpu.memory_space<hbm>> -> memref<1x1x1x8x128xf32, #tpu.memory_space<hbm>>
      %dma_start3A_1629 = tpu.memref_squeeze %dma_start3A_1628 : memref<1x1x1x8x128xf32, #tpu.memory_space<hbm>> -> memref<8x128xf32, #tpu.memory_space<hbm>>
      %dma_start3A_1630 = tpu.memref_slice %arg9[%dma_start3A_1621] : memref<2x!tpu.dma_semaphore, #tpu.memory_space<semaphore_mem>> -> memref<1x!tpu.dma_semaphore, #tpu.memory_space<semaphore_mem>>
      %dma_start3A_1631 = tpu.memref_squeeze %dma_start3A_1630 : memref<1x!tpu.dma_semaphore, #tpu.memory_space<semaphore_mem>> -> memref<!tpu.dma_semaphore, #tpu.memory_space<semaphore_mem>>
      %dma_start3A_1632 = arith.constant 0 : i32
      %dma_start3A_1633 = arith.constant 0 : i32
      %dma_start3A_1634 = tpu.memref_slice %arg4[%select_n3A_1602, %dma_start3A_1620, %select_n3A_1618, %dma_start3A_1632, %dma_start3A_1633] : memref<200x8x32x8x128xf32, #tpu.memory_space<hbm>> -> memref<1x1x1x8x128xf32, #tpu.memory_space<hbm>>
      %dma_start3A_1635 = tpu.memref_squeeze %dma_start3A_1634 : memref<1x1x1x8x128xf32, #tpu.memory_space<hbm>> -> memref<8x128xf32, #tpu.memory_space<hbm>>
      %dma_start3A_1636 = arith.constant 0 : i32
      %dma_start3A_1637 = arith.constant 0 : i32
      %dma_start3A_1638 = tpu.memref_slice %arg7[%dma_start3A_1619, %dma_start3A_1636, %dma_start3A_1637] : memref<2x64x129xf32, #tpu.memory_space<vmem>> -> memref<1x8x128xf32, #tpu.memory_space<vmem>>
      %dma_start3A_1639 = tpu.memref_squeeze %dma_start3A_1638 : memref<1x8x128xf32, #tpu.memory_space<vmem>> -> memref<8x128xf32, #tpu.memory_space<vmem>>
      tpu.enqueue_dma source(%dma_start3A_1639 : memref<8x128xf32, #tpu.memory_space<vmem>>) target(%dma_start3A_1635 : memref<8x128xf32, #tpu.memory_space<hbm>>) target_semaphore(%dma_start3A_1631 : memref<!tpu.dma_semaphore, #tpu.memory_space<semaphore_mem>>)
      %jit3A_1640 = arith.constant 32 : i32
      %div3A_1641 = arith.divsi %add3A_1551, %jit3A_1640 : i32
      %sign3A_1642 = arith.constant 0 : i32
      %sign3A_1643 = arith.cmpi sgt, %add3A_1551, %sign3A_1642 : i32
      %sign3A_1644 = arith.extui %sign3A_1643 : i1 to i32
      %sign3A_1645 = arith.constant 0 : i32
      %sign3A_1646 = arith.cmpi slt, %add3A_1551, %sign3A_1645 : i32
      %sign3A_1647 = arith.extui %sign3A_1646 : i1 to i32
      %sign3A_1648 = arith.subi %sign3A_1644, %sign3A_1647 : i32
      %sign3A_1649 = arith.constant 0 : i32
      %sign3A_1650 = arith.cmpi sgt, %jit3A_1640, %sign3A_1649 : i32
      %sign3A_1651 = arith.extui %sign3A_1650 : i1 to i32
      %sign3A_1652 = arith.constant 0 : i32
      %sign3A_1653 = arith.cmpi slt, %jit3A_1640, %sign3A_1652 : i32
      %sign3A_1654 = arith.extui %sign3A_1653 : i1 to i32
      %sign3A_1655 = arith.subi %sign3A_1651, %sign3A_1654 : i32
      %ne3A_1656 = arith.cmpi ne, %sign3A_1648, %sign3A_1655 : i32
      %rem3A_1657 = arith.remsi %add3A_1551, %jit3A_1640 : i32
      %ne3A_1658 = arith.constant 0 : i32
      %ne3A_1659 = arith.cmpi ne, %rem3A_1657, %ne3A_1658 : i32
      %and3A_1660 = arith.andi %ne3A_1656, %ne3A_1659 : i1
      %sub3A_1661 = arith.constant 1 : i32
      %sub3A_1662 = arith.subi %div3A_1641, %sub3A_1661 : i32
      %select_n3A_1663 = arith.select %and3A_1660, %sub3A_1662, %div3A_1641 : i32
      %jit3A_1664 = arith.constant 32 : i32
      %eq3A_1665 = arith.constant 0 : i32
      %eq3A_1666 = arith.cmpi eq, %jit3A_1664, %eq3A_1665 : i32
      %jit3A_1667 = arith.constant 1 : i32
      %select_n3A_1668 = arith.select %eq3A_1666, %jit3A_1667, %jit3A_1664 : i32
      %rem3A_1669 = arith.remsi %add3A_1551, %select_n3A_1668 : i32
      %ne3A_1670 = arith.constant 0 : i32
      %ne3A_1671 = arith.cmpi ne, %rem3A_1669, %ne3A_1670 : i32
      %lt3A_1672 = arith.constant 0 : i32
      %lt3A_1673 = arith.cmpi slt, %rem3A_1669, %lt3A_1672 : i32
      %lt3A_1674 = arith.constant 0 : i32
      %lt3A_1675 = arith.cmpi slt, %select_n3A_1668, %lt3A_1674 : i32
      %ne3A_1676 = arith.xori %lt3A_1673, %lt3A_1675 : i1
      %and3A_1677 = arith.andi %ne3A_1676, %ne3A_1671 : i1
      %add3A_1678 = arith.addi %rem3A_1669, %select_n3A_1668 : i32
      %select_n3A_1679 = arith.select %and3A_1677, %add3A_1678, %rem3A_1669 : i32
      %dma_start3A_1680 = arith.constant 1 : i32
      %dma_start3A_1681 = arith.constant 1 : i32
      %dma_start3A_1682 = arith.constant 1 : i32
      %dma_start3A_1683 = arith.constant 8 : i32
      %dma_start3A_1684 = arith.constant 0 : i32
      %dma_start3A_1685 = tpu.memref_slice %arg7[%dma_start3A_1680, %dma_start3A_1683, %dma_start3A_1684] : memref<2x64x129xf32, #tpu.memory_space<vmem>> -> memref<1x8x128xf32, #tpu.memory_space<vmem>>
      %dma_start3A_1686 = tpu.memref_squeeze %dma_start3A_1685 : memref<1x8x128xf32, #tpu.memory_space<vmem>> -> memref<8x128xf32, #tpu.memory_space<vmem>>
      %dma_start3A_1687 = arith.constant 0 : i32
      %dma_start3A_1688 = arith.constant 0 : i32
      %dma_start3A_1689 = tpu.memref_slice %arg4[%select_n3A_1663, %dma_start3A_1681, %select_n3A_1679, %dma_start3A_1687, %dma_start3A_1688] : memref<200x8x32x8x128xf32, #tpu.memory_space<hbm>> -> memref<1x1x1x8x128xf32, #tpu.memory_space<hbm>>
      %dma_start3A_1690 = tpu.memref_squeeze %dma_start3A_1689 : memref<1x1x1x8x128xf32, #tpu.memory_space<hbm>> -> memref<8x128xf32, #tpu.memory_space<hbm>>
      %dma_start3A_1691 = tpu.memref_slice %arg9[%dma_start3A_1682] : memref<2x!tpu.dma_semaphore, #tpu.memory_space<semaphore_mem>> -> memref<1x!tpu.dma_semaphore, #tpu.memory_space<semaphore_mem>>
      %dma_start3A_1692 = tpu.memref_squeeze %dma_start3A_1691 : memref<1x!tpu.dma_semaphore, #tpu.memory_space<semaphore_mem>> -> memref<!tpu.dma_semaphore, #tpu.memory_space<semaphore_mem>>
      %dma_start3A_1693 = arith.constant 0 : i32
      %dma_start3A_1694 = arith.constant 0 : i32
      %dma_start3A_1695 = tpu.memref_slice %arg4[%select_n3A_1663, %dma_start3A_1681, %select_n3A_1679, %dma_start3A_1693, %dma_start3A_1694] : memref<200x8x32x8x128xf32, #tpu.memory_space<hbm>> -> memref<1x1x1x8x128xf32, #tpu.memory_space<hbm>>
      %dma_start3A_1696 = tpu.memref_squeeze %dma_start3A_1695 : memref<1x1x1x8x128xf32, #tpu.memory_space<hbm>> -> memref<8x128xf32, #tpu.memory_space<hbm>>
      %dma_start3A_1697 = arith.constant 8 : i32
      %dma_start3A_1698 = arith.constant 0 : i32
      %dma_start3A_1699 = tpu.memref_slice %arg7[%dma_start3A_1680, %dma_start3A_1697, %dma_start3A_1698] : memref<2x64x129xf32, #tpu.memory_space<vmem>> -> memref<1x8x128xf32, #tpu.memory_space<vmem>>
      %dma_start3A_1700 = tpu.memref_squeeze %dma_start3A_1699 : memref<1x8x128xf32, #tpu.memory_space<vmem>> -> memref<8x128xf32, #tpu.memory_space<vmem>>
      tpu.enqueue_dma source(%dma_start3A_1700 : memref<8x128xf32, #tpu.memory_space<vmem>>) target(%dma_start3A_1696 : memref<8x128xf32, #tpu.memory_space<hbm>>) target_semaphore(%dma_start3A_1692 : memref<!tpu.dma_semaphore, #tpu.memory_space<semaphore_mem>>)
      %jit3A_1701 = arith.constant 32 : i32
      %div3A_1702 = arith.divsi %add3A_1551, %jit3A_1701 : i32
      %sign3A_1703 = arith.constant 0 : i32
      %sign3A_1704 = arith.cmpi sgt, %add3A_1551, %sign3A_1703 : i32
      %sign3A_1705 = arith.extui %sign3A_1704 : i1 to i32
      %sign3A_1706 = arith.constant 0 : i32
      %sign3A_1707 = arith.cmpi slt, %add3A_1551, %sign3A_1706 : i32
      %sign3A_1708 = arith.extui %sign3A_1707 : i1 to i32
      %sign3A_1709 = arith.subi %sign3A_1705, %sign3A_1708 : i32
      %sign3A_1710 = arith.constant 0 : i32
      %sign3A_1711 = arith.cmpi sgt, %jit3A_1701, %sign3A_1710 : i32
      %sign3A_1712 = arith.extui %sign3A_1711 : i1 to i32
      %sign3A_1713 = arith.constant 0 : i32
      %sign3A_1714 = arith.cmpi slt, %jit3A_1701, %sign3A_1713 : i32
      %sign3A_1715 = arith.extui %sign3A_1714 : i1 to i32
      %sign3A_1716 = arith.subi %sign3A_1712, %sign3A_1715 : i32
      %ne3A_1717 = arith.cmpi ne, %sign3A_1709, %sign3A_1716 : i32
      %rem3A_1718 = arith.remsi %add3A_1551, %jit3A_1701 : i32
      %ne3A_1719 = arith.constant 0 : i32
      %ne3A_1720 = arith.cmpi ne, %rem3A_1718, %ne3A_1719 : i32
      %and3A_1721 = arith.andi %ne3A_1717, %ne3A_1720 : i1
      %sub3A_1722 = arith.constant 1 : i32
      %sub3A_1723 = arith.subi %div3A_1702, %sub3A_1722 : i32
      %select_n3A_1724 = arith.select %and3A_1721, %sub3A_1723, %div3A_1702 : i32
      %jit3A_1725 = arith.constant 32 : i32
      %eq3A_1726 = arith.constant 0 : i32
      %eq3A_1727 = arith.cmpi eq, %jit3A_1725, %eq3A_1726 : i32
      %jit3A_1728 = arith.constant 1 : i32
      %select_n3A_1729 = arith.select %eq3A_1727, %jit3A_1728, %jit3A_1725 : i32
      %rem3A_1730 = arith.remsi %add3A_1551, %select_n3A_1729 : i32
      %ne3A_1731 = arith.constant 0 : i32
      %ne3A_1732 = arith.cmpi ne, %rem3A_1730, %ne3A_1731 : i32
      %lt3A_1733 = arith.constant 0 : i32
      %lt3A_1734 = arith.cmpi slt, %rem3A_1730, %lt3A_1733 : i32
      %lt3A_1735 = arith.constant 0 : i32
      %lt3A_1736 = arith.cmpi slt, %select_n3A_1729, %lt3A_1735 : i32
      %ne3A_1737 = arith.xori %lt3A_1734, %lt3A_1736 : i1
      %and3A_1738 = arith.andi %ne3A_1737, %ne3A_1732 : i1
      %add3A_1739 = arith.addi %rem3A_1730, %select_n3A_1729 : i32
      %select_n3A_1740 = arith.select %and3A_1738, %add3A_1739, %rem3A_1730 : i32
      %dma_start3A_1741 = arith.constant 1 : i32
      %dma_start3A_1742 = arith.constant 2 : i32
      %dma_start3A_1743 = arith.constant 1 : i32
      %dma_start3A_1744 = arith.constant 16 : i32
      %dma_start3A_1745 = arith.constant 0 : i32
      %dma_start3A_1746 = tpu.memref_slice %arg7[%dma_start3A_1741, %dma_start3A_1744, %dma_start3A_1745] : memref<2x64x129xf32, #tpu.memory_space<vmem>> -> memref<1x8x128xf32, #tpu.memory_space<vmem>>
      %dma_start3A_1747 = tpu.memref_squeeze %dma_start3A_1746 : memref<1x8x128xf32, #tpu.memory_space<vmem>> -> memref<8x128xf32, #tpu.memory_space<vmem>>
      %dma_start3A_1748 = arith.constant 0 : i32
      %dma_start3A_1749 = arith.constant 0 : i32
      %dma_start3A_1750 = tpu.memref_slice %arg4[%select_n3A_1724, %dma_start3A_1742, %select_n3A_1740, %dma_start3A_1748, %dma_start3A_1749] : memref<200x8x32x8x128xf32, #tpu.memory_space<hbm>> -> memref<1x1x1x8x128xf32, #tpu.memory_space<hbm>>
      %dma_start3A_1751 = tpu.memref_squeeze %dma_start3A_1750 : memref<1x1x1x8x128xf32, #tpu.memory_space<hbm>> -> memref<8x128xf32, #tpu.memory_space<hbm>>
      %dma_start3A_1752 = tpu.memref_slice %arg9[%dma_start3A_1743] : memref<2x!tpu.dma_semaphore, #tpu.memory_space<semaphore_mem>> -> memref<1x!tpu.dma_semaphore, #tpu.memory_space<semaphore_mem>>
      %dma_start3A_1753 = tpu.memref_squeeze %dma_start3A_1752 : memref<1x!tpu.dma_semaphore, #tpu.memory_space<semaphore_mem>> -> memref<!tpu.dma_semaphore, #tpu.memory_space<semaphore_mem>>
      %dma_start3A_1754 = arith.constant 0 : i32
      %dma_start3A_1755 = arith.constant 0 : i32
      %dma_start3A_1756 = tpu.memref_slice %arg4[%select_n3A_1724, %dma_start3A_1742, %select_n3A_1740, %dma_start3A_1754, %dma_start3A_1755] : memref<200x8x32x8x128xf32, #tpu.memory_space<hbm>> -> memref<1x1x1x8x128xf32, #tpu.memory_space<hbm>>
      %dma_start3A_1757 = tpu.memref_squeeze %dma_start3A_1756 : memref<1x1x1x8x128xf32, #tpu.memory_space<hbm>> -> memref<8x128xf32, #tpu.memory_space<hbm>>
      %dma_start3A_1758 = arith.constant 16 : i32
      %dma_start3A_1759 = arith.constant 0 : i32
      %dma_start3A_1760 = tpu.memref_slice %arg7[%dma_start3A_1741, %dma_start3A_1758, %dma_start3A_1759] : memref<2x64x129xf32, #tpu.memory_space<vmem>> -> memref<1x8x128xf32, #tpu.memory_space<vmem>>
      %dma_start3A_1761 = tpu.memref_squeeze %dma_start3A_1760 : memref<1x8x128xf32, #tpu.memory_space<vmem>> -> memref<8x128xf32, #tpu.memory_space<vmem>>
      tpu.enqueue_dma source(%dma_start3A_1761 : memref<8x128xf32, #tpu.memory_space<vmem>>) target(%dma_start3A_1757 : memref<8x128xf32, #tpu.memory_space<hbm>>) target_semaphore(%dma_start3A_1753 : memref<!tpu.dma_semaphore, #tpu.memory_space<semaphore_mem>>)
      %jit3A_1762 = arith.constant 32 : i32
      %div3A_1763 = arith.divsi %add3A_1551, %jit3A_1762 : i32
      %sign3A_1764 = arith.constant 0 : i32
      %sign3A_1765 = arith.cmpi sgt, %add3A_1551, %sign3A_1764 : i32
      %sign3A_1766 = arith.extui %sign3A_1765 : i1 to i32
      %sign3A_1767 = arith.constant 0 : i32
      %sign3A_1768 = arith.cmpi slt, %add3A_1551, %sign3A_1767 : i32
      %sign3A_1769 = arith.extui %sign3A_1768 : i1 to i32
      %sign3A_1770 = arith.subi %sign3A_1766, %sign3A_1769 : i32
      %sign3A_1771 = arith.constant 0 : i32
      %sign3A_1772 = arith.cmpi sgt, %jit3A_1762, %sign3A_1771 : i32
      %sign3A_1773 = arith.extui %sign3A_1772 : i1 to i32
      %sign3A_1774 = arith.constant 0 : i32
      %sign3A_1775 = arith.cmpi slt, %jit3A_1762, %sign3A_1774 : i32
      %sign3A_1776 = arith.extui %sign3A_1775 : i1 to i32
      %sign3A_1777 = arith.subi %sign3A_1773, %sign3A_1776 : i32
      %ne3A_1778 = arith.cmpi ne, %sign3A_1770, %sign3A_1777 : i32
      %rem3A_1779 = arith.remsi %add3A_1551, %jit3A_1762 : i32
      %ne3A_1780 = arith.constant 0 : i32
      %ne3A_1781 = arith.cmpi ne, %rem3A_1779, %ne3A_1780 : i32
      %and3A_1782 = arith.andi %ne3A_1778, %ne3A_1781 : i1
      %sub3A_1783 = arith.constant 1 : i32
      %sub3A_1784 = arith.subi %div3A_1763, %sub3A_1783 : i32
      %select_n3A_1785 = arith.select %and3A_1782, %sub3A_1784, %div3A_1763 : i32
      %jit3A_1786 = arith.constant 32 : i32
      %eq3A_1787 = arith.constant 0 : i32
      %eq3A_1788 = arith.cmpi eq, %jit3A_1786, %eq3A_1787 : i32
      %jit3A_1789 = arith.constant 1 : i32
      %select_n3A_1790 = arith.select %eq3A_1788, %jit3A_1789, %jit3A_1786 : i32
      %rem3A_1791 = arith.remsi %add3A_1551, %select_n3A_1790 : i32
      %ne3A_1792 = arith.constant 0 : i32
      %ne3A_1793 = arith.cmpi ne, %rem3A_1791, %ne3A_1792 : i32
      %lt3A_1794 = arith.constant 0 : i32
      %lt3A_1795 = arith.cmpi slt, %rem3A_1791, %lt3A_1794 : i32
      %lt3A_1796 = arith.constant 0 : i32
      %lt3A_1797 = arith.cmpi slt, %select_n3A_1790, %lt3A_1796 : i32
      %ne3A_1798 = arith.xori %lt3A_1795, %lt3A_1797 : i1
      %and3A_1799 = arith.andi %ne3A_1798, %ne3A_1793 : i1
      %add3A_1800 = arith.addi %rem3A_1791, %select_n3A_1790 : i32
      %select_n3A_1801 = arith.select %and3A_1799, %add3A_1800, %rem3A_1791 : i32
      %dma_start3A_1802 = arith.constant 1 : i32
      %dma_start3A_1803 = arith.constant 3 : i32
      %dma_start3A_1804 = arith.constant 1 : i32
      %dma_start3A_1805 = arith.constant 24 : i32
      %dma_start3A_1806 = arith.constant 0 : i32
      %dma_start3A_1807 = tpu.memref_slice %arg7[%dma_start3A_1802, %dma_start3A_1805, %dma_start3A_1806] : memref<2x64x129xf32, #tpu.memory_space<vmem>> -> memref<1x8x128xf32, #tpu.memory_space<vmem>>
      %dma_start3A_1808 = tpu.memref_squeeze %dma_start3A_1807 : memref<1x8x128xf32, #tpu.memory_space<vmem>> -> memref<8x128xf32, #tpu.memory_space<vmem>>
      %dma_start3A_1809 = arith.constant 0 : i32
      %dma_start3A_1810 = arith.constant 0 : i32
      %dma_start3A_1811 = tpu.memref_slice %arg4[%select_n3A_1785, %dma_start3A_1803, %select_n3A_1801, %dma_start3A_1809, %dma_start3A_1810] : memref<200x8x32x8x128xf32, #tpu.memory_space<hbm>> -> memref<1x1x1x8x128xf32, #tpu.memory_space<hbm>>
      %dma_start3A_1812 = tpu.memref_squeeze %dma_start3A_1811 : memref<1x1x1x8x128xf32, #tpu.memory_space<hbm>> -> memref<8x128xf32, #tpu.memory_space<hbm>>
      %dma_start3A_1813 = tpu.memref_slice %arg9[%dma_start3A_1804] : memref<2x!tpu.dma_semaphore, #tpu.memory_space<semaphore_mem>> -> memref<1x!tpu.dma_semaphore, #tpu.memory_space<semaphore_mem>>
      %dma_start3A_1814 = tpu.memref_squeeze %dma_start3A_1813 : memref<1x!tpu.dma_semaphore, #tpu.memory_space<semaphore_mem>> -> memref<!tpu.dma_semaphore, #tpu.memory_space<semaphore_mem>>
      %dma_start3A_1815 = arith.constant 0 : i32
      %dma_start3A_1816 = arith.constant 0 : i32
      %dma_start3A_1817 = tpu.memref_slice %arg4[%select_n3A_1785, %dma_start3A_1803, %select_n3A_1801, %dma_start3A_1815, %dma_start3A_1816] : memref<200x8x32x8x128xf32, #tpu.memory_space<hbm>> -> memref<1x1x1x8x128xf32, #tpu.memory_space<hbm>>
      %dma_start3A_1818 = tpu.memref_squeeze %dma_start3A_1817 : memref<1x1x1x8x128xf32, #tpu.memory_space<hbm>> -> memref<8x128xf32, #tpu.memory_space<hbm>>
      %dma_start3A_1819 = arith.constant 24 : i32
      %dma_start3A_1820 = arith.constant 0 : i32
      %dma_start3A_1821 = tpu.memref_slice %arg7[%dma_start3A_1802, %dma_start3A_1819, %dma_start3A_1820] : memref<2x64x129xf32, #tpu.memory_space<vmem>> -> memref<1x8x128xf32, #tpu.memory_space<vmem>>
      %dma_start3A_1822 = tpu.memref_squeeze %dma_start3A_1821 : memref<1x8x128xf32, #tpu.memory_space<vmem>> -> memref<8x128xf32, #tpu.memory_space<vmem>>
      tpu.enqueue_dma source(%dma_start3A_1822 : memref<8x128xf32, #tpu.memory_space<vmem>>) target(%dma_start3A_1818 : memref<8x128xf32, #tpu.memory_space<hbm>>) target_semaphore(%dma_start3A_1814 : memref<!tpu.dma_semaphore, #tpu.memory_space<semaphore_mem>>)
      %jit3A_1823 = arith.constant 32 : i32
      %div3A_1824 = arith.divsi %add3A_1551, %jit3A_1823 : i32
      %sign3A_1825 = arith.constant 0 : i32
      %sign3A_1826 = arith.cmpi sgt, %add3A_1551, %sign3A_1825 : i32
      %sign3A_1827 = arith.extui %sign3A_1826 : i1 to i32
      %sign3A_1828 = arith.constant 0 : i32
      %sign3A_1829 = arith.cmpi slt, %add3A_1551, %sign3A_1828 : i32
      %sign3A_1830 = arith.extui %sign3A_1829 : i1 to i32
      %sign3A_1831 = arith.subi %sign3A_1827, %sign3A_1830 : i32
      %sign3A_1832 = arith.constant 0 : i32
      %sign3A_1833 = arith.cmpi sgt, %jit3A_1823, %sign3A_1832 : i32
      %sign3A_1834 = arith.extui %sign3A_1833 : i1 to i32
      %sign3A_1835 = arith.constant 0 : i32
      %sign3A_1836 = arith.cmpi slt, %jit3A_1823, %sign3A_1835 : i32
      %sign3A_1837 = arith.extui %sign3A_1836 : i1 to i32
      %sign3A_1838 = arith.subi %sign3A_1834, %sign3A_1837 : i32
      %ne3A_1839 = arith.cmpi ne, %sign3A_1831, %sign3A_1838 : i32
      %rem3A_1840 = arith.remsi %add3A_1551, %jit3A_1823 : i32
      %ne3A_1841 = arith.constant 0 : i32
      %ne3A_1842 = arith.cmpi ne, %rem3A_1840, %ne3A_1841 : i32
      %and3A_1843 = arith.andi %ne3A_1839, %ne3A_1842 : i1
      %sub3A_1844 = arith.constant 1 : i32
      %sub3A_1845 = arith.subi %div3A_1824, %sub3A_1844 : i32
      %select_n3A_1846 = arith.select %and3A_1843, %sub3A_1845, %div3A_1824 : i32
      %jit3A_1847 = arith.constant 32 : i32
      %eq3A_1848 = arith.constant 0 : i32
      %eq3A_1849 = arith.cmpi eq, %jit3A_1847, %eq3A_1848 : i32
      %jit3A_1850 = arith.constant 1 : i32
      %select_n3A_1851 = arith.select %eq3A_1849, %jit3A_1850, %jit3A_1847 : i32
      %rem3A_1852 = arith.remsi %add3A_1551, %select_n3A_1851 : i32
      %ne3A_1853 = arith.constant 0 : i32
      %ne3A_1854 = arith.cmpi ne, %rem3A_1852, %ne3A_1853 : i32
      %lt3A_1855 = arith.constant 0 : i32
      %lt3A_1856 = arith.cmpi slt, %rem3A_1852, %lt3A_1855 : i32
      %lt3A_1857 = arith.constant 0 : i32
      %lt3A_1858 = arith.cmpi slt, %select_n3A_1851, %lt3A_1857 : i32
      %ne3A_1859 = arith.xori %lt3A_1856, %lt3A_1858 : i1
      %and3A_1860 = arith.andi %ne3A_1859, %ne3A_1854 : i1
      %add3A_1861 = arith.addi %rem3A_1852, %select_n3A_1851 : i32
      %select_n3A_1862 = arith.select %and3A_1860, %add3A_1861, %rem3A_1852 : i32
      %dma_start3A_1863 = arith.constant 1 : i32
      %dma_start3A_1864 = arith.constant 4 : i32
      %dma_start3A_1865 = arith.constant 1 : i32
      %dma_start3A_1866 = arith.constant 32 : i32
      %dma_start3A_1867 = arith.constant 0 : i32
      %dma_start3A_1868 = tpu.memref_slice %arg7[%dma_start3A_1863, %dma_start3A_1866, %dma_start3A_1867] : memref<2x64x129xf32, #tpu.memory_space<vmem>> -> memref<1x8x128xf32, #tpu.memory_space<vmem>>
      %dma_start3A_1869 = tpu.memref_squeeze %dma_start3A_1868 : memref<1x8x128xf32, #tpu.memory_space<vmem>> -> memref<8x128xf32, #tpu.memory_space<vmem>>
      %dma_start3A_1870 = arith.constant 0 : i32
      %dma_start3A_1871 = arith.constant 0 : i32
      %dma_start3A_1872 = tpu.memref_slice %arg4[%select_n3A_1846, %dma_start3A_1864, %select_n3A_1862, %dma_start3A_1870, %dma_start3A_1871] : memref<200x8x32x8x128xf32, #tpu.memory_space<hbm>> -> memref<1x1x1x8x128xf32, #tpu.memory_space<hbm>>
      %dma_start3A_1873 = tpu.memref_squeeze %dma_start3A_1872 : memref<1x1x1x8x128xf32, #tpu.memory_space<hbm>> -> memref<8x128xf32, #tpu.memory_space<hbm>>
      %dma_start3A_1874 = tpu.memref_slice %arg9[%dma_start3A_1865] : memref<2x!tpu.dma_semaphore, #tpu.memory_space<semaphore_mem>> -> memref<1x!tpu.dma_semaphore, #tpu.memory_space<semaphore_mem>>
      %dma_start3A_1875 = tpu.memref_squeeze %dma_start3A_1874 : memref<1x!tpu.dma_semaphore, #tpu.memory_space<semaphore_mem>> -> memref<!tpu.dma_semaphore, #tpu.memory_space<semaphore_mem>>
      %dma_start3A_1876 = arith.constant 0 : i32
      %dma_start3A_1877 = arith.constant 0 : i32
      %dma_start3A_1878 = tpu.memref_slice %arg4[%select_n3A_1846, %dma_start3A_1864, %select_n3A_1862, %dma_start3A_1876, %dma_start3A_1877] : memref<200x8x32x8x128xf32, #tpu.memory_space<hbm>> -> memref<1x1x1x8x128xf32, #tpu.memory_space<hbm>>
      %dma_start3A_1879 = tpu.memref_squeeze %dma_start3A_1878 : memref<1x1x1x8x128xf32, #tpu.memory_space<hbm>> -> memref<8x128xf32, #tpu.memory_space<hbm>>
      %dma_start3A_1880 = arith.constant 32 : i32
      %dma_start3A_1881 = arith.constant 0 : i32
      %dma_start3A_1882 = tpu.memref_slice %arg7[%dma_start3A_1863, %dma_start3A_1880, %dma_start3A_1881] : memref<2x64x129xf32, #tpu.memory_space<vmem>> -> memref<1x8x128xf32, #tpu.memory_space<vmem>>
      %dma_start3A_1883 = tpu.memref_squeeze %dma_start3A_1882 : memref<1x8x128xf32, #tpu.memory_space<vmem>> -> memref<8x128xf32, #tpu.memory_space<vmem>>
      tpu.enqueue_dma source(%dma_start3A_1883 : memref<8x128xf32, #tpu.memory_space<vmem>>) target(%dma_start3A_1879 : memref<8x128xf32, #tpu.memory_space<hbm>>) target_semaphore(%dma_start3A_1875 : memref<!tpu.dma_semaphore, #tpu.memory_space<semaphore_mem>>)
      %jit3A_1884 = arith.constant 32 : i32
      %div3A_1885 = arith.divsi %add3A_1551, %jit3A_1884 : i32
      %sign3A_1886 = arith.constant 0 : i32
      %sign3A_1887 = arith.cmpi sgt, %add3A_1551, %sign3A_1886 : i32
      %sign3A_1888 = arith.extui %sign3A_1887 : i1 to i32
      %sign3A_1889 = arith.constant 0 : i32
      %sign3A_1890 = arith.cmpi slt, %add3A_1551, %sign3A_1889 : i32
      %sign3A_1891 = arith.extui %sign3A_1890 : i1 to i32
      %sign3A_1892 = arith.subi %sign3A_1888, %sign3A_1891 : i32
      %sign3A_1893 = arith.constant 0 : i32
      %sign3A_1894 = arith.cmpi sgt, %jit3A_1884, %sign3A_1893 : i32
      %sign3A_1895 = arith.extui %sign3A_1894 : i1 to i32
      %sign3A_1896 = arith.constant 0 : i32
      %sign3A_1897 = arith.cmpi slt, %jit3A_1884, %sign3A_1896 : i32
      %sign3A_1898 = arith.extui %sign3A_1897 : i1 to i32
      %sign3A_1899 = arith.subi %sign3A_1895, %sign3A_1898 : i32
      %ne3A_1900 = arith.cmpi ne, %sign3A_1892, %sign3A_1899 : i32
      %rem3A_1901 = arith.remsi %add3A_1551, %jit3A_1884 : i32
      %ne3A_1902 = arith.constant 0 : i32
      %ne3A_1903 = arith.cmpi ne, %rem3A_1901, %ne3A_1902 : i32
      %and3A_1904 = arith.andi %ne3A_1900, %ne3A_1903 : i1
      %sub3A_1905 = arith.constant 1 : i32
      %sub3A_1906 = arith.subi %div3A_1885, %sub3A_1905 : i32
      %select_n3A_1907 = arith.select %and3A_1904, %sub3A_1906, %div3A_1885 : i32
      %jit3A_1908 = arith.constant 32 : i32
      %eq3A_1909 = arith.constant 0 : i32
      %eq3A_1910 = arith.cmpi eq, %jit3A_1908, %eq3A_1909 : i32
      %jit3A_1911 = arith.constant 1 : i32
      %select_n3A_1912 = arith.select %eq3A_1910, %jit3A_1911, %jit3A_1908 : i32
      %rem3A_1913 = arith.remsi %add3A_1551, %select_n3A_1912 : i32
      %ne3A_1914 = arith.constant 0 : i32
      %ne3A_1915 = arith.cmpi ne, %rem3A_1913, %ne3A_1914 : i32
      %lt3A_1916 = arith.constant 0 : i32
      %lt3A_1917 = arith.cmpi slt, %rem3A_1913, %lt3A_1916 : i32
      %lt3A_1918 = arith.constant 0 : i32
      %lt3A_1919 = arith.cmpi slt, %select_n3A_1912, %lt3A_1918 : i32
      %ne3A_1920 = arith.xori %lt3A_1917, %lt3A_1919 : i1
      %and3A_1921 = arith.andi %ne3A_1920, %ne3A_1915 : i1
      %add3A_1922 = arith.addi %rem3A_1913, %select_n3A_1912 : i32
      %select_n3A_1923 = arith.select %and3A_1921, %add3A_1922, %rem3A_1913 : i32
      %dma_start3A_1924 = arith.constant 1 : i32
      %dma_start3A_1925 = arith.constant 5 : i32
      %dma_start3A_1926 = arith.constant 1 : i32
      %dma_start3A_1927 = arith.constant 40 : i32
      %dma_start3A_1928 = arith.constant 0 : i32
      %dma_start3A_1929 = tpu.memref_slice %arg7[%dma_start3A_1924, %dma_start3A_1927, %dma_start3A_1928] : memref<2x64x129xf32, #tpu.memory_space<vmem>> -> memref<1x8x128xf32, #tpu.memory_space<vmem>>
      %dma_start3A_1930 = tpu.memref_squeeze %dma_start3A_1929 : memref<1x8x128xf32, #tpu.memory_space<vmem>> -> memref<8x128xf32, #tpu.memory_space<vmem>>
      %dma_start3A_1931 = arith.constant 0 : i32
      %dma_start3A_1932 = arith.constant 0 : i32
      %dma_start3A_1933 = tpu.memref_slice %arg4[%select_n3A_1907, %dma_start3A_1925, %select_n3A_1923, %dma_start3A_1931, %dma_start3A_1932] : memref<200x8x32x8x128xf32, #tpu.memory_space<hbm>> -> memref<1x1x1x8x128xf32, #tpu.memory_space<hbm>>
      %dma_start3A_1934 = tpu.memref_squeeze %dma_start3A_1933 : memref<1x1x1x8x128xf32, #tpu.memory_space<hbm>> -> memref<8x128xf32, #tpu.memory_space<hbm>>
      %dma_start3A_1935 = tpu.memref_slice %arg9[%dma_start3A_1926] : memref<2x!tpu.dma_semaphore, #tpu.memory_space<semaphore_mem>> -> memref<1x!tpu.dma_semaphore, #tpu.memory_space<semaphore_mem>>
      %dma_start3A_1936 = tpu.memref_squeeze %dma_start3A_1935 : memref<1x!tpu.dma_semaphore, #tpu.memory_space<semaphore_mem>> -> memref<!tpu.dma_semaphore, #tpu.memory_space<semaphore_mem>>
      %dma_start3A_1937 = arith.constant 0 : i32
      %dma_start3A_1938 = arith.constant 0 : i32
      %dma_start3A_1939 = tpu.memref_slice %arg4[%select_n3A_1907, %dma_start3A_1925, %select_n3A_1923, %dma_start3A_1937, %dma_start3A_1938] : memref<200x8x32x8x128xf32, #tpu.memory_space<hbm>> -> memref<1x1x1x8x128xf32, #tpu.memory_space<hbm>>
      %dma_start3A_1940 = tpu.memref_squeeze %dma_start3A_1939 : memref<1x1x1x8x128xf32, #tpu.memory_space<hbm>> -> memref<8x128xf32, #tpu.memory_space<hbm>>
      %dma_start3A_1941 = arith.constant 40 : i32
      %dma_start3A_1942 = arith.constant 0 : i32
      %dma_start3A_1943 = tpu.memref_slice %arg7[%dma_start3A_1924, %dma_start3A_1941, %dma_start3A_1942] : memref<2x64x129xf32, #tpu.memory_space<vmem>> -> memref<1x8x128xf32, #tpu.memory_space<vmem>>
      %dma_start3A_1944 = tpu.memref_squeeze %dma_start3A_1943 : memref<1x8x128xf32, #tpu.memory_space<vmem>> -> memref<8x128xf32, #tpu.memory_space<vmem>>
      tpu.enqueue_dma source(%dma_start3A_1944 : memref<8x128xf32, #tpu.memory_space<vmem>>) target(%dma_start3A_1940 : memref<8x128xf32, #tpu.memory_space<hbm>>) target_semaphore(%dma_start3A_1936 : memref<!tpu.dma_semaphore, #tpu.memory_space<semaphore_mem>>)
      %jit3A_1945 = arith.constant 32 : i32
      %div3A_1946 = arith.divsi %add3A_1551, %jit3A_1945 : i32
      %sign3A_1947 = arith.constant 0 : i32
      %sign3A_1948 = arith.cmpi sgt, %add3A_1551, %sign3A_1947 : i32
      %sign3A_1949 = arith.extui %sign3A_1948 : i1 to i32
      %sign3A_1950 = arith.constant 0 : i32
      %sign3A_1951 = arith.cmpi slt, %add3A_1551, %sign3A_1950 : i32
      %sign3A_1952 = arith.extui %sign3A_1951 : i1 to i32
      %sign3A_1953 = arith.subi %sign3A_1949, %sign3A_1952 : i32
      %sign3A_1954 = arith.constant 0 : i32
      %sign3A_1955 = arith.cmpi sgt, %jit3A_1945, %sign3A_1954 : i32
      %sign3A_1956 = arith.extui %sign3A_1955 : i1 to i32
      %sign3A_1957 = arith.constant 0 : i32
      %sign3A_1958 = arith.cmpi slt, %jit3A_1945, %sign3A_1957 : i32
      %sign3A_1959 = arith.extui %sign3A_1958 : i1 to i32
      %sign3A_1960 = arith.subi %sign3A_1956, %sign3A_1959 : i32
      %ne3A_1961 = arith.cmpi ne, %sign3A_1953, %sign3A_1960 : i32
      %rem3A_1962 = arith.remsi %add3A_1551, %jit3A_1945 : i32
      %ne3A_1963 = arith.constant 0 : i32
      %ne3A_1964 = arith.cmpi ne, %rem3A_1962, %ne3A_1963 : i32
      %and3A_1965 = arith.andi %ne3A_1961, %ne3A_1964 : i1
      %sub3A_1966 = arith.constant 1 : i32
      %sub3A_1967 = arith.subi %div3A_1946, %sub3A_1966 : i32
      %select_n3A_1968 = arith.select %and3A_1965, %sub3A_1967, %div3A_1946 : i32
      %jit3A_1969 = arith.constant 32 : i32
      %eq3A_1970 = arith.constant 0 : i32
      %eq3A_1971 = arith.cmpi eq, %jit3A_1969, %eq3A_1970 : i32
      %jit3A_1972 = arith.constant 1 : i32
      %select_n3A_1973 = arith.select %eq3A_1971, %jit3A_1972, %jit3A_1969 : i32
      %rem3A_1974 = arith.remsi %add3A_1551, %select_n3A_1973 : i32
      %ne3A_1975 = arith.constant 0 : i32
      %ne3A_1976 = arith.cmpi ne, %rem3A_1974, %ne3A_1975 : i32
      %lt3A_1977 = arith.constant 0 : i32
      %lt3A_1978 = arith.cmpi slt, %rem3A_1974, %lt3A_1977 : i32
      %lt3A_1979 = arith.constant 0 : i32
      %lt3A_1980 = arith.cmpi slt, %select_n3A_1973, %lt3A_1979 : i32
      %ne3A_1981 = arith.xori %lt3A_1978, %lt3A_1980 : i1
      %and3A_1982 = arith.andi %ne3A_1981, %ne3A_1976 : i1
      %add3A_1983 = arith.addi %rem3A_1974, %select_n3A_1973 : i32
      %select_n3A_1984 = arith.select %and3A_1982, %add3A_1983, %rem3A_1974 : i32
      %dma_start3A_1985 = arith.constant 1 : i32
      %dma_start3A_1986 = arith.constant 6 : i32
      %dma_start3A_1987 = arith.constant 1 : i32
      %dma_start3A_1988 = arith.constant 48 : i32
      %dma_start3A_1989 = arith.constant 0 : i32
      %dma_start3A_1990 = tpu.memref_slice %arg7[%dma_start3A_1985, %dma_start3A_1988, %dma_start3A_1989] : memref<2x64x129xf32, #tpu.memory_space<vmem>> -> memref<1x8x128xf32, #tpu.memory_space<vmem>>
      %dma_start3A_1991 = tpu.memref_squeeze %dma_start3A_1990 : memref<1x8x128xf32, #tpu.memory_space<vmem>> -> memref<8x128xf32, #tpu.memory_space<vmem>>
      %dma_start3A_1992 = arith.constant 0 : i32
      %dma_start3A_1993 = arith.constant 0 : i32
      %dma_start3A_1994 = tpu.memref_slice %arg4[%select_n3A_1968, %dma_start3A_1986, %select_n3A_1984, %dma_start3A_1992, %dma_start3A_1993] : memref<200x8x32x8x128xf32, #tpu.memory_space<hbm>> -> memref<1x1x1x8x128xf32, #tpu.memory_space<hbm>>
      %dma_start3A_1995 = tpu.memref_squeeze %dma_start3A_1994 : memref<1x1x1x8x128xf32, #tpu.memory_space<hbm>> -> memref<8x128xf32, #tpu.memory_space<hbm>>
      %dma_start3A_1996 = tpu.memref_slice %arg9[%dma_start3A_1987] : memref<2x!tpu.dma_semaphore, #tpu.memory_space<semaphore_mem>> -> memref<1x!tpu.dma_semaphore, #tpu.memory_space<semaphore_mem>>
      %dma_start3A_1997 = tpu.memref_squeeze %dma_start3A_1996 : memref<1x!tpu.dma_semaphore, #tpu.memory_space<semaphore_mem>> -> memref<!tpu.dma_semaphore, #tpu.memory_space<semaphore_mem>>
      %dma_start3A_1998 = arith.constant 0 : i32
      %dma_start3A_1999 = arith.constant 0 : i32
      %dma_start3A_2000 = tpu.memref_slice %arg4[%select_n3A_1968, %dma_start3A_1986, %select_n3A_1984, %dma_start3A_1998, %dma_start3A_1999] : memref<200x8x32x8x128xf32, #tpu.memory_space<hbm>> -> memref<1x1x1x8x128xf32, #tpu.memory_space<hbm>>
      %dma_start3A_2001 = tpu.memref_squeeze %dma_start3A_2000 : memref<1x1x1x8x128xf32, #tpu.memory_space<hbm>> -> memref<8x128xf32, #tpu.memory_space<hbm>>
      %dma_start3A_2002 = arith.constant 48 : i32
      %dma_start3A_2003 = arith.constant 0 : i32
      %dma_start3A_2004 = tpu.memref_slice %arg7[%dma_start3A_1985, %dma_start3A_2002, %dma_start3A_2003] : memref<2x64x129xf32, #tpu.memory_space<vmem>> -> memref<1x8x128xf32, #tpu.memory_space<vmem>>
      %dma_start3A_2005 = tpu.memref_squeeze %dma_start3A_2004 : memref<1x8x128xf32, #tpu.memory_space<vmem>> -> memref<8x128xf32, #tpu.memory_space<vmem>>
      tpu.enqueue_dma source(%dma_start3A_2005 : memref<8x128xf32, #tpu.memory_space<vmem>>) target(%dma_start3A_2001 : memref<8x128xf32, #tpu.memory_space<hbm>>) target_semaphore(%dma_start3A_1997 : memref<!tpu.dma_semaphore, #tpu.memory_space<semaphore_mem>>)
      %jit3A_2006 = arith.constant 32 : i32
      %div3A_2007 = arith.divsi %add3A_1551, %jit3A_2006 : i32
      %sign3A_2008 = arith.constant 0 : i32
      %sign3A_2009 = arith.cmpi sgt, %add3A_1551, %sign3A_2008 : i32
      %sign3A_2010 = arith.extui %sign3A_2009 : i1 to i32
      %sign3A_2011 = arith.constant 0 : i32
      %sign3A_2012 = arith.cmpi slt, %add3A_1551, %sign3A_2011 : i32
      %sign3A_2013 = arith.extui %sign3A_2012 : i1 to i32
      %sign3A_2014 = arith.subi %sign3A_2010, %sign3A_2013 : i32
      %sign3A_2015 = arith.constant 0 : i32
      %sign3A_2016 = arith.cmpi sgt, %jit3A_2006, %sign3A_2015 : i32
      %sign3A_2017 = arith.extui %sign3A_2016 : i1 to i32
      %sign3A_2018 = arith.constant 0 : i32
      %sign3A_2019 = arith.cmpi slt, %jit3A_2006, %sign3A_2018 : i32
      %sign3A_2020 = arith.extui %sign3A_2019 : i1 to i32
      %sign3A_2021 = arith.subi %sign3A_2017, %sign3A_2020 : i32
      %ne3A_2022 = arith.cmpi ne, %sign3A_2014, %sign3A_2021 : i32
      %rem3A_2023 = arith.remsi %add3A_1551, %jit3A_2006 : i32
      %ne3A_2024 = arith.constant 0 : i32
      %ne3A_2025 = arith.cmpi ne, %rem3A_2023, %ne3A_2024 : i32
      %and3A_2026 = arith.andi %ne3A_2022, %ne3A_2025 : i1
      %sub3A_2027 = arith.constant 1 : i32
      %sub3A_2028 = arith.subi %div3A_2007, %sub3A_2027 : i32
      %select_n3A_2029 = arith.select %and3A_2026, %sub3A_2028, %div3A_2007 : i32
      %jit3A_2030 = arith.constant 32 : i32
      %eq3A_2031 = arith.constant 0 : i32
      %eq3A_2032 = arith.cmpi eq, %jit3A_2030, %eq3A_2031 : i32
      %jit3A_2033 = arith.constant 1 : i32
      %select_n3A_2034 = arith.select %eq3A_2032, %jit3A_2033, %jit3A_2030 : i32
      %rem3A_2035 = arith.remsi %add3A_1551, %select_n3A_2034 : i32
      %ne3A_2036 = arith.constant 0 : i32
      %ne3A_2037 = arith.cmpi ne, %rem3A_2035, %ne3A_2036 : i32
      %lt3A_2038 = arith.constant 0 : i32
      %lt3A_2039 = arith.cmpi slt, %rem3A_2035, %lt3A_2038 : i32
      %lt3A_2040 = arith.constant 0 : i32
      %lt3A_2041 = arith.cmpi slt, %select_n3A_2034, %lt3A_2040 : i32
      %ne3A_2042 = arith.xori %lt3A_2039, %lt3A_2041 : i1
      %and3A_2043 = arith.andi %ne3A_2042, %ne3A_2037 : i1
      %add3A_2044 = arith.addi %rem3A_2035, %select_n3A_2034 : i32
      %select_n3A_2045 = arith.select %and3A_2043, %add3A_2044, %rem3A_2035 : i32
      %dma_start3A_2046 = arith.constant 1 : i32
      %dma_start3A_2047 = arith.constant 7 : i32
      %dma_start3A_2048 = arith.constant 1 : i32
      %dma_start3A_2049 = arith.constant 56 : i32
      %dma_start3A_2050 = arith.constant 0 : i32
      %dma_start3A_2051 = tpu.memref_slice %arg7[%dma_start3A_2046, %dma_start3A_2049, %dma_start3A_2050] : memref<2x64x129xf32, #tpu.memory_space<vmem>> -> memref<1x8x128xf32, #tpu.memory_space<vmem>>
      %dma_start3A_2052 = tpu.memref_squeeze %dma_start3A_2051 : memref<1x8x128xf32, #tpu.memory_space<vmem>> -> memref<8x128xf32, #tpu.memory_space<vmem>>
      %dma_start3A_2053 = arith.constant 0 : i32
      %dma_start3A_2054 = arith.constant 0 : i32
      %dma_start3A_2055 = tpu.memref_slice %arg4[%select_n3A_2029, %dma_start3A_2047, %select_n3A_2045, %dma_start3A_2053, %dma_start3A_2054] : memref<200x8x32x8x128xf32, #tpu.memory_space<hbm>> -> memref<1x1x1x8x128xf32, #tpu.memory_space<hbm>>
      %dma_start3A_2056 = tpu.memref_squeeze %dma_start3A_2055 : memref<1x1x1x8x128xf32, #tpu.memory_space<hbm>> -> memref<8x128xf32, #tpu.memory_space<hbm>>
      %dma_start3A_2057 = tpu.memref_slice %arg9[%dma_start3A_2048] : memref<2x!tpu.dma_semaphore, #tpu.memory_space<semaphore_mem>> -> memref<1x!tpu.dma_semaphore, #tpu.memory_space<semaphore_mem>>
      %dma_start3A_2058 = tpu.memref_squeeze %dma_start3A_2057 : memref<1x!tpu.dma_semaphore, #tpu.memory_space<semaphore_mem>> -> memref<!tpu.dma_semaphore, #tpu.memory_space<semaphore_mem>>
      %dma_start3A_2059 = arith.constant 0 : i32
      %dma_start3A_2060 = arith.constant 0 : i32
      %dma_start3A_2061 = tpu.memref_slice %arg4[%select_n3A_2029, %dma_start3A_2047, %select_n3A_2045, %dma_start3A_2059, %dma_start3A_2060] : memref<200x8x32x8x128xf32, #tpu.memory_space<hbm>> -> memref<1x1x1x8x128xf32, #tpu.memory_space<hbm>>
      %dma_start3A_2062 = tpu.memref_squeeze %dma_start3A_2061 : memref<1x1x1x8x128xf32, #tpu.memory_space<hbm>> -> memref<8x128xf32, #tpu.memory_space<hbm>>
      %dma_start3A_2063 = arith.constant 56 : i32
      %dma_start3A_2064 = arith.constant 0 : i32
      %dma_start3A_2065 = tpu.memref_slice %arg7[%dma_start3A_2046, %dma_start3A_2063, %dma_start3A_2064] : memref<2x64x129xf32, #tpu.memory_space<vmem>> -> memref<1x8x128xf32, #tpu.memory_space<vmem>>
      %dma_start3A_2066 = tpu.memref_squeeze %dma_start3A_2065 : memref<1x8x128xf32, #tpu.memory_space<vmem>> -> memref<8x128xf32, #tpu.memory_space<vmem>>
      tpu.enqueue_dma source(%dma_start3A_2066 : memref<8x128xf32, #tpu.memory_space<vmem>>) target(%dma_start3A_2062 : memref<8x128xf32, #tpu.memory_space<hbm>>) target_semaphore(%dma_start3A_2058 : memref<!tpu.dma_semaphore, #tpu.memory_space<semaphore_mem>>)
      %add3A_2067 = arith.constant 2 : i32
      %add3A_2068 = arith.addi %add3A_1550, %add3A_2067 : i32
      %lt3A_2069 = arith.constant 200 : i32
      %lt3A_2070 = arith.cmpi slt, %add3A_2068, %lt3A_2069 : i32
      %convert_element_type3A_2071 = arith.extui %lt3A_2070 : i1 to i32
      %cond3A_2072 = arith.constant 0 : i32
      %cond3A_2073 = arith.cmpi ne, %convert_element_type3A_2071, %cond3A_2072 : i32
      scf.if %cond3A_2073 {
        %add3A_2074 = arith.constant 2 : i32
        %add3A_2075 = arith.addi %add3A_1550, %add3A_2074 : i32
        %dma_start3A_2076 = arith.constant 1 : i32
        %dma_start3A_2077 = arith.constant 1 : i32
        %dma_start3A_2078 = arith.constant 0 : i32
        %dma_start3A_2079 = arith.constant 0 : i32
        %dma_start3A_2080 = tpu.memref_slice %arg6[%dma_start3A_2076, %dma_start3A_2078, %dma_start3A_2079] : memref<2x128x64xf32, #tpu.memory_space<vmem>> -> memref<1x128x64xf32, #tpu.memory_space<vmem>>
        %dma_start3A_2081 = tpu.memref_squeeze %dma_start3A_2080 : memref<1x128x64xf32, #tpu.memory_space<vmem>> -> memref<128x64xf32, #tpu.memory_space<vmem>>
        %dma_start3A_2082 = arith.constant 0 : i32
        %dma_start3A_2083 = tpu.memref_slice %arg5[%add3A_2075, %dma_start3A_2082] : memref<200x128xi32, #tpu.memory_space<vmem>> -> memref<1x128xi32, #tpu.memory_space<vmem>>
        %dma_start3A_2084 = tpu.memref_squeeze %dma_start3A_2083 : memref<1x128xi32, #tpu.memory_space<vmem>> -> memref<128xi32, #tpu.memory_space<vmem>>
        %dma_start3A_2085 = arith.constant 0 : i32
        %dma_start3A_2086 = arith.constant 0 : i32
        %dma_start3A_2087 = tpu.memref_slice %arg3[%dma_start3A_2085, %dma_start3A_2086] : memref<2000000x64xf32, #tpu.memory_space<hbm>> -> memref<2000000x64xf32, #tpu.memory_space<hbm>>
        %dma_start3A_2088 = tpu.memref_slice %arg8[%dma_start3A_2077] : memref<2x!tpu.dma_semaphore, #tpu.memory_space<semaphore_mem>> -> memref<1x!tpu.dma_semaphore, #tpu.memory_space<semaphore_mem>>
        %dma_start3A_2089 = tpu.memref_squeeze %dma_start3A_2088 : memref<1x!tpu.dma_semaphore, #tpu.memory_space<semaphore_mem>> -> memref<!tpu.dma_semaphore, #tpu.memory_space<semaphore_mem>>
        tpu.enqueue_indirect_dma source(%dma_start3A_2087 : memref<2000000x64xf32, #tpu.memory_space<hbm>>) target(%dma_start3A_2081 : memref<128x64xf32, #tpu.memory_space<vmem>>) offsets(%dma_start3A_2084 : memref<128xi32, #tpu.memory_space<vmem>>) semaphore(%dma_start3A_2089 : memref<!tpu.dma_semaphore, #tpu.memory_space<semaphore_mem>>)
      } else {
      }
    }
    %scan3A_48 = arith.constant 100 : i32
    %add3A_49 = arith.constant 200 : i32
    %add3A_50 = arith.addi %mul3A_2, %add3A_49 : i32
    %sub3A = arith.constant 2 : i32
    %sub3A_51 = arith.subi %add3A_50, %sub3A : i32
    %jit3A = arith.constant 32 : i32
    %div3A = arith.divsi %sub3A_51, %jit3A : i32
    %sign3A = arith.constant 0 : i32
    %sign3A_52 = arith.cmpi sgt, %sub3A_51, %sign3A : i32
    %sign3A_53 = arith.extui %sign3A_52 : i1 to i32
    %sign3A_54 = arith.constant 0 : i32
    %sign3A_55 = arith.cmpi slt, %sub3A_51, %sign3A_54 : i32
    %sign3A_56 = arith.extui %sign3A_55 : i1 to i32
    %sign3A_57 = arith.subi %sign3A_53, %sign3A_56 : i32
    %sign3A_58 = arith.constant 0 : i32
    %sign3A_59 = arith.cmpi sgt, %jit3A, %sign3A_58 : i32
    %sign3A_60 = arith.extui %sign3A_59 : i1 to i32
    %sign3A_61 = arith.constant 0 : i32
    %sign3A_62 = arith.cmpi slt, %jit3A, %sign3A_61 : i32
    %sign3A_63 = arith.extui %sign3A_62 : i1 to i32
    %sign3A_64 = arith.subi %sign3A_60, %sign3A_63 : i32
    %ne3A = arith.cmpi ne, %sign3A_57, %sign3A_64 : i32
    %rem3A = arith.remsi %sub3A_51, %jit3A : i32
    %ne3A_65 = arith.constant 0 : i32
    %ne3A_66 = arith.cmpi ne, %rem3A, %ne3A_65 : i32
    %and3A = arith.andi %ne3A, %ne3A_66 : i1
    %sub3A_67 = arith.constant 1 : i32
    %sub3A_68 = arith.subi %div3A, %sub3A_67 : i32
    %select_n3A = arith.select %and3A, %sub3A_68, %div3A : i32
    %jit3A_69 = arith.constant 32 : i32
    %eq3A = arith.constant 0 : i32
    %eq3A_70 = arith.cmpi eq, %jit3A_69, %eq3A : i32
    %jit3A_71 = arith.constant 1 : i32
    %select_n3A_72 = arith.select %eq3A_70, %jit3A_71, %jit3A_69 : i32
    %rem3A_73 = arith.remsi %sub3A_51, %select_n3A_72 : i32
    %ne3A_74 = arith.constant 0 : i32
    %ne3A_75 = arith.cmpi ne, %rem3A_73, %ne3A_74 : i32
    %lt3A = arith.constant 0 : i32
    %lt3A_76 = arith.cmpi slt, %rem3A_73, %lt3A : i32
    %lt3A_77 = arith.constant 0 : i32
    %lt3A_78 = arith.cmpi slt, %select_n3A_72, %lt3A_77 : i32
    %ne3A_79 = arith.xori %lt3A_76, %lt3A_78 : i1
    %and3A_80 = arith.andi %ne3A_79, %ne3A_75 : i1
    %add3A_81 = arith.addi %rem3A_73, %select_n3A_72 : i32
    %select_n3A_82 = arith.select %and3A_80, %add3A_81, %rem3A_73 : i32
    %dma_wait3A = arith.constant 0 : i32
    %dma_wait3A_83 = arith.constant 0 : i32
    %dma_wait3A_84 = arith.constant 0 : i32
    %dma_wait3A_85 = arith.constant 0 : i32
    %dma_wait3A_86 = arith.constant 0 : i32
    %dma_wait3A_87 = tpu.memref_slice %arg7[%dma_wait3A, %dma_wait3A_85, %dma_wait3A_86] : memref<2x64x129xf32, #tpu.memory_space<vmem>> -> memref<1x8x128xf32, #tpu.memory_space<vmem>>
    %dma_wait3A_88 = tpu.memref_squeeze %dma_wait3A_87 : memref<1x8x128xf32, #tpu.memory_space<vmem>> -> memref<8x128xf32, #tpu.memory_space<vmem>>
    %dma_wait3A_89 = arith.constant 0 : i32
    %dma_wait3A_90 = arith.constant 0 : i32
    %dma_wait3A_91 = tpu.memref_slice %arg4[%select_n3A, %dma_wait3A_83, %select_n3A_82, %dma_wait3A_89, %dma_wait3A_90] : memref<200x8x32x8x128xf32, #tpu.memory_space<hbm>> -> memref<1x1x1x8x128xf32, #tpu.memory_space<hbm>>
    %dma_wait3A_92 = tpu.memref_squeeze %dma_wait3A_91 : memref<1x1x1x8x128xf32, #tpu.memory_space<hbm>> -> memref<8x128xf32, #tpu.memory_space<hbm>>
    %dma_wait3A_93 = tpu.memref_slice %arg9[%dma_wait3A_84] : memref<2x!tpu.dma_semaphore, #tpu.memory_space<semaphore_mem>> -> memref<1x!tpu.dma_semaphore, #tpu.memory_space<semaphore_mem>>
    %dma_wait3A_94 = tpu.memref_squeeze %dma_wait3A_93 : memref<1x!tpu.dma_semaphore, #tpu.memory_space<semaphore_mem>> -> memref<!tpu.dma_semaphore, #tpu.memory_space<semaphore_mem>>
    %dma_wait3A_95 = arith.constant 0 : i32
    %dma_wait3A_96 = arith.constant 0 : i32
    %dma_wait3A_97 = tpu.memref_slice %arg4[%select_n3A, %dma_wait3A_83, %select_n3A_82, %dma_wait3A_95, %dma_wait3A_96] : memref<200x8x32x8x128xf32, #tpu.memory_space<hbm>> -> memref<1x1x1x8x128xf32, #tpu.memory_space<hbm>>
    %dma_wait3A_98 = tpu.memref_squeeze %dma_wait3A_97 : memref<1x1x1x8x128xf32, #tpu.memory_space<hbm>> -> memref<8x128xf32, #tpu.memory_space<hbm>>
    %dma_wait3A_99 = arith.constant 0 : i32
    %dma_wait3A_100 = arith.constant 0 : i32
    %dma_wait3A_101 = tpu.memref_slice %arg7[%dma_wait3A, %dma_wait3A_99, %dma_wait3A_100] : memref<2x64x129xf32, #tpu.memory_space<vmem>> -> memref<1x8x128xf32, #tpu.memory_space<vmem>>
    %dma_wait3A_102 = tpu.memref_squeeze %dma_wait3A_101 : memref<1x8x128xf32, #tpu.memory_space<vmem>> -> memref<8x128xf32, #tpu.memory_space<vmem>>
    tpu.wait_dma2 semaphore(%dma_wait3A_94 : memref<!tpu.dma_semaphore, #tpu.memory_space<semaphore_mem>>) src(%dma_wait3A_102 : memref<8x128xf32, #tpu.memory_space<vmem>>) dst(%dma_wait3A_98 : memref<8x128xf32, #tpu.memory_space<hbm>>)
    %jit3A_103 = arith.constant 32 : i32
    %div3A_104 = arith.divsi %sub3A_51, %jit3A_103 : i32
    %sign3A_105 = arith.constant 0 : i32
    %sign3A_106 = arith.cmpi sgt, %sub3A_51, %sign3A_105 : i32
    %sign3A_107 = arith.extui %sign3A_106 : i1 to i32
    %sign3A_108 = arith.constant 0 : i32
    %sign3A_109 = arith.cmpi slt, %sub3A_51, %sign3A_108 : i32
    %sign3A_110 = arith.extui %sign3A_109 : i1 to i32
    %sign3A_111 = arith.subi %sign3A_107, %sign3A_110 : i32
    %sign3A_112 = arith.constant 0 : i32
    %sign3A_113 = arith.cmpi sgt, %jit3A_103, %sign3A_112 : i32
    %sign3A_114 = arith.extui %sign3A_113 : i1 to i32
    %sign3A_115 = arith.constant 0 : i32
    %sign3A_116 = arith.cmpi slt, %jit3A_103, %sign3A_115 : i32
    %sign3A_117 = arith.extui %sign3A_116 : i1 to i32
    %sign3A_118 = arith.subi %sign3A_114, %sign3A_117 : i32
    %ne3A_119 = arith.cmpi ne, %sign3A_111, %sign3A_118 : i32
    %rem3A_120 = arith.remsi %sub3A_51, %jit3A_103 : i32
    %ne3A_121 = arith.constant 0 : i32
    %ne3A_122 = arith.cmpi ne, %rem3A_120, %ne3A_121 : i32
    %and3A_123 = arith.andi %ne3A_119, %ne3A_122 : i1
    %sub3A_124 = arith.constant 1 : i32
    %sub3A_125 = arith.subi %div3A_104, %sub3A_124 : i32
    %select_n3A_126 = arith.select %and3A_123, %sub3A_125, %div3A_104 : i32
    %jit3A_127 = arith.constant 32 : i32
    %eq3A_128 = arith.constant 0 : i32
    %eq3A_129 = arith.cmpi eq, %jit3A_127, %eq3A_128 : i32
    %jit3A_130 = arith.constant 1 : i32
    %select_n3A_131 = arith.select %eq3A_129, %jit3A_130, %jit3A_127 : i32
    %rem3A_132 = arith.remsi %sub3A_51, %select_n3A_131 : i32
    %ne3A_133 = arith.constant 0 : i32
    %ne3A_134 = arith.cmpi ne, %rem3A_132, %ne3A_133 : i32
    %lt3A_135 = arith.constant 0 : i32
    %lt3A_136 = arith.cmpi slt, %rem3A_132, %lt3A_135 : i32
    %lt3A_137 = arith.constant 0 : i32
    %lt3A_138 = arith.cmpi slt, %select_n3A_131, %lt3A_137 : i32
    %ne3A_139 = arith.xori %lt3A_136, %lt3A_138 : i1
    %and3A_140 = arith.andi %ne3A_139, %ne3A_134 : i1
    %add3A_141 = arith.addi %rem3A_132, %select_n3A_131 : i32
    %select_n3A_142 = arith.select %and3A_140, %add3A_141, %rem3A_132 : i32
    %dma_wait3A_143 = arith.constant 0 : i32
    %dma_wait3A_144 = arith.constant 1 : i32
    %dma_wait3A_145 = arith.constant 0 : i32
    %dma_wait3A_146 = arith.constant 8 : i32
    %dma_wait3A_147 = arith.constant 0 : i32
    %dma_wait3A_148 = tpu.memref_slice %arg7[%dma_wait3A_143, %dma_wait3A_146, %dma_wait3A_147] : memref<2x64x129xf32, #tpu.memory_space<vmem>> -> memref<1x8x128xf32, #tpu.memory_space<vmem>>
    %dma_wait3A_149 = tpu.memref_squeeze %dma_wait3A_148 : memref<1x8x128xf32, #tpu.memory_space<vmem>> -> memref<8x128xf32, #tpu.memory_space<vmem>>
    %dma_wait3A_150 = arith.constant 0 : i32
    %dma_wait3A_151 = arith.constant 0 : i32
    %dma_wait3A_152 = tpu.memref_slice %arg4[%select_n3A_126, %dma_wait3A_144, %select_n3A_142, %dma_wait3A_150, %dma_wait3A_151] : memref<200x8x32x8x128xf32, #tpu.memory_space<hbm>> -> memref<1x1x1x8x128xf32, #tpu.memory_space<hbm>>
    %dma_wait3A_153 = tpu.memref_squeeze %dma_wait3A_152 : memref<1x1x1x8x128xf32, #tpu.memory_space<hbm>> -> memref<8x128xf32, #tpu.memory_space<hbm>>
    %dma_wait3A_154 = tpu.memref_slice %arg9[%dma_wait3A_145] : memref<2x!tpu.dma_semaphore, #tpu.memory_space<semaphore_mem>> -> memref<1x!tpu.dma_semaphore, #tpu.memory_space<semaphore_mem>>
    %dma_wait3A_155 = tpu.memref_squeeze %dma_wait3A_154 : memref<1x!tpu.dma_semaphore, #tpu.memory_space<semaphore_mem>> -> memref<!tpu.dma_semaphore, #tpu.memory_space<semaphore_mem>>
    %dma_wait3A_156 = arith.constant 0 : i32
    %dma_wait3A_157 = arith.constant 0 : i32
    %dma_wait3A_158 = tpu.memref_slice %arg4[%select_n3A_126, %dma_wait3A_144, %select_n3A_142, %dma_wait3A_156, %dma_wait3A_157] : memref<200x8x32x8x128xf32, #tpu.memory_space<hbm>> -> memref<1x1x1x8x128xf32, #tpu.memory_space<hbm>>
    %dma_wait3A_159 = tpu.memref_squeeze %dma_wait3A_158 : memref<1x1x1x8x128xf32, #tpu.memory_space<hbm>> -> memref<8x128xf32, #tpu.memory_space<hbm>>
    %dma_wait3A_160 = arith.constant 8 : i32
    %dma_wait3A_161 = arith.constant 0 : i32
    %dma_wait3A_162 = tpu.memref_slice %arg7[%dma_wait3A_143, %dma_wait3A_160, %dma_wait3A_161] : memref<2x64x129xf32, #tpu.memory_space<vmem>> -> memref<1x8x128xf32, #tpu.memory_space<vmem>>
    %dma_wait3A_163 = tpu.memref_squeeze %dma_wait3A_162 : memref<1x8x128xf32, #tpu.memory_space<vmem>> -> memref<8x128xf32, #tpu.memory_space<vmem>>
    tpu.wait_dma2 semaphore(%dma_wait3A_155 : memref<!tpu.dma_semaphore, #tpu.memory_space<semaphore_mem>>) src(%dma_wait3A_163 : memref<8x128xf32, #tpu.memory_space<vmem>>) dst(%dma_wait3A_159 : memref<8x128xf32, #tpu.memory_space<hbm>>)
    %jit3A_164 = arith.constant 32 : i32
    %div3A_165 = arith.divsi %sub3A_51, %jit3A_164 : i32
    %sign3A_166 = arith.constant 0 : i32
    %sign3A_167 = arith.cmpi sgt, %sub3A_51, %sign3A_166 : i32
    %sign3A_168 = arith.extui %sign3A_167 : i1 to i32
    %sign3A_169 = arith.constant 0 : i32
    %sign3A_170 = arith.cmpi slt, %sub3A_51, %sign3A_169 : i32
    %sign3A_171 = arith.extui %sign3A_170 : i1 to i32
    %sign3A_172 = arith.subi %sign3A_168, %sign3A_171 : i32
    %sign3A_173 = arith.constant 0 : i32
    %sign3A_174 = arith.cmpi sgt, %jit3A_164, %sign3A_173 : i32
    %sign3A_175 = arith.extui %sign3A_174 : i1 to i32
    %sign3A_176 = arith.constant 0 : i32
    %sign3A_177 = arith.cmpi slt, %jit3A_164, %sign3A_176 : i32
    %sign3A_178 = arith.extui %sign3A_177 : i1 to i32
    %sign3A_179 = arith.subi %sign3A_175, %sign3A_178 : i32
    %ne3A_180 = arith.cmpi ne, %sign3A_172, %sign3A_179 : i32
    %rem3A_181 = arith.remsi %sub3A_51, %jit3A_164 : i32
    %ne3A_182 = arith.constant 0 : i32
    %ne3A_183 = arith.cmpi ne, %rem3A_181, %ne3A_182 : i32
    %and3A_184 = arith.andi %ne3A_180, %ne3A_183 : i1
    %sub3A_185 = arith.constant 1 : i32
    %sub3A_186 = arith.subi %div3A_165, %sub3A_185 : i32
    %select_n3A_187 = arith.select %and3A_184, %sub3A_186, %div3A_165 : i32
    %jit3A_188 = arith.constant 32 : i32
    %eq3A_189 = arith.constant 0 : i32
    %eq3A_190 = arith.cmpi eq, %jit3A_188, %eq3A_189 : i32
    %jit3A_191 = arith.constant 1 : i32
    %select_n3A_192 = arith.select %eq3A_190, %jit3A_191, %jit3A_188 : i32
    %rem3A_193 = arith.remsi %sub3A_51, %select_n3A_192 : i32
    %ne3A_194 = arith.constant 0 : i32
    %ne3A_195 = arith.cmpi ne, %rem3A_193, %ne3A_194 : i32
    %lt3A_196 = arith.constant 0 : i32
    %lt3A_197 = arith.cmpi slt, %rem3A_193, %lt3A_196 : i32
    %lt3A_198 = arith.constant 0 : i32
    %lt3A_199 = arith.cmpi slt, %select_n3A_192, %lt3A_198 : i32
    %ne3A_200 = arith.xori %lt3A_197, %lt3A_199 : i1
    %and3A_201 = arith.andi %ne3A_200, %ne3A_195 : i1
    %add3A_202 = arith.addi %rem3A_193, %select_n3A_192 : i32
    %select_n3A_203 = arith.select %and3A_201, %add3A_202, %rem3A_193 : i32
    %dma_wait3A_204 = arith.constant 0 : i32
    %dma_wait3A_205 = arith.constant 2 : i32
    %dma_wait3A_206 = arith.constant 0 : i32
    %dma_wait3A_207 = arith.constant 16 : i32
    %dma_wait3A_208 = arith.constant 0 : i32
    %dma_wait3A_209 = tpu.memref_slice %arg7[%dma_wait3A_204, %dma_wait3A_207, %dma_wait3A_208] : memref<2x64x129xf32, #tpu.memory_space<vmem>> -> memref<1x8x128xf32, #tpu.memory_space<vmem>>
    %dma_wait3A_210 = tpu.memref_squeeze %dma_wait3A_209 : memref<1x8x128xf32, #tpu.memory_space<vmem>> -> memref<8x128xf32, #tpu.memory_space<vmem>>
    %dma_wait3A_211 = arith.constant 0 : i32
    %dma_wait3A_212 = arith.constant 0 : i32
    %dma_wait3A_213 = tpu.memref_slice %arg4[%select_n3A_187, %dma_wait3A_205, %select_n3A_203, %dma_wait3A_211, %dma_wait3A_212] : memref<200x8x32x8x128xf32, #tpu.memory_space<hbm>> -> memref<1x1x1x8x128xf32, #tpu.memory_space<hbm>>
    %dma_wait3A_214 = tpu.memref_squeeze %dma_wait3A_213 : memref<1x1x1x8x128xf32, #tpu.memory_space<hbm>> -> memref<8x128xf32, #tpu.memory_space<hbm>>
    %dma_wait3A_215 = tpu.memref_slice %arg9[%dma_wait3A_206] : memref<2x!tpu.dma_semaphore, #tpu.memory_space<semaphore_mem>> -> memref<1x!tpu.dma_semaphore, #tpu.memory_space<semaphore_mem>>
    %dma_wait3A_216 = tpu.memref_squeeze %dma_wait3A_215 : memref<1x!tpu.dma_semaphore, #tpu.memory_space<semaphore_mem>> -> memref<!tpu.dma_semaphore, #tpu.memory_space<semaphore_mem>>
    %dma_wait3A_217 = arith.constant 0 : i32
    %dma_wait3A_218 = arith.constant 0 : i32
    %dma_wait3A_219 = tpu.memref_slice %arg4[%select_n3A_187, %dma_wait3A_205, %select_n3A_203, %dma_wait3A_217, %dma_wait3A_218] : memref<200x8x32x8x128xf32, #tpu.memory_space<hbm>> -> memref<1x1x1x8x128xf32, #tpu.memory_space<hbm>>
    %dma_wait3A_220 = tpu.memref_squeeze %dma_wait3A_219 : memref<1x1x1x8x128xf32, #tpu.memory_space<hbm>> -> memref<8x128xf32, #tpu.memory_space<hbm>>
    %dma_wait3A_221 = arith.constant 16 : i32
    %dma_wait3A_222 = arith.constant 0 : i32
    %dma_wait3A_223 = tpu.memref_slice %arg7[%dma_wait3A_204, %dma_wait3A_221, %dma_wait3A_222] : memref<2x64x129xf32, #tpu.memory_space<vmem>> -> memref<1x8x128xf32, #tpu.memory_space<vmem>>
    %dma_wait3A_224 = tpu.memref_squeeze %dma_wait3A_223 : memref<1x8x128xf32, #tpu.memory_space<vmem>> -> memref<8x128xf32, #tpu.memory_space<vmem>>
    tpu.wait_dma2 semaphore(%dma_wait3A_216 : memref<!tpu.dma_semaphore, #tpu.memory_space<semaphore_mem>>) src(%dma_wait3A_224 : memref<8x128xf32, #tpu.memory_space<vmem>>) dst(%dma_wait3A_220 : memref<8x128xf32, #tpu.memory_space<hbm>>)
    %jit3A_225 = arith.constant 32 : i32
    %div3A_226 = arith.divsi %sub3A_51, %jit3A_225 : i32
    %sign3A_227 = arith.constant 0 : i32
    %sign3A_228 = arith.cmpi sgt, %sub3A_51, %sign3A_227 : i32
    %sign3A_229 = arith.extui %sign3A_228 : i1 to i32
    %sign3A_230 = arith.constant 0 : i32
    %sign3A_231 = arith.cmpi slt, %sub3A_51, %sign3A_230 : i32
    %sign3A_232 = arith.extui %sign3A_231 : i1 to i32
    %sign3A_233 = arith.subi %sign3A_229, %sign3A_232 : i32
    %sign3A_234 = arith.constant 0 : i32
    %sign3A_235 = arith.cmpi sgt, %jit3A_225, %sign3A_234 : i32
    %sign3A_236 = arith.extui %sign3A_235 : i1 to i32
    %sign3A_237 = arith.constant 0 : i32
    %sign3A_238 = arith.cmpi slt, %jit3A_225, %sign3A_237 : i32
    %sign3A_239 = arith.extui %sign3A_238 : i1 to i32
    %sign3A_240 = arith.subi %sign3A_236, %sign3A_239 : i32
    %ne3A_241 = arith.cmpi ne, %sign3A_233, %sign3A_240 : i32
    %rem3A_242 = arith.remsi %sub3A_51, %jit3A_225 : i32
    %ne3A_243 = arith.constant 0 : i32
    %ne3A_244 = arith.cmpi ne, %rem3A_242, %ne3A_243 : i32
    %and3A_245 = arith.andi %ne3A_241, %ne3A_244 : i1
    %sub3A_246 = arith.constant 1 : i32
    %sub3A_247 = arith.subi %div3A_226, %sub3A_246 : i32
    %select_n3A_248 = arith.select %and3A_245, %sub3A_247, %div3A_226 : i32
    %jit3A_249 = arith.constant 32 : i32
    %eq3A_250 = arith.constant 0 : i32
    %eq3A_251 = arith.cmpi eq, %jit3A_249, %eq3A_250 : i32
    %jit3A_252 = arith.constant 1 : i32
    %select_n3A_253 = arith.select %eq3A_251, %jit3A_252, %jit3A_249 : i32
    %rem3A_254 = arith.remsi %sub3A_51, %select_n3A_253 : i32
    %ne3A_255 = arith.constant 0 : i32
    %ne3A_256 = arith.cmpi ne, %rem3A_254, %ne3A_255 : i32
    %lt3A_257 = arith.constant 0 : i32
    %lt3A_258 = arith.cmpi slt, %rem3A_254, %lt3A_257 : i32
    %lt3A_259 = arith.constant 0 : i32
    %lt3A_260 = arith.cmpi slt, %select_n3A_253, %lt3A_259 : i32
    %ne3A_261 = arith.xori %lt3A_258, %lt3A_260 : i1
    %and3A_262 = arith.andi %ne3A_261, %ne3A_256 : i1
    %add3A_263 = arith.addi %rem3A_254, %select_n3A_253 : i32
    %select_n3A_264 = arith.select %and3A_262, %add3A_263, %rem3A_254 : i32
    %dma_wait3A_265 = arith.constant 0 : i32
    %dma_wait3A_266 = arith.constant 3 : i32
    %dma_wait3A_267 = arith.constant 0 : i32
    %dma_wait3A_268 = arith.constant 24 : i32
    %dma_wait3A_269 = arith.constant 0 : i32
    %dma_wait3A_270 = tpu.memref_slice %arg7[%dma_wait3A_265, %dma_wait3A_268, %dma_wait3A_269] : memref<2x64x129xf32, #tpu.memory_space<vmem>> -> memref<1x8x128xf32, #tpu.memory_space<vmem>>
    %dma_wait3A_271 = tpu.memref_squeeze %dma_wait3A_270 : memref<1x8x128xf32, #tpu.memory_space<vmem>> -> memref<8x128xf32, #tpu.memory_space<vmem>>
    %dma_wait3A_272 = arith.constant 0 : i32
    %dma_wait3A_273 = arith.constant 0 : i32
    %dma_wait3A_274 = tpu.memref_slice %arg4[%select_n3A_248, %dma_wait3A_266, %select_n3A_264, %dma_wait3A_272, %dma_wait3A_273] : memref<200x8x32x8x128xf32, #tpu.memory_space<hbm>> -> memref<1x1x1x8x128xf32, #tpu.memory_space<hbm>>
    %dma_wait3A_275 = tpu.memref_squeeze %dma_wait3A_274 : memref<1x1x1x8x128xf32, #tpu.memory_space<hbm>> -> memref<8x128xf32, #tpu.memory_space<hbm>>
    %dma_wait3A_276 = tpu.memref_slice %arg9[%dma_wait3A_267] : memref<2x!tpu.dma_semaphore, #tpu.memory_space<semaphore_mem>> -> memref<1x!tpu.dma_semaphore, #tpu.memory_space<semaphore_mem>>
    %dma_wait3A_277 = tpu.memref_squeeze %dma_wait3A_276 : memref<1x!tpu.dma_semaphore, #tpu.memory_space<semaphore_mem>> -> memref<!tpu.dma_semaphore, #tpu.memory_space<semaphore_mem>>
    %dma_wait3A_278 = arith.constant 0 : i32
    %dma_wait3A_279 = arith.constant 0 : i32
    %dma_wait3A_280 = tpu.memref_slice %arg4[%select_n3A_248, %dma_wait3A_266, %select_n3A_264, %dma_wait3A_278, %dma_wait3A_279] : memref<200x8x32x8x128xf32, #tpu.memory_space<hbm>> -> memref<1x1x1x8x128xf32, #tpu.memory_space<hbm>>
    %dma_wait3A_281 = tpu.memref_squeeze %dma_wait3A_280 : memref<1x1x1x8x128xf32, #tpu.memory_space<hbm>> -> memref<8x128xf32, #tpu.memory_space<hbm>>
    %dma_wait3A_282 = arith.constant 24 : i32
    %dma_wait3A_283 = arith.constant 0 : i32
    %dma_wait3A_284 = tpu.memref_slice %arg7[%dma_wait3A_265, %dma_wait3A_282, %dma_wait3A_283] : memref<2x64x129xf32, #tpu.memory_space<vmem>> -> memref<1x8x128xf32, #tpu.memory_space<vmem>>
    %dma_wait3A_285 = tpu.memref_squeeze %dma_wait3A_284 : memref<1x8x128xf32, #tpu.memory_space<vmem>> -> memref<8x128xf32, #tpu.memory_space<vmem>>
    tpu.wait_dma2 semaphore(%dma_wait3A_277 : memref<!tpu.dma_semaphore, #tpu.memory_space<semaphore_mem>>) src(%dma_wait3A_285 : memref<8x128xf32, #tpu.memory_space<vmem>>) dst(%dma_wait3A_281 : memref<8x128xf32, #tpu.memory_space<hbm>>)
    %jit3A_286 = arith.constant 32 : i32
    %div3A_287 = arith.divsi %sub3A_51, %jit3A_286 : i32
    %sign3A_288 = arith.constant 0 : i32
    %sign3A_289 = arith.cmpi sgt, %sub3A_51, %sign3A_288 : i32
    %sign3A_290 = arith.extui %sign3A_289 : i1 to i32
    %sign3A_291 = arith.constant 0 : i32
    %sign3A_292 = arith.cmpi slt, %sub3A_51, %sign3A_291 : i32
    %sign3A_293 = arith.extui %sign3A_292 : i1 to i32
    %sign3A_294 = arith.subi %sign3A_290, %sign3A_293 : i32
    %sign3A_295 = arith.constant 0 : i32
    %sign3A_296 = arith.cmpi sgt, %jit3A_286, %sign3A_295 : i32
    %sign3A_297 = arith.extui %sign3A_296 : i1 to i32
    %sign3A_298 = arith.constant 0 : i32
    %sign3A_299 = arith.cmpi slt, %jit3A_286, %sign3A_298 : i32
    %sign3A_300 = arith.extui %sign3A_299 : i1 to i32
    %sign3A_301 = arith.subi %sign3A_297, %sign3A_300 : i32
    %ne3A_302 = arith.cmpi ne, %sign3A_294, %sign3A_301 : i32
    %rem3A_303 = arith.remsi %sub3A_51, %jit3A_286 : i32
    %ne3A_304 = arith.constant 0 : i32
    %ne3A_305 = arith.cmpi ne, %rem3A_303, %ne3A_304 : i32
    %and3A_306 = arith.andi %ne3A_302, %ne3A_305 : i1
    %sub3A_307 = arith.constant 1 : i32
    %sub3A_308 = arith.subi %div3A_287, %sub3A_307 : i32
    %select_n3A_309 = arith.select %and3A_306, %sub3A_308, %div3A_287 : i32
    %jit3A_310 = arith.constant 32 : i32
    %eq3A_311 = arith.constant 0 : i32
    %eq3A_312 = arith.cmpi eq, %jit3A_310, %eq3A_311 : i32
    %jit3A_313 = arith.constant 1 : i32
    %select_n3A_314 = arith.select %eq3A_312, %jit3A_313, %jit3A_310 : i32
    %rem3A_315 = arith.remsi %sub3A_51, %select_n3A_314 : i32
    %ne3A_316 = arith.constant 0 : i32
    %ne3A_317 = arith.cmpi ne, %rem3A_315, %ne3A_316 : i32
    %lt3A_318 = arith.constant 0 : i32
    %lt3A_319 = arith.cmpi slt, %rem3A_315, %lt3A_318 : i32
    %lt3A_320 = arith.constant 0 : i32
    %lt3A_321 = arith.cmpi slt, %select_n3A_314, %lt3A_320 : i32
    %ne3A_322 = arith.xori %lt3A_319, %lt3A_321 : i1
    %and3A_323 = arith.andi %ne3A_322, %ne3A_317 : i1
    %add3A_324 = arith.addi %rem3A_315, %select_n3A_314 : i32
    %select_n3A_325 = arith.select %and3A_323, %add3A_324, %rem3A_315 : i32
    %dma_wait3A_326 = arith.constant 0 : i32
    %dma_wait3A_327 = arith.constant 4 : i32
    %dma_wait3A_328 = arith.constant 0 : i32
    %dma_wait3A_329 = arith.constant 32 : i32
    %dma_wait3A_330 = arith.constant 0 : i32
    %dma_wait3A_331 = tpu.memref_slice %arg7[%dma_wait3A_326, %dma_wait3A_329, %dma_wait3A_330] : memref<2x64x129xf32, #tpu.memory_space<vmem>> -> memref<1x8x128xf32, #tpu.memory_space<vmem>>
    %dma_wait3A_332 = tpu.memref_squeeze %dma_wait3A_331 : memref<1x8x128xf32, #tpu.memory_space<vmem>> -> memref<8x128xf32, #tpu.memory_space<vmem>>
    %dma_wait3A_333 = arith.constant 0 : i32
    %dma_wait3A_334 = arith.constant 0 : i32
    %dma_wait3A_335 = tpu.memref_slice %arg4[%select_n3A_309, %dma_wait3A_327, %select_n3A_325, %dma_wait3A_333, %dma_wait3A_334] : memref<200x8x32x8x128xf32, #tpu.memory_space<hbm>> -> memref<1x1x1x8x128xf32, #tpu.memory_space<hbm>>
    %dma_wait3A_336 = tpu.memref_squeeze %dma_wait3A_335 : memref<1x1x1x8x128xf32, #tpu.memory_space<hbm>> -> memref<8x128xf32, #tpu.memory_space<hbm>>
    %dma_wait3A_337 = tpu.memref_slice %arg9[%dma_wait3A_328] : memref<2x!tpu.dma_semaphore, #tpu.memory_space<semaphore_mem>> -> memref<1x!tpu.dma_semaphore, #tpu.memory_space<semaphore_mem>>
    %dma_wait3A_338 = tpu.memref_squeeze %dma_wait3A_337 : memref<1x!tpu.dma_semaphore, #tpu.memory_space<semaphore_mem>> -> memref<!tpu.dma_semaphore, #tpu.memory_space<semaphore_mem>>
    %dma_wait3A_339 = arith.constant 0 : i32
    %dma_wait3A_340 = arith.constant 0 : i32
    %dma_wait3A_341 = tpu.memref_slice %arg4[%select_n3A_309, %dma_wait3A_327, %select_n3A_325, %dma_wait3A_339, %dma_wait3A_340] : memref<200x8x32x8x128xf32, #tpu.memory_space<hbm>> -> memref<1x1x1x8x128xf32, #tpu.memory_space<hbm>>
    %dma_wait3A_342 = tpu.memref_squeeze %dma_wait3A_341 : memref<1x1x1x8x128xf32, #tpu.memory_space<hbm>> -> memref<8x128xf32, #tpu.memory_space<hbm>>
    %dma_wait3A_343 = arith.constant 32 : i32
    %dma_wait3A_344 = arith.constant 0 : i32
    %dma_wait3A_345 = tpu.memref_slice %arg7[%dma_wait3A_326, %dma_wait3A_343, %dma_wait3A_344] : memref<2x64x129xf32, #tpu.memory_space<vmem>> -> memref<1x8x128xf32, #tpu.memory_space<vmem>>
    %dma_wait3A_346 = tpu.memref_squeeze %dma_wait3A_345 : memref<1x8x128xf32, #tpu.memory_space<vmem>> -> memref<8x128xf32, #tpu.memory_space<vmem>>
    tpu.wait_dma2 semaphore(%dma_wait3A_338 : memref<!tpu.dma_semaphore, #tpu.memory_space<semaphore_mem>>) src(%dma_wait3A_346 : memref<8x128xf32, #tpu.memory_space<vmem>>) dst(%dma_wait3A_342 : memref<8x128xf32, #tpu.memory_space<hbm>>)
    %jit3A_347 = arith.constant 32 : i32
    %div3A_348 = arith.divsi %sub3A_51, %jit3A_347 : i32
    %sign3A_349 = arith.constant 0 : i32
    %sign3A_350 = arith.cmpi sgt, %sub3A_51, %sign3A_349 : i32
    %sign3A_351 = arith.extui %sign3A_350 : i1 to i32
    %sign3A_352 = arith.constant 0 : i32
    %sign3A_353 = arith.cmpi slt, %sub3A_51, %sign3A_352 : i32
    %sign3A_354 = arith.extui %sign3A_353 : i1 to i32
    %sign3A_355 = arith.subi %sign3A_351, %sign3A_354 : i32
    %sign3A_356 = arith.constant 0 : i32
    %sign3A_357 = arith.cmpi sgt, %jit3A_347, %sign3A_356 : i32
    %sign3A_358 = arith.extui %sign3A_357 : i1 to i32
    %sign3A_359 = arith.constant 0 : i32
    %sign3A_360 = arith.cmpi slt, %jit3A_347, %sign3A_359 : i32
    %sign3A_361 = arith.extui %sign3A_360 : i1 to i32
    %sign3A_362 = arith.subi %sign3A_358, %sign3A_361 : i32
    %ne3A_363 = arith.cmpi ne, %sign3A_355, %sign3A_362 : i32
    %rem3A_364 = arith.remsi %sub3A_51, %jit3A_347 : i32
    %ne3A_365 = arith.constant 0 : i32
    %ne3A_366 = arith.cmpi ne, %rem3A_364, %ne3A_365 : i32
    %and3A_367 = arith.andi %ne3A_363, %ne3A_366 : i1
    %sub3A_368 = arith.constant 1 : i32
    %sub3A_369 = arith.subi %div3A_348, %sub3A_368 : i32
    %select_n3A_370 = arith.select %and3A_367, %sub3A_369, %div3A_348 : i32
    %jit3A_371 = arith.constant 32 : i32
    %eq3A_372 = arith.constant 0 : i32
    %eq3A_373 = arith.cmpi eq, %jit3A_371, %eq3A_372 : i32
    %jit3A_374 = arith.constant 1 : i32
    %select_n3A_375 = arith.select %eq3A_373, %jit3A_374, %jit3A_371 : i32
    %rem3A_376 = arith.remsi %sub3A_51, %select_n3A_375 : i32
    %ne3A_377 = arith.constant 0 : i32
    %ne3A_378 = arith.cmpi ne, %rem3A_376, %ne3A_377 : i32
    %lt3A_379 = arith.constant 0 : i32
    %lt3A_380 = arith.cmpi slt, %rem3A_376, %lt3A_379 : i32
    %lt3A_381 = arith.constant 0 : i32
    %lt3A_382 = arith.cmpi slt, %select_n3A_375, %lt3A_381 : i32
    %ne3A_383 = arith.xori %lt3A_380, %lt3A_382 : i1
    %and3A_384 = arith.andi %ne3A_383, %ne3A_378 : i1
    %add3A_385 = arith.addi %rem3A_376, %select_n3A_375 : i32
    %select_n3A_386 = arith.select %and3A_384, %add3A_385, %rem3A_376 : i32
    %dma_wait3A_387 = arith.constant 0 : i32
    %dma_wait3A_388 = arith.constant 5 : i32
    %dma_wait3A_389 = arith.constant 0 : i32
    %dma_wait3A_390 = arith.constant 40 : i32
    %dma_wait3A_391 = arith.constant 0 : i32
    %dma_wait3A_392 = tpu.memref_slice %arg7[%dma_wait3A_387, %dma_wait3A_390, %dma_wait3A_391] : memref<2x64x129xf32, #tpu.memory_space<vmem>> -> memref<1x8x128xf32, #tpu.memory_space<vmem>>
    %dma_wait3A_393 = tpu.memref_squeeze %dma_wait3A_392 : memref<1x8x128xf32, #tpu.memory_space<vmem>> -> memref<8x128xf32, #tpu.memory_space<vmem>>
    %dma_wait3A_394 = arith.constant 0 : i32
    %dma_wait3A_395 = arith.constant 0 : i32
    %dma_wait3A_396 = tpu.memref_slice %arg4[%select_n3A_370, %dma_wait3A_388, %select_n3A_386, %dma_wait3A_394, %dma_wait3A_395] : memref<200x8x32x8x128xf32, #tpu.memory_space<hbm>> -> memref<1x1x1x8x128xf32, #tpu.memory_space<hbm>>
    %dma_wait3A_397 = tpu.memref_squeeze %dma_wait3A_396 : memref<1x1x1x8x128xf32, #tpu.memory_space<hbm>> -> memref<8x128xf32, #tpu.memory_space<hbm>>
    %dma_wait3A_398 = tpu.memref_slice %arg9[%dma_wait3A_389] : memref<2x!tpu.dma_semaphore, #tpu.memory_space<semaphore_mem>> -> memref<1x!tpu.dma_semaphore, #tpu.memory_space<semaphore_mem>>
    %dma_wait3A_399 = tpu.memref_squeeze %dma_wait3A_398 : memref<1x!tpu.dma_semaphore, #tpu.memory_space<semaphore_mem>> -> memref<!tpu.dma_semaphore, #tpu.memory_space<semaphore_mem>>
    %dma_wait3A_400 = arith.constant 0 : i32
    %dma_wait3A_401 = arith.constant 0 : i32
    %dma_wait3A_402 = tpu.memref_slice %arg4[%select_n3A_370, %dma_wait3A_388, %select_n3A_386, %dma_wait3A_400, %dma_wait3A_401] : memref<200x8x32x8x128xf32, #tpu.memory_space<hbm>> -> memref<1x1x1x8x128xf32, #tpu.memory_space<hbm>>
    %dma_wait3A_403 = tpu.memref_squeeze %dma_wait3A_402 : memref<1x1x1x8x128xf32, #tpu.memory_space<hbm>> -> memref<8x128xf32, #tpu.memory_space<hbm>>
    %dma_wait3A_404 = arith.constant 40 : i32
    %dma_wait3A_405 = arith.constant 0 : i32
    %dma_wait3A_406 = tpu.memref_slice %arg7[%dma_wait3A_387, %dma_wait3A_404, %dma_wait3A_405] : memref<2x64x129xf32, #tpu.memory_space<vmem>> -> memref<1x8x128xf32, #tpu.memory_space<vmem>>
    %dma_wait3A_407 = tpu.memref_squeeze %dma_wait3A_406 : memref<1x8x128xf32, #tpu.memory_space<vmem>> -> memref<8x128xf32, #tpu.memory_space<vmem>>
    tpu.wait_dma2 semaphore(%dma_wait3A_399 : memref<!tpu.dma_semaphore, #tpu.memory_space<semaphore_mem>>) src(%dma_wait3A_407 : memref<8x128xf32, #tpu.memory_space<vmem>>) dst(%dma_wait3A_403 : memref<8x128xf32, #tpu.memory_space<hbm>>)
    %jit3A_408 = arith.constant 32 : i32
    %div3A_409 = arith.divsi %sub3A_51, %jit3A_408 : i32
    %sign3A_410 = arith.constant 0 : i32
    %sign3A_411 = arith.cmpi sgt, %sub3A_51, %sign3A_410 : i32
    %sign3A_412 = arith.extui %sign3A_411 : i1 to i32
    %sign3A_413 = arith.constant 0 : i32
    %sign3A_414 = arith.cmpi slt, %sub3A_51, %sign3A_413 : i32
    %sign3A_415 = arith.extui %sign3A_414 : i1 to i32
    %sign3A_416 = arith.subi %sign3A_412, %sign3A_415 : i32
    %sign3A_417 = arith.constant 0 : i32
    %sign3A_418 = arith.cmpi sgt, %jit3A_408, %sign3A_417 : i32
    %sign3A_419 = arith.extui %sign3A_418 : i1 to i32
    %sign3A_420 = arith.constant 0 : i32
    %sign3A_421 = arith.cmpi slt, %jit3A_408, %sign3A_420 : i32
    %sign3A_422 = arith.extui %sign3A_421 : i1 to i32
    %sign3A_423 = arith.subi %sign3A_419, %sign3A_422 : i32
    %ne3A_424 = arith.cmpi ne, %sign3A_416, %sign3A_423 : i32
    %rem3A_425 = arith.remsi %sub3A_51, %jit3A_408 : i32
    %ne3A_426 = arith.constant 0 : i32
    %ne3A_427 = arith.cmpi ne, %rem3A_425, %ne3A_426 : i32
    %and3A_428 = arith.andi %ne3A_424, %ne3A_427 : i1
    %sub3A_429 = arith.constant 1 : i32
    %sub3A_430 = arith.subi %div3A_409, %sub3A_429 : i32
    %select_n3A_431 = arith.select %and3A_428, %sub3A_430, %div3A_409 : i32
    %jit3A_432 = arith.constant 32 : i32
    %eq3A_433 = arith.constant 0 : i32
    %eq3A_434 = arith.cmpi eq, %jit3A_432, %eq3A_433 : i32
    %jit3A_435 = arith.constant 1 : i32
    %select_n3A_436 = arith.select %eq3A_434, %jit3A_435, %jit3A_432 : i32
    %rem3A_437 = arith.remsi %sub3A_51, %select_n3A_436 : i32
    %ne3A_438 = arith.constant 0 : i32
    %ne3A_439 = arith.cmpi ne, %rem3A_437, %ne3A_438 : i32
    %lt3A_440 = arith.constant 0 : i32
    %lt3A_441 = arith.cmpi slt, %rem3A_437, %lt3A_440 : i32
    %lt3A_442 = arith.constant 0 : i32
    %lt3A_443 = arith.cmpi slt, %select_n3A_436, %lt3A_442 : i32
    %ne3A_444 = arith.xori %lt3A_441, %lt3A_443 : i1
    %and3A_445 = arith.andi %ne3A_444, %ne3A_439 : i1
    %add3A_446 = arith.addi %rem3A_437, %select_n3A_436 : i32
    %select_n3A_447 = arith.select %and3A_445, %add3A_446, %rem3A_437 : i32
    %dma_wait3A_448 = arith.constant 0 : i32
    %dma_wait3A_449 = arith.constant 6 : i32
    %dma_wait3A_450 = arith.constant 0 : i32
    %dma_wait3A_451 = arith.constant 48 : i32
    %dma_wait3A_452 = arith.constant 0 : i32
    %dma_wait3A_453 = tpu.memref_slice %arg7[%dma_wait3A_448, %dma_wait3A_451, %dma_wait3A_452] : memref<2x64x129xf32, #tpu.memory_space<vmem>> -> memref<1x8x128xf32, #tpu.memory_space<vmem>>
    %dma_wait3A_454 = tpu.memref_squeeze %dma_wait3A_453 : memref<1x8x128xf32, #tpu.memory_space<vmem>> -> memref<8x128xf32, #tpu.memory_space<vmem>>
    %dma_wait3A_455 = arith.constant 0 : i32
    %dma_wait3A_456 = arith.constant 0 : i32
    %dma_wait3A_457 = tpu.memref_slice %arg4[%select_n3A_431, %dma_wait3A_449, %select_n3A_447, %dma_wait3A_455, %dma_wait3A_456] : memref<200x8x32x8x128xf32, #tpu.memory_space<hbm>> -> memref<1x1x1x8x128xf32, #tpu.memory_space<hbm>>
    %dma_wait3A_458 = tpu.memref_squeeze %dma_wait3A_457 : memref<1x1x1x8x128xf32, #tpu.memory_space<hbm>> -> memref<8x128xf32, #tpu.memory_space<hbm>>
    %dma_wait3A_459 = tpu.memref_slice %arg9[%dma_wait3A_450] : memref<2x!tpu.dma_semaphore, #tpu.memory_space<semaphore_mem>> -> memref<1x!tpu.dma_semaphore, #tpu.memory_space<semaphore_mem>>
    %dma_wait3A_460 = tpu.memref_squeeze %dma_wait3A_459 : memref<1x!tpu.dma_semaphore, #tpu.memory_space<semaphore_mem>> -> memref<!tpu.dma_semaphore, #tpu.memory_space<semaphore_mem>>
    %dma_wait3A_461 = arith.constant 0 : i32
    %dma_wait3A_462 = arith.constant 0 : i32
    %dma_wait3A_463 = tpu.memref_slice %arg4[%select_n3A_431, %dma_wait3A_449, %select_n3A_447, %dma_wait3A_461, %dma_wait3A_462] : memref<200x8x32x8x128xf32, #tpu.memory_space<hbm>> -> memref<1x1x1x8x128xf32, #tpu.memory_space<hbm>>
    %dma_wait3A_464 = tpu.memref_squeeze %dma_wait3A_463 : memref<1x1x1x8x128xf32, #tpu.memory_space<hbm>> -> memref<8x128xf32, #tpu.memory_space<hbm>>
    %dma_wait3A_465 = arith.constant 48 : i32
    %dma_wait3A_466 = arith.constant 0 : i32
    %dma_wait3A_467 = tpu.memref_slice %arg7[%dma_wait3A_448, %dma_wait3A_465, %dma_wait3A_466] : memref<2x64x129xf32, #tpu.memory_space<vmem>> -> memref<1x8x128xf32, #tpu.memory_space<vmem>>
    %dma_wait3A_468 = tpu.memref_squeeze %dma_wait3A_467 : memref<1x8x128xf32, #tpu.memory_space<vmem>> -> memref<8x128xf32, #tpu.memory_space<vmem>>
    tpu.wait_dma2 semaphore(%dma_wait3A_460 : memref<!tpu.dma_semaphore, #tpu.memory_space<semaphore_mem>>) src(%dma_wait3A_468 : memref<8x128xf32, #tpu.memory_space<vmem>>) dst(%dma_wait3A_464 : memref<8x128xf32, #tpu.memory_space<hbm>>)
    %jit3A_469 = arith.constant 32 : i32
    %div3A_470 = arith.divsi %sub3A_51, %jit3A_469 : i32
    %sign3A_471 = arith.constant 0 : i32
    %sign3A_472 = arith.cmpi sgt, %sub3A_51, %sign3A_471 : i32
    %sign3A_473 = arith.extui %sign3A_472 : i1 to i32
    %sign3A_474 = arith.constant 0 : i32
    %sign3A_475 = arith.cmpi slt, %sub3A_51, %sign3A_474 : i32
    %sign3A_476 = arith.extui %sign3A_475 : i1 to i32
    %sign3A_477 = arith.subi %sign3A_473, %sign3A_476 : i32
    %sign3A_478 = arith.constant 0 : i32
    %sign3A_479 = arith.cmpi sgt, %jit3A_469, %sign3A_478 : i32
    %sign3A_480 = arith.extui %sign3A_479 : i1 to i32
    %sign3A_481 = arith.constant 0 : i32
    %sign3A_482 = arith.cmpi slt, %jit3A_469, %sign3A_481 : i32
    %sign3A_483 = arith.extui %sign3A_482 : i1 to i32
    %sign3A_484 = arith.subi %sign3A_480, %sign3A_483 : i32
    %ne3A_485 = arith.cmpi ne, %sign3A_477, %sign3A_484 : i32
    %rem3A_486 = arith.remsi %sub3A_51, %jit3A_469 : i32
    %ne3A_487 = arith.constant 0 : i32
    %ne3A_488 = arith.cmpi ne, %rem3A_486, %ne3A_487 : i32
    %and3A_489 = arith.andi %ne3A_485, %ne3A_488 : i1
    %sub3A_490 = arith.constant 1 : i32
    %sub3A_491 = arith.subi %div3A_470, %sub3A_490 : i32
    %select_n3A_492 = arith.select %and3A_489, %sub3A_491, %div3A_470 : i32
    %jit3A_493 = arith.constant 32 : i32
    %eq3A_494 = arith.constant 0 : i32
    %eq3A_495 = arith.cmpi eq, %jit3A_493, %eq3A_494 : i32
    %jit3A_496 = arith.constant 1 : i32
    %select_n3A_497 = arith.select %eq3A_495, %jit3A_496, %jit3A_493 : i32
    %rem3A_498 = arith.remsi %sub3A_51, %select_n3A_497 : i32
    %ne3A_499 = arith.constant 0 : i32
    %ne3A_500 = arith.cmpi ne, %rem3A_498, %ne3A_499 : i32
    %lt3A_501 = arith.constant 0 : i32
    %lt3A_502 = arith.cmpi slt, %rem3A_498, %lt3A_501 : i32
    %lt3A_503 = arith.constant 0 : i32
    %lt3A_504 = arith.cmpi slt, %select_n3A_497, %lt3A_503 : i32
    %ne3A_505 = arith.xori %lt3A_502, %lt3A_504 : i1
    %and3A_506 = arith.andi %ne3A_505, %ne3A_500 : i1
    %add3A_507 = arith.addi %rem3A_498, %select_n3A_497 : i32
    %select_n3A_508 = arith.select %and3A_506, %add3A_507, %rem3A_498 : i32
    %dma_wait3A_509 = arith.constant 0 : i32
    %dma_wait3A_510 = arith.constant 7 : i32
    %dma_wait3A_511 = arith.constant 0 : i32
    %dma_wait3A_512 = arith.constant 56 : i32
    %dma_wait3A_513 = arith.constant 0 : i32
    %dma_wait3A_514 = tpu.memref_slice %arg7[%dma_wait3A_509, %dma_wait3A_512, %dma_wait3A_513] : memref<2x64x129xf32, #tpu.memory_space<vmem>> -> memref<1x8x128xf32, #tpu.memory_space<vmem>>
    %dma_wait3A_515 = tpu.memref_squeeze %dma_wait3A_514 : memref<1x8x128xf32, #tpu.memory_space<vmem>> -> memref<8x128xf32, #tpu.memory_space<vmem>>
    %dma_wait3A_516 = arith.constant 0 : i32
    %dma_wait3A_517 = arith.constant 0 : i32
    %dma_wait3A_518 = tpu.memref_slice %arg4[%select_n3A_492, %dma_wait3A_510, %select_n3A_508, %dma_wait3A_516, %dma_wait3A_517] : memref<200x8x32x8x128xf32, #tpu.memory_space<hbm>> -> memref<1x1x1x8x128xf32, #tpu.memory_space<hbm>>
    %dma_wait3A_519 = tpu.memref_squeeze %dma_wait3A_518 : memref<1x1x1x8x128xf32, #tpu.memory_space<hbm>> -> memref<8x128xf32, #tpu.memory_space<hbm>>
    %dma_wait3A_520 = tpu.memref_slice %arg9[%dma_wait3A_511] : memref<2x!tpu.dma_semaphore, #tpu.memory_space<semaphore_mem>> -> memref<1x!tpu.dma_semaphore, #tpu.memory_space<semaphore_mem>>
    %dma_wait3A_521 = tpu.memref_squeeze %dma_wait3A_520 : memref<1x!tpu.dma_semaphore, #tpu.memory_space<semaphore_mem>> -> memref<!tpu.dma_semaphore, #tpu.memory_space<semaphore_mem>>
    %dma_wait3A_522 = arith.constant 0 : i32
    %dma_wait3A_523 = arith.constant 0 : i32
    %dma_wait3A_524 = tpu.memref_slice %arg4[%select_n3A_492, %dma_wait3A_510, %select_n3A_508, %dma_wait3A_522, %dma_wait3A_523] : memref<200x8x32x8x128xf32, #tpu.memory_space<hbm>> -> memref<1x1x1x8x128xf32, #tpu.memory_space<hbm>>
    %dma_wait3A_525 = tpu.memref_squeeze %dma_wait3A_524 : memref<1x1x1x8x128xf32, #tpu.memory_space<hbm>> -> memref<8x128xf32, #tpu.memory_space<hbm>>
    %dma_wait3A_526 = arith.constant 56 : i32
    %dma_wait3A_527 = arith.constant 0 : i32
    %dma_wait3A_528 = tpu.memref_slice %arg7[%dma_wait3A_509, %dma_wait3A_526, %dma_wait3A_527] : memref<2x64x129xf32, #tpu.memory_space<vmem>> -> memref<1x8x128xf32, #tpu.memory_space<vmem>>
    %dma_wait3A_529 = tpu.memref_squeeze %dma_wait3A_528 : memref<1x8x128xf32, #tpu.memory_space<vmem>> -> memref<8x128xf32, #tpu.memory_space<vmem>>
    tpu.wait_dma2 semaphore(%dma_wait3A_521 : memref<!tpu.dma_semaphore, #tpu.memory_space<semaphore_mem>>) src(%dma_wait3A_529 : memref<8x128xf32, #tpu.memory_space<vmem>>) dst(%dma_wait3A_525 : memref<8x128xf32, #tpu.memory_space<hbm>>)
    %add3A_530 = arith.constant 200 : i32
    %add3A_531 = arith.addi %mul3A_2, %add3A_530 : i32
    %sub3A_532 = arith.constant 1 : i32
    %sub3A_533 = arith.subi %add3A_531, %sub3A_532 : i32
    %jit3A_534 = arith.constant 32 : i32
    %div3A_535 = arith.divsi %sub3A_533, %jit3A_534 : i32
    %sign3A_536 = arith.constant 0 : i32
    %sign3A_537 = arith.cmpi sgt, %sub3A_533, %sign3A_536 : i32
    %sign3A_538 = arith.extui %sign3A_537 : i1 to i32
    %sign3A_539 = arith.constant 0 : i32
    %sign3A_540 = arith.cmpi slt, %sub3A_533, %sign3A_539 : i32
    %sign3A_541 = arith.extui %sign3A_540 : i1 to i32
    %sign3A_542 = arith.subi %sign3A_538, %sign3A_541 : i32
    %sign3A_543 = arith.constant 0 : i32
    %sign3A_544 = arith.cmpi sgt, %jit3A_534, %sign3A_543 : i32
    %sign3A_545 = arith.extui %sign3A_544 : i1 to i32
    %sign3A_546 = arith.constant 0 : i32
    %sign3A_547 = arith.cmpi slt, %jit3A_534, %sign3A_546 : i32
    %sign3A_548 = arith.extui %sign3A_547 : i1 to i32
    %sign3A_549 = arith.subi %sign3A_545, %sign3A_548 : i32
    %ne3A_550 = arith.cmpi ne, %sign3A_542, %sign3A_549 : i32
    %rem3A_551 = arith.remsi %sub3A_533, %jit3A_534 : i32
    %ne3A_552 = arith.constant 0 : i32
    %ne3A_553 = arith.cmpi ne, %rem3A_551, %ne3A_552 : i32
    %and3A_554 = arith.andi %ne3A_550, %ne3A_553 : i1
    %sub3A_555 = arith.constant 1 : i32
    %sub3A_556 = arith.subi %div3A_535, %sub3A_555 : i32
    %select_n3A_557 = arith.select %and3A_554, %sub3A_556, %div3A_535 : i32
    %jit3A_558 = arith.constant 32 : i32
    %eq3A_559 = arith.constant 0 : i32
    %eq3A_560 = arith.cmpi eq, %jit3A_558, %eq3A_559 : i32
    %jit3A_561 = arith.constant 1 : i32
    %select_n3A_562 = arith.select %eq3A_560, %jit3A_561, %jit3A_558 : i32
    %rem3A_563 = arith.remsi %sub3A_533, %select_n3A_562 : i32
    %ne3A_564 = arith.constant 0 : i32
    %ne3A_565 = arith.cmpi ne, %rem3A_563, %ne3A_564 : i32
    %lt3A_566 = arith.constant 0 : i32
    %lt3A_567 = arith.cmpi slt, %rem3A_563, %lt3A_566 : i32
    %lt3A_568 = arith.constant 0 : i32
    %lt3A_569 = arith.cmpi slt, %select_n3A_562, %lt3A_568 : i32
    %ne3A_570 = arith.xori %lt3A_567, %lt3A_569 : i1
    %and3A_571 = arith.andi %ne3A_570, %ne3A_565 : i1
    %add3A_572 = arith.addi %rem3A_563, %select_n3A_562 : i32
    %select_n3A_573 = arith.select %and3A_571, %add3A_572, %rem3A_563 : i32
    %dma_wait3A_574 = arith.constant 1 : i32
    %dma_wait3A_575 = arith.constant 0 : i32
    %dma_wait3A_576 = arith.constant 1 : i32
    %dma_wait3A_577 = arith.constant 0 : i32
    %dma_wait3A_578 = arith.constant 0 : i32
    %dma_wait3A_579 = tpu.memref_slice %arg7[%dma_wait3A_574, %dma_wait3A_577, %dma_wait3A_578] : memref<2x64x129xf32, #tpu.memory_space<vmem>> -> memref<1x8x128xf32, #tpu.memory_space<vmem>>
    %dma_wait3A_580 = tpu.memref_squeeze %dma_wait3A_579 : memref<1x8x128xf32, #tpu.memory_space<vmem>> -> memref<8x128xf32, #tpu.memory_space<vmem>>
    %dma_wait3A_581 = arith.constant 0 : i32
    %dma_wait3A_582 = arith.constant 0 : i32
    %dma_wait3A_583 = tpu.memref_slice %arg4[%select_n3A_557, %dma_wait3A_575, %select_n3A_573, %dma_wait3A_581, %dma_wait3A_582] : memref<200x8x32x8x128xf32, #tpu.memory_space<hbm>> -> memref<1x1x1x8x128xf32, #tpu.memory_space<hbm>>
    %dma_wait3A_584 = tpu.memref_squeeze %dma_wait3A_583 : memref<1x1x1x8x128xf32, #tpu.memory_space<hbm>> -> memref<8x128xf32, #tpu.memory_space<hbm>>
    %dma_wait3A_585 = tpu.memref_slice %arg9[%dma_wait3A_576] : memref<2x!tpu.dma_semaphore, #tpu.memory_space<semaphore_mem>> -> memref<1x!tpu.dma_semaphore, #tpu.memory_space<semaphore_mem>>
    %dma_wait3A_586 = tpu.memref_squeeze %dma_wait3A_585 : memref<1x!tpu.dma_semaphore, #tpu.memory_space<semaphore_mem>> -> memref<!tpu.dma_semaphore, #tpu.memory_space<semaphore_mem>>
    %dma_wait3A_587 = arith.constant 0 : i32
    %dma_wait3A_588 = arith.constant 0 : i32
    %dma_wait3A_589 = tpu.memref_slice %arg4[%select_n3A_557, %dma_wait3A_575, %select_n3A_573, %dma_wait3A_587, %dma_wait3A_588] : memref<200x8x32x8x128xf32, #tpu.memory_space<hbm>> -> memref<1x1x1x8x128xf32, #tpu.memory_space<hbm>>
    %dma_wait3A_590 = tpu.memref_squeeze %dma_wait3A_589 : memref<1x1x1x8x128xf32, #tpu.memory_space<hbm>> -> memref<8x128xf32, #tpu.memory_space<hbm>>
    %dma_wait3A_591 = arith.constant 0 : i32
    %dma_wait3A_592 = arith.constant 0 : i32
    %dma_wait3A_593 = tpu.memref_slice %arg7[%dma_wait3A_574, %dma_wait3A_591, %dma_wait3A_592] : memref<2x64x129xf32, #tpu.memory_space<vmem>> -> memref<1x8x128xf32, #tpu.memory_space<vmem>>
    %dma_wait3A_594 = tpu.memref_squeeze %dma_wait3A_593 : memref<1x8x128xf32, #tpu.memory_space<vmem>> -> memref<8x128xf32, #tpu.memory_space<vmem>>
    tpu.wait_dma2 semaphore(%dma_wait3A_586 : memref<!tpu.dma_semaphore, #tpu.memory_space<semaphore_mem>>) src(%dma_wait3A_594 : memref<8x128xf32, #tpu.memory_space<vmem>>) dst(%dma_wait3A_590 : memref<8x128xf32, #tpu.memory_space<hbm>>)
    %jit3A_595 = arith.constant 32 : i32
    %div3A_596 = arith.divsi %sub3A_533, %jit3A_595 : i32
    %sign3A_597 = arith.constant 0 : i32
    %sign3A_598 = arith.cmpi sgt, %sub3A_533, %sign3A_597 : i32
    %sign3A_599 = arith.extui %sign3A_598 : i1 to i32
    %sign3A_600 = arith.constant 0 : i32
    %sign3A_601 = arith.cmpi slt, %sub3A_533, %sign3A_600 : i32
    %sign3A_602 = arith.extui %sign3A_601 : i1 to i32
    %sign3A_603 = arith.subi %sign3A_599, %sign3A_602 : i32
    %sign3A_604 = arith.constant 0 : i32
    %sign3A_605 = arith.cmpi sgt, %jit3A_595, %sign3A_604 : i32
    %sign3A_606 = arith.extui %sign3A_605 : i1 to i32
    %sign3A_607 = arith.constant 0 : i32
    %sign3A_608 = arith.cmpi slt, %jit3A_595, %sign3A_607 : i32
    %sign3A_609 = arith.extui %sign3A_608 : i1 to i32
    %sign3A_610 = arith.subi %sign3A_606, %sign3A_609 : i32
    %ne3A_611 = arith.cmpi ne, %sign3A_603, %sign3A_610 : i32
    %rem3A_612 = arith.remsi %sub3A_533, %jit3A_595 : i32
    %ne3A_613 = arith.constant 0 : i32
    %ne3A_614 = arith.cmpi ne, %rem3A_612, %ne3A_613 : i32
    %and3A_615 = arith.andi %ne3A_611, %ne3A_614 : i1
    %sub3A_616 = arith.constant 1 : i32
    %sub3A_617 = arith.subi %div3A_596, %sub3A_616 : i32
    %select_n3A_618 = arith.select %and3A_615, %sub3A_617, %div3A_596 : i32
    %jit3A_619 = arith.constant 32 : i32
    %eq3A_620 = arith.constant 0 : i32
    %eq3A_621 = arith.cmpi eq, %jit3A_619, %eq3A_620 : i32
    %jit3A_622 = arith.constant 1 : i32
    %select_n3A_623 = arith.select %eq3A_621, %jit3A_622, %jit3A_619 : i32
    %rem3A_624 = arith.remsi %sub3A_533, %select_n3A_623 : i32
    %ne3A_625 = arith.constant 0 : i32
    %ne3A_626 = arith.cmpi ne, %rem3A_624, %ne3A_625 : i32
    %lt3A_627 = arith.constant 0 : i32
    %lt3A_628 = arith.cmpi slt, %rem3A_624, %lt3A_627 : i32
    %lt3A_629 = arith.constant 0 : i32
    %lt3A_630 = arith.cmpi slt, %select_n3A_623, %lt3A_629 : i32
    %ne3A_631 = arith.xori %lt3A_628, %lt3A_630 : i1
    %and3A_632 = arith.andi %ne3A_631, %ne3A_626 : i1
    %add3A_633 = arith.addi %rem3A_624, %select_n3A_623 : i32
    %select_n3A_634 = arith.select %and3A_632, %add3A_633, %rem3A_624 : i32
    %dma_wait3A_635 = arith.constant 1 : i32
    %dma_wait3A_636 = arith.constant 1 : i32
    %dma_wait3A_637 = arith.constant 1 : i32
    %dma_wait3A_638 = arith.constant 8 : i32
    %dma_wait3A_639 = arith.constant 0 : i32
    %dma_wait3A_640 = tpu.memref_slice %arg7[%dma_wait3A_635, %dma_wait3A_638, %dma_wait3A_639] : memref<2x64x129xf32, #tpu.memory_space<vmem>> -> memref<1x8x128xf32, #tpu.memory_space<vmem>>
    %dma_wait3A_641 = tpu.memref_squeeze %dma_wait3A_640 : memref<1x8x128xf32, #tpu.memory_space<vmem>> -> memref<8x128xf32, #tpu.memory_space<vmem>>
    %dma_wait3A_642 = arith.constant 0 : i32
    %dma_wait3A_643 = arith.constant 0 : i32
    %dma_wait3A_644 = tpu.memref_slice %arg4[%select_n3A_618, %dma_wait3A_636, %select_n3A_634, %dma_wait3A_642, %dma_wait3A_643] : memref<200x8x32x8x128xf32, #tpu.memory_space<hbm>> -> memref<1x1x1x8x128xf32, #tpu.memory_space<hbm>>
    %dma_wait3A_645 = tpu.memref_squeeze %dma_wait3A_644 : memref<1x1x1x8x128xf32, #tpu.memory_space<hbm>> -> memref<8x128xf32, #tpu.memory_space<hbm>>
    %dma_wait3A_646 = tpu.memref_slice %arg9[%dma_wait3A_637] : memref<2x!tpu.dma_semaphore, #tpu.memory_space<semaphore_mem>> -> memref<1x!tpu.dma_semaphore, #tpu.memory_space<semaphore_mem>>
    %dma_wait3A_647 = tpu.memref_squeeze %dma_wait3A_646 : memref<1x!tpu.dma_semaphore, #tpu.memory_space<semaphore_mem>> -> memref<!tpu.dma_semaphore, #tpu.memory_space<semaphore_mem>>
    %dma_wait3A_648 = arith.constant 0 : i32
    %dma_wait3A_649 = arith.constant 0 : i32
    %dma_wait3A_650 = tpu.memref_slice %arg4[%select_n3A_618, %dma_wait3A_636, %select_n3A_634, %dma_wait3A_648, %dma_wait3A_649] : memref<200x8x32x8x128xf32, #tpu.memory_space<hbm>> -> memref<1x1x1x8x128xf32, #tpu.memory_space<hbm>>
    %dma_wait3A_651 = tpu.memref_squeeze %dma_wait3A_650 : memref<1x1x1x8x128xf32, #tpu.memory_space<hbm>> -> memref<8x128xf32, #tpu.memory_space<hbm>>
    %dma_wait3A_652 = arith.constant 8 : i32
    %dma_wait3A_653 = arith.constant 0 : i32
    %dma_wait3A_654 = tpu.memref_slice %arg7[%dma_wait3A_635, %dma_wait3A_652, %dma_wait3A_653] : memref<2x64x129xf32, #tpu.memory_space<vmem>> -> memref<1x8x128xf32, #tpu.memory_space<vmem>>
    %dma_wait3A_655 = tpu.memref_squeeze %dma_wait3A_654 : memref<1x8x128xf32, #tpu.memory_space<vmem>> -> memref<8x128xf32, #tpu.memory_space<vmem>>
    tpu.wait_dma2 semaphore(%dma_wait3A_647 : memref<!tpu.dma_semaphore, #tpu.memory_space<semaphore_mem>>) src(%dma_wait3A_655 : memref<8x128xf32, #tpu.memory_space<vmem>>) dst(%dma_wait3A_651 : memref<8x128xf32, #tpu.memory_space<hbm>>)
    %jit3A_656 = arith.constant 32 : i32
    %div3A_657 = arith.divsi %sub3A_533, %jit3A_656 : i32
    %sign3A_658 = arith.constant 0 : i32
    %sign3A_659 = arith.cmpi sgt, %sub3A_533, %sign3A_658 : i32
    %sign3A_660 = arith.extui %sign3A_659 : i1 to i32
    %sign3A_661 = arith.constant 0 : i32
    %sign3A_662 = arith.cmpi slt, %sub3A_533, %sign3A_661 : i32
    %sign3A_663 = arith.extui %sign3A_662 : i1 to i32
    %sign3A_664 = arith.subi %sign3A_660, %sign3A_663 : i32
    %sign3A_665 = arith.constant 0 : i32
    %sign3A_666 = arith.cmpi sgt, %jit3A_656, %sign3A_665 : i32
    %sign3A_667 = arith.extui %sign3A_666 : i1 to i32
    %sign3A_668 = arith.constant 0 : i32
    %sign3A_669 = arith.cmpi slt, %jit3A_656, %sign3A_668 : i32
    %sign3A_670 = arith.extui %sign3A_669 : i1 to i32
    %sign3A_671 = arith.subi %sign3A_667, %sign3A_670 : i32
    %ne3A_672 = arith.cmpi ne, %sign3A_664, %sign3A_671 : i32
    %rem3A_673 = arith.remsi %sub3A_533, %jit3A_656 : i32
    %ne3A_674 = arith.constant 0 : i32
    %ne3A_675 = arith.cmpi ne, %rem3A_673, %ne3A_674 : i32
    %and3A_676 = arith.andi %ne3A_672, %ne3A_675 : i1
    %sub3A_677 = arith.constant 1 : i32
    %sub3A_678 = arith.subi %div3A_657, %sub3A_677 : i32
    %select_n3A_679 = arith.select %and3A_676, %sub3A_678, %div3A_657 : i32
    %jit3A_680 = arith.constant 32 : i32
    %eq3A_681 = arith.constant 0 : i32
    %eq3A_682 = arith.cmpi eq, %jit3A_680, %eq3A_681 : i32
    %jit3A_683 = arith.constant 1 : i32
    %select_n3A_684 = arith.select %eq3A_682, %jit3A_683, %jit3A_680 : i32
    %rem3A_685 = arith.remsi %sub3A_533, %select_n3A_684 : i32
    %ne3A_686 = arith.constant 0 : i32
    %ne3A_687 = arith.cmpi ne, %rem3A_685, %ne3A_686 : i32
    %lt3A_688 = arith.constant 0 : i32
    %lt3A_689 = arith.cmpi slt, %rem3A_685, %lt3A_688 : i32
    %lt3A_690 = arith.constant 0 : i32
    %lt3A_691 = arith.cmpi slt, %select_n3A_684, %lt3A_690 : i32
    %ne3A_692 = arith.xori %lt3A_689, %lt3A_691 : i1
    %and3A_693 = arith.andi %ne3A_692, %ne3A_687 : i1
    %add3A_694 = arith.addi %rem3A_685, %select_n3A_684 : i32
    %select_n3A_695 = arith.select %and3A_693, %add3A_694, %rem3A_685 : i32
    %dma_wait3A_696 = arith.constant 1 : i32
    %dma_wait3A_697 = arith.constant 2 : i32
    %dma_wait3A_698 = arith.constant 1 : i32
    %dma_wait3A_699 = arith.constant 16 : i32
    %dma_wait3A_700 = arith.constant 0 : i32
    %dma_wait3A_701 = tpu.memref_slice %arg7[%dma_wait3A_696, %dma_wait3A_699, %dma_wait3A_700] : memref<2x64x129xf32, #tpu.memory_space<vmem>> -> memref<1x8x128xf32, #tpu.memory_space<vmem>>
    %dma_wait3A_702 = tpu.memref_squeeze %dma_wait3A_701 : memref<1x8x128xf32, #tpu.memory_space<vmem>> -> memref<8x128xf32, #tpu.memory_space<vmem>>
    %dma_wait3A_703 = arith.constant 0 : i32
    %dma_wait3A_704 = arith.constant 0 : i32
    %dma_wait3A_705 = tpu.memref_slice %arg4[%select_n3A_679, %dma_wait3A_697, %select_n3A_695, %dma_wait3A_703, %dma_wait3A_704] : memref<200x8x32x8x128xf32, #tpu.memory_space<hbm>> -> memref<1x1x1x8x128xf32, #tpu.memory_space<hbm>>
    %dma_wait3A_706 = tpu.memref_squeeze %dma_wait3A_705 : memref<1x1x1x8x128xf32, #tpu.memory_space<hbm>> -> memref<8x128xf32, #tpu.memory_space<hbm>>
    %dma_wait3A_707 = tpu.memref_slice %arg9[%dma_wait3A_698] : memref<2x!tpu.dma_semaphore, #tpu.memory_space<semaphore_mem>> -> memref<1x!tpu.dma_semaphore, #tpu.memory_space<semaphore_mem>>
    %dma_wait3A_708 = tpu.memref_squeeze %dma_wait3A_707 : memref<1x!tpu.dma_semaphore, #tpu.memory_space<semaphore_mem>> -> memref<!tpu.dma_semaphore, #tpu.memory_space<semaphore_mem>>
    %dma_wait3A_709 = arith.constant 0 : i32
    %dma_wait3A_710 = arith.constant 0 : i32
    %dma_wait3A_711 = tpu.memref_slice %arg4[%select_n3A_679, %dma_wait3A_697, %select_n3A_695, %dma_wait3A_709, %dma_wait3A_710] : memref<200x8x32x8x128xf32, #tpu.memory_space<hbm>> -> memref<1x1x1x8x128xf32, #tpu.memory_space<hbm>>
    %dma_wait3A_712 = tpu.memref_squeeze %dma_wait3A_711 : memref<1x1x1x8x128xf32, #tpu.memory_space<hbm>> -> memref<8x128xf32, #tpu.memory_space<hbm>>
    %dma_wait3A_713 = arith.constant 16 : i32
    %dma_wait3A_714 = arith.constant 0 : i32
    %dma_wait3A_715 = tpu.memref_slice %arg7[%dma_wait3A_696, %dma_wait3A_713, %dma_wait3A_714] : memref<2x64x129xf32, #tpu.memory_space<vmem>> -> memref<1x8x128xf32, #tpu.memory_space<vmem>>
    %dma_wait3A_716 = tpu.memref_squeeze %dma_wait3A_715 : memref<1x8x128xf32, #tpu.memory_space<vmem>> -> memref<8x128xf32, #tpu.memory_space<vmem>>
    tpu.wait_dma2 semaphore(%dma_wait3A_708 : memref<!tpu.dma_semaphore, #tpu.memory_space<semaphore_mem>>) src(%dma_wait3A_716 : memref<8x128xf32, #tpu.memory_space<vmem>>) dst(%dma_wait3A_712 : memref<8x128xf32, #tpu.memory_space<hbm>>)
    %jit3A_717 = arith.constant 32 : i32
    %div3A_718 = arith.divsi %sub3A_533, %jit3A_717 : i32
    %sign3A_719 = arith.constant 0 : i32
    %sign3A_720 = arith.cmpi sgt, %sub3A_533, %sign3A_719 : i32
    %sign3A_721 = arith.extui %sign3A_720 : i1 to i32
    %sign3A_722 = arith.constant 0 : i32
    %sign3A_723 = arith.cmpi slt, %sub3A_533, %sign3A_722 : i32
    %sign3A_724 = arith.extui %sign3A_723 : i1 to i32
    %sign3A_725 = arith.subi %sign3A_721, %sign3A_724 : i32
    %sign3A_726 = arith.constant 0 : i32
    %sign3A_727 = arith.cmpi sgt, %jit3A_717, %sign3A_726 : i32
    %sign3A_728 = arith.extui %sign3A_727 : i1 to i32
    %sign3A_729 = arith.constant 0 : i32
    %sign3A_730 = arith.cmpi slt, %jit3A_717, %sign3A_729 : i32
    %sign3A_731 = arith.extui %sign3A_730 : i1 to i32
    %sign3A_732 = arith.subi %sign3A_728, %sign3A_731 : i32
    %ne3A_733 = arith.cmpi ne, %sign3A_725, %sign3A_732 : i32
    %rem3A_734 = arith.remsi %sub3A_533, %jit3A_717 : i32
    %ne3A_735 = arith.constant 0 : i32
    %ne3A_736 = arith.cmpi ne, %rem3A_734, %ne3A_735 : i32
    %and3A_737 = arith.andi %ne3A_733, %ne3A_736 : i1
    %sub3A_738 = arith.constant 1 : i32
    %sub3A_739 = arith.subi %div3A_718, %sub3A_738 : i32
    %select_n3A_740 = arith.select %and3A_737, %sub3A_739, %div3A_718 : i32
    %jit3A_741 = arith.constant 32 : i32
    %eq3A_742 = arith.constant 0 : i32
    %eq3A_743 = arith.cmpi eq, %jit3A_741, %eq3A_742 : i32
    %jit3A_744 = arith.constant 1 : i32
    %select_n3A_745 = arith.select %eq3A_743, %jit3A_744, %jit3A_741 : i32
    %rem3A_746 = arith.remsi %sub3A_533, %select_n3A_745 : i32
    %ne3A_747 = arith.constant 0 : i32
    %ne3A_748 = arith.cmpi ne, %rem3A_746, %ne3A_747 : i32
    %lt3A_749 = arith.constant 0 : i32
    %lt3A_750 = arith.cmpi slt, %rem3A_746, %lt3A_749 : i32
    %lt3A_751 = arith.constant 0 : i32
    %lt3A_752 = arith.cmpi slt, %select_n3A_745, %lt3A_751 : i32
    %ne3A_753 = arith.xori %lt3A_750, %lt3A_752 : i1
    %and3A_754 = arith.andi %ne3A_753, %ne3A_748 : i1
    %add3A_755 = arith.addi %rem3A_746, %select_n3A_745 : i32
    %select_n3A_756 = arith.select %and3A_754, %add3A_755, %rem3A_746 : i32
    %dma_wait3A_757 = arith.constant 1 : i32
    %dma_wait3A_758 = arith.constant 3 : i32
    %dma_wait3A_759 = arith.constant 1 : i32
    %dma_wait3A_760 = arith.constant 24 : i32
    %dma_wait3A_761 = arith.constant 0 : i32
    %dma_wait3A_762 = tpu.memref_slice %arg7[%dma_wait3A_757, %dma_wait3A_760, %dma_wait3A_761] : memref<2x64x129xf32, #tpu.memory_space<vmem>> -> memref<1x8x128xf32, #tpu.memory_space<vmem>>
    %dma_wait3A_763 = tpu.memref_squeeze %dma_wait3A_762 : memref<1x8x128xf32, #tpu.memory_space<vmem>> -> memref<8x128xf32, #tpu.memory_space<vmem>>
    %dma_wait3A_764 = arith.constant 0 : i32
    %dma_wait3A_765 = arith.constant 0 : i32
    %dma_wait3A_766 = tpu.memref_slice %arg4[%select_n3A_740, %dma_wait3A_758, %select_n3A_756, %dma_wait3A_764, %dma_wait3A_765] : memref<200x8x32x8x128xf32, #tpu.memory_space<hbm>> -> memref<1x1x1x8x128xf32, #tpu.memory_space<hbm>>
    %dma_wait3A_767 = tpu.memref_squeeze %dma_wait3A_766 : memref<1x1x1x8x128xf32, #tpu.memory_space<hbm>> -> memref<8x128xf32, #tpu.memory_space<hbm>>
    %dma_wait3A_768 = tpu.memref_slice %arg9[%dma_wait3A_759] : memref<2x!tpu.dma_semaphore, #tpu.memory_space<semaphore_mem>> -> memref<1x!tpu.dma_semaphore, #tpu.memory_space<semaphore_mem>>
    %dma_wait3A_769 = tpu.memref_squeeze %dma_wait3A_768 : memref<1x!tpu.dma_semaphore, #tpu.memory_space<semaphore_mem>> -> memref<!tpu.dma_semaphore, #tpu.memory_space<semaphore_mem>>
    %dma_wait3A_770 = arith.constant 0 : i32
    %dma_wait3A_771 = arith.constant 0 : i32
    %dma_wait3A_772 = tpu.memref_slice %arg4[%select_n3A_740, %dma_wait3A_758, %select_n3A_756, %dma_wait3A_770, %dma_wait3A_771] : memref<200x8x32x8x128xf32, #tpu.memory_space<hbm>> -> memref<1x1x1x8x128xf32, #tpu.memory_space<hbm>>
    %dma_wait3A_773 = tpu.memref_squeeze %dma_wait3A_772 : memref<1x1x1x8x128xf32, #tpu.memory_space<hbm>> -> memref<8x128xf32, #tpu.memory_space<hbm>>
    %dma_wait3A_774 = arith.constant 24 : i32
    %dma_wait3A_775 = arith.constant 0 : i32
    %dma_wait3A_776 = tpu.memref_slice %arg7[%dma_wait3A_757, %dma_wait3A_774, %dma_wait3A_775] : memref<2x64x129xf32, #tpu.memory_space<vmem>> -> memref<1x8x128xf32, #tpu.memory_space<vmem>>
    %dma_wait3A_777 = tpu.memref_squeeze %dma_wait3A_776 : memref<1x8x128xf32, #tpu.memory_space<vmem>> -> memref<8x128xf32, #tpu.memory_space<vmem>>
    tpu.wait_dma2 semaphore(%dma_wait3A_769 : memref<!tpu.dma_semaphore, #tpu.memory_space<semaphore_mem>>) src(%dma_wait3A_777 : memref<8x128xf32, #tpu.memory_space<vmem>>) dst(%dma_wait3A_773 : memref<8x128xf32, #tpu.memory_space<hbm>>)
    %jit3A_778 = arith.constant 32 : i32
    %div3A_779 = arith.divsi %sub3A_533, %jit3A_778 : i32
    %sign3A_780 = arith.constant 0 : i32
    %sign3A_781 = arith.cmpi sgt, %sub3A_533, %sign3A_780 : i32
    %sign3A_782 = arith.extui %sign3A_781 : i1 to i32
    %sign3A_783 = arith.constant 0 : i32
    %sign3A_784 = arith.cmpi slt, %sub3A_533, %sign3A_783 : i32
    %sign3A_785 = arith.extui %sign3A_784 : i1 to i32
    %sign3A_786 = arith.subi %sign3A_782, %sign3A_785 : i32
    %sign3A_787 = arith.constant 0 : i32
    %sign3A_788 = arith.cmpi sgt, %jit3A_778, %sign3A_787 : i32
    %sign3A_789 = arith.extui %sign3A_788 : i1 to i32
    %sign3A_790 = arith.constant 0 : i32
    %sign3A_791 = arith.cmpi slt, %jit3A_778, %sign3A_790 : i32
    %sign3A_792 = arith.extui %sign3A_791 : i1 to i32
    %sign3A_793 = arith.subi %sign3A_789, %sign3A_792 : i32
    %ne3A_794 = arith.cmpi ne, %sign3A_786, %sign3A_793 : i32
    %rem3A_795 = arith.remsi %sub3A_533, %jit3A_778 : i32
    %ne3A_796 = arith.constant 0 : i32
    %ne3A_797 = arith.cmpi ne, %rem3A_795, %ne3A_796 : i32
    %and3A_798 = arith.andi %ne3A_794, %ne3A_797 : i1
    %sub3A_799 = arith.constant 1 : i32
    %sub3A_800 = arith.subi %div3A_779, %sub3A_799 : i32
    %select_n3A_801 = arith.select %and3A_798, %sub3A_800, %div3A_779 : i32
    %jit3A_802 = arith.constant 32 : i32
    %eq3A_803 = arith.constant 0 : i32
    %eq3A_804 = arith.cmpi eq, %jit3A_802, %eq3A_803 : i32
    %jit3A_805 = arith.constant 1 : i32
    %select_n3A_806 = arith.select %eq3A_804, %jit3A_805, %jit3A_802 : i32
    %rem3A_807 = arith.remsi %sub3A_533, %select_n3A_806 : i32
    %ne3A_808 = arith.constant 0 : i32
    %ne3A_809 = arith.cmpi ne, %rem3A_807, %ne3A_808 : i32
    %lt3A_810 = arith.constant 0 : i32
    %lt3A_811 = arith.cmpi slt, %rem3A_807, %lt3A_810 : i32
    %lt3A_812 = arith.constant 0 : i32
    %lt3A_813 = arith.cmpi slt, %select_n3A_806, %lt3A_812 : i32
    %ne3A_814 = arith.xori %lt3A_811, %lt3A_813 : i1
    %and3A_815 = arith.andi %ne3A_814, %ne3A_809 : i1
    %add3A_816 = arith.addi %rem3A_807, %select_n3A_806 : i32
    %select_n3A_817 = arith.select %and3A_815, %add3A_816, %rem3A_807 : i32
    %dma_wait3A_818 = arith.constant 1 : i32
    %dma_wait3A_819 = arith.constant 4 : i32
    %dma_wait3A_820 = arith.constant 1 : i32
    %dma_wait3A_821 = arith.constant 32 : i32
    %dma_wait3A_822 = arith.constant 0 : i32
    %dma_wait3A_823 = tpu.memref_slice %arg7[%dma_wait3A_818, %dma_wait3A_821, %dma_wait3A_822] : memref<2x64x129xf32, #tpu.memory_space<vmem>> -> memref<1x8x128xf32, #tpu.memory_space<vmem>>
    %dma_wait3A_824 = tpu.memref_squeeze %dma_wait3A_823 : memref<1x8x128xf32, #tpu.memory_space<vmem>> -> memref<8x128xf32, #tpu.memory_space<vmem>>
    %dma_wait3A_825 = arith.constant 0 : i32
    %dma_wait3A_826 = arith.constant 0 : i32
    %dma_wait3A_827 = tpu.memref_slice %arg4[%select_n3A_801, %dma_wait3A_819, %select_n3A_817, %dma_wait3A_825, %dma_wait3A_826] : memref<200x8x32x8x128xf32, #tpu.memory_space<hbm>> -> memref<1x1x1x8x128xf32, #tpu.memory_space<hbm>>
    %dma_wait3A_828 = tpu.memref_squeeze %dma_wait3A_827 : memref<1x1x1x8x128xf32, #tpu.memory_space<hbm>> -> memref<8x128xf32, #tpu.memory_space<hbm>>
    %dma_wait3A_829 = tpu.memref_slice %arg9[%dma_wait3A_820] : memref<2x!tpu.dma_semaphore, #tpu.memory_space<semaphore_mem>> -> memref<1x!tpu.dma_semaphore, #tpu.memory_space<semaphore_mem>>
    %dma_wait3A_830 = tpu.memref_squeeze %dma_wait3A_829 : memref<1x!tpu.dma_semaphore, #tpu.memory_space<semaphore_mem>> -> memref<!tpu.dma_semaphore, #tpu.memory_space<semaphore_mem>>
    %dma_wait3A_831 = arith.constant 0 : i32
    %dma_wait3A_832 = arith.constant 0 : i32
    %dma_wait3A_833 = tpu.memref_slice %arg4[%select_n3A_801, %dma_wait3A_819, %select_n3A_817, %dma_wait3A_831, %dma_wait3A_832] : memref<200x8x32x8x128xf32, #tpu.memory_space<hbm>> -> memref<1x1x1x8x128xf32, #tpu.memory_space<hbm>>
    %dma_wait3A_834 = tpu.memref_squeeze %dma_wait3A_833 : memref<1x1x1x8x128xf32, #tpu.memory_space<hbm>> -> memref<8x128xf32, #tpu.memory_space<hbm>>
    %dma_wait3A_835 = arith.constant 32 : i32
    %dma_wait3A_836 = arith.constant 0 : i32
    %dma_wait3A_837 = tpu.memref_slice %arg7[%dma_wait3A_818, %dma_wait3A_835, %dma_wait3A_836] : memref<2x64x129xf32, #tpu.memory_space<vmem>> -> memref<1x8x128xf32, #tpu.memory_space<vmem>>
    %dma_wait3A_838 = tpu.memref_squeeze %dma_wait3A_837 : memref<1x8x128xf32, #tpu.memory_space<vmem>> -> memref<8x128xf32, #tpu.memory_space<vmem>>
    tpu.wait_dma2 semaphore(%dma_wait3A_830 : memref<!tpu.dma_semaphore, #tpu.memory_space<semaphore_mem>>) src(%dma_wait3A_838 : memref<8x128xf32, #tpu.memory_space<vmem>>) dst(%dma_wait3A_834 : memref<8x128xf32, #tpu.memory_space<hbm>>)
    %jit3A_839 = arith.constant 32 : i32
    %div3A_840 = arith.divsi %sub3A_533, %jit3A_839 : i32
    %sign3A_841 = arith.constant 0 : i32
    %sign3A_842 = arith.cmpi sgt, %sub3A_533, %sign3A_841 : i32
    %sign3A_843 = arith.extui %sign3A_842 : i1 to i32
    %sign3A_844 = arith.constant 0 : i32
    %sign3A_845 = arith.cmpi slt, %sub3A_533, %sign3A_844 : i32
    %sign3A_846 = arith.extui %sign3A_845 : i1 to i32
    %sign3A_847 = arith.subi %sign3A_843, %sign3A_846 : i32
    %sign3A_848 = arith.constant 0 : i32
    %sign3A_849 = arith.cmpi sgt, %jit3A_839, %sign3A_848 : i32
    %sign3A_850 = arith.extui %sign3A_849 : i1 to i32
    %sign3A_851 = arith.constant 0 : i32
    %sign3A_852 = arith.cmpi slt, %jit3A_839, %sign3A_851 : i32
    %sign3A_853 = arith.extui %sign3A_852 : i1 to i32
    %sign3A_854 = arith.subi %sign3A_850, %sign3A_853 : i32
    %ne3A_855 = arith.cmpi ne, %sign3A_847, %sign3A_854 : i32
    %rem3A_856 = arith.remsi %sub3A_533, %jit3A_839 : i32
    %ne3A_857 = arith.constant 0 : i32
    %ne3A_858 = arith.cmpi ne, %rem3A_856, %ne3A_857 : i32
    %and3A_859 = arith.andi %ne3A_855, %ne3A_858 : i1
    %sub3A_860 = arith.constant 1 : i32
    %sub3A_861 = arith.subi %div3A_840, %sub3A_860 : i32
    %select_n3A_862 = arith.select %and3A_859, %sub3A_861, %div3A_840 : i32
    %jit3A_863 = arith.constant 32 : i32
    %eq3A_864 = arith.constant 0 : i32
    %eq3A_865 = arith.cmpi eq, %jit3A_863, %eq3A_864 : i32
    %jit3A_866 = arith.constant 1 : i32
    %select_n3A_867 = arith.select %eq3A_865, %jit3A_866, %jit3A_863 : i32
    %rem3A_868 = arith.remsi %sub3A_533, %select_n3A_867 : i32
    %ne3A_869 = arith.constant 0 : i32
    %ne3A_870 = arith.cmpi ne, %rem3A_868, %ne3A_869 : i32
    %lt3A_871 = arith.constant 0 : i32
    %lt3A_872 = arith.cmpi slt, %rem3A_868, %lt3A_871 : i32
    %lt3A_873 = arith.constant 0 : i32
    %lt3A_874 = arith.cmpi slt, %select_n3A_867, %lt3A_873 : i32
    %ne3A_875 = arith.xori %lt3A_872, %lt3A_874 : i1
    %and3A_876 = arith.andi %ne3A_875, %ne3A_870 : i1
    %add3A_877 = arith.addi %rem3A_868, %select_n3A_867 : i32
    %select_n3A_878 = arith.select %and3A_876, %add3A_877, %rem3A_868 : i32
    %dma_wait3A_879 = arith.constant 1 : i32
    %dma_wait3A_880 = arith.constant 5 : i32
    %dma_wait3A_881 = arith.constant 1 : i32
    %dma_wait3A_882 = arith.constant 40 : i32
    %dma_wait3A_883 = arith.constant 0 : i32
    %dma_wait3A_884 = tpu.memref_slice %arg7[%dma_wait3A_879, %dma_wait3A_882, %dma_wait3A_883] : memref<2x64x129xf32, #tpu.memory_space<vmem>> -> memref<1x8x128xf32, #tpu.memory_space<vmem>>
    %dma_wait3A_885 = tpu.memref_squeeze %dma_wait3A_884 : memref<1x8x128xf32, #tpu.memory_space<vmem>> -> memref<8x128xf32, #tpu.memory_space<vmem>>
    %dma_wait3A_886 = arith.constant 0 : i32
    %dma_wait3A_887 = arith.constant 0 : i32
    %dma_wait3A_888 = tpu.memref_slice %arg4[%select_n3A_862, %dma_wait3A_880, %select_n3A_878, %dma_wait3A_886, %dma_wait3A_887] : memref<200x8x32x8x128xf32, #tpu.memory_space<hbm>> -> memref<1x1x1x8x128xf32, #tpu.memory_space<hbm>>
    %dma_wait3A_889 = tpu.memref_squeeze %dma_wait3A_888 : memref<1x1x1x8x128xf32, #tpu.memory_space<hbm>> -> memref<8x128xf32, #tpu.memory_space<hbm>>
    %dma_wait3A_890 = tpu.memref_slice %arg9[%dma_wait3A_881] : memref<2x!tpu.dma_semaphore, #tpu.memory_space<semaphore_mem>> -> memref<1x!tpu.dma_semaphore, #tpu.memory_space<semaphore_mem>>
    %dma_wait3A_891 = tpu.memref_squeeze %dma_wait3A_890 : memref<1x!tpu.dma_semaphore, #tpu.memory_space<semaphore_mem>> -> memref<!tpu.dma_semaphore, #tpu.memory_space<semaphore_mem>>
    %dma_wait3A_892 = arith.constant 0 : i32
    %dma_wait3A_893 = arith.constant 0 : i32
    %dma_wait3A_894 = tpu.memref_slice %arg4[%select_n3A_862, %dma_wait3A_880, %select_n3A_878, %dma_wait3A_892, %dma_wait3A_893] : memref<200x8x32x8x128xf32, #tpu.memory_space<hbm>> -> memref<1x1x1x8x128xf32, #tpu.memory_space<hbm>>
    %dma_wait3A_895 = tpu.memref_squeeze %dma_wait3A_894 : memref<1x1x1x8x128xf32, #tpu.memory_space<hbm>> -> memref<8x128xf32, #tpu.memory_space<hbm>>
    %dma_wait3A_896 = arith.constant 40 : i32
    %dma_wait3A_897 = arith.constant 0 : i32
    %dma_wait3A_898 = tpu.memref_slice %arg7[%dma_wait3A_879, %dma_wait3A_896, %dma_wait3A_897] : memref<2x64x129xf32, #tpu.memory_space<vmem>> -> memref<1x8x128xf32, #tpu.memory_space<vmem>>
    %dma_wait3A_899 = tpu.memref_squeeze %dma_wait3A_898 : memref<1x8x128xf32, #tpu.memory_space<vmem>> -> memref<8x128xf32, #tpu.memory_space<vmem>>
    tpu.wait_dma2 semaphore(%dma_wait3A_891 : memref<!tpu.dma_semaphore, #tpu.memory_space<semaphore_mem>>) src(%dma_wait3A_899 : memref<8x128xf32, #tpu.memory_space<vmem>>) dst(%dma_wait3A_895 : memref<8x128xf32, #tpu.memory_space<hbm>>)
    %jit3A_900 = arith.constant 32 : i32
    %div3A_901 = arith.divsi %sub3A_533, %jit3A_900 : i32
    %sign3A_902 = arith.constant 0 : i32
    %sign3A_903 = arith.cmpi sgt, %sub3A_533, %sign3A_902 : i32
    %sign3A_904 = arith.extui %sign3A_903 : i1 to i32
    %sign3A_905 = arith.constant 0 : i32
    %sign3A_906 = arith.cmpi slt, %sub3A_533, %sign3A_905 : i32
    %sign3A_907 = arith.extui %sign3A_906 : i1 to i32
    %sign3A_908 = arith.subi %sign3A_904, %sign3A_907 : i32
    %sign3A_909 = arith.constant 0 : i32
    %sign3A_910 = arith.cmpi sgt, %jit3A_900, %sign3A_909 : i32
    %sign3A_911 = arith.extui %sign3A_910 : i1 to i32
    %sign3A_912 = arith.constant 0 : i32
    %sign3A_913 = arith.cmpi slt, %jit3A_900, %sign3A_912 : i32
    %sign3A_914 = arith.extui %sign3A_913 : i1 to i32
    %sign3A_915 = arith.subi %sign3A_911, %sign3A_914 : i32
    %ne3A_916 = arith.cmpi ne, %sign3A_908, %sign3A_915 : i32
    %rem3A_917 = arith.remsi %sub3A_533, %jit3A_900 : i32
    %ne3A_918 = arith.constant 0 : i32
    %ne3A_919 = arith.cmpi ne, %rem3A_917, %ne3A_918 : i32
    %and3A_920 = arith.andi %ne3A_916, %ne3A_919 : i1
    %sub3A_921 = arith.constant 1 : i32
    %sub3A_922 = arith.subi %div3A_901, %sub3A_921 : i32
    %select_n3A_923 = arith.select %and3A_920, %sub3A_922, %div3A_901 : i32
    %jit3A_924 = arith.constant 32 : i32
    %eq3A_925 = arith.constant 0 : i32
    %eq3A_926 = arith.cmpi eq, %jit3A_924, %eq3A_925 : i32
    %jit3A_927 = arith.constant 1 : i32
    %select_n3A_928 = arith.select %eq3A_926, %jit3A_927, %jit3A_924 : i32
    %rem3A_929 = arith.remsi %sub3A_533, %select_n3A_928 : i32
    %ne3A_930 = arith.constant 0 : i32
    %ne3A_931 = arith.cmpi ne, %rem3A_929, %ne3A_930 : i32
    %lt3A_932 = arith.constant 0 : i32
    %lt3A_933 = arith.cmpi slt, %rem3A_929, %lt3A_932 : i32
    %lt3A_934 = arith.constant 0 : i32
    %lt3A_935 = arith.cmpi slt, %select_n3A_928, %lt3A_934 : i32
    %ne3A_936 = arith.xori %lt3A_933, %lt3A_935 : i1
    %and3A_937 = arith.andi %ne3A_936, %ne3A_931 : i1
    %add3A_938 = arith.addi %rem3A_929, %select_n3A_928 : i32
    %select_n3A_939 = arith.select %and3A_937, %add3A_938, %rem3A_929 : i32
    %dma_wait3A_940 = arith.constant 1 : i32
    %dma_wait3A_941 = arith.constant 6 : i32
    %dma_wait3A_942 = arith.constant 1 : i32
    %dma_wait3A_943 = arith.constant 48 : i32
    %dma_wait3A_944 = arith.constant 0 : i32
    %dma_wait3A_945 = tpu.memref_slice %arg7[%dma_wait3A_940, %dma_wait3A_943, %dma_wait3A_944] : memref<2x64x129xf32, #tpu.memory_space<vmem>> -> memref<1x8x128xf32, #tpu.memory_space<vmem>>
    %dma_wait3A_946 = tpu.memref_squeeze %dma_wait3A_945 : memref<1x8x128xf32, #tpu.memory_space<vmem>> -> memref<8x128xf32, #tpu.memory_space<vmem>>
    %dma_wait3A_947 = arith.constant 0 : i32
    %dma_wait3A_948 = arith.constant 0 : i32
    %dma_wait3A_949 = tpu.memref_slice %arg4[%select_n3A_923, %dma_wait3A_941, %select_n3A_939, %dma_wait3A_947, %dma_wait3A_948] : memref<200x8x32x8x128xf32, #tpu.memory_space<hbm>> -> memref<1x1x1x8x128xf32, #tpu.memory_space<hbm>>
    %dma_wait3A_950 = tpu.memref_squeeze %dma_wait3A_949 : memref<1x1x1x8x128xf32, #tpu.memory_space<hbm>> -> memref<8x128xf32, #tpu.memory_space<hbm>>
    %dma_wait3A_951 = tpu.memref_slice %arg9[%dma_wait3A_942] : memref<2x!tpu.dma_semaphore, #tpu.memory_space<semaphore_mem>> -> memref<1x!tpu.dma_semaphore, #tpu.memory_space<semaphore_mem>>
    %dma_wait3A_952 = tpu.memref_squeeze %dma_wait3A_951 : memref<1x!tpu.dma_semaphore, #tpu.memory_space<semaphore_mem>> -> memref<!tpu.dma_semaphore, #tpu.memory_space<semaphore_mem>>
    %dma_wait3A_953 = arith.constant 0 : i32
    %dma_wait3A_954 = arith.constant 0 : i32
    %dma_wait3A_955 = tpu.memref_slice %arg4[%select_n3A_923, %dma_wait3A_941, %select_n3A_939, %dma_wait3A_953, %dma_wait3A_954] : memref<200x8x32x8x128xf32, #tpu.memory_space<hbm>> -> memref<1x1x1x8x128xf32, #tpu.memory_space<hbm>>
    %dma_wait3A_956 = tpu.memref_squeeze %dma_wait3A_955 : memref<1x1x1x8x128xf32, #tpu.memory_space<hbm>> -> memref<8x128xf32, #tpu.memory_space<hbm>>
    %dma_wait3A_957 = arith.constant 48 : i32
    %dma_wait3A_958 = arith.constant 0 : i32
    %dma_wait3A_959 = tpu.memref_slice %arg7[%dma_wait3A_940, %dma_wait3A_957, %dma_wait3A_958] : memref<2x64x129xf32, #tpu.memory_space<vmem>> -> memref<1x8x128xf32, #tpu.memory_space<vmem>>
    %dma_wait3A_960 = tpu.memref_squeeze %dma_wait3A_959 : memref<1x8x128xf32, #tpu.memory_space<vmem>> -> memref<8x128xf32, #tpu.memory_space<vmem>>
    tpu.wait_dma2 semaphore(%dma_wait3A_952 : memref<!tpu.dma_semaphore, #tpu.memory_space<semaphore_mem>>) src(%dma_wait3A_960 : memref<8x128xf32, #tpu.memory_space<vmem>>) dst(%dma_wait3A_956 : memref<8x128xf32, #tpu.memory_space<hbm>>)
    %jit3A_961 = arith.constant 32 : i32
    %div3A_962 = arith.divsi %sub3A_533, %jit3A_961 : i32
    %sign3A_963 = arith.constant 0 : i32
    %sign3A_964 = arith.cmpi sgt, %sub3A_533, %sign3A_963 : i32
    %sign3A_965 = arith.extui %sign3A_964 : i1 to i32
    %sign3A_966 = arith.constant 0 : i32
    %sign3A_967 = arith.cmpi slt, %sub3A_533, %sign3A_966 : i32
    %sign3A_968 = arith.extui %sign3A_967 : i1 to i32
    %sign3A_969 = arith.subi %sign3A_965, %sign3A_968 : i32
    %sign3A_970 = arith.constant 0 : i32
    %sign3A_971 = arith.cmpi sgt, %jit3A_961, %sign3A_970 : i32
    %sign3A_972 = arith.extui %sign3A_971 : i1 to i32
    %sign3A_973 = arith.constant 0 : i32
    %sign3A_974 = arith.cmpi slt, %jit3A_961, %sign3A_973 : i32
    %sign3A_975 = arith.extui %sign3A_974 : i1 to i32
    %sign3A_976 = arith.subi %sign3A_972, %sign3A_975 : i32
    %ne3A_977 = arith.cmpi ne, %sign3A_969, %sign3A_976 : i32
    %rem3A_978 = arith.remsi %sub3A_533, %jit3A_961 : i32
    %ne3A_979 = arith.constant 0 : i32
    %ne3A_980 = arith.cmpi ne, %rem3A_978, %ne3A_979 : i32
    %and3A_981 = arith.andi %ne3A_977, %ne3A_980 : i1
    %sub3A_982 = arith.constant 1 : i32
    %sub3A_983 = arith.subi %div3A_962, %sub3A_982 : i32
    %select_n3A_984 = arith.select %and3A_981, %sub3A_983, %div3A_962 : i32
    %jit3A_985 = arith.constant 32 : i32
    %eq3A_986 = arith.constant 0 : i32
    %eq3A_987 = arith.cmpi eq, %jit3A_985, %eq3A_986 : i32
    %jit3A_988 = arith.constant 1 : i32
    %select_n3A_989 = arith.select %eq3A_987, %jit3A_988, %jit3A_985 : i32
    %rem3A_990 = arith.remsi %sub3A_533, %select_n3A_989 : i32
    %ne3A_991 = arith.constant 0 : i32
    %ne3A_992 = arith.cmpi ne, %rem3A_990, %ne3A_991 : i32
    %lt3A_993 = arith.constant 0 : i32
    %lt3A_994 = arith.cmpi slt, %rem3A_990, %lt3A_993 : i32
    %lt3A_995 = arith.constant 0 : i32
    %lt3A_996 = arith.cmpi slt, %select_n3A_989, %lt3A_995 : i32
    %ne3A_997 = arith.xori %lt3A_994, %lt3A_996 : i1
    %and3A_998 = arith.andi %ne3A_997, %ne3A_992 : i1
    %add3A_999 = arith.addi %rem3A_990, %select_n3A_989 : i32
    %select_n3A_1000 = arith.select %and3A_998, %add3A_999, %rem3A_990 : i32
    %dma_wait3A_1001 = arith.constant 1 : i32
    %dma_wait3A_1002 = arith.constant 7 : i32
    %dma_wait3A_1003 = arith.constant 1 : i32
    %dma_wait3A_1004 = arith.constant 56 : i32
    %dma_wait3A_1005 = arith.constant 0 : i32
    %dma_wait3A_1006 = tpu.memref_slice %arg7[%dma_wait3A_1001, %dma_wait3A_1004, %dma_wait3A_1005] : memref<2x64x129xf32, #tpu.memory_space<vmem>> -> memref<1x8x128xf32, #tpu.memory_space<vmem>>
    %dma_wait3A_1007 = tpu.memref_squeeze %dma_wait3A_1006 : memref<1x8x128xf32, #tpu.memory_space<vmem>> -> memref<8x128xf32, #tpu.memory_space<vmem>>
    %dma_wait3A_1008 = arith.constant 0 : i32
    %dma_wait3A_1009 = arith.constant 0 : i32
    %dma_wait3A_1010 = tpu.memref_slice %arg4[%select_n3A_984, %dma_wait3A_1002, %select_n3A_1000, %dma_wait3A_1008, %dma_wait3A_1009] : memref<200x8x32x8x128xf32, #tpu.memory_space<hbm>> -> memref<1x1x1x8x128xf32, #tpu.memory_space<hbm>>
    %dma_wait3A_1011 = tpu.memref_squeeze %dma_wait3A_1010 : memref<1x1x1x8x128xf32, #tpu.memory_space<hbm>> -> memref<8x128xf32, #tpu.memory_space<hbm>>
    %dma_wait3A_1012 = tpu.memref_slice %arg9[%dma_wait3A_1003] : memref<2x!tpu.dma_semaphore, #tpu.memory_space<semaphore_mem>> -> memref<1x!tpu.dma_semaphore, #tpu.memory_space<semaphore_mem>>
    %dma_wait3A_1013 = tpu.memref_squeeze %dma_wait3A_1012 : memref<1x!tpu.dma_semaphore, #tpu.memory_space<semaphore_mem>> -> memref<!tpu.dma_semaphore, #tpu.memory_space<semaphore_mem>>
    %dma_wait3A_1014 = arith.constant 0 : i32
    %dma_wait3A_1015 = arith.constant 0 : i32
    %dma_wait3A_1016 = tpu.memref_slice %arg4[%select_n3A_984, %dma_wait3A_1002, %select_n3A_1000, %dma_wait3A_1014, %dma_wait3A_1015] : memref<200x8x32x8x128xf32, #tpu.memory_space<hbm>> -> memref<1x1x1x8x128xf32, #tpu.memory_space<hbm>>
    %dma_wait3A_1017 = tpu.memref_squeeze %dma_wait3A_1016 : memref<1x1x1x8x128xf32, #tpu.memory_space<hbm>> -> memref<8x128xf32, #tpu.memory_space<hbm>>
    %dma_wait3A_1018 = arith.constant 56 : i32
    %dma_wait3A_1019 = arith.constant 0 : i32
    %dma_wait3A_1020 = tpu.memref_slice %arg7[%dma_wait3A_1001, %dma_wait3A_1018, %dma_wait3A_1019] : memref<2x64x129xf32, #tpu.memory_space<vmem>> -> memref<1x8x128xf32, #tpu.memory_space<vmem>>
    %dma_wait3A_1021 = tpu.memref_squeeze %dma_wait3A_1020 : memref<1x8x128xf32, #tpu.memory_space<vmem>> -> memref<8x128xf32, #tpu.memory_space<vmem>>
    tpu.wait_dma2 semaphore(%dma_wait3A_1013 : memref<!tpu.dma_semaphore, #tpu.memory_space<semaphore_mem>>) src(%dma_wait3A_1021 : memref<8x128xf32, #tpu.memory_space<vmem>>) dst(%dma_wait3A_1017 : memref<8x128xf32, #tpu.memory_space<hbm>>)
    return
  }
}

</mosaic_0001>

<sc_bundles>
// kernel: kernel.3.cloned.1.call-start
scs
__scs_entry_jumppad:
0x0: {  	(pc) =	sbr.rel $0x88, $3  }
0x1: {  	(tag) =	ssettag $0x0;
	lr =	simm.s32 $0x1  }
0x2: {  	[smem:$0x3F9F] =	sst lr;
	_ =	strace $0xD0000000  }
0x3: {  	_ = 	snop  }
0x4: {  	_ = 	snop  }
0x5: {  	_ = 	snop  }
0x6: {  	_ = 	snop  }
0x7: {  	_ = 	snop  }
__scs_overlays_trampoline_lowered:
0x8: {  	[smem:$0x3FAE] =	sst s0  }
0x9: {  	[smem:$0x3FAF] =	sst s1  }
0xa: {  	[smem:$0x3FB0] =	sst s2  }
0xb: {  	[smem:$0x3FB1] =	sst s3  }
0xc: {  	[smem:$0x3FB2] =	sst s4  }
0xd: {  	[smem:$0x3FB3] =	sst s5  }
0xe: {  	[smem:$0x3FB4] =	sst s6  }
0xf: {  	[smem:$0x3FB5] =	sst s7  }
0x10: {  	[smem:$0x3FB6] =	sst s8  }
0x11: {  	[smem:$0x3FB7] =	sst s9;
	s0 =	simm.s32 @!p0 $0x0  }
0x12: {  	s1 =	sld [smem:$0x3F9D];
	s0 =	simm.s32 @p0 $0x1  }
0x13: {  	[smem:$0x3FB8] =	sst s0;
	s0 =	simm.s32 @!p1 $0x0  }
0x14: {  	s2 =	sld [smem:$0x3F9C];
	s0 =	simm.s32 @p1 $0x1  }
0x15: {  	[smem:$0x3FB9] =	sst s0;
	s0 =	simm.s32 @!p2 $0x0  }
0x16: {  	s3 =	sld [smem:$0x3FDB];
	s0 =	simm.s32 @p2 $0x1  }
0x17: {  	s4 =	simm.s32 $0x1BF5;
	[smem:$0x3FBB] =	sst s0  }
0x18: {  	s0 =	sld [smem:$0x3F9E];
	_ =	swait.ge [sflag:s4], $0x0  }
0x19: {  	s7 =	sld [smem:$0x3F9F]  }
0x1a: {  	s8 =	sadd.s32 $0xFFFFE003, lr  }
0x1b: {  	s9 =	sadd.s32 $0xFFFFFEF7, lr;
	s5 =	simm.s32 $0xFFFFFFFF;
	p2 =	slt.u32 s8, $0xFFFFF086  }
0x1c: {  	p1 =	slt.u32 s9, $0xF7A;
	s5 =	simm.s32 @!p2 $0x0  }
0x1d: {  	s5 =	simm.s32 @p1 $0x1;
	p0 =	seq.s32 s7, s2  }
0x1e: {  	s7 =	smul.u32 @!p0 $0xF7A, s2;
	p2 =	seq.s32 @!p0 s5, $0x0  }
0x1f: {  	s9 =	smul.u32 $0xF7A, s1;
	s8 =	simm.s32 @!p0 $0x1BF5;
	p2 =	por !p2, p0  }
0x20: {  	[sflag:s8] =	ssyncset.s32 @!p0 $0xFFFFF086;
	s6 =	sadd.s32 @!p0 s3, s7;
	s7 =	simm.s32 @!p0 $0x108  }
0x21: {  	s3 =	sadd.s32 s3, s9;
	s6 =	sadd.s32 @!p0 $0x88, s6;
	s7 =	simm.s32 @p2 $0x1082  }
0x22: {  	[simem:s7], [sflag:s8] =	dma.local @!p0 [hbm:s6], $0xF7A  }
0x23: {  	s9 =	sor.u32 $0xD0000000, s2;
	s6 =	simm.s32 $0x108;
	_ =	swait.ge @!p0 [sflag:s8], $0x0  }
0x24: {  	s3 =	sadd.s32 $0x88, s3;
	s6 =	simm.s32 @!p1 $0x1082;
	[sflag:s4] =	ssyncset.s32 $0xFFFFF086  }
0x25: {  	[simem:s6], [sflag:s4] =	dma.local [hbm:s3], $0xF7A  }
0x26: {  	[smem:$0x3F9F] =	sst s1;
	(tag) =	ssettag s2;
	_ =	strace s9  }
0x27: {  	s1 =	sld [smem:$0x3FAF]  }
0x28: {  	s2 =	sld [smem:$0x3FB0]  }
0x29: {  	s4 =	sld [smem:$0x3FB2]  }
0x2a: {  	p0 =	seq.s32 s5, $0x0;
	s5 =	sld [smem:$0x3FB3]  }
0x2b: {  	s6 =	sld [smem:$0x3FB4]  }
0x2c: {  	s7 =	sld [smem:$0x3FB5]  }
0x2d: {  	s3 =	simm.s32 $0x108;
	s8 =	sld [smem:$0x3FB6]  }
0x2e: {  	s3 =	simm.s32 @!p0 $0x1082;
	s9 =	sld [smem:$0x3FB7]  }
0x2f: {  	lr =	sadd.s32 s0, s3;
	s0 =	sld [smem:$0x3FAE]  }
0x30: {  	s3 =	sld [smem:$0x3FB1]  }
0x31: {  	[smem:$0x3FBA] =	sst s10  }
0x32: {  	s10 =	sld [smem:$0x3FB8];
	_ =	sdelay $0x3  }
0x33: {  	p0 =	seq.s32 s10, $0x1;
	s10 =	sld [smem:$0x3FBA];
	_ =	sdelay $0x3  }
0x34: {  	[smem:$0x3FBA] =	sst s10  }
0x35: {  	s10 =	sld [smem:$0x3FB9];
	_ =	sdelay $0x3  }
0x36: {  	p1 =	seq.s32 s10, $0x1;
	s10 =	sld [smem:$0x3FBA];
	_ =	sdelay $0x3  }
0x37: {  	[smem:$0x3FBA] =	sst s10  }
0x38: {  	s10 =	sld [smem:$0x3FBB]  }
0x39: {  	_ = 	snop;
	(pc) =	sbr.ind lr, $3  }
0x3a: {  	_ = 	snop  }
0x3b: {  	_ = 	snop  }
0x3c: {  	p2 =	seq.s32 s10, $0x1;
	s10 =	sld [smem:$0x3FBA]  }
0x3d: {  	_ =	shalt  }
0x3e: {  	_ =	shalt  }
0x3f: {  	_ =	shalt  }
0x40: {  	_ =	shalt  }
0x41: {  	_ =	shalt  }
0x42: {  	_ =	shalt  }
0x43: {  	_ =	shalt  }
0x44: {  	_ =	shalt  }
0x45: {  	_ =	shalt  }
0x46: {  	_ =	shalt  }
0x47: {  	_ =	shalt  }
0x48: {  	_ =	shalt  }
0x49: {  	_ =	shalt  }
0x4a: {  	_ =	shalt  }
0x4b: {  	_ =	shalt  }
0x4c: {  	_ =	shalt  }
0x4d: {  	_ =	shalt  }
0x4e: {  	_ =	shalt  }
0x4f: {  	_ =	shalt  }
0x50: {  	_ =	shalt  }
0x51: {  	_ =	shalt  }
0x52: {  	_ =	shalt  }
0x53: {  	_ =	shalt  }
0x54: {  	_ =	shalt  }
0x55: {  	_ =	shalt  }
0x56: {  	_ =	shalt  }
0x57: {  	_ =	shalt  }
0x58: {  	_ =	shalt  }
0x59: {  	_ =	shalt  }
0x5a: {  	_ =	shalt  }
0x5b: {  	_ =	shalt  }
0x5c: {  	_ =	shalt  }
0x5d: {  	_ =	shalt  }
0x5e: {  	_ =	shalt  }
0x5f: {  	_ =	shalt  }
0x60: {  	_ =	shalt  }
0x61: {  	_ =	shalt  }
0x62: {  	_ =	shalt  }
0x63: {  	_ =	shalt  }
0x64: {  	_ =	shalt  }
0x65: {  	_ =	shalt  }
0x66: {  	_ =	shalt  }
0x67: {  	_ =	shalt  }
0x68: {  	_ =	shalt  }
0x69: {  	_ =	shalt  }
0x6a: {  	_ =	shalt  }
0x6b: {  	_ =	shalt  }
0x6c: {  	_ =	shalt  }
0x6d: {  	_ =	shalt  }
0x6e: {  	_ =	shalt  }
0x6f: {  	_ =	shalt  }
0x70: {  	_ =	shalt  }
0x71: {  	_ =	shalt  }
0x72: {  	_ =	shalt  }
0x73: {  	_ =	shalt  }
0x74: {  	_ =	shalt  }
0x75: {  	_ =	shalt  }
0x76: {  	_ =	shalt  }
0x77: {  	_ =	shalt  }
0x78: {  	_ =	shalt  }
0x79: {  	_ =	shalt  }
0x7a: {  	_ =	shalt  }
0x7b: {  	_ =	shalt  }
0x7c: {  	_ =	shalt  }
0x7d: {  	_ =	shalt  }
0x7e: {  	_ =	shalt  }
0x7f: {  	_ =	shalt  }
0x80: {  	_ =	shalt  }
0x81: {  	_ =	shalt  }
0x82: {  	_ =	shalt  }
0x83: {  	_ =	shalt  }
0x84: {  	_ =	shalt  }
0x85: {  	_ =	shalt  }
0x86: {  	_ =	shalt  }
0x87: {  	_ =	shalt  }
.Lfunc_end0:
.L_simem_size_0:
called_computation.1_lowered:
.L_overlay_start_0:
0x88: {  	s2 =	sld [smem:$0x3FD9]  }
0x89: {  	s3 =	sld [smem:$0x3FFE];
	_ =	sdelay $0x1  }
0x8a: {  	s1 =	srdreg.scid  }
0x8b: {  	s0 =	sand.u32 $0x1, s1  }
0x8c: {  	s17 =	sshll.u32 s0, $0xA;
	s2 =	sadd.s32 s3, s2  }
0x8d: {  	s2 =	sadd.s32 s2, s17  }
0x8e: {  	[smem:$0x3FC6] =	sst s2  }
0x8f: {  	_ = 	snop  }
0x90: {  	s2 =	sld [smem:$0x3FD0];
	(tm) =	ssettm $0x1  }
0x91: {  	s18 =	sld [smem:$0x3FFB];
	_ =	sdelay $0x3  }
0x92: {  	_ =	strace s18  }
0x93: {  	s3 =	sld [smem:$0x3FFC];
	_ =	sdelay $0x3  }
0x94: {  	_ =	strace s3  }
0x95: {  	s3 =	sld [smem:$0x3FFD];
	_ =	sdelay $0x3  }
0x96: {  	_ =	strace s3  }
0x97: {  	_ =	strace $0x8FFFFFFF  }
0x98: {  	s19 =	sld [smem:$0x3FDB];
	_ =	sdelay $0x1  }
0x99: {  	s4 =	simm.s32 $_scs_section_size  }
0x9a: {  	s5 =	simm.s32 $_size__tile_overlayer_lowered;
	s6 =	simm.s32 $_tile_overlayer_lowered  }
0x9b: {  	s22 =	simm.s32 $0x1BFF;
	s21 =	sshll.u32 s6, $0x1;
	s3 =	sadd.s32 s4, s19  }
0x9c: {  	s7 =	simm.s32 $0x0;
	s20 =	sshll.u32 s5, $0x1;
	s5 =	sadd.s32 s21, s3  }
0x9d: {  	[timem:s7], [sflag:s22] =	dma.local [hbm:s5], s20  }
0x9e: {  	_ =	swait.ge [sflag:s22], s20  }
0x9f: {  	s4 =	ssub.s32 $0x0, s20;
	[sflag:s22] =	ssyncset.done $0x0  }
0xa0: {  	[sflag:s22] =	ssyncadd.s32 s4;
	_ =	sdelay $0x1  }
0xa1: {  	s23 =	simm.s32 $0x1B8B  }
0xa2: {  	_ =	swait.ge [sflag:s23], $0x1  }
0xa3: {  	[sflag:s23] =	ssyncset.done $0x0  }
0xa4: {  	s25 =	simm.s32 $0x1B8E;
	s24 =	sld [smem:$0x3FFE];
	[sflag:s23] =	ssyncadd.s32 $0xFFFFFFFF  }
0xa5: {  	s26 =	simm.s32 $execute0_lowered;
	[smem:$0x3FD2] =	sst s25  }
0xa6: {  	s5 =	sshll.u32 s26, $0x1;
	_ =	strace $0x80000049;
	[dreg:$0x1] =	wrdreg $0xFFFFFFFF  }
0xa7: {  	s28 =	simm.s32 $_size_execute0_lowered;
	s3 =	sadd.s32 s3, s5;
	[dreg:$0x0] =	wrdreg $0x0  }
0xa8: {  	s5 =	sshll.u32 s28, $0x1;
	[dreg:$0x2] =	wrdreg s3  }
0xa9: {  	[dreg:$0x3] =	wrdreg s5  }
0xaa: {  	[dreg:$0x4] =	wrdreg $0xC0  }
0xab: {  	_ =	task [dreg:s7], $0x5FFFF  }
0xac: {  	[dreg:$0x1] =	wrdreg $0xFFFFFFFF  }
0xad: {  	[dreg:$0x0] =	wrdreg $0x60  }
0xae: {  	[dreg:$0x2] =	wrdreg s24  }
0xaf: {  	[dreg:$0x3] =	wrdreg s2  }
0xb0: {  	[dreg:$0x4] =	wrdreg $0x9  }
0xb1: {  	_ =	task.clear_ibuf [dreg:s7], $0x5FFFF;
	_ =	strace $0x90000049  }
0xb2: {  	s29 =	simm.s32 $0x9;
	_ =	strace $0x8000004B  }
0xb3: {  	_ =	swait.ge [sflag:s29], $0x1  }
0xb4: {  	[sflag:s29] =	ssyncadd.s32 $0xFFFFFFFF  }
0xb5: {  	_ =	strace $0x9000004B  }
0xb6: {  	_ =	sfence  }
0xb7: {  	s30 =	sld [smem:$0x0];
	_ =	sdelay $0x2  }
0xb8: {  	s31 =	sshll.u32 s1, $0xD;
	s1 =	sshrl.u32 s1, $0x2  }
0xb9: {  	s3 =	sand.u32 $0x4000, s31;
	s1 =	sadd.s32 s1, s30  }
0xba: {  	s0 =	sor.u32 s3, s0;
	s1 =	sshll.u32 s1, $0x11  }
0xbb: {  	s0 =	sor.u32 s1, s0  }
0xbc: {  	s0 =	sadd.s32 $0x8F2B, s0  }
0xbd: {  	[sflag:s0] =	ssyncadd.remote.s32 $0x1  }
0xbe: {  	_ =	sfence.sel $0xFFFF  }
0xbf: {  	[dreg:$0x0] =	wrdreg $0xFFFFFFFF;
	(pc) =	sbr.abs _section_cstart, $3  }
0xc0: {  	[dreg:$0x1] =	wrdreg $0xFFFFFFFF  }
0xc1: {  	_ =	task.clear_ibuf [dreg:s7], $0x2FFFF;
	_ =	strace $0x9FFFFFFF  }
0xc2: {  	(tm) =	ssettm $0x7FFFFFFF  }
0xc3: {  	_ =	shalt  }
tec
execute0_lowered:
.L_overlay_start_1:
0x0: {  	(tag) =	ssettag $0x1  }
0x1: {  	s0 =	rddreg [dreg:$0x0];
	s1 =	srdreg.scid  }
0x2: {  	s3 =	stileid.u32;
	s2 =	rddreg [dreg:$0x1];
	v0 =	vlaneseq.u32  }
0x3: {  	s19 =	simm.s32 $0x1;
	s20 =	simm.s32 $0xA400;
	s17 =	simm.s32 $0x2;
	v0 =	vmul.u32 $0x88, v0  }
0x4: {  	v1 =	vimm.s32 $0x0;
	vm0 =	vcmask $0x300;
	s24 =	simm.s32 $0xE3C0;
	s28 =	simm.s32 $0xE558;
	s29 =	simm.s32 $0xE5E0  }
0x5: {  	s30 =	simm.s32 $0xE668;
	s31 =	simm.s32 $0xE6F0;
	s15 =	simm.s32 $0x0;
	v1 =	vsel vm0, $0x3, v1;
	v2 =	vadd.s32 $0x880, v0  }
0x6: {  	s23 =	simm.s32 $0x80;
	s1 =	sand.u32 $0x1, s1;
	s4 =	sshll.u32 s3, $0x1;
	v3 =	vadd.s32 $0x1100, v0;
	v4 =	vadd.s32 $0x1980, v0;
	v5 =	vor.u32 $0x1, v0  }
0x7: {  	s3 =	simm.s32 $0x0;
	s8 =	sadd.s32 $0x2000, s2;
	s9 =	sadd.s32 $0x3000, s2;
	v6 =	vadd.s32 $0x881, v0;
	v7 =	vadd.s32 $0x1101, v0;
	v8 =	vadd.s32 $0x1981, v0  }
0x8: {  	s10 =	sadd.s32 $0x4000, s2;
	s11 =	sadd.s32 $0x5000, s2;
	s5 =	sor.u32 s1, s4;
	v9 =	vor.u32 $0x2, v0;
	v10 =	vadd.s32 $0x882, v0;
	v11 =	vadd.s32 $0x1102, v0  }
0x9: {  	s12 =	sadd.s32 $0x6000, s2;
	s13 =	sadd.s32 $0x7000, s2;
	s4 =	smul.u32 $0xC80, s5;
	v12 =	vadd.s32 $0x1982, v0;
	v13 =	vor.u32 $0x3, v0;
	v14 =	vadd.s32 $0x883, v0  }
0xa: {  	[smem:$0x7FF] =	sst s3;
	s1 =	ssub.s32 $0x2, s1;
	s5 =	smul.u32 $0xC8, s5;
	v15 =	vadd.s32 $0x1103, v0;
	v16 =	vadd.s32 $0x1983, v0;
	v17 =	vor.u32 $0x4, v0  }
.Ltmp0:
0xb: {  	_ =	strace $0x8000004A;
	s6 =	sshrl.u32 s1, $0x1;
	v18 =	vadd.s32 $0x884, v0;
	v19 =	vadd.s32 $0x1104, v0;
	v20 =	vadd.s32 $0x1984, v0;
	(pc) =	sbr.rel .LBB2_1-.Ltmp0, $4  }
0xc: {  	v21 =	vor.u32 $0x5, v0;
	v22 =	vadd.s32 $0x885, v0;
	v23 =	vadd.s32 $0x1105, v0;
	s25 =	ssub.s32 s1, s6;
	s6 =	simm.s32 $0xC600;
	s1 =	simm.s32 $0xE778  }
0xd: {  	v24 =	vadd.s32 $0x1985, v0;
	v25 =	vor.u32 $0x6, v0;
	v26 =	vadd.s32 $0x886, v0;
	s7 =	sadd.s32 s4, s0;
	s4 =	sadd.s32 $0xF5BE00, s0;
	s0 =	smax.u32 s25, $0x1  }
0xe: {  	v27 =	vadd.s32 $0x1106, v0;
	v28 =	vadd.s32 $0x1986, v0;
	v29 =	vor.u32 $0x7, v0;
	s25 =	simm.s32 $0xE448;
	s26 =	sadd.s32 $0xF42E00, s7;
	[dreg:$0x4] =	wrdreg s0  }
0xf: {  	v30 =	vadd.s32 $0x887, v0;
	v31 =	vadd.s32 $0x1107, v0;
	v32 =	vadd.s32 $0x1987, v0;
	s7 =	sadd.s32 $0x1000, s2;
	[dreg:$0x3] =	wrdreg s26;
	s26 =	simm.s32 $0xE4D0  }
.LBB2_8:
0x10: {  	s0 =	simm.s32 $0x3  }
0x11: {  	_ =	swait.ge [sflag:s0], $0x400  }
0x12: {  	[sflag:s0] =	ssyncset.done $0x0  }
0x13: {  	[sflag:s0] =	ssyncadd.s32 $0xFFFFFC00  }
0x14: {  	_ =	swait.ge [sflag:s0], $0x400  }
0x15: {  	[sflag:s0] =	ssyncset.done $0x0  }
0x16: {  	[sflag:s0] =	ssyncadd.s32 $0xFFFFFC00  }
0x17: {  	_ =	swait.ge [sflag:s0], $0x400  }
0x18: {  	[sflag:s0] =	ssyncset.done $0x0  }
0x19: {  	[sflag:s0] =	ssyncadd.s32 $0xFFFFFC00  }
0x1a: {  	_ =	swait.ge [sflag:s0], $0x400  }
0x1b: {  	[sflag:s0] =	ssyncset.done $0x0  }
0x1c: {  	[sflag:s0] =	ssyncadd.s32 $0xFFFFFC00  }
0x1d: {  	_ =	swait.ge [sflag:s0], $0x400  }
0x1e: {  	[sflag:s0] =	ssyncset.done $0x0  }
0x1f: {  	[sflag:s0] =	ssyncadd.s32 $0xFFFFFC00  }
0x20: {  	_ =	swait.ge [sflag:s0], $0x400  }
0x21: {  	[sflag:s0] =	ssyncset.done $0x0  }
0x22: {  	[sflag:s0] =	ssyncadd.s32 $0xFFFFFC00  }
0x23: {  	_ =	swait.ge [sflag:s0], $0x400  }
0x24: {  	[sflag:s0] =	ssyncset.done $0x0  }
0x25: {  	[sflag:s0] =	ssyncadd.s32 $0xFFFFFC00  }
0x26: {  	_ =	swait.ge [sflag:s0], $0x400  }
0x27: {  	[sflag:s0] =	ssyncset.done $0x0  }
0x28: {  	s14 =	simm.s32 $0x4;
	[sflag:s0] =	ssyncadd.s32 $0xFFFFFC00  }
0x29: {  	_ =	swait.ge [sflag:s14], $0x400  }
0x2a: {  	[sflag:s14] =	ssyncset.done $0x0  }
0x2b: {  	[sflag:s14] =	ssyncadd.s32 $0xFFFFFC00  }
0x2c: {  	_ =	swait.ge [sflag:s14], $0x400  }
0x2d: {  	[sflag:s14] =	ssyncset.done $0x0  }
0x2e: {  	[sflag:s14] =	ssyncadd.s32 $0xFFFFFC00  }
0x2f: {  	_ =	swait.ge [sflag:s14], $0x400  }
0x30: {  	[sflag:s14] =	ssyncset.done $0x0  }
0x31: {  	[sflag:s14] =	ssyncadd.s32 $0xFFFFFC00  }
0x32: {  	_ =	swait.ge [sflag:s14], $0x400  }
0x33: {  	[sflag:s14] =	ssyncset.done $0x0  }
0x34: {  	[sflag:s14] =	ssyncadd.s32 $0xFFFFFC00  }
0x35: {  	_ =	swait.ge [sflag:s14], $0x400  }
0x36: {  	[sflag:s14] =	ssyncset.done $0x0  }
0x37: {  	[sflag:s14] =	ssyncadd.s32 $0xFFFFFC00  }
0x38: {  	_ =	swait.ge [sflag:s14], $0x400  }
0x39: {  	[sflag:s14] =	ssyncset.done $0x0  }
0x3a: {  	[sflag:s14] =	ssyncadd.s32 $0xFFFFFC00  }
0x3b: {  	_ =	swait.ge [sflag:s14], $0x400  }
0x3c: {  	[sflag:s14] =	ssyncset.done $0x0  }
0x3d: {  	[sflag:s14] =	ssyncadd.s32 $0xFFFFFC00  }
0x3e: {  	_ =	swait.ge [sflag:s14], $0x400  }
0x3f: {  	s15 =	rddreg [dreg:$0x5]  }
0x40: {  	s22 =	rddreg [dreg:$0x4];
	s15 =	sadd.s32 $0x1, s15  }
0x41: {  	p0 =	sne.s32 s15, s22  }
.Ltmp1:
0x42: {  	_ = 	snop;
	(pc) =	sbr.rel @!p0 .LBB2_9-.Ltmp1, $3  }
0x43: {  	_ =	sdelay $0x1  }
0x44: {  	[sflag:s14] =	ssyncset.done $0x0  }
0x45: {  	[sflag:s14] =	ssyncadd.s32 $0xFFFFFC00  }
.LBB2_1:
0x46: {  	[dreg:$0x5] =	wrdreg s15  }
0x47: {  	s0 =	rddreg [dreg:$0x3];
	s18 =	simm.s32 $0x5  }
0x48: {  	[tilespmem:s3], [sflag:$0x5] =	stream.linear.gather [hbm4b:s0+s3], $0x6400, $0x38;
	[tilespmem:$0xE800] =	vst v63  }
0x49: {  	_ =	swait.ge [sflag:s18], $0x6400  }
0x4a: {  	[sflag:s18] =	ssyncset.done $0x0  }
0x4b: {  	s21 =	simm.s32 $0x80;
	s14 =	simm.s32 $0x6400;
	[sflag:s18] =	ssyncadd.s32 $0xFFFF9C00  }
0x4c: {  	[tilespmem:s14], [sflag:$0x1] =	stream.indirect.gather [hbm4b:s4+s21], $0x40, s3, s21, $0xb8;
	[tilespmem:$0xE800] =	vst v63  }
0x4d: {  	s22 =	simm.s32 $0x8400;
	s0 =	simm.s32 $0x0  }
0x4e: {  	[tilespmem:s22], [sflag:$0x2] =	stream.indirect.gather [hbm4b:s4+s21], $0x40, s21, s21, $0xb8;
	[tilespmem:$0xE800] =	vst v63  }
.LBB2_2:
0x4f: {  	_ =	swait.ge [sflag:s19], $0x2000  }
0x50: {  	p0 =	seq.s32 s0, $0x0;
	[sflag:s19] =	ssyncset.done $0x0  }
0x51: {  	s14 =	simm.s32 @!p0 $0x3;
	[sflag:s19] =	ssyncadd.s32 $0xFFFFE000  }
0x52: {  	_ =	swait.ge @!p0 [sflag:s14], $0x400  }
0x53: {  	[sflag:s14] =	ssyncset.done @!p0 $0x0  }
0x54: {  	[sflag:s14] =	ssyncadd.s32 @!p0 $0xFFFFFC00  }
0x55: {  	_ =	swait.ge @!p0 [sflag:s14], $0x400  }
0x56: {  	[sflag:s14] =	ssyncset.done @!p0 $0x0  }
0x57: {  	[sflag:s14] =	ssyncadd.s32 @!p0 $0xFFFFFC00  }
0x58: {  	_ =	swait.ge @!p0 [sflag:s14], $0x400  }
0x59: {  	[sflag:s14] =	ssyncset.done @!p0 $0x0  }
0x5a: {  	[sflag:s14] =	ssyncadd.s32 @!p0 $0xFFFFFC00  }
0x5b: {  	_ =	swait.ge @!p0 [sflag:s14], $0x400  }
0x5c: {  	[sflag:s14] =	ssyncset.done @!p0 $0x0  }
0x5d: {  	[sflag:s14] =	ssyncadd.s32 @!p0 $0xFFFFFC00  }
0x5e: {  	_ =	swait.ge @!p0 [sflag:s14], $0x400  }
0x5f: {  	[sflag:s14] =	ssyncset.done @!p0 $0x0  }
0x60: {  	[sflag:s14] =	ssyncadd.s32 @!p0 $0xFFFFFC00  }
0x61: {  	_ =	swait.ge @!p0 [sflag:s14], $0x400  }
0x62: {  	[sflag:s14] =	ssyncset.done @!p0 $0x0  }
0x63: {  	[sflag:s14] =	ssyncadd.s32 @!p0 $0xFFFFFC00  }
0x64: {  	s15 =	simm.s32 $0x0;
	_ =	swait.ge @!p0 [sflag:s14], $0x400  }
0x65: {  	v33 =	vmov s15;
	[sflag:s14] =	ssyncset.done @!p0 $0x0  }
0x66: {  	v33 =	vshrl.u32 v33, $0x3;
	[sflag:s14] =	ssyncadd.s32 @!p0 $0xFFFFFC00  }
0x67: {  	v33 =	vshll.u32 v33, v1;
	_ =	swait.ge @!p0 [sflag:s14], $0x400  }
0x68: {  	v33 =	vbroadcast v33, $0x0;
	[sflag:s14] =	ssyncset.done @!p0 $0x0  }
0x69: {  	s18 =	simm.s32 $0x6500;
	[sflag:s14] =	ssyncadd.s32 @!p0 $0xFFFFFC00  }
0x6a: {  	v35 =	vadd.s32 v0, v33;
	v34 =	vld [tilespmem:s18+$0xFFFFFF00];
	_ =	sdelay $0x4  }
0x6b: {  	[tilespmem:v35+s20+$0x0] =	vst.idx.msk $0xffff, v34  }
0x6c: {  	v56 =	vadd.s32 v2, v33;
	v34 =	vld [tilespmem:s18+$0xFFFFFF10];
	_ =	sdelay $0x4  }
0x6d: {  	[tilespmem:v56+s20+$0x0] =	vst.idx.msk $0xffff, v34  }
0x6e: {  	v57 =	vadd.s32 v3, v33;
	v34 =	vld [tilespmem:s18+$0xFFFFFF20];
	_ =	sdelay $0x4  }
0x6f: {  	[tilespmem:v57+s20+$0x0] =	vst.idx.msk $0xffff, v34  }
0x70: {  	s16 =	simm.s32 $0x1;
	v33 =	vadd.s32 v4, v33;
	v34 =	vld [tilespmem:s18+$0xFFFFFF30]  }
0x71: {  	v58 =	vmov s16  }
0x72: {  	v35 =	vshrl.u32 v58, $0x3  }
0x73: {  	v35 =	vshll.u32 v35, v1  }
0x74: {  	v35 =	vbroadcast v35, $0x0  }
0x75: {  	[tilespmem:v33+s20+$0x0] =	vst.idx.msk $0xffff, v34  }
0x76: {  	v59 =	vadd.s32 v5, v35;
	v33 =	vld [tilespmem:s18+$0xFFFFFF40];
	_ =	sdelay $0x4  }
0x77: {  	[tilespmem:v59+s20+$0x0] =	vst.idx.msk $0xffff, v33  }
0x78: {  	v60 =	vadd.s32 v6, v35;
	v33 =	vld [tilespmem:s18+$0xFFFFFF50];
	_ =	sdelay $0x4  }
0x79: {  	[tilespmem:v60+s20+$0x0] =	vst.idx.msk $0xffff, v33  }
0x7a: {  	v61 =	vadd.s32 v7, v35;
	v33 =	vld [tilespmem:s18+$0xFFFFFF60];
	_ =	sdelay $0x4  }
0x7b: {  	[tilespmem:v61+s20+$0x0] =	vst.idx.msk $0xffff, v33  }
0x7c: {  	s21 =	simm.s32 $0x2;
	v62 =	vadd.s32 v8, v35;
	v33 =	vld [tilespmem:s18+$0xFFFFFF70]  }
0x7d: {  	v63 =	vmov s21  }
0x7e: {  	v35 =	vshrl.u32 v63, $0x3  }
0x7f: {  	v35 =	vshll.u32 v35, v1  }
0x80: {  	v35 =	vbroadcast v35, $0x0  }
0x81: {  	[tilespmem:v62+s20+$0x0] =	vst.idx.msk $0xffff, v33  }
0x82: {  	v36 =	vadd.s32 v9, v35;
	v33 =	vld [tilespmem:s18+$0xFFFFFF80];
	_ =	sdelay $0x4  }
0x83: {  	[tilespmem:v36+s20+$0x0] =	vst.idx.msk $0xffff, v33  }
0x84: {  	v37 =	vadd.s32 v10, v35;
	v33 =	vld [tilespmem:s18+$0xFFFFFF90];
	_ =	sdelay $0x4  }
0x85: {  	[tilespmem:v37+s20+$0x0] =	vst.idx.msk $0xffff, v33  }
0x86: {  	v38 =	vadd.s32 v11, v35;
	v33 =	vld [tilespmem:s18+$0xFFFFFFA0];
	_ =	sdelay $0x4  }
0x87: {  	[tilespmem:v38+s20+$0x0] =	vst.idx.msk $0xffff, v33  }
0x88: {  	s22 =	simm.s32 $0x3;
	v39 =	vadd.s32 v12, v35;
	v33 =	vld [tilespmem:s18+$0xFFFFFFB0]  }
0x89: {  	v40 =	vmov s22  }
0x8a: {  	v35 =	vshrl.u32 v40, $0x3  }
0x8b: {  	v35 =	vshll.u32 v35, v1  }
0x8c: {  	v35 =	vbroadcast v35, $0x0  }
0x8d: {  	[tilespmem:v39+s20+$0x0] =	vst.idx.msk $0xffff, v33  }
0x8e: {  	v41 =	vadd.s32 v13, v35;
	v33 =	vld [tilespmem:s18+$0xFFFFFFC0];
	_ =	sdelay $0x4  }
0x8f: {  	[tilespmem:v41+s20+$0x0] =	vst.idx.msk $0xffff, v33  }
0x90: {  	v42 =	vadd.s32 v14, v35;
	v33 =	vld [tilespmem:s18+$0xFFFFFFD0];
	_ =	sdelay $0x4  }
0x91: {  	[tilespmem:v42+s20+$0x0] =	vst.idx.msk $0xffff, v33  }
0x92: {  	v43 =	vadd.s32 v15, v35;
	v33 =	vld [tilespmem:s18+$0xFFFFFFE0];
	_ =	sdelay $0x4  }
0x93: {  	[tilespmem:v43+s20+$0x0] =	vst.idx.msk $0xffff, v33  }
0x94: {  	s15 =	simm.s32 $0x4;
	v44 =	vadd.s32 v16, v35;
	v33 =	vld [tilespmem:s18+$0xFFFFFFF0]  }
0x95: {  	v45 =	vmov s15  }
0x96: {  	v35 =	vshrl.u32 v45, $0x3  }
0x97: {  	v35 =	vshll.u32 v35, v1  }
0x98: {  	v35 =	vbroadcast v35, $0x0  }
0x99: {  	[tilespmem:v44+s20+$0x0] =	vst.idx.msk $0xffff, v33  }
0x9a: {  	v46 =	vadd.s32 v17, v35;
	v33 =	vld [tilespmem:s18+$0x0];
	_ =	sdelay $0x4  }
0x9b: {  	[tilespmem:v46+s20+$0x0] =	vst.idx.msk $0xffff, v33  }
0x9c: {  	v47 =	vadd.s32 v18, v35;
	v33 =	vld [tilespmem:s18+$0x10];
	_ =	sdelay $0x4  }
0x9d: {  	[tilespmem:v47+s20+$0x0] =	vst.idx.msk $0xffff, v33  }
0x9e: {  	v48 =	vadd.s32 v19, v35;
	v33 =	vld [tilespmem:s18+$0x20];
	_ =	sdelay $0x4  }
0x9f: {  	[tilespmem:v48+s20+$0x0] =	vst.idx.msk $0xffff, v33  }
0xa0: {  	s16 =	simm.s32 $0x5;
	v49 =	vadd.s32 v20, v35;
	v33 =	vld [tilespmem:s18+$0x30]  }
0xa1: {  	v50 =	vmov s16  }
0xa2: {  	v35 =	vshrl.u32 v50, $0x3  }
0xa3: {  	v35 =	vshll.u32 v35, v1  }
0xa4: {  	v35 =	vbroadcast v35, $0x0  }
0xa5: {  	[tilespmem:v49+s20+$0x0] =	vst.idx.msk $0xffff, v33  }
0xa6: {  	v51 =	vadd.s32 v21, v35;
	v33 =	vld [tilespmem:s18+$0x40];
	_ =	sdelay $0x4  }
0xa7: {  	[tilespmem:v51+s20+$0x0] =	vst.idx.msk $0xffff, v33  }
0xa8: {  	v52 =	vadd.s32 v22, v35;
	v33 =	vld [tilespmem:s18+$0x50];
	_ =	sdelay $0x4  }
0xa9: {  	[tilespmem:v52+s20+$0x0] =	vst.idx.msk $0xffff, v33  }
0xaa: {  	v53 =	vadd.s32 v23, v35;
	v33 =	vld [tilespmem:s18+$0x60];
	_ =	sdelay $0x4  }
0xab: {  	[tilespmem:v53+s20+$0x0] =	vst.idx.msk $0xffff, v33  }
0xac: {  	s21 =	simm.s32 $0x6;
	v54 =	vadd.s32 v24, v35;
	v33 =	vld [tilespmem:s18+$0x70]  }
0xad: {  	v55 =	vmov s21  }
0xae: {  	v35 =	vshrl.u32 v55, $0x3  }
0xaf: {  	v35 =	vshll.u32 v35, v1  }
0xb0: {  	v35 =	vbroadcast v35, $0x0  }
0xb1: {  	[tilespmem:v54+s20+$0x0] =	vst.idx.msk $0xffff, v33  }
0xb2: {  	v56 =	vadd.s32 v25, v35;
	v33 =	vld [tilespmem:s18+$0x80];
	_ =	sdelay $0x4  }
0xb3: {  	[tilespmem:v56+s20+$0x0] =	vst.idx.msk $0xffff, v33  }
0xb4: {  	v57 =	vadd.s32 v26, v35;
	v33 =	vld [tilespmem:s18+$0x90];
	_ =	sdelay $0x4  }
0xb5: {  	[tilespmem:v57+s20+$0x0] =	vst.idx.msk $0xffff, v33  }
0xb6: {  	v58 =	vadd.s32 v27, v35;
	v33 =	vld [tilespmem:s18+$0xA0];
	_ =	sdelay $0x4  }
0xb7: {  	[tilespmem:v58+s20+$0x0] =	vst.idx.msk $0xffff, v33  }
0xb8: {  	s22 =	simm.s32 $0x7;
	v59 =	vadd.s32 v28, v35;
	v33 =	vld [tilespmem:s18+$0xB0]  }
0xb9: {  	v60 =	vmov s22  }
0xba: {  	v35 =	vshrl.u32 v60, $0x3  }
0xbb: {  	v35 =	vshll.u32 v35, v1  }
0xbc: {  	v35 =	vbroadcast v35, $0x0  }
0xbd: {  	[tilespmem:v59+s20+$0x0] =	vst.idx.msk $0xffff, v33  }
0xbe: {  	v61 =	vadd.s32 v29, v35;
	v33 =	vld [tilespmem:s18+$0xC0];
	_ =	sdelay $0x4  }
0xbf: {  	[tilespmem:v61+s20+$0x0] =	vst.idx.msk $0xffff, v33  }
0xc0: {  	v62 =	vadd.s32 v30, v35;
	v33 =	vld [tilespmem:s18+$0xD0];
	_ =	sdelay $0x4  }
0xc1: {  	[tilespmem:v62+s20+$0x0] =	vst.idx.msk $0xffff, v33  }
0xc2: {  	v63 =	vadd.s32 v31, v35;
	v33 =	vld [tilespmem:s18+$0xE0];
	_ =	sdelay $0x4  }
0xc3: {  	[tilespmem:v63+s20+$0x0] =	vst.idx.msk $0xffff, v33  }
0xc4: {  	s16 =	simm.s32 $0x8;
	s14 =	sshll.u32 s0, $0x1;
	v34 =	vadd.s32 v32, v35;
	v33 =	vld [tilespmem:s18+$0xF0]  }
0xc5: {  	s21 =	simm.s32 $0x10;
	s15 =	sadd.s32 s5, s14;
	v35 =	vmov s16  }
.LBB2_3:
0xc6: {  	p1 =	slt.u32 s21, $0x78;
	v35 =	vshrl.u32 v35, $0x3  }
0xc7: {  	v35 =	vshll.u32 v35, v1  }
0xc8: {  	v35 =	vbroadcast v35, $0x0  }
0xc9: {  	s18 =	sadd.s32 $0x200, s18;
	[tilespmem:v34+s20+$0x0] =	vst.idx.msk $0xffff, v33  }
0xca: {  	v33 =	vld [tilespmem:s18+$0xFFFFFF00];
	v34 =	vadd.s32 v0, v35;
	_ =	sdelay $0x4  }
0xcb: {  	[tilespmem:v34+s20+$0x0] =	vst.idx.msk $0xffff, v33  }
0xcc: {  	v34 =	vadd.s32 v2, v35;
	v33 =	vld [tilespmem:s18+$0xFFFFFF10];
	_ =	sdelay $0x4  }
0xcd: {  	[tilespmem:v34+s20+$0x0] =	vst.idx.msk $0xffff, v33  }
0xce: {  	v34 =	vadd.s32 v3, v35;
	v33 =	vld [tilespmem:s18+$0xFFFFFF20];
	_ =	sdelay $0x4  }
0xcf: {  	[tilespmem:v34+s20+$0x0] =	vst.idx.msk $0xffff, v33  }
0xd0: {  	s22 =	sadd.s32 $0x1, s16;
	v34 =	vadd.s32 v4, v35;
	v33 =	vld [tilespmem:s18+$0xFFFFFF30]  }
0xd1: {  	v35 =	vmov s22  }
0xd2: {  	v35 =	vshrl.u32 v35, $0x3  }
0xd3: {  	v35 =	vshll.u32 v35, v1  }
0xd4: {  	v35 =	vbroadcast v35, $0x0  }
0xd5: {  	[tilespmem:v34+s20+$0x0] =	vst.idx.msk $0xffff, v33  }
0xd6: {  	v34 =	vadd.s32 v5, v35;
	v33 =	vld [tilespmem:s18+$0xFFFFFF40];
	_ =	sdelay $0x4  }
0xd7: {  	[tilespmem:v34+s20+$0x0] =	vst.idx.msk $0xffff, v33  }
0xd8: {  	v34 =	vadd.s32 v6, v35;
	v33 =	vld [tilespmem:s18+$0xFFFFFF50];
	_ =	sdelay $0x4  }
0xd9: {  	[tilespmem:v34+s20+$0x0] =	vst.idx.msk $0xffff, v33  }
0xda: {  	v34 =	vadd.s32 v7, v35;
	v33 =	vld [tilespmem:s18+$0xFFFFFF60];
	_ =	sdelay $0x4  }
0xdb: {  	[tilespmem:v34+s20+$0x0] =	vst.idx.msk $0xffff, v33  }
0xdc: {  	s22 =	sadd.s32 $0x2, s16;
	v34 =	vadd.s32 v8, v35;
	v33 =	vld [tilespmem:s18+$0xFFFFFF70]  }
0xdd: {  	v35 =	vmov s22  }
0xde: {  	v35 =	vshrl.u32 v35, $0x3  }
0xdf: {  	v35 =	vshll.u32 v35, v1  }
0xe0: {  	v35 =	vbroadcast v35, $0x0  }
0xe1: {  	[tilespmem:v34+s20+$0x0] =	vst.idx.msk $0xffff, v33  }
0xe2: {  	v34 =	vadd.s32 v9, v35;
	v33 =	vld [tilespmem:s18+$0xFFFFFF80];
	_ =	sdelay $0x4  }
0xe3: {  	[tilespmem:v34+s20+$0x0] =	vst.idx.msk $0xffff, v33  }
0xe4: {  	v34 =	vadd.s32 v10, v35;
	v33 =	vld [tilespmem:s18+$0xFFFFFF90];
	_ =	sdelay $0x4  }
0xe5: {  	[tilespmem:v34+s20+$0x0] =	vst.idx.msk $0xffff, v33  }
0xe6: {  	v34 =	vadd.s32 v11, v35;
	v33 =	vld [tilespmem:s18+$0xFFFFFFA0];
	_ =	sdelay $0x4  }
0xe7: {  	[tilespmem:v34+s20+$0x0] =	vst.idx.msk $0xffff, v33  }
0xe8: {  	s22 =	sadd.s32 $0x3, s16;
	v34 =	vadd.s32 v12, v35;
	v33 =	vld [tilespmem:s18+$0xFFFFFFB0]  }
0xe9: {  	v35 =	vmov s22  }
0xea: {  	v35 =	vshrl.u32 v35, $0x3  }
0xeb: {  	v35 =	vshll.u32 v35, v1  }
0xec: {  	v35 =	vbroadcast v35, $0x0  }
0xed: {  	[tilespmem:v34+s20+$0x0] =	vst.idx.msk $0xffff, v33  }
0xee: {  	v34 =	vadd.s32 v13, v35;
	v33 =	vld [tilespmem:s18+$0xFFFFFFC0];
	_ =	sdelay $0x4  }
0xef: {  	[tilespmem:v34+s20+$0x0] =	vst.idx.msk $0xffff, v33  }
0xf0: {  	v34 =	vadd.s32 v14, v35;
	v33 =	vld [tilespmem:s18+$0xFFFFFFD0];
	_ =	sdelay $0x4  }
0xf1: {  	[tilespmem:v34+s20+$0x0] =	vst.idx.msk $0xffff, v33  }
0xf2: {  	v34 =	vadd.s32 v15, v35;
	v33 =	vld [tilespmem:s18+$0xFFFFFFE0];
	_ =	sdelay $0x4  }
0xf3: {  	[tilespmem:v34+s20+$0x0] =	vst.idx.msk $0xffff, v33  }
0xf4: {  	s22 =	sadd.s32 $0x4, s16;
	v34 =	vadd.s32 v16, v35;
	v33 =	vld [tilespmem:s18+$0xFFFFFFF0]  }
0xf5: {  	v35 =	vmov s22  }
0xf6: {  	v35 =	vshrl.u32 v35, $0x3  }
0xf7: {  	v35 =	vshll.u32 v35, v1  }
0xf8: {  	v35 =	vbroadcast v35, $0x0  }
0xf9: {  	[tilespmem:v34+s20+$0x0] =	vst.idx.msk $0xffff, v33  }
0xfa: {  	v34 =	vadd.s32 v17, v35;
	v33 =	vld [tilespmem:s18+$0x0];
	_ =	sdelay $0x4  }
0xfb: {  	[tilespmem:v34+s20+$0x0] =	vst.idx.msk $0xffff, v33  }
0xfc: {  	v34 =	vadd.s32 v18, v35;
	v33 =	vld [tilespmem:s18+$0x10];
	_ =	sdelay $0x4  }
0xfd: {  	[tilespmem:v34+s20+$0x0] =	vst.idx.msk $0xffff, v33  }
0xfe: {  	v34 =	vadd.s32 v19, v35;
	v33 =	vld [tilespmem:s18+$0x20];
	_ =	sdelay $0x4  }
0xff: {  	[tilespmem:v34+s20+$0x0] =	vst.idx.msk $0xffff, v33  }
0x100: {  	s22 =	sadd.s32 $0x5, s16;
	v34 =	vadd.s32 v20, v35;
	v33 =	vld [tilespmem:s18+$0x30]  }
0x101: {  	v35 =	vmov s22  }
0x102: {  	v35 =	vshrl.u32 v35, $0x3  }
0x103: {  	v35 =	vshll.u32 v35, v1  }
0x104: {  	v35 =	vbroadcast v35, $0x0  }
0x105: {  	[tilespmem:v34+s20+$0x0] =	vst.idx.msk $0xffff, v33  }
0x106: {  	v34 =	vadd.s32 v21, v35;
	v33 =	vld [tilespmem:s18+$0x40];
	_ =	sdelay $0x4  }
0x107: {  	[tilespmem:v34+s20+$0x0] =	vst.idx.msk $0xffff, v33  }
0x108: {  	v34 =	vadd.s32 v22, v35;
	v33 =	vld [tilespmem:s18+$0x50];
	_ =	sdelay $0x4  }
0x109: {  	[tilespmem:v34+s20+$0x0] =	vst.idx.msk $0xffff, v33  }
0x10a: {  	v34 =	vadd.s32 v23, v35;
	v33 =	vld [tilespmem:s18+$0x60];
	_ =	sdelay $0x4  }
0x10b: {  	[tilespmem:v34+s20+$0x0] =	vst.idx.msk $0xffff, v33  }
0x10c: {  	s22 =	sadd.s32 $0x6, s16;
	v34 =	vadd.s32 v24, v35;
	v33 =	vld [tilespmem:s18+$0x70]  }
0x10d: {  	v35 =	vmov s22  }
0x10e: {  	v35 =	vshrl.u32 v35, $0x3  }
0x10f: {  	v35 =	vshll.u32 v35, v1  }
0x110: {  	v35 =	vbroadcast v35, $0x0  }
0x111: {  	[tilespmem:v34+s20+$0x0] =	vst.idx.msk $0xffff, v33  }
0x112: {  	v34 =	vadd.s32 v25, v35;
	v33 =	vld [tilespmem:s18+$0x80];
	_ =	sdelay $0x4  }
0x113: {  	[tilespmem:v34+s20+$0x0] =	vst.idx.msk $0xffff, v33  }
0x114: {  	v34 =	vadd.s32 v26, v35;
	v33 =	vld [tilespmem:s18+$0x90];
	_ =	sdelay $0x4  }
0x115: {  	[tilespmem:v34+s20+$0x0] =	vst.idx.msk $0xffff, v33  }
0x116: {  	v34 =	vadd.s32 v27, v35;
	v33 =	vld [tilespmem:s18+$0xA0];
	_ =	sdelay $0x4  }
0x117: {  	[tilespmem:v34+s20+$0x0] =	vst.idx.msk $0xffff, v33  }
0x118: {  	s22 =	sadd.s32 $0x7, s16;
	s16 =	smov.u32 s21;
	v34 =	vadd.s32 v28, v35;
	v33 =	vld [tilespmem:s18+$0xB0]  }
0x119: {  	v35 =	vmov s22  }
0x11a: {  	v35 =	vshrl.u32 v35, $0x3  }
0x11b: {  	v35 =	vshll.u32 v35, v1  }
0x11c: {  	v35 =	vbroadcast v35, $0x0  }
0x11d: {  	[tilespmem:v34+s20+$0x0] =	vst.idx.msk $0xffff, v33  }
0x11e: {  	v34 =	vadd.s32 v29, v35;
	v33 =	vld [tilespmem:s18+$0xC0];
	_ =	sdelay $0x4  }
0x11f: {  	[tilespmem:v34+s20+$0x0] =	vst.idx.msk $0xffff, v33  }
0x120: {  	v34 =	vadd.s32 v30, v35;
	v33 =	vld [tilespmem:s18+$0xD0];
	_ =	sdelay $0x4  }
0x121: {  	[tilespmem:v34+s20+$0x0] =	vst.idx.msk $0xffff, v33  }
0x122: {  	v34 =	vadd.s32 v31, v35;
	v33 =	vld [tilespmem:s18+$0xE0];
	_ =	sdelay $0x2  }
.Ltmp2:
0x123: {  	(pc) =	sbr.rel @p1 .LBB2_3-.Ltmp2, $4  }
0x124: {  	_ = 	snop  }
0x125: {  	[tilespmem:v34+s20+$0x0] =	vst.idx.msk $0xffff, v33  }
0x126: {  	v34 =	vadd.s32 v32, v35;
	v33 =	vld [tilespmem:s18+$0xF0]  }
0x127: {  	s21 =	sadd.s32 $0x8, s21;
	v35 =	vmov s16  }
0x128: {  	_ = 	snop  }
0x129: {  	v35 =	vshrl.u32 v35, $0x3  }
0x12a: {  	v35 =	vshll.u32 v35, v1  }
0x12b: {  	v35 =	vbroadcast v35, $0x0  }
0x12c: {  	s18 =	sadd.s32 $0x200, s18;
	[tilespmem:v34+s20+$0x0] =	vst.idx.msk $0xffff, v33  }
0x12d: {  	v33 =	vld [tilespmem:s18+$0xFFFFFF00];
	v42 =	vadd.s32 v0, v35;
	_ =	sdelay $0x4  }
0x12e: {  	[tilespmem:v42+s20+$0x0] =	vst.idx.msk $0xffff, v33  }
0x12f: {  	v43 =	vadd.s32 v2, v35;
	v33 =	vld [tilespmem:s18+$0xFFFFFF10];
	_ =	sdelay $0x4  }
0x130: {  	[tilespmem:v43+s20+$0x0] =	vst.idx.msk $0xffff, v33  }
0x131: {  	v44 =	vadd.s32 v3, v35;
	v33 =	vld [tilespmem:s18+$0xFFFFFF20];
	_ =	sdelay $0x4  }
0x132: {  	[tilespmem:v44+s20+$0x0] =	vst.idx.msk $0xffff, v33  }
0x133: {  	s21 =	sadd.s32 $0x1, s16;
	v45 =	vadd.s32 v4, v35;
	v33 =	vld [tilespmem:s18+$0xFFFFFF30]  }
0x134: {  	v46 =	vmov s21  }
0x135: {  	v35 =	vshrl.u32 v46, $0x3  }
0x136: {  	v35 =	vshll.u32 v35, v1  }
0x137: {  	v35 =	vbroadcast v35, $0x0  }
0x138: {  	[tilespmem:v45+s20+$0x0] =	vst.idx.msk $0xffff, v33  }
0x139: {  	v47 =	vadd.s32 v5, v35;
	v33 =	vld [tilespmem:s18+$0xFFFFFF40];
	_ =	sdelay $0x4  }
0x13a: {  	[tilespmem:v47+s20+$0x0] =	vst.idx.msk $0xffff, v33  }
0x13b: {  	v48 =	vadd.s32 v6, v35;
	v33 =	vld [tilespmem:s18+$0xFFFFFF50];
	_ =	sdelay $0x4  }
0x13c: {  	[tilespmem:v48+s20+$0x0] =	vst.idx.msk $0xffff, v33  }
0x13d: {  	v49 =	vadd.s32 v7, v35;
	v33 =	vld [tilespmem:s18+$0xFFFFFF60];
	_ =	sdelay $0x4  }
0x13e: {  	[tilespmem:v49+s20+$0x0] =	vst.idx.msk $0xffff, v33  }
0x13f: {  	s22 =	sadd.s32 $0x2, s16;
	v50 =	vadd.s32 v8, v35;
	v33 =	vld [tilespmem:s18+$0xFFFFFF70]  }
0x140: {  	v51 =	vmov s22  }
0x141: {  	v35 =	vshrl.u32 v51, $0x3  }
0x142: {  	v35 =	vshll.u32 v35, v1  }
0x143: {  	v35 =	vbroadcast v35, $0x0  }
0x144: {  	[tilespmem:v50+s20+$0x0] =	vst.idx.msk $0xffff, v33  }
0x145: {  	v52 =	vadd.s32 v9, v35;
	v33 =	vld [tilespmem:s18+$0xFFFFFF80];
	_ =	sdelay $0x4  }
0x146: {  	[tilespmem:v52+s20+$0x0] =	vst.idx.msk $0xffff, v33  }
0x147: {  	v53 =	vadd.s32 v10, v35;
	v33 =	vld [tilespmem:s18+$0xFFFFFF90];
	_ =	sdelay $0x4  }
0x148: {  	[tilespmem:v53+s20+$0x0] =	vst.idx.msk $0xffff, v33  }
0x149: {  	v54 =	vadd.s32 v11, v35;
	v33 =	vld [tilespmem:s18+$0xFFFFFFA0];
	_ =	sdelay $0x4  }
0x14a: {  	[tilespmem:v54+s20+$0x0] =	vst.idx.msk $0xffff, v33  }
0x14b: {  	s22 =	sadd.s32 $0x3, s16;
	v55 =	vadd.s32 v12, v35;
	v33 =	vld [tilespmem:s18+$0xFFFFFFB0]  }
0x14c: {  	v56 =	vmov s22  }
0x14d: {  	v35 =	vshrl.u32 v56, $0x3  }
0x14e: {  	v35 =	vshll.u32 v35, v1  }
0x14f: {  	v35 =	vbroadcast v35, $0x0  }
0x150: {  	[tilespmem:v55+s20+$0x0] =	vst.idx.msk $0xffff, v33  }
0x151: {  	v57 =	vadd.s32 v13, v35;
	v33 =	vld [tilespmem:s18+$0xFFFFFFC0];
	_ =	sdelay $0x4  }
0x152: {  	[tilespmem:v57+s20+$0x0] =	vst.idx.msk $0xffff, v33  }
0x153: {  	v58 =	vadd.s32 v14, v35;
	v33 =	vld [tilespmem:s18+$0xFFFFFFD0];
	_ =	sdelay $0x4  }
0x154: {  	[tilespmem:v58+s20+$0x0] =	vst.idx.msk $0xffff, v33  }
0x155: {  	v59 =	vadd.s32 v15, v35;
	v33 =	vld [tilespmem:s18+$0xFFFFFFE0];
	_ =	sdelay $0x4  }
0x156: {  	[tilespmem:v59+s20+$0x0] =	vst.idx.msk $0xffff, v33  }
0x157: {  	s22 =	sadd.s32 $0x4, s16;
	v60 =	vadd.s32 v16, v35;
	v33 =	vld [tilespmem:s18+$0xFFFFFFF0]  }
0x158: {  	v61 =	vmov s22  }
0x159: {  	v35 =	vshrl.u32 v61, $0x3  }
0x15a: {  	v35 =	vshll.u32 v35, v1  }
0x15b: {  	v35 =	vbroadcast v35, $0x0  }
0x15c: {  	[tilespmem:v60+s20+$0x0] =	vst.idx.msk $0xffff, v33  }
0x15d: {  	v62 =	vadd.s32 v17, v35;
	v33 =	vld [tilespmem:s18+$0x0];
	_ =	sdelay $0x4  }
0x15e: {  	[tilespmem:v62+s20+$0x0] =	vst.idx.msk $0xffff, v33  }
0x15f: {  	v63 =	vadd.s32 v18, v35;
	v33 =	vld [tilespmem:s18+$0x10];
	_ =	sdelay $0x4  }
0x160: {  	[tilespmem:v63+s20+$0x0] =	vst.idx.msk $0xffff, v33  }
0x161: {  	v36 =	vadd.s32 v19, v35;
	v33 =	vld [tilespmem:s18+$0x20];
	_ =	sdelay $0x4  }
0x162: {  	[tilespmem:v36+s20+$0x0] =	vst.idx.msk $0xffff, v33  }
0x163: {  	s22 =	sadd.s32 $0x5, s16;
	v37 =	vadd.s32 v20, v35;
	v33 =	vld [tilespmem:s18+$0x30]  }
0x164: {  	v38 =	vmov s22  }
0x165: {  	v35 =	vshrl.u32 v38, $0x3  }
0x166: {  	v35 =	vshll.u32 v35, v1  }
0x167: {  	v35 =	vbroadcast v35, $0x0  }
0x168: {  	[tilespmem:v37+s20+$0x0] =	vst.idx.msk $0xffff, v33  }
0x169: {  	v39 =	vadd.s32 v21, v35;
	v33 =	vld [tilespmem:s18+$0x40];
	_ =	sdelay $0x4  }
0x16a: {  	[tilespmem:v39+s20+$0x0] =	vst.idx.msk $0xffff, v33  }
0x16b: {  	v40 =	vadd.s32 v22, v35;
	v33 =	vld [tilespmem:s18+$0x50];
	_ =	sdelay $0x4  }
0x16c: {  	[tilespmem:v40+s20+$0x0] =	vst.idx.msk $0xffff, v33  }
0x16d: {  	v41 =	vadd.s32 v23, v35;
	v33 =	vld [tilespmem:s18+$0x60];
	_ =	sdelay $0x4  }
0x16e: {  	[tilespmem:v41+s20+$0x0] =	vst.idx.msk $0xffff, v33  }
0x16f: {  	s22 =	sadd.s32 $0x6, s16;
	v42 =	vadd.s32 v24, v35;
	v33 =	vld [tilespmem:s18+$0x70]  }
0x170: {  	v43 =	vmov s22  }
0x171: {  	v35 =	vshrl.u32 v43, $0x3  }
0x172: {  	v35 =	vshll.u32 v35, v1  }
0x173: {  	v35 =	vbroadcast v35, $0x0  }
0x174: {  	[tilespmem:v42+s20+$0x0] =	vst.idx.msk $0xffff, v33  }
0x175: {  	v44 =	vadd.s32 v25, v35;
	v33 =	vld [tilespmem:s18+$0x80];
	_ =	sdelay $0x4  }
0x176: {  	[tilespmem:v44+s20+$0x0] =	vst.idx.msk $0xffff, v33  }
0x177: {  	v45 =	vadd.s32 v26, v35;
	v33 =	vld [tilespmem:s18+$0x90];
	_ =	sdelay $0x4  }
0x178: {  	[tilespmem:v45+s20+$0x0] =	vst.idx.msk $0xffff, v33  }
0x179: {  	v46 =	vadd.s32 v27, v35;
	v33 =	vld [tilespmem:s18+$0xA0];
	_ =	sdelay $0x4  }
0x17a: {  	[tilespmem:v46+s20+$0x0] =	vst.idx.msk $0xffff, v33  }
0x17b: {  	s21 =	sadd.s32 $0x7, s16;
	v47 =	vadd.s32 v28, v35;
	v33 =	vld [tilespmem:s18+$0xB0]  }
0x17c: {  	v48 =	vmov s21  }
0x17d: {  	v35 =	vshrl.u32 v48, $0x3  }
0x17e: {  	v35 =	vshll.u32 v35, v1  }
0x17f: {  	v35 =	vbroadcast v35, $0x0  }
0x180: {  	[tilespmem:v47+s20+$0x0] =	vst.idx.msk $0xffff, v33  }
0x181: {  	v49 =	vadd.s32 v29, v35;
	v33 =	vld [tilespmem:s18+$0xC0];
	_ =	sdelay $0x4  }
0x182: {  	[tilespmem:v49+s20+$0x0] =	vst.idx.msk $0xffff, v33  }
0x183: {  	v50 =	vadd.s32 v30, v35;
	v33 =	vld [tilespmem:s18+$0xD0];
	_ =	sdelay $0x4  }
0x184: {  	[tilespmem:v50+s20+$0x0] =	vst.idx.msk $0xffff, v33  }
0x185: {  	v51 =	vadd.s32 v31, v35;
	v33 =	vld [tilespmem:s18+$0xE0];
	_ =	sdelay $0x4  }
0x186: {  	[tilespmem:v51+s20+$0x0] =	vst.idx.msk $0xffff, v33  }
0x187: {  	v52 =	vadd.s32 v32, v35;
	v33 =	vld [tilespmem:s18+$0xF0];
	_ =	sdelay $0x1  }
0x188: {  	s22 =	sshll.u32 s15, $0xA;
	s18 =	sshll.u32 s15, $0x7  }
0x189: {  	s16 =	sand.u32 $0xFFF8000, s22;
	s15 =	sand.u32 $0xF00, s18  }
0x18a: {  	s15 =	sor.u32 s15, s16  }
0x18b: {  	s16 =	sadd.s32 s2, s15;
	[tilespmem:v52+s20+$0x0] =	vst.idx.msk $0xffff, v33  }
0x18c: {  	[hbm4b:s16+s3] =	stream.linear.scatter [tilespmem:s20], [sflag:$0x3], $0x80, $0x38;
	[tilespmem:$0xE800] =	vst v63  }
0x18d: {  	s22 =	simm.s32 $0xA488;
	s21 =	sadd.s32 $0x10, s16  }
0x18e: {  	[hbm4b:s21+s3] =	stream.linear.scatter [tilespmem:s22], [sflag:$0x3], $0x80, $0x38;
	[tilespmem:$0xE800] =	vst v63  }
0x18f: {  	s21 =	sadd.s32 $0x20, s16;
	s22 =	simm.s32 $0xA510  }
0x190: {  	[hbm4b:s21+s3] =	stream.linear.scatter [tilespmem:s22], [sflag:$0x3], $0x80, $0x38;
	[tilespmem:$0xE800] =	vst v63  }
0x191: {  	s21 =	sadd.s32 $0x30, s16;
	s22 =	simm.s32 $0xA598  }
0x192: {  	[hbm4b:s21+s3] =	stream.linear.scatter [tilespmem:s22], [sflag:$0x3], $0x80, $0x38;
	[tilespmem:$0xE800] =	vst v63  }
0x193: {  	s21 =	sadd.s32 $0x40, s16;
	s22 =	simm.s32 $0xA620  }
0x194: {  	[hbm4b:s21+s3] =	stream.linear.scatter [tilespmem:s22], [sflag:$0x3], $0x80, $0x38;
	[tilespmem:$0xE800] =	vst v63  }
0x195: {  	s21 =	sadd.s32 $0x50, s16;
	s22 =	simm.s32 $0xA6A8  }
0x196: {  	[hbm4b:s21+s3] =	stream.linear.scatter [tilespmem:s22], [sflag:$0x3], $0x80, $0x38;
	[tilespmem:$0xE800] =	vst v63  }
0x197: {  	s21 =	sadd.s32 $0x60, s16;
	s22 =	simm.s32 $0xA730  }
0x198: {  	[hbm4b:s21+s3] =	stream.linear.scatter [tilespmem:s22], [sflag:$0x3], $0x80, $0x38;
	[tilespmem:$0xE800] =	vst v63  }
0x199: {  	s16 =	sadd.s32 $0x70, s16;
	s21 =	simm.s32 $0xA7B8  }
0x19a: {  	[hbm4b:s16+s3] =	stream.linear.scatter [tilespmem:s21], [sflag:$0x3], $0x80, $0x38;
	[tilespmem:$0xE800] =	vst v63  }
0x19b: {  	s22 =	simm.s32 $0xA840;
	s16 =	sadd.s32 s15, s7  }
0x19c: {  	[hbm4b:s16+s3] =	stream.linear.scatter [tilespmem:s22], [sflag:$0x3], $0x80, $0x38;
	[tilespmem:$0xE800] =	vst v63  }
0x19d: {  	s21 =	sadd.s32 $0x10, s16;
	s22 =	simm.s32 $0xA8C8  }
0x19e: {  	[hbm4b:s21+s3] =	stream.linear.scatter [tilespmem:s22], [sflag:$0x3], $0x80, $0x38;
	[tilespmem:$0xE800] =	vst v63  }
0x19f: {  	s21 =	sadd.s32 $0x20, s16;
	s22 =	simm.s32 $0xA950  }
0x1a0: {  	[hbm4b:s21+s3] =	stream.linear.scatter [tilespmem:s22], [sflag:$0x3], $0x80, $0x38;
	[tilespmem:$0xE800] =	vst v63  }
0x1a1: {  	s21 =	sadd.s32 $0x30, s16;
	s22 =	simm.s32 $0xA9D8  }
0x1a2: {  	[hbm4b:s21+s3] =	stream.linear.scatter [tilespmem:s22], [sflag:$0x3], $0x80, $0x38;
	[tilespmem:$0xE800] =	vst v63  }
0x1a3: {  	s21 =	sadd.s32 $0x40, s16;
	s22 =	simm.s32 $0xAA60  }
0x1a4: {  	[hbm4b:s21+s3] =	stream.linear.scatter [tilespmem:s22], [sflag:$0x3], $0x80, $0x38;
	[tilespmem:$0xE800] =	vst v63  }
0x1a5: {  	s21 =	sadd.s32 $0x50, s16;
	s22 =	simm.s32 $0xAAE8  }
0x1a6: {  	[hbm4b:s21+s3] =	stream.linear.scatter [tilespmem:s22], [sflag:$0x3], $0x80, $0x38;
	[tilespmem:$0xE800] =	vst v63  }
0x1a7: {  	s21 =	sadd.s32 $0x60, s16;
	s22 =	simm.s32 $0xAB70  }
0x1a8: {  	[hbm4b:s21+s3] =	stream.linear.scatter [tilespmem:s22], [sflag:$0x3], $0x80, $0x38;
	[tilespmem:$0xE800] =	vst v63  }
0x1a9: {  	s16 =	sadd.s32 $0x70, s16;
	s21 =	simm.s32 $0xABF8  }
0x1aa: {  	[hbm4b:s16+s3] =	stream.linear.scatter [tilespmem:s21], [sflag:$0x3], $0x80, $0x38;
	[tilespmem:$0xE800] =	vst v63  }
0x1ab: {  	s22 =	simm.s32 $0xAC80;
	s16 =	sadd.s32 s15, s8  }
0x1ac: {  	[hbm4b:s16+s3] =	stream.linear.scatter [tilespmem:s22], [sflag:$0x3], $0x80, $0x38;
	[tilespmem:$0xE800] =	vst v63  }
0x1ad: {  	s21 =	sadd.s32 $0x10, s16;
	s22 =	simm.s32 $0xAD08  }
0x1ae: {  	[hbm4b:s21+s3] =	stream.linear.scatter [tilespmem:s22], [sflag:$0x3], $0x80, $0x38;
	[tilespmem:$0xE800] =	vst v63  }
0x1af: {  	s21 =	sadd.s32 $0x20, s16;
	s22 =	simm.s32 $0xAD90  }
0x1b0: {  	[hbm4b:s21+s3] =	stream.linear.scatter [tilespmem:s22], [sflag:$0x3], $0x80, $0x38;
	[tilespmem:$0xE800] =	vst v63  }
0x1b1: {  	s21 =	sadd.s32 $0x30, s16;
	s22 =	simm.s32 $0xAE18  }
0x1b2: {  	[hbm4b:s21+s3] =	stream.linear.scatter [tilespmem:s22], [sflag:$0x3], $0x80, $0x38;
	[tilespmem:$0xE800] =	vst v63  }
0x1b3: {  	s21 =	sadd.s32 $0x40, s16;
	s22 =	simm.s32 $0xAEA0  }
0x1b4: {  	[hbm4b:s21+s3] =	stream.linear.scatter [tilespmem:s22], [sflag:$0x3], $0x80, $0x38;
	[tilespmem:$0xE800] =	vst v63  }
0x1b5: {  	s21 =	sadd.s32 $0x50, s16;
	s22 =	simm.s32 $0xAF28  }
0x1b6: {  	[hbm4b:s21+s3] =	stream.linear.scatter [tilespmem:s22], [sflag:$0x3], $0x80, $0x38;
	[tilespmem:$0xE800] =	vst v63  }
0x1b7: {  	s21 =	sadd.s32 $0x60, s16;
	s22 =	simm.s32 $0xAFB0  }
0x1b8: {  	[hbm4b:s21+s3] =	stream.linear.scatter [tilespmem:s22], [sflag:$0x3], $0x80, $0x38;
	[tilespmem:$0xE800] =	vst v63  }
0x1b9: {  	s16 =	sadd.s32 $0x70, s16;
	s21 =	simm.s32 $0xB038  }
0x1ba: {  	[hbm4b:s16+s3] =	stream.linear.scatter [tilespmem:s21], [sflag:$0x3], $0x80, $0x38;
	[tilespmem:$0xE800] =	vst v63  }
0x1bb: {  	s22 =	simm.s32 $0xB0C0;
	s16 =	sadd.s32 s15, s9  }
0x1bc: {  	[hbm4b:s16+s3] =	stream.linear.scatter [tilespmem:s22], [sflag:$0x3], $0x80, $0x38;
	[tilespmem:$0xE800] =	vst v63  }
0x1bd: {  	s21 =	sadd.s32 $0x10, s16;
	s22 =	simm.s32 $0xB148  }
0x1be: {  	[hbm4b:s21+s3] =	stream.linear.scatter [tilespmem:s22], [sflag:$0x3], $0x80, $0x38;
	[tilespmem:$0xE800] =	vst v63  }
0x1bf: {  	s21 =	sadd.s32 $0x20, s16;
	s22 =	simm.s32 $0xB1D0  }
0x1c0: {  	[hbm4b:s21+s3] =	stream.linear.scatter [tilespmem:s22], [sflag:$0x3], $0x80, $0x38;
	[tilespmem:$0xE800] =	vst v63  }
0x1c1: {  	s21 =	sadd.s32 $0x30, s16;
	s22 =	simm.s32 $0xB258  }
0x1c2: {  	[hbm4b:s21+s3] =	stream.linear.scatter [tilespmem:s22], [sflag:$0x3], $0x80, $0x38;
	[tilespmem:$0xE800] =	vst v63  }
0x1c3: {  	s21 =	sadd.s32 $0x40, s16;
	s22 =	simm.s32 $0xB2E0  }
0x1c4: {  	[hbm4b:s21+s3] =	stream.linear.scatter [tilespmem:s22], [sflag:$0x3], $0x80, $0x38;
	[tilespmem:$0xE800] =	vst v63  }
0x1c5: {  	s21 =	sadd.s32 $0x50, s16;
	s22 =	simm.s32 $0xB368  }
0x1c6: {  	[hbm4b:s21+s3] =	stream.linear.scatter [tilespmem:s22], [sflag:$0x3], $0x80, $0x38;
	[tilespmem:$0xE800] =	vst v63  }
0x1c7: {  	s21 =	sadd.s32 $0x60, s16;
	s22 =	simm.s32 $0xB3F0  }
0x1c8: {  	[hbm4b:s21+s3] =	stream.linear.scatter [tilespmem:s22], [sflag:$0x3], $0x80, $0x38;
	[tilespmem:$0xE800] =	vst v63  }
0x1c9: {  	s16 =	sadd.s32 $0x70, s16;
	s21 =	simm.s32 $0xB478  }
0x1ca: {  	[hbm4b:s16+s3] =	stream.linear.scatter [tilespmem:s21], [sflag:$0x3], $0x80, $0x38;
	[tilespmem:$0xE800] =	vst v63  }
0x1cb: {  	s22 =	simm.s32 $0xB500;
	s16 =	sadd.s32 s15, s10  }
0x1cc: {  	[hbm4b:s16+s3] =	stream.linear.scatter [tilespmem:s22], [sflag:$0x3], $0x80, $0x38;
	[tilespmem:$0xE800] =	vst v63  }
0x1cd: {  	s21 =	sadd.s32 $0x10, s16;
	s22 =	simm.s32 $0xB588  }
0x1ce: {  	[hbm4b:s21+s3] =	stream.linear.scatter [tilespmem:s22], [sflag:$0x3], $0x80, $0x38;
	[tilespmem:$0xE800] =	vst v63  }
0x1cf: {  	s21 =	sadd.s32 $0x20, s16;
	s22 =	simm.s32 $0xB610  }
0x1d0: {  	[hbm4b:s21+s3] =	stream.linear.scatter [tilespmem:s22], [sflag:$0x3], $0x80, $0x38;
	[tilespmem:$0xE800] =	vst v63  }
0x1d1: {  	s21 =	sadd.s32 $0x30, s16;
	s22 =	simm.s32 $0xB698  }
0x1d2: {  	[hbm4b:s21+s3] =	stream.linear.scatter [tilespmem:s22], [sflag:$0x3], $0x80, $0x38;
	[tilespmem:$0xE800] =	vst v63  }
0x1d3: {  	s21 =	sadd.s32 $0x40, s16;
	s22 =	simm.s32 $0xB720  }
0x1d4: {  	[hbm4b:s21+s3] =	stream.linear.scatter [tilespmem:s22], [sflag:$0x3], $0x80, $0x38;
	[tilespmem:$0xE800] =	vst v63  }
0x1d5: {  	s21 =	sadd.s32 $0x50, s16;
	s22 =	simm.s32 $0xB7A8  }
0x1d6: {  	[hbm4b:s21+s3] =	stream.linear.scatter [tilespmem:s22], [sflag:$0x3], $0x80, $0x38;
	[tilespmem:$0xE800] =	vst v63  }
0x1d7: {  	s21 =	sadd.s32 $0x60, s16;
	s22 =	simm.s32 $0xB830  }
0x1d8: {  	[hbm4b:s21+s3] =	stream.linear.scatter [tilespmem:s22], [sflag:$0x3], $0x80, $0x38;
	[tilespmem:$0xE800] =	vst v63  }
0x1d9: {  	s16 =	sadd.s32 $0x70, s16;
	s21 =	simm.s32 $0xB8B8  }
0x1da: {  	[hbm4b:s16+s3] =	stream.linear.scatter [tilespmem:s21], [sflag:$0x3], $0x80, $0x38;
	[tilespmem:$0xE800] =	vst v63  }
0x1db: {  	s22 =	simm.s32 $0xB940;
	s16 =	sadd.s32 s15, s11  }
0x1dc: {  	[hbm4b:s16+s3] =	stream.linear.scatter [tilespmem:s22], [sflag:$0x3], $0x80, $0x38;
	[tilespmem:$0xE800] =	vst v63  }
0x1dd: {  	s21 =	sadd.s32 $0x10, s16;
	s22 =	simm.s32 $0xB9C8  }
0x1de: {  	[hbm4b:s21+s3] =	stream.linear.scatter [tilespmem:s22], [sflag:$0x3], $0x80, $0x38;
	[tilespmem:$0xE800] =	vst v63  }
0x1df: {  	s21 =	sadd.s32 $0x20, s16;
	s22 =	simm.s32 $0xBA50  }
0x1e0: {  	[hbm4b:s21+s3] =	stream.linear.scatter [tilespmem:s22], [sflag:$0x3], $0x80, $0x38;
	[tilespmem:$0xE800] =	vst v63  }
0x1e1: {  	s21 =	sadd.s32 $0x30, s16;
	s22 =	simm.s32 $0xBAD8  }
0x1e2: {  	[hbm4b:s21+s3] =	stream.linear.scatter [tilespmem:s22], [sflag:$0x3], $0x80, $0x38;
	[tilespmem:$0xE800] =	vst v63  }
0x1e3: {  	s21 =	sadd.s32 $0x40, s16;
	s22 =	simm.s32 $0xBB60  }
0x1e4: {  	[hbm4b:s21+s3] =	stream.linear.scatter [tilespmem:s22], [sflag:$0x3], $0x80, $0x38;
	[tilespmem:$0xE800] =	vst v63  }
0x1e5: {  	s21 =	sadd.s32 $0x50, s16;
	s22 =	simm.s32 $0xBBE8  }
0x1e6: {  	[hbm4b:s21+s3] =	stream.linear.scatter [tilespmem:s22], [sflag:$0x3], $0x80, $0x38;
	[tilespmem:$0xE800] =	vst v63  }
0x1e7: {  	s21 =	sadd.s32 $0x60, s16;
	s22 =	simm.s32 $0xBC70  }
0x1e8: {  	[hbm4b:s21+s3] =	stream.linear.scatter [tilespmem:s22], [sflag:$0x3], $0x80, $0x38;
	[tilespmem:$0xE800] =	vst v63  }
0x1e9: {  	s16 =	sadd.s32 $0x70, s16;
	s21 =	simm.s32 $0xBCF8  }
0x1ea: {  	[hbm4b:s16+s3] =	stream.linear.scatter [tilespmem:s21], [sflag:$0x3], $0x80, $0x38;
	[tilespmem:$0xE800] =	vst v63  }
0x1eb: {  	s22 =	simm.s32 $0xBD80;
	s16 =	sadd.s32 s15, s12  }
0x1ec: {  	[hbm4b:s16+s3] =	stream.linear.scatter [tilespmem:s22], [sflag:$0x3], $0x80, $0x38;
	[tilespmem:$0xE800] =	vst v63  }
0x1ed: {  	s21 =	sadd.s32 $0x10, s16;
	s22 =	simm.s32 $0xBE08  }
0x1ee: {  	[hbm4b:s21+s3] =	stream.linear.scatter [tilespmem:s22], [sflag:$0x3], $0x80, $0x38;
	[tilespmem:$0xE800] =	vst v63  }
0x1ef: {  	s21 =	sadd.s32 $0x20, s16;
	s22 =	simm.s32 $0xBE90  }
0x1f0: {  	[hbm4b:s21+s3] =	stream.linear.scatter [tilespmem:s22], [sflag:$0x3], $0x80, $0x38;
	[tilespmem:$0xE800] =	vst v63  }
0x1f1: {  	s21 =	sadd.s32 $0x30, s16;
	s22 =	simm.s32 $0xBF18  }
0x1f2: {  	[hbm4b:s21+s3] =	stream.linear.scatter [tilespmem:s22], [sflag:$0x3], $0x80, $0x38;
	[tilespmem:$0xE800] =	vst v63  }
0x1f3: {  	s21 =	sadd.s32 $0x40, s16;
	s22 =	simm.s32 $0xBFA0  }
0x1f4: {  	[hbm4b:s21+s3] =	stream.linear.scatter [tilespmem:s22], [sflag:$0x3], $0x80, $0x38;
	[tilespmem:$0xE800] =	vst v63  }
0x1f5: {  	s21 =	sadd.s32 $0x50, s16;
	s22 =	simm.s32 $0xC028  }
0x1f6: {  	[hbm4b:s21+s3] =	stream.linear.scatter [tilespmem:s22], [sflag:$0x3], $0x80, $0x38;
	[tilespmem:$0xE800] =	vst v63  }
0x1f7: {  	s21 =	sadd.s32 $0x60, s16;
	s22 =	simm.s32 $0xC0B0  }
0x1f8: {  	[hbm4b:s21+s3] =	stream.linear.scatter [tilespmem:s22], [sflag:$0x3], $0x80, $0x38;
	[tilespmem:$0xE800] =	vst v63  }
0x1f9: {  	s16 =	sadd.s32 $0x70, s16;
	s22 =	simm.s32 $0xC138  }
0x1fa: {  	[hbm4b:s16+s3] =	stream.linear.scatter [tilespmem:s22], [sflag:$0x3], $0x80, $0x38;
	[tilespmem:$0xE800] =	vst v63  }
0x1fb: {  	s18 =	simm.s32 $0xC1C0;
	s15 =	sadd.s32 s15, s13  }
0x1fc: {  	[hbm4b:s15+s3] =	stream.linear.scatter [tilespmem:s18], [sflag:$0x3], $0x80, $0x38;
	[tilespmem:$0xE800] =	vst v63  }
0x1fd: {  	s21 =	sadd.s32 $0x10, s15;
	s22 =	simm.s32 $0xC248  }
0x1fe: {  	[hbm4b:s21+s3] =	stream.linear.scatter [tilespmem:s22], [sflag:$0x3], $0x80, $0x38;
	[tilespmem:$0xE800] =	vst v63  }
0x1ff: {  	s21 =	sadd.s32 $0x20, s15;
	s22 =	simm.s32 $0xC2D0  }
0x200: {  	[hbm4b:s21+s3] =	stream.linear.scatter [tilespmem:s22], [sflag:$0x3], $0x80, $0x38;
	[tilespmem:$0xE800] =	vst v63  }
0x201: {  	s21 =	sadd.s32 $0x30, s15;
	s22 =	simm.s32 $0xC358  }
0x202: {  	[hbm4b:s21+s3] =	stream.linear.scatter [tilespmem:s22], [sflag:$0x3], $0x80, $0x38;
	[tilespmem:$0xE800] =	vst v63  }
0x203: {  	s21 =	sadd.s32 $0x40, s15;
	s22 =	simm.s32 $0xC3E0  }
0x204: {  	[hbm4b:s21+s3] =	stream.linear.scatter [tilespmem:s22], [sflag:$0x3], $0x80, $0x38;
	[tilespmem:$0xE800] =	vst v63  }
0x205: {  	s21 =	sadd.s32 $0x50, s15;
	s22 =	simm.s32 $0xC468  }
0x206: {  	[hbm4b:s21+s3] =	stream.linear.scatter [tilespmem:s22], [sflag:$0x3], $0x80, $0x38;
	[tilespmem:$0xE800] =	vst v63  }
0x207: {  	s21 =	sadd.s32 $0x60, s15;
	s22 =	simm.s32 $0xC4F0  }
0x208: {  	[hbm4b:s21+s3] =	stream.linear.scatter [tilespmem:s22], [sflag:$0x3], $0x80, $0x38;
	[tilespmem:$0xE800] =	vst v63  }
0x209: {  	p1 =	seq.s32 s0, $0x63;
	s18 =	simm.s32 $0xC578;
	s15 =	sadd.s32 $0x70, s15  }
0x20a: {  	[hbm4b:s15+s3] =	stream.linear.scatter [tilespmem:s18], [sflag:$0x3], $0x80, $0x38;
	[tilespmem:$0xE800] =	vst v63  }
0x20b: {  	s15 =	sshll.u32 @!p1 s0, $0x8  }
0x20c: {  	s15 =	sand.u32 @!p1 $0x3FFFFF00, s15  }
0x20d: {  	s16 =	simm.s32 @!p1 $0x80;
	s18 =	simm.s32 @!p1 $0x6400;
	s15 =	sadd.s32 @!p1 $0x100, s15  }
0x20e: {  	[tilespmem:s18], [sflag:$0x1] =	stream.indirect.gather @!p1 [hbm4b:s4+s16], $0x40, s15, s16, $0xb8;
	[tilespmem:$0xE800] =	vst v63  }
0x20f: {  	_ =	swait.ge [sflag:s17], $0x2000  }
0x210: {  	[sflag:s17] =	ssyncset.done $0x0  }
0x211: {  	s15 =	simm.s32 @!p0 $0x4;
	[sflag:s17] =	ssyncadd.s32 $0xFFFFE000  }
0x212: {  	_ =	swait.ge @!p0 [sflag:s15], $0x400  }
0x213: {  	[sflag:s15] =	ssyncset.done @!p0 $0x0  }
0x214: {  	[sflag:s15] =	ssyncadd.s32 @!p0 $0xFFFFFC00  }
0x215: {  	_ =	swait.ge @!p0 [sflag:s15], $0x400  }
0x216: {  	[sflag:s15] =	ssyncset.done @!p0 $0x0  }
0x217: {  	[sflag:s15] =	ssyncadd.s32 @!p0 $0xFFFFFC00  }
0x218: {  	_ =	swait.ge @!p0 [sflag:s15], $0x400  }
0x219: {  	[sflag:s15] =	ssyncset.done @!p0 $0x0  }
0x21a: {  	[sflag:s15] =	ssyncadd.s32 @!p0 $0xFFFFFC00  }
0x21b: {  	_ =	swait.ge @!p0 [sflag:s15], $0x400  }
0x21c: {  	[sflag:s15] =	ssyncset.done @!p0 $0x0  }
0x21d: {  	[sflag:s15] =	ssyncadd.s32 @!p0 $0xFFFFFC00  }
0x21e: {  	_ =	swait.ge @!p0 [sflag:s15], $0x400  }
0x21f: {  	[sflag:s15] =	ssyncset.done @!p0 $0x0  }
0x220: {  	[sflag:s15] =	ssyncadd.s32 @!p0 $0xFFFFFC00  }
0x221: {  	_ =	swait.ge @!p0 [sflag:s15], $0x400  }
0x222: {  	[sflag:s15] =	ssyncset.done @!p0 $0x0  }
0x223: {  	[sflag:s15] =	ssyncadd.s32 @!p0 $0xFFFFFC00  }
0x224: {  	s21 =	simm.s32 $0x0;
	_ =	swait.ge @!p0 [sflag:s15], $0x400  }
0x225: {  	v53 =	vmov s21;
	[sflag:s15] =	ssyncset.done @!p0 $0x0  }
0x226: {  	v33 =	vshrl.u32 v53, $0x3;
	[sflag:s15] =	ssyncadd.s32 @!p0 $0xFFFFFC00  }
0x227: {  	v33 =	vshll.u32 v33, v1;
	_ =	swait.ge @!p0 [sflag:s15], $0x400  }
0x228: {  	v33 =	vbroadcast v33, $0x0;
	[sflag:s15] =	ssyncset.done @!p0 $0x0  }
0x229: {  	[sflag:s15] =	ssyncadd.s32 @!p0 $0xFFFFFC00;
	s15 =	simm.s32 $0x85F0  }
0x22a: {  	v55 =	vadd.s32 v0, v33;
	v54 =	vld [tilespmem:s15+$0xFFFFFE10];
	_ =	sdelay $0x4  }
0x22b: {  	[tilespmem:v55+s6+$0x0] =	vst.idx.msk $0xffff, v54  }
0x22c: {  	v56 =	vadd.s32 v2, v33;
	v34 =	vld [tilespmem:s15+$0xFFFFFE20];
	_ =	sdelay $0x4  }
0x22d: {  	[tilespmem:v56+s6+$0x0] =	vst.idx.msk $0xffff, v34  }
0x22e: {  	v57 =	vadd.s32 v3, v33;
	v34 =	vld [tilespmem:s15+$0xFFFFFE30];
	_ =	sdelay $0x4  }
0x22f: {  	[tilespmem:v57+s6+$0x0] =	vst.idx.msk $0xffff, v34  }
0x230: {  	s22 =	simm.s32 $0x1;
	v33 =	vadd.s32 v4, v33;
	v34 =	vld [tilespmem:s15+$0xFFFFFE40]  }
0x231: {  	v58 =	vmov s22  }
0x232: {  	v35 =	vshrl.u32 v58, $0x3  }
0x233: {  	v35 =	vshll.u32 v35, v1  }
0x234: {  	v35 =	vbroadcast v35, $0x0  }
0x235: {  	[tilespmem:v33+s6+$0x0] =	vst.idx.msk $0xffff, v34  }
0x236: {  	v59 =	vadd.s32 v5, v35;
	v33 =	vld [tilespmem:s15+$0xFFFFFE50];
	_ =	sdelay $0x4  }
0x237: {  	[tilespmem:v59+s6+$0x0] =	vst.idx.msk $0xffff, v33  }
0x238: {  	v60 =	vadd.s32 v6, v35;
	v33 =	vld [tilespmem:s15+$0xFFFFFE60];
	_ =	sdelay $0x4  }
0x239: {  	[tilespmem:v60+s6+$0x0] =	vst.idx.msk $0xffff, v33  }
0x23a: {  	v61 =	vadd.s32 v7, v35;
	v33 =	vld [tilespmem:s15+$0xFFFFFE70];
	_ =	sdelay $0x4  }
0x23b: {  	[tilespmem:v61+s6+$0x0] =	vst.idx.msk $0xffff, v33  }
0x23c: {  	s18 =	simm.s32 $0x2;
	v62 =	vadd.s32 v8, v35;
	v33 =	vld [tilespmem:s15+$0xFFFFFE80]  }
0x23d: {  	v63 =	vmov s18  }
0x23e: {  	v35 =	vshrl.u32 v63, $0x3  }
0x23f: {  	v35 =	vshll.u32 v35, v1  }
0x240: {  	v35 =	vbroadcast v35, $0x0  }
0x241: {  	[tilespmem:v62+s6+$0x0] =	vst.idx.msk $0xffff, v33  }
0x242: {  	v36 =	vadd.s32 v9, v35;
	v33 =	vld [tilespmem:s15+$0xFFFFFE90];
	_ =	sdelay $0x4  }
0x243: {  	[tilespmem:v36+s6+$0x0] =	vst.idx.msk $0xffff, v33  }
0x244: {  	v37 =	vadd.s32 v10, v35;
	v33 =	vld [tilespmem:s15+$0xFFFFFEA0];
	_ =	sdelay $0x4  }
0x245: {  	[tilespmem:v37+s6+$0x0] =	vst.idx.msk $0xffff, v33  }
0x246: {  	v38 =	vadd.s32 v11, v35;
	v33 =	vld [tilespmem:s15+$0xFFFFFEB0];
	_ =	sdelay $0x4  }
0x247: {  	[tilespmem:v38+s6+$0x0] =	vst.idx.msk $0xffff, v33  }
0x248: {  	s21 =	simm.s32 $0x3;
	v39 =	vadd.s32 v12, v35;
	v33 =	vld [tilespmem:s15+$0xFFFFFEC0]  }
0x249: {  	v40 =	vmov s21  }
0x24a: {  	v35 =	vshrl.u32 v40, $0x3  }
0x24b: {  	v35 =	vshll.u32 v35, v1  }
0x24c: {  	v35 =	vbroadcast v35, $0x0  }
0x24d: {  	[tilespmem:v39+s6+$0x0] =	vst.idx.msk $0xffff, v33  }
0x24e: {  	v41 =	vadd.s32 v13, v35;
	v33 =	vld [tilespmem:s15+$0xFFFFFED0];
	_ =	sdelay $0x4  }
0x24f: {  	[tilespmem:v41+s6+$0x0] =	vst.idx.msk $0xffff, v33  }
0x250: {  	v42 =	vadd.s32 v14, v35;
	v33 =	vld [tilespmem:s15+$0xFFFFFEE0];
	_ =	sdelay $0x4  }
0x251: {  	[tilespmem:v42+s6+$0x0] =	vst.idx.msk $0xffff, v33  }
0x252: {  	v43 =	vadd.s32 v15, v35;
	v33 =	vld [tilespmem:s15+$0xFFFFFEF0];
	_ =	sdelay $0x4  }
0x253: {  	[tilespmem:v43+s6+$0x0] =	vst.idx.msk $0xffff, v33  }
0x254: {  	s22 =	simm.s32 $0x4;
	v44 =	vadd.s32 v16, v35;
	v33 =	vld [tilespmem:s15+$0xFFFFFF00]  }
0x255: {  	v45 =	vmov s22  }
0x256: {  	v35 =	vshrl.u32 v45, $0x3  }
0x257: {  	v35 =	vshll.u32 v35, v1  }
0x258: {  	v35 =	vbroadcast v35, $0x0  }
0x259: {  	[tilespmem:v44+s6+$0x0] =	vst.idx.msk $0xffff, v33  }
0x25a: {  	v46 =	vadd.s32 v17, v35;
	v33 =	vld [tilespmem:s15+$0xFFFFFF10];
	_ =	sdelay $0x4  }
0x25b: {  	[tilespmem:v46+s6+$0x0] =	vst.idx.msk $0xffff, v33  }
0x25c: {  	v47 =	vadd.s32 v18, v35;
	v33 =	vld [tilespmem:s15+$0xFFFFFF20];
	_ =	sdelay $0x4  }
0x25d: {  	[tilespmem:v47+s6+$0x0] =	vst.idx.msk $0xffff, v33  }
0x25e: {  	v48 =	vadd.s32 v19, v35;
	v33 =	vld [tilespmem:s15+$0xFFFFFF30];
	_ =	sdelay $0x4  }
0x25f: {  	[tilespmem:v48+s6+$0x0] =	vst.idx.msk $0xffff, v33  }
0x260: {  	s18 =	simm.s32 $0x5;
	v49 =	vadd.s32 v20, v35;
	v33 =	vld [tilespmem:s15+$0xFFFFFF40]  }
0x261: {  	v50 =	vmov s18  }
0x262: {  	v35 =	vshrl.u32 v50, $0x3  }
0x263: {  	v35 =	vshll.u32 v35, v1  }
0x264: {  	v35 =	vbroadcast v35, $0x0  }
0x265: {  	[tilespmem:v49+s6+$0x0] =	vst.idx.msk $0xffff, v33  }
0x266: {  	v51 =	vadd.s32 v21, v35;
	v33 =	vld [tilespmem:s15+$0xFFFFFF50];
	_ =	sdelay $0x4  }
0x267: {  	[tilespmem:v51+s6+$0x0] =	vst.idx.msk $0xffff, v33  }
0x268: {  	v52 =	vadd.s32 v22, v35;
	v33 =	vld [tilespmem:s15+$0xFFFFFF60];
	_ =	sdelay $0x4  }
0x269: {  	[tilespmem:v52+s6+$0x0] =	vst.idx.msk $0xffff, v33  }
0x26a: {  	v53 =	vadd.s32 v23, v35;
	v33 =	vld [tilespmem:s15+$0xFFFFFF70];
	_ =	sdelay $0x4  }
0x26b: {  	[tilespmem:v53+s6+$0x0] =	vst.idx.msk $0xffff, v33  }
0x26c: {  	s21 =	simm.s32 $0x6;
	v54 =	vadd.s32 v24, v35;
	v33 =	vld [tilespmem:s15+$0xFFFFFF80]  }
0x26d: {  	v55 =	vmov s21  }
0x26e: {  	v35 =	vshrl.u32 v55, $0x3  }
0x26f: {  	v35 =	vshll.u32 v35, v1  }
0x270: {  	v35 =	vbroadcast v35, $0x0  }
0x271: {  	[tilespmem:v54+s6+$0x0] =	vst.idx.msk $0xffff, v33  }
0x272: {  	v56 =	vadd.s32 v25, v35;
	v33 =	vld [tilespmem:s15+$0xFFFFFF90];
	_ =	sdelay $0x4  }
0x273: {  	[tilespmem:v56+s6+$0x0] =	vst.idx.msk $0xffff, v33  }
0x274: {  	v57 =	vadd.s32 v26, v35;
	v33 =	vld [tilespmem:s15+$0xFFFFFFA0];
	_ =	sdelay $0x4  }
0x275: {  	[tilespmem:v57+s6+$0x0] =	vst.idx.msk $0xffff, v33  }
0x276: {  	v58 =	vadd.s32 v27, v35;
	v33 =	vld [tilespmem:s15+$0xFFFFFFB0];
	_ =	sdelay $0x4  }
0x277: {  	[tilespmem:v58+s6+$0x0] =	vst.idx.msk $0xffff, v33  }
0x278: {  	s22 =	simm.s32 $0x7;
	v59 =	vadd.s32 v28, v35;
	v33 =	vld [tilespmem:s15+$0xFFFFFFC0]  }
0x279: {  	v60 =	vmov s22  }
0x27a: {  	v35 =	vshrl.u32 v60, $0x3  }
0x27b: {  	v35 =	vshll.u32 v35, v1  }
0x27c: {  	v35 =	vbroadcast v35, $0x0  }
0x27d: {  	[tilespmem:v59+s6+$0x0] =	vst.idx.msk $0xffff, v33  }
0x27e: {  	v61 =	vadd.s32 v29, v35;
	v33 =	vld [tilespmem:s15+$0xFFFFFFD0];
	_ =	sdelay $0x4  }
0x27f: {  	[tilespmem:v61+s6+$0x0] =	vst.idx.msk $0xffff, v33  }
0x280: {  	v62 =	vadd.s32 v30, v35;
	v33 =	vld [tilespmem:s15+$0xFFFFFFE0];
	_ =	sdelay $0x4  }
0x281: {  	[tilespmem:v62+s6+$0x0] =	vst.idx.msk $0xffff, v33  }
0x282: {  	v63 =	vadd.s32 v31, v35;
	v33 =	vld [tilespmem:s15+$0xFFFFFFF0];
	_ =	sdelay $0x4  }
0x283: {  	[tilespmem:v63+s6+$0x0] =	vst.idx.msk $0xffff, v33  }
0x284: {  	s14 =	sadd.s32 s14, s5;
	s16 =	simm.s32 $0x8;
	v34 =	vadd.s32 v32, v35;
	v33 =	vld [tilespmem:s15+$0x0]  }
0x285: {  	s14 =	sadd.s32 $0x1, s14;
	s18 =	simm.s32 $0x10;
	v35 =	vmov s16  }
.LBB2_5:
0x286: {  	p0 =	slt.u32 s18, $0x78;
	v35 =	vshrl.u32 v35, $0x3  }
0x287: {  	v35 =	vshll.u32 v35, v1  }
0x288: {  	v35 =	vbroadcast v35, $0x0  }
0x289: {  	s15 =	sadd.s32 $0x200, s15;
	[tilespmem:v34+s6+$0x0] =	vst.idx.msk $0xffff, v33  }
0x28a: {  	v33 =	vld [tilespmem:s15+$0xFFFFFE10];
	v34 =	vadd.s32 v0, v35;
	_ =	sdelay $0x4  }
0x28b: {  	[tilespmem:v34+s6+$0x0] =	vst.idx.msk $0xffff, v33  }
0x28c: {  	v34 =	vadd.s32 v2, v35;
	v33 =	vld [tilespmem:s15+$0xFFFFFE20];
	_ =	sdelay $0x4  }
0x28d: {  	[tilespmem:v34+s6+$0x0] =	vst.idx.msk $0xffff, v33  }
0x28e: {  	v34 =	vadd.s32 v3, v35;
	v33 =	vld [tilespmem:s15+$0xFFFFFE30];
	_ =	sdelay $0x4  }
0x28f: {  	[tilespmem:v34+s6+$0x0] =	vst.idx.msk $0xffff, v33  }
0x290: {  	s21 =	sadd.s32 $0x1, s16;
	v34 =	vadd.s32 v4, v35;
	v33 =	vld [tilespmem:s15+$0xFFFFFE40]  }
0x291: {  	v35 =	vmov s21  }
0x292: {  	v35 =	vshrl.u32 v35, $0x3  }
0x293: {  	v35 =	vshll.u32 v35, v1  }
0x294: {  	v35 =	vbroadcast v35, $0x0  }
0x295: {  	[tilespmem:v34+s6+$0x0] =	vst.idx.msk $0xffff, v33  }
0x296: {  	v34 =	vadd.s32 v5, v35;
	v33 =	vld [tilespmem:s15+$0xFFFFFE50];
	_ =	sdelay $0x4  }
0x297: {  	[tilespmem:v34+s6+$0x0] =	vst.idx.msk $0xffff, v33  }
0x298: {  	v34 =	vadd.s32 v6, v35;
	v33 =	vld [tilespmem:s15+$0xFFFFFE60];
	_ =	sdelay $0x4  }
0x299: {  	[tilespmem:v34+s6+$0x0] =	vst.idx.msk $0xffff, v33  }
0x29a: {  	v34 =	vadd.s32 v7, v35;
	v33 =	vld [tilespmem:s15+$0xFFFFFE70];
	_ =	sdelay $0x4  }
0x29b: {  	[tilespmem:v34+s6+$0x0] =	vst.idx.msk $0xffff, v33  }
0x29c: {  	s21 =	sadd.s32 $0x2, s16;
	v34 =	vadd.s32 v8, v35;
	v33 =	vld [tilespmem:s15+$0xFFFFFE80]  }
0x29d: {  	v35 =	vmov s21  }
0x29e: {  	v35 =	vshrl.u32 v35, $0x3  }
0x29f: {  	v35 =	vshll.u32 v35, v1  }
0x2a0: {  	v35 =	vbroadcast v35, $0x0  }
0x2a1: {  	[tilespmem:v34+s6+$0x0] =	vst.idx.msk $0xffff, v33  }
0x2a2: {  	v34 =	vadd.s32 v9, v35;
	v33 =	vld [tilespmem:s15+$0xFFFFFE90];
	_ =	sdelay $0x4  }
0x2a3: {  	[tilespmem:v34+s6+$0x0] =	vst.idx.msk $0xffff, v33  }
0x2a4: {  	v34 =	vadd.s32 v10, v35;
	v33 =	vld [tilespmem:s15+$0xFFFFFEA0];
	_ =	sdelay $0x4  }
0x2a5: {  	[tilespmem:v34+s6+$0x0] =	vst.idx.msk $0xffff, v33  }
0x2a6: {  	v34 =	vadd.s32 v11, v35;
	v33 =	vld [tilespmem:s15+$0xFFFFFEB0];
	_ =	sdelay $0x4  }
0x2a7: {  	[tilespmem:v34+s6+$0x0] =	vst.idx.msk $0xffff, v33  }
0x2a8: {  	s21 =	sadd.s32 $0x3, s16;
	v34 =	vadd.s32 v12, v35;
	v33 =	vld [tilespmem:s15+$0xFFFFFEC0]  }
0x2a9: {  	v35 =	vmov s21  }
0x2aa: {  	v35 =	vshrl.u32 v35, $0x3  }
0x2ab: {  	v35 =	vshll.u32 v35, v1  }
0x2ac: {  	v35 =	vbroadcast v35, $0x0  }
0x2ad: {  	[tilespmem:v34+s6+$0x0] =	vst.idx.msk $0xffff, v33  }
0x2ae: {  	v34 =	vadd.s32 v13, v35;
	v33 =	vld [tilespmem:s15+$0xFFFFFED0];
	_ =	sdelay $0x4  }
0x2af: {  	[tilespmem:v34+s6+$0x0] =	vst.idx.msk $0xffff, v33  }
0x2b0: {  	v34 =	vadd.s32 v14, v35;
	v33 =	vld [tilespmem:s15+$0xFFFFFEE0];
	_ =	sdelay $0x4  }
0x2b1: {  	[tilespmem:v34+s6+$0x0] =	vst.idx.msk $0xffff, v33  }
0x2b2: {  	v34 =	vadd.s32 v15, v35;
	v33 =	vld [tilespmem:s15+$0xFFFFFEF0];
	_ =	sdelay $0x4  }
0x2b3: {  	[tilespmem:v34+s6+$0x0] =	vst.idx.msk $0xffff, v33  }
0x2b4: {  	s21 =	sadd.s32 $0x4, s16;
	v34 =	vadd.s32 v16, v35;
	v33 =	vld [tilespmem:s15+$0xFFFFFF00]  }
0x2b5: {  	v35 =	vmov s21  }
0x2b6: {  	v35 =	vshrl.u32 v35, $0x3  }
0x2b7: {  	v35 =	vshll.u32 v35, v1  }
0x2b8: {  	v35 =	vbroadcast v35, $0x0  }
0x2b9: {  	[tilespmem:v34+s6+$0x0] =	vst.idx.msk $0xffff, v33  }
0x2ba: {  	v34 =	vadd.s32 v17, v35;
	v33 =	vld [tilespmem:s15+$0xFFFFFF10];
	_ =	sdelay $0x4  }
0x2bb: {  	[tilespmem:v34+s6+$0x0] =	vst.idx.msk $0xffff, v33  }
0x2bc: {  	v34 =	vadd.s32 v18, v35;
	v33 =	vld [tilespmem:s15+$0xFFFFFF20];
	_ =	sdelay $0x4  }
0x2bd: {  	[tilespmem:v34+s6+$0x0] =	vst.idx.msk $0xffff, v33  }
0x2be: {  	v34 =	vadd.s32 v19, v35;
	v33 =	vld [tilespmem:s15+$0xFFFFFF30];
	_ =	sdelay $0x4  }
0x2bf: {  	[tilespmem:v34+s6+$0x0] =	vst.idx.msk $0xffff, v33  }
0x2c0: {  	s21 =	sadd.s32 $0x5, s16;
	v34 =	vadd.s32 v20, v35;
	v33 =	vld [tilespmem:s15+$0xFFFFFF40]  }
0x2c1: {  	v35 =	vmov s21  }
0x2c2: {  	v35 =	vshrl.u32 v35, $0x3  }
0x2c3: {  	v35 =	vshll.u32 v35, v1  }
0x2c4: {  	v35 =	vbroadcast v35, $0x0  }
0x2c5: {  	[tilespmem:v34+s6+$0x0] =	vst.idx.msk $0xffff, v33  }
0x2c6: {  	v34 =	vadd.s32 v21, v35;
	v33 =	vld [tilespmem:s15+$0xFFFFFF50];
	_ =	sdelay $0x4  }
0x2c7: {  	[tilespmem:v34+s6+$0x0] =	vst.idx.msk $0xffff, v33  }
0x2c8: {  	v34 =	vadd.s32 v22, v35;
	v33 =	vld [tilespmem:s15+$0xFFFFFF60];
	_ =	sdelay $0x4  }
0x2c9: {  	[tilespmem:v34+s6+$0x0] =	vst.idx.msk $0xffff, v33  }
0x2ca: {  	v34 =	vadd.s32 v23, v35;
	v33 =	vld [tilespmem:s15+$0xFFFFFF70];
	_ =	sdelay $0x4  }
0x2cb: {  	[tilespmem:v34+s6+$0x0] =	vst.idx.msk $0xffff, v33  }
0x2cc: {  	s21 =	sadd.s32 $0x6, s16;
	v34 =	vadd.s32 v24, v35;
	v33 =	vld [tilespmem:s15+$0xFFFFFF80]  }
0x2cd: {  	v35 =	vmov s21  }
0x2ce: {  	v35 =	vshrl.u32 v35, $0x3  }
0x2cf: {  	v35 =	vshll.u32 v35, v1  }
0x2d0: {  	v35 =	vbroadcast v35, $0x0  }
0x2d1: {  	[tilespmem:v34+s6+$0x0] =	vst.idx.msk $0xffff, v33  }
0x2d2: {  	v34 =	vadd.s32 v25, v35;
	v33 =	vld [tilespmem:s15+$0xFFFFFF90];
	_ =	sdelay $0x4  }
0x2d3: {  	[tilespmem:v34+s6+$0x0] =	vst.idx.msk $0xffff, v33  }
0x2d4: {  	v34 =	vadd.s32 v26, v35;
	v33 =	vld [tilespmem:s15+$0xFFFFFFA0];
	_ =	sdelay $0x4  }
0x2d5: {  	[tilespmem:v34+s6+$0x0] =	vst.idx.msk $0xffff, v33  }
0x2d6: {  	v34 =	vadd.s32 v27, v35;
	v33 =	vld [tilespmem:s15+$0xFFFFFFB0];
	_ =	sdelay $0x4  }
0x2d7: {  	[tilespmem:v34+s6+$0x0] =	vst.idx.msk $0xffff, v33  }
0x2d8: {  	s21 =	sadd.s32 $0x7, s16;
	s16 =	smov.u32 s18;
	v34 =	vadd.s32 v28, v35;
	v33 =	vld [tilespmem:s15+$0xFFFFFFC0]  }
0x2d9: {  	v35 =	vmov s21  }
0x2da: {  	v35 =	vshrl.u32 v35, $0x3  }
0x2db: {  	v35 =	vshll.u32 v35, v1  }
0x2dc: {  	v35 =	vbroadcast v35, $0x0  }
0x2dd: {  	[tilespmem:v34+s6+$0x0] =	vst.idx.msk $0xffff, v33  }
0x2de: {  	v34 =	vadd.s32 v29, v35;
	v33 =	vld [tilespmem:s15+$0xFFFFFFD0];
	_ =	sdelay $0x4  }
0x2df: {  	[tilespmem:v34+s6+$0x0] =	vst.idx.msk $0xffff, v33  }
0x2e0: {  	v34 =	vadd.s32 v30, v35;
	v33 =	vld [tilespmem:s15+$0xFFFFFFE0];
	_ =	sdelay $0x4  }
0x2e1: {  	[tilespmem:v34+s6+$0x0] =	vst.idx.msk $0xffff, v33  }
0x2e2: {  	v34 =	vadd.s32 v31, v35;
	v33 =	vld [tilespmem:s15+$0xFFFFFFF0];
	_ =	sdelay $0x2  }
.Ltmp3:
0x2e3: {  	(pc) =	sbr.rel @p0 .LBB2_5-.Ltmp3, $4  }
0x2e4: {  	_ = 	snop  }
0x2e5: {  	[tilespmem:v34+s6+$0x0] =	vst.idx.msk $0xffff, v33  }
0x2e6: {  	v34 =	vadd.s32 v32, v35;
	v33 =	vld [tilespmem:s15+$0x0]  }
0x2e7: {  	s18 =	sadd.s32 $0x8, s18;
	v35 =	vmov s16  }
0x2e8: {  	_ = 	snop  }
0x2e9: {  	v35 =	vshrl.u32 v35, $0x3  }
0x2ea: {  	v35 =	vshll.u32 v35, v1  }
0x2eb: {  	v35 =	vbroadcast v35, $0x0  }
0x2ec: {  	s15 =	sadd.s32 $0x200, s15;
	[tilespmem:v34+s6+$0x0] =	vst.idx.msk $0xffff, v33  }
0x2ed: {  	v33 =	vld [tilespmem:s15+$0xFFFFFE10];
	v53 =	vadd.s32 v0, v35;
	_ =	sdelay $0x4  }
0x2ee: {  	[tilespmem:v53+s6+$0x0] =	vst.idx.msk $0xffff, v33  }
0x2ef: {  	v54 =	vadd.s32 v2, v35;
	v33 =	vld [tilespmem:s15+$0xFFFFFE20];
	_ =	sdelay $0x4  }
0x2f0: {  	[tilespmem:v54+s6+$0x0] =	vst.idx.msk $0xffff, v33  }
0x2f1: {  	v55 =	vadd.s32 v3, v35;
	v33 =	vld [tilespmem:s15+$0xFFFFFE30];
	_ =	sdelay $0x4  }
0x2f2: {  	[tilespmem:v55+s6+$0x0] =	vst.idx.msk $0xffff, v33  }
0x2f3: {  	s18 =	sadd.s32 $0x1, s16;
	v56 =	vadd.s32 v4, v35;
	v33 =	vld [tilespmem:s15+$0xFFFFFE40]  }
0x2f4: {  	v57 =	vmov s18  }
0x2f5: {  	v35 =	vshrl.u32 v57, $0x3  }
0x2f6: {  	v35 =	vshll.u32 v35, v1  }
0x2f7: {  	v35 =	vbroadcast v35, $0x0  }
0x2f8: {  	[tilespmem:v56+s6+$0x0] =	vst.idx.msk $0xffff, v33  }
0x2f9: {  	v58 =	vadd.s32 v5, v35;
	v33 =	vld [tilespmem:s15+$0xFFFFFE50];
	_ =	sdelay $0x4  }
0x2fa: {  	[tilespmem:v58+s6+$0x0] =	vst.idx.msk $0xffff, v33  }
0x2fb: {  	v59 =	vadd.s32 v6, v35;
	v33 =	vld [tilespmem:s15+$0xFFFFFE60];
	_ =	sdelay $0x4  }
0x2fc: {  	[tilespmem:v59+s6+$0x0] =	vst.idx.msk $0xffff, v33  }
0x2fd: {  	v60 =	vadd.s32 v7, v35;
	v33 =	vld [tilespmem:s15+$0xFFFFFE70];
	_ =	sdelay $0x4  }
0x2fe: {  	[tilespmem:v60+s6+$0x0] =	vst.idx.msk $0xffff, v33  }
0x2ff: {  	s21 =	sadd.s32 $0x2, s16;
	v61 =	vadd.s32 v8, v35;
	v33 =	vld [tilespmem:s15+$0xFFFFFE80]  }
0x300: {  	v62 =	vmov s21  }
0x301: {  	v35 =	vshrl.u32 v62, $0x3  }
0x302: {  	v35 =	vshll.u32 v35, v1  }
0x303: {  	v35 =	vbroadcast v35, $0x0  }
0x304: {  	[tilespmem:v61+s6+$0x0] =	vst.idx.msk $0xffff, v33  }
0x305: {  	v63 =	vadd.s32 v9, v35;
	v33 =	vld [tilespmem:s15+$0xFFFFFE90];
	_ =	sdelay $0x4  }
0x306: {  	[tilespmem:v63+s6+$0x0] =	vst.idx.msk $0xffff, v33  }
0x307: {  	v36 =	vadd.s32 v10, v35;
	v33 =	vld [tilespmem:s15+$0xFFFFFEA0];
	_ =	sdelay $0x4  }
0x308: {  	[tilespmem:v36+s6+$0x0] =	vst.idx.msk $0xffff, v33  }
0x309: {  	v37 =	vadd.s32 v11, v35;
	v33 =	vld [tilespmem:s15+$0xFFFFFEB0];
	_ =	sdelay $0x4  }
0x30a: {  	[tilespmem:v37+s6+$0x0] =	vst.idx.msk $0xffff, v33  }
0x30b: {  	s22 =	sadd.s32 $0x3, s16;
	v38 =	vadd.s32 v12, v35;
	v33 =	vld [tilespmem:s15+$0xFFFFFEC0]  }
0x30c: {  	v39 =	vmov s22  }
0x30d: {  	v35 =	vshrl.u32 v39, $0x3  }
0x30e: {  	v35 =	vshll.u32 v35, v1  }
0x30f: {  	v35 =	vbroadcast v35, $0x0  }
0x310: {  	[tilespmem:v38+s6+$0x0] =	vst.idx.msk $0xffff, v33  }
0x311: {  	v40 =	vadd.s32 v13, v35;
	v33 =	vld [tilespmem:s15+$0xFFFFFED0];
	_ =	sdelay $0x4  }
0x312: {  	[tilespmem:v40+s6+$0x0] =	vst.idx.msk $0xffff, v33  }
0x313: {  	v41 =	vadd.s32 v14, v35;
	v33 =	vld [tilespmem:s15+$0xFFFFFEE0];
	_ =	sdelay $0x4  }
0x314: {  	[tilespmem:v41+s6+$0x0] =	vst.idx.msk $0xffff, v33  }
0x315: {  	v42 =	vadd.s32 v15, v35;
	v33 =	vld [tilespmem:s15+$0xFFFFFEF0];
	_ =	sdelay $0x4  }
0x316: {  	[tilespmem:v42+s6+$0x0] =	vst.idx.msk $0xffff, v33  }
0x317: {  	s21 =	sadd.s32 $0x4, s16;
	v43 =	vadd.s32 v16, v35;
	v33 =	vld [tilespmem:s15+$0xFFFFFF00]  }
0x318: {  	v44 =	vmov s21  }
0x319: {  	v35 =	vshrl.u32 v44, $0x3  }
0x31a: {  	v35 =	vshll.u32 v35, v1  }
0x31b: {  	v35 =	vbroadcast v35, $0x0  }
0x31c: {  	[tilespmem:v43+s6+$0x0] =	vst.idx.msk $0xffff, v33  }
0x31d: {  	v45 =	vadd.s32 v17, v35;
	v33 =	vld [tilespmem:s15+$0xFFFFFF10];
	_ =	sdelay $0x4  }
0x31e: {  	[tilespmem:v45+s6+$0x0] =	vst.idx.msk $0xffff, v33  }
0x31f: {  	v46 =	vadd.s32 v18, v35;
	v33 =	vld [tilespmem:s15+$0xFFFFFF20];
	_ =	sdelay $0x4  }
0x320: {  	[tilespmem:v46+s6+$0x0] =	vst.idx.msk $0xffff, v33  }
0x321: {  	v47 =	vadd.s32 v19, v35;
	v33 =	vld [tilespmem:s15+$0xFFFFFF30];
	_ =	sdelay $0x4  }
0x322: {  	[tilespmem:v47+s6+$0x0] =	vst.idx.msk $0xffff, v33  }
0x323: {  	s22 =	sadd.s32 $0x5, s16;
	v48 =	vadd.s32 v20, v35;
	v33 =	vld [tilespmem:s15+$0xFFFFFF40]  }
0x324: {  	v49 =	vmov s22  }
0x325: {  	v35 =	vshrl.u32 v49, $0x3  }
0x326: {  	v35 =	vshll.u32 v35, v1  }
0x327: {  	v35 =	vbroadcast v35, $0x0  }
0x328: {  	[tilespmem:v48+s6+$0x0] =	vst.idx.msk $0xffff, v33  }
0x329: {  	v50 =	vadd.s32 v21, v35;
	v33 =	vld [tilespmem:s15+$0xFFFFFF50];
	_ =	sdelay $0x4  }
0x32a: {  	[tilespmem:v50+s6+$0x0] =	vst.idx.msk $0xffff, v33  }
0x32b: {  	v51 =	vadd.s32 v22, v35;
	v33 =	vld [tilespmem:s15+$0xFFFFFF60];
	_ =	sdelay $0x4  }
0x32c: {  	[tilespmem:v51+s6+$0x0] =	vst.idx.msk $0xffff, v33  }
0x32d: {  	v52 =	vadd.s32 v23, v35;
	v33 =	vld [tilespmem:s15+$0xFFFFFF70];
	_ =	sdelay $0x4  }
0x32e: {  	[tilespmem:v52+s6+$0x0] =	vst.idx.msk $0xffff, v33  }
0x32f: {  	s21 =	sadd.s32 $0x6, s16;
	v53 =	vadd.s32 v24, v35;
	v33 =	vld [tilespmem:s15+$0xFFFFFF80]  }
0x330: {  	v54 =	vmov s21  }
0x331: {  	v35 =	vshrl.u32 v54, $0x3  }
0x332: {  	v35 =	vshll.u32 v35, v1  }
0x333: {  	v35 =	vbroadcast v35, $0x0  }
0x334: {  	[tilespmem:v53+s6+$0x0] =	vst.idx.msk $0xffff, v33  }
0x335: {  	v55 =	vadd.s32 v25, v35;
	v33 =	vld [tilespmem:s15+$0xFFFFFF90];
	_ =	sdelay $0x4  }
0x336: {  	[tilespmem:v55+s6+$0x0] =	vst.idx.msk $0xffff, v33  }
0x337: {  	v56 =	vadd.s32 v26, v35;
	v33 =	vld [tilespmem:s15+$0xFFFFFFA0];
	_ =	sdelay $0x4  }
0x338: {  	[tilespmem:v56+s6+$0x0] =	vst.idx.msk $0xffff, v33  }
0x339: {  	v57 =	vadd.s32 v27, v35;
	v33 =	vld [tilespmem:s15+$0xFFFFFFB0];
	_ =	sdelay $0x4  }
0x33a: {  	[tilespmem:v57+s6+$0x0] =	vst.idx.msk $0xffff, v33  }
0x33b: {  	s22 =	sadd.s32 $0x7, s16;
	v58 =	vadd.s32 v28, v35;
	v33 =	vld [tilespmem:s15+$0xFFFFFFC0]  }
0x33c: {  	v59 =	vmov s22  }
0x33d: {  	v35 =	vshrl.u32 v59, $0x3  }
0x33e: {  	v35 =	vshll.u32 v35, v1  }
0x33f: {  	v35 =	vbroadcast v35, $0x0  }
0x340: {  	[tilespmem:v58+s6+$0x0] =	vst.idx.msk $0xffff, v33  }
0x341: {  	v60 =	vadd.s32 v29, v35;
	v33 =	vld [tilespmem:s15+$0xFFFFFFD0];
	_ =	sdelay $0x4  }
0x342: {  	[tilespmem:v60+s6+$0x0] =	vst.idx.msk $0xffff, v33  }
0x343: {  	v61 =	vadd.s32 v30, v35;
	v33 =	vld [tilespmem:s15+$0xFFFFFFE0];
	_ =	sdelay $0x4  }
0x344: {  	[tilespmem:v61+s6+$0x0] =	vst.idx.msk $0xffff, v33  }
0x345: {  	v62 =	vadd.s32 v31, v35;
	v33 =	vld [tilespmem:s15+$0xFFFFFFF0];
	_ =	sdelay $0x4  }
0x346: {  	[tilespmem:v62+s6+$0x0] =	vst.idx.msk $0xffff, v33  }
0x347: {  	v63 =	vadd.s32 v32, v35;
	v33 =	vld [tilespmem:s15+$0x0];
	_ =	sdelay $0x1  }
0x348: {  	s18 =	sshll.u32 s14, $0x7;
	s16 =	sshll.u32 s14, $0xA  }
0x349: {  	s14 =	sand.u32 $0xF80, s18;
	s15 =	sand.u32 $0xFFF8000, s16  }
0x34a: {  	s14 =	sor.u32 s14, s15  }
0x34b: {  	s15 =	sadd.s32 s2, s14;
	[tilespmem:v63+s6+$0x0] =	vst.idx.msk $0xffff, v33  }
0x34c: {  	[hbm4b:s15+s3] =	stream.linear.scatter [tilespmem:s6], [sflag:$0x4], $0x80, $0x38;
	[tilespmem:$0xE800] =	vst v63  }
0x34d: {  	s22 =	simm.s32 $0xC688;
	s21 =	sadd.s32 $0x10, s15  }
0x34e: {  	[hbm4b:s21+s3] =	stream.linear.scatter [tilespmem:s22], [sflag:$0x4], $0x80, $0x38;
	[tilespmem:$0xE800] =	vst v63  }
0x34f: {  	s21 =	sadd.s32 $0x20, s15;
	s22 =	simm.s32 $0xC710  }
0x350: {  	[hbm4b:s21+s3] =	stream.linear.scatter [tilespmem:s22], [sflag:$0x4], $0x80, $0x38;
	[tilespmem:$0xE800] =	vst v63  }
0x351: {  	s21 =	sadd.s32 $0x30, s15;
	s22 =	simm.s32 $0xC798  }
0x352: {  	[hbm4b:s21+s3] =	stream.linear.scatter [tilespmem:s22], [sflag:$0x4], $0x80, $0x38;
	[tilespmem:$0xE800] =	vst v63  }
0x353: {  	s21 =	sadd.s32 $0x40, s15;
	s22 =	simm.s32 $0xC820  }
0x354: {  	[hbm4b:s21+s3] =	stream.linear.scatter [tilespmem:s22], [sflag:$0x4], $0x80, $0x38;
	[tilespmem:$0xE800] =	vst v63  }
0x355: {  	s21 =	sadd.s32 $0x50, s15;
	s22 =	simm.s32 $0xC8A8  }
0x356: {  	[hbm4b:s21+s3] =	stream.linear.scatter [tilespmem:s22], [sflag:$0x4], $0x80, $0x38;
	[tilespmem:$0xE800] =	vst v63  }
0x357: {  	s18 =	sadd.s32 $0x60, s15;
	s21 =	simm.s32 $0xC930  }
0x358: {  	[hbm4b:s18+s3] =	stream.linear.scatter [tilespmem:s21], [sflag:$0x4], $0x80, $0x38;
	[tilespmem:$0xE800] =	vst v63  }
0x359: {  	s15 =	sadd.s32 $0x70, s15;
	s22 =	simm.s32 $0xC9B8  }
0x35a: {  	[hbm4b:s15+s3] =	stream.linear.scatter [tilespmem:s22], [sflag:$0x4], $0x80, $0x38;
	[tilespmem:$0xE800] =	vst v63  }
0x35b: {  	s18 =	simm.s32 $0xCA40;
	s15 =	sadd.s32 s14, s7  }
0x35c: {  	[hbm4b:s15+s3] =	stream.linear.scatter [tilespmem:s18], [sflag:$0x4], $0x80, $0x38;
	[tilespmem:$0xE800] =	vst v63  }
0x35d: {  	s22 =	simm.s32 $0xCAC8;
	s21 =	sadd.s32 $0x10, s15  }
0x35e: {  	[hbm4b:s21+s3] =	stream.linear.scatter [tilespmem:s22], [sflag:$0x4], $0x80, $0x38;
	[tilespmem:$0xE800] =	vst v63  }
0x35f: {  	s21 =	sadd.s32 $0x20, s15;
	s22 =	simm.s32 $0xCB50  }
0x360: {  	[hbm4b:s21+s3] =	stream.linear.scatter [tilespmem:s22], [sflag:$0x4], $0x80, $0x38;
	[tilespmem:$0xE800] =	vst v63  }
0x361: {  	s21 =	sadd.s32 $0x30, s15;
	s22 =	simm.s32 $0xCBD8  }
0x362: {  	[hbm4b:s21+s3] =	stream.linear.scatter [tilespmem:s22], [sflag:$0x4], $0x80, $0x38;
	[tilespmem:$0xE800] =	vst v63  }
0x363: {  	s21 =	sadd.s32 $0x40, s15;
	s22 =	simm.s32 $0xCC60  }
0x364: {  	[hbm4b:s21+s3] =	stream.linear.scatter [tilespmem:s22], [sflag:$0x4], $0x80, $0x38;
	[tilespmem:$0xE800] =	vst v63  }
0x365: {  	s21 =	sadd.s32 $0x50, s15;
	s22 =	simm.s32 $0xCCE8  }
0x366: {  	[hbm4b:s21+s3] =	stream.linear.scatter [tilespmem:s22], [sflag:$0x4], $0x80, $0x38;
	[tilespmem:$0xE800] =	vst v63  }
0x367: {  	s18 =	sadd.s32 $0x60, s15;
	s21 =	simm.s32 $0xCD70  }
0x368: {  	[hbm4b:s18+s3] =	stream.linear.scatter [tilespmem:s21], [sflag:$0x4], $0x80, $0x38;
	[tilespmem:$0xE800] =	vst v63  }
0x369: {  	s15 =	sadd.s32 $0x70, s15;
	s22 =	simm.s32 $0xCDF8  }
0x36a: {  	[hbm4b:s15+s3] =	stream.linear.scatter [tilespmem:s22], [sflag:$0x4], $0x80, $0x38;
	[tilespmem:$0xE800] =	vst v63  }
0x36b: {  	s18 =	simm.s32 $0xCE80;
	s15 =	sadd.s32 s14, s8  }
0x36c: {  	[hbm4b:s15+s3] =	stream.linear.scatter [tilespmem:s18], [sflag:$0x4], $0x80, $0x38;
	[tilespmem:$0xE800] =	vst v63  }
0x36d: {  	s22 =	simm.s32 $0xCF08;
	s21 =	sadd.s32 $0x10, s15  }
0x36e: {  	[hbm4b:s21+s3] =	stream.linear.scatter [tilespmem:s22], [sflag:$0x4], $0x80, $0x38;
	[tilespmem:$0xE800] =	vst v63  }
0x36f: {  	s21 =	sadd.s32 $0x20, s15;
	s22 =	simm.s32 $0xCF90  }
0x370: {  	[hbm4b:s21+s3] =	stream.linear.scatter [tilespmem:s22], [sflag:$0x4], $0x80, $0x38;
	[tilespmem:$0xE800] =	vst v63  }
0x371: {  	s21 =	sadd.s32 $0x30, s15;
	s22 =	simm.s32 $0xD018  }
0x372: {  	[hbm4b:s21+s3] =	stream.linear.scatter [tilespmem:s22], [sflag:$0x4], $0x80, $0x38;
	[tilespmem:$0xE800] =	vst v63  }
0x373: {  	s21 =	sadd.s32 $0x40, s15;
	s22 =	simm.s32 $0xD0A0  }
0x374: {  	[hbm4b:s21+s3] =	stream.linear.scatter [tilespmem:s22], [sflag:$0x4], $0x80, $0x38;
	[tilespmem:$0xE800] =	vst v63  }
0x375: {  	s21 =	sadd.s32 $0x50, s15;
	s22 =	simm.s32 $0xD128  }
0x376: {  	[hbm4b:s21+s3] =	stream.linear.scatter [tilespmem:s22], [sflag:$0x4], $0x80, $0x38;
	[tilespmem:$0xE800] =	vst v63  }
0x377: {  	s18 =	sadd.s32 $0x60, s15;
	s21 =	simm.s32 $0xD1B0  }
0x378: {  	[hbm4b:s18+s3] =	stream.linear.scatter [tilespmem:s21], [sflag:$0x4], $0x80, $0x38;
	[tilespmem:$0xE800] =	vst v63  }
0x379: {  	s15 =	sadd.s32 $0x70, s15;
	s22 =	simm.s32 $0xD238  }
0x37a: {  	[hbm4b:s15+s3] =	stream.linear.scatter [tilespmem:s22], [sflag:$0x4], $0x80, $0x38;
	[tilespmem:$0xE800] =	vst v63  }
0x37b: {  	s18 =	simm.s32 $0xD2C0;
	s15 =	sadd.s32 s14, s9  }
0x37c: {  	[hbm4b:s15+s3] =	stream.linear.scatter [tilespmem:s18], [sflag:$0x4], $0x80, $0x38;
	[tilespmem:$0xE800] =	vst v63  }
0x37d: {  	s22 =	simm.s32 $0xD348;
	s21 =	sadd.s32 $0x10, s15  }
0x37e: {  	[hbm4b:s21+s3] =	stream.linear.scatter [tilespmem:s22], [sflag:$0x4], $0x80, $0x38;
	[tilespmem:$0xE800] =	vst v63  }
0x37f: {  	s21 =	sadd.s32 $0x20, s15;
	s22 =	simm.s32 $0xD3D0  }
0x380: {  	[hbm4b:s21+s3] =	stream.linear.scatter [tilespmem:s22], [sflag:$0x4], $0x80, $0x38;
	[tilespmem:$0xE800] =	vst v63  }
0x381: {  	s21 =	sadd.s32 $0x30, s15;
	s22 =	simm.s32 $0xD458  }
0x382: {  	[hbm4b:s21+s3] =	stream.linear.scatter [tilespmem:s22], [sflag:$0x4], $0x80, $0x38;
	[tilespmem:$0xE800] =	vst v63  }
0x383: {  	s21 =	sadd.s32 $0x40, s15;
	s22 =	simm.s32 $0xD4E0  }
0x384: {  	[hbm4b:s21+s3] =	stream.linear.scatter [tilespmem:s22], [sflag:$0x4], $0x80, $0x38;
	[tilespmem:$0xE800] =	vst v63  }
0x385: {  	s21 =	sadd.s32 $0x50, s15;
	s22 =	simm.s32 $0xD568  }
0x386: {  	[hbm4b:s21+s3] =	stream.linear.scatter [tilespmem:s22], [sflag:$0x4], $0x80, $0x38;
	[tilespmem:$0xE800] =	vst v63  }
0x387: {  	s18 =	sadd.s32 $0x60, s15;
	s21 =	simm.s32 $0xD5F0  }
0x388: {  	[hbm4b:s18+s3] =	stream.linear.scatter [tilespmem:s21], [sflag:$0x4], $0x80, $0x38;
	[tilespmem:$0xE800] =	vst v63  }
0x389: {  	s15 =	sadd.s32 $0x70, s15;
	s22 =	simm.s32 $0xD678  }
0x38a: {  	[hbm4b:s15+s3] =	stream.linear.scatter [tilespmem:s22], [sflag:$0x4], $0x80, $0x38;
	[tilespmem:$0xE800] =	vst v63  }
0x38b: {  	s18 =	simm.s32 $0xD700;
	s15 =	sadd.s32 s14, s10  }
0x38c: {  	[hbm4b:s15+s3] =	stream.linear.scatter [tilespmem:s18], [sflag:$0x4], $0x80, $0x38;
	[tilespmem:$0xE800] =	vst v63  }
0x38d: {  	s22 =	simm.s32 $0xD788;
	s21 =	sadd.s32 $0x10, s15  }
0x38e: {  	[hbm4b:s21+s3] =	stream.linear.scatter [tilespmem:s22], [sflag:$0x4], $0x80, $0x38;
	[tilespmem:$0xE800] =	vst v63  }
0x38f: {  	s21 =	sadd.s32 $0x20, s15;
	s22 =	simm.s32 $0xD810  }
0x390: {  	[hbm4b:s21+s3] =	stream.linear.scatter [tilespmem:s22], [sflag:$0x4], $0x80, $0x38;
	[tilespmem:$0xE800] =	vst v63  }
0x391: {  	s21 =	sadd.s32 $0x30, s15;
	s22 =	simm.s32 $0xD898  }
0x392: {  	[hbm4b:s21+s3] =	stream.linear.scatter [tilespmem:s22], [sflag:$0x4], $0x80, $0x38;
	[tilespmem:$0xE800] =	vst v63  }
0x393: {  	s21 =	sadd.s32 $0x40, s15;
	s22 =	simm.s32 $0xD920  }
0x394: {  	[hbm4b:s21+s3] =	stream.linear.scatter [tilespmem:s22], [sflag:$0x4], $0x80, $0x38;
	[tilespmem:$0xE800] =	vst v63  }
0x395: {  	s21 =	sadd.s32 $0x50, s15;
	s22 =	simm.s32 $0xD9A8  }
0x396: {  	[hbm4b:s21+s3] =	stream.linear.scatter [tilespmem:s22], [sflag:$0x4], $0x80, $0x38;
	[tilespmem:$0xE800] =	vst v63  }
0x397: {  	s18 =	sadd.s32 $0x60, s15;
	s21 =	simm.s32 $0xDA30  }
0x398: {  	[hbm4b:s18+s3] =	stream.linear.scatter [tilespmem:s21], [sflag:$0x4], $0x80, $0x38;
	[tilespmem:$0xE800] =	vst v63  }
0x399: {  	s15 =	sadd.s32 $0x70, s15;
	s22 =	simm.s32 $0xDAB8  }
0x39a: {  	[hbm4b:s15+s3] =	stream.linear.scatter [tilespmem:s22], [sflag:$0x4], $0x80, $0x38;
	[tilespmem:$0xE800] =	vst v63  }
0x39b: {  	s18 =	simm.s32 $0xDB40;
	s15 =	sadd.s32 s14, s11  }
0x39c: {  	[hbm4b:s15+s3] =	stream.linear.scatter [tilespmem:s18], [sflag:$0x4], $0x80, $0x38;
	[tilespmem:$0xE800] =	vst v63  }
0x39d: {  	s22 =	simm.s32 $0xDBC8;
	s21 =	sadd.s32 $0x10, s15  }
0x39e: {  	[hbm4b:s21+s3] =	stream.linear.scatter [tilespmem:s22], [sflag:$0x4], $0x80, $0x38;
	[tilespmem:$0xE800] =	vst v63  }
0x39f: {  	s21 =	sadd.s32 $0x20, s15;
	s22 =	simm.s32 $0xDC50  }
0x3a0: {  	[hbm4b:s21+s3] =	stream.linear.scatter [tilespmem:s22], [sflag:$0x4], $0x80, $0x38;
	[tilespmem:$0xE800] =	vst v63  }
0x3a1: {  	s21 =	sadd.s32 $0x30, s15;
	s22 =	simm.s32 $0xDCD8  }
0x3a2: {  	[hbm4b:s21+s3] =	stream.linear.scatter [tilespmem:s22], [sflag:$0x4], $0x80, $0x38;
	[tilespmem:$0xE800] =	vst v63  }
0x3a3: {  	s21 =	sadd.s32 $0x40, s15;
	s22 =	simm.s32 $0xDD60  }
0x3a4: {  	[hbm4b:s21+s3] =	stream.linear.scatter [tilespmem:s22], [sflag:$0x4], $0x80, $0x38;
	[tilespmem:$0xE800] =	vst v63  }
0x3a5: {  	s21 =	sadd.s32 $0x50, s15;
	s22 =	simm.s32 $0xDDE8  }
0x3a6: {  	[hbm4b:s21+s3] =	stream.linear.scatter [tilespmem:s22], [sflag:$0x4], $0x80, $0x38;
	[tilespmem:$0xE800] =	vst v63  }
0x3a7: {  	s18 =	sadd.s32 $0x60, s15;
	s21 =	simm.s32 $0xDE70  }
0x3a8: {  	[hbm4b:s18+s3] =	stream.linear.scatter [tilespmem:s21], [sflag:$0x4], $0x80, $0x38;
	[tilespmem:$0xE800] =	vst v63  }
0x3a9: {  	s15 =	sadd.s32 $0x70, s15;
	s22 =	simm.s32 $0xDEF8  }
0x3aa: {  	[hbm4b:s15+s3] =	stream.linear.scatter [tilespmem:s22], [sflag:$0x4], $0x80, $0x38;
	[tilespmem:$0xE800] =	vst v63  }
0x3ab: {  	s18 =	simm.s32 $0xDF80;
	s15 =	sadd.s32 s14, s12  }
0x3ac: {  	[hbm4b:s15+s3] =	stream.linear.scatter [tilespmem:s18], [sflag:$0x4], $0x80, $0x38;
	[tilespmem:$0xE800] =	vst v63  }
0x3ad: {  	s22 =	simm.s32 $0xE008;
	s21 =	sadd.s32 $0x10, s15  }
0x3ae: {  	[hbm4b:s21+s3] =	stream.linear.scatter [tilespmem:s22], [sflag:$0x4], $0x80, $0x38;
	[tilespmem:$0xE800] =	vst v63  }
0x3af: {  	s21 =	sadd.s32 $0x20, s15;
	s22 =	simm.s32 $0xE090  }
0x3b0: {  	[hbm4b:s21+s3] =	stream.linear.scatter [tilespmem:s22], [sflag:$0x4], $0x80, $0x38;
	[tilespmem:$0xE800] =	vst v63  }
0x3b1: {  	s21 =	sadd.s32 $0x30, s15;
	s22 =	simm.s32 $0xE118  }
0x3b2: {  	[hbm4b:s21+s3] =	stream.linear.scatter [tilespmem:s22], [sflag:$0x4], $0x80, $0x38;
	[tilespmem:$0xE800] =	vst v63  }
0x3b3: {  	s21 =	sadd.s32 $0x40, s15;
	s22 =	simm.s32 $0xE1A0  }
0x3b4: {  	[hbm4b:s21+s3] =	stream.linear.scatter [tilespmem:s22], [sflag:$0x4], $0x80, $0x38;
	[tilespmem:$0xE800] =	vst v63  }
0x3b5: {  	s21 =	sadd.s32 $0x50, s15;
	s22 =	simm.s32 $0xE228  }
0x3b6: {  	[hbm4b:s21+s3] =	stream.linear.scatter [tilespmem:s22], [sflag:$0x4], $0x80, $0x38;
	[tilespmem:$0xE800] =	vst v63  }
0x3b7: {  	s21 =	sadd.s32 $0x60, s15;
	s22 =	simm.s32 $0xE2B0  }
0x3b8: {  	[hbm4b:s21+s3] =	stream.linear.scatter [tilespmem:s22], [sflag:$0x4], $0x80, $0x38;
	[tilespmem:$0xE800] =	vst v63  }
0x3b9: {  	s18 =	simm.s32 $0xE338;
	s15 =	sadd.s32 $0x70, s15  }
0x3ba: {  	[hbm4b:s15+s3] =	stream.linear.scatter [tilespmem:s18], [sflag:$0x4], $0x80, $0x38;
	[tilespmem:$0xE800] =	vst v63  }
0x3bb: {  	s14 =	sadd.s32 s14, s13  }
0x3bc: {  	[hbm4b:s14+s3] =	stream.linear.scatter [tilespmem:s24], [sflag:$0x4], $0x80, $0x38;
	[tilespmem:$0xE800] =	vst v63  }
0x3bd: {  	s21 =	sadd.s32 $0x10, s14  }
0x3be: {  	[hbm4b:s21+s3] =	stream.linear.scatter [tilespmem:s25], [sflag:$0x4], $0x80, $0x38;
	[tilespmem:$0xE800] =	vst v63  }
0x3bf: {  	s22 =	sadd.s32 $0x20, s14  }
0x3c0: {  	[hbm4b:s22+s3] =	stream.linear.scatter [tilespmem:s26], [sflag:$0x4], $0x80, $0x38;
	[tilespmem:$0xE800] =	vst v63  }
0x3c1: {  	s16 =	sadd.s32 $0x30, s14  }
0x3c2: {  	[hbm4b:s16+s3] =	stream.linear.scatter [tilespmem:s28], [sflag:$0x4], $0x80, $0x38;
	[tilespmem:$0xE800] =	vst v63  }
0x3c3: {  	s18 =	sadd.s32 $0x40, s14  }
0x3c4: {  	[hbm4b:s18+s3] =	stream.linear.scatter [tilespmem:s29], [sflag:$0x4], $0x80, $0x38;
	[tilespmem:$0xE800] =	vst v63  }
0x3c5: {  	s21 =	sadd.s32 $0x50, s14  }
0x3c6: {  	[hbm4b:s21+s3] =	stream.linear.scatter [tilespmem:s30], [sflag:$0x4], $0x80, $0x38;
	[tilespmem:$0xE800] =	vst v63  }
.Ltmp4:
0x3c7: {  	_ = 	snop;
	(pc) =	sbr.rel @p1 .LBB2_8-.Ltmp4, $4  }
0x3c8: {  	s22 =	sadd.s32 $0x60, s14  }
0x3c9: {  	[hbm4b:s22+s3] =	stream.linear.scatter [tilespmem:s31], [sflag:$0x4], $0x80, $0x38;
	[tilespmem:$0xE800] =	vst v63  }
0x3ca: {  	s14 =	sadd.s32 $0x70, s14  }
0x3cb: {  	[hbm4b:s14+s3] =	stream.linear.scatter [tilespmem:s1], [sflag:$0x4], $0x80, $0x38;
	[tilespmem:$0xE800] =	vst v63  }
.Ltmp5:
0x3cc: {  	(pc) =	sbr.rel .LBB2_2-.Ltmp5, $4  }
0x3cd: {  	s14 =	sshll.u32 s0, $0x8  }
0x3ce: {  	s14 =	sand.u32 $0x3FFFFF00, s14  }
0x3cf: {  	s15 =	simm.s32 $0x8400;
	s0 =	sadd.s32 $0x1, s0;
	s14 =	sadd.s32 $0x180, s14  }
0x3d0: {  	[tilespmem:s15], [sflag:$0x2] =	stream.indirect.gather [hbm4b:s4+s23], $0x40, s14, s23, $0xb8;
	[tilespmem:$0xE800] =	vst v63  }
.LBB2_9:
0x3d1: {  	_ =	sfence.sel $0x180000  }
0x3d2: {  	[bflag:$0x0] =	sbarrier.arrive $0xFFFF  }
0x3d3: {  	_ =	strace $0x9000004A  }
0x3d4: {  	s0 =	stileid.u32;
	[bflag:$0x2] =	sbarrier.arrive $0xFFFF  }
0x3d5: {  	p0 =	sne.s32 s0, $0x0;
	s0 =	rddreg [dreg:$0x2]  }
0x3d6: {  	s0 =	sadd.s32 @!p0 $0x100000, s0  }
0x3d7: {  	[sflag:s0] =	ssyncadd.tile.s32 @!p0 $0x1;
	_ =	shalt  }
.Lfunc_end2:
_tile_overlayer_lowered:
.L_overlay_start_2:
0x3d8: {  	(tag) =	ssettag $0x2  }
0x3d9: {  	s0 =	rddreg [dreg:$0x0];
	s2 =	stileid.u32  }
0x3da: {  	s1 =	rddreg [dreg:$0x1];
	p0 =	sne.s32 s2, $0x0  }
0x3db: {  	s3 =	rddreg [dreg:$0x2];
	[bflag:$0x3] =	sbarrier.arrive $0xFFFF;
	s2 =	simm.s32 @!p0 $0x1C05  }
0x3dc: {  	[timem:s3], [sflag:s2] =	dma.local @!p0 [hbm:s0], s1  }
0x3dd: {  	s0 =	simm.s32 @!p0 $0x5  }
0x3de: {  	_ =	swait.ge @!p0 [sflag:s0], s1  }
0x3df: {  	s1 =	ssub.s32 @!p0 $0x0, s1;
	[sflag:s0] =	ssyncset.done @!p0 $0x0  }
0x3e0: {  	[sflag:s0] =	ssyncadd.s32 @!p0 s1  }
0x3e1: {  	[bflag:$0x3] =	sbarrier.arrive $0xFFFF  }
0x3e2: {  	_ =	shalt  }

// kernel: sparse-core-data-format-call.cloned.1.call-start
scs
called_computation_lowered:
.L_overlay_start_0:
0x0: {  	s2 =	sld [smem:$0x3FD9]  }
0x1: {  	s3 =	sld [smem:$0x3FFE];
	_ =	sdelay $0x1  }
0x2: {  	s1 =	srdreg.scid  }
0x3: {  	s0 =	sand.u32 $0x1, s1  }
0x4: {  	s18 =	sshll.u32 s0, $0xA;
	s2 =	sadd.s32 s3, s2  }
0x5: {  	s2 =	sadd.s32 s2, s18  }
0x6: {  	[smem:$0x3FC6] =	sst s2  }
0x7: {  	_ = 	snop  }
0x8: {  	s2 =	sld [smem:$0x3FC8];
	(tm) =	ssettm $0x1  }
0x9: {  	s19 =	sld [smem:$0x3FFB];
	_ =	sdelay $0x3  }
0xa: {  	_ =	strace s19  }
0xb: {  	s3 =	sld [smem:$0x3FFC];
	_ =	sdelay $0x3  }
0xc: {  	_ =	strace s3  }
0xd: {  	s3 =	sld [smem:$0x3FFD];
	_ =	sdelay $0x3  }
0xe: {  	_ =	strace s3  }
0xf: {  	_ =	strace $0x8FFFFFFF  }
0x10: {  	s20 =	sld [smem:$0x3FDB];
	_ =	sdelay $0x1  }
0x11: {  	s4 =	simm.s32 $_scs_section_size  }
0x12: {  	s5 =	simm.s32 $_size__tile_overlayer_lowered;
	s6 =	simm.s32 $_tile_overlayer_lowered  }
0x13: {  	s23 =	simm.s32 $0x1BFF;
	s22 =	sshll.u32 s6, $0x1;
	s3 =	sadd.s32 s4, s20  }
0x14: {  	s7 =	simm.s32 $0x0;
	s21 =	sshll.u32 s5, $0x1;
	s5 =	sadd.s32 s22, s3  }
0x15: {  	[timem:s7], [sflag:s23] =	dma.local [hbm:s5], s21  }
0x16: {  	_ =	swait.ge [sflag:s23], s21  }
0x17: {  	s4 =	ssub.s32 $0x0, s21;
	[sflag:s23] =	ssyncset.done $0x0  }
0x18: {  	[sflag:s23] =	ssyncadd.s32 s4;
	_ =	sdelay $0x1  }
0x19: {  	s24 =	simm.s32 $0x1B8B  }
0x1a: {  	_ =	swait.ge [sflag:s24], $0x1  }
0x1b: {  	[sflag:s24] =	ssyncset.done $0x0  }
0x1c: {  	s26 =	simm.s32 $0x1B8E;
	s25 =	sld [smem:$0x3FFE];
	[sflag:s24] =	ssyncadd.s32 $0xFFFFFFFF  }
0x1d: {  	s27 =	simm.s32 $execute0_lowered;
	[smem:$0x3FD2] =	sst s26  }
0x1e: {  	s5 =	sshll.u32 s27, $0x1;
	_ =	strace $0x80000046;
	[dreg:$0x1] =	wrdreg $0xFFFFFFFF  }
0x1f: {  	s28 =	simm.s32 $_size_execute0_lowered;
	s3 =	sadd.s32 s3, s5;
	[dreg:$0x0] =	wrdreg $0x0  }
0x20: {  	s5 =	sshll.u32 s28, $0x1;
	[dreg:$0x2] =	wrdreg s3  }
0x21: {  	[dreg:$0x3] =	wrdreg s5  }
0x22: {  	[dreg:$0x4] =	wrdreg $0xC0  }
0x23: {  	_ =	task [dreg:s7], $0x5FFFF  }
0x24: {  	[dreg:$0x1] =	wrdreg $0xFFFFFFFF  }
0x25: {  	[dreg:$0x0] =	wrdreg $0x60  }
0x26: {  	[dreg:$0x2] =	wrdreg s2  }
0x27: {  	[dreg:$0x3] =	wrdreg s25  }
0x28: {  	[dreg:$0x4] =	wrdreg $0x9  }
0x29: {  	_ =	task.clear_ibuf [dreg:s7], $0x5FFFF;
	_ =	strace $0x90000046  }
0x2a: {  	s29 =	simm.s32 $0x9;
	_ =	strace $0x80000048  }
0x2b: {  	_ =	swait.ge [sflag:s29], $0x1  }
0x2c: {  	[sflag:s29] =	ssyncadd.s32 $0xFFFFFFFF  }
0x2d: {  	_ =	strace $0x90000048  }
0x2e: {  	_ =	sfence  }
0x2f: {  	s30 =	sld [smem:$0x0];
	_ =	sdelay $0x2  }
0x30: {  	s31 =	sshll.u32 s1, $0xD;
	s1 =	sshrl.u32 s1, $0x2  }
0x31: {  	s3 =	sand.u32 $0x4000, s31;
	s1 =	sadd.s32 s1, s30  }
0x32: {  	s0 =	sor.u32 s3, s0;
	s1 =	sshll.u32 s1, $0x11  }
0x33: {  	s0 =	sor.u32 s1, s0  }
0x34: {  	s0 =	sadd.s32 $0x8F2B, s0  }
0x35: {  	[sflag:s0] =	ssyncadd.remote.s32 $0x1  }
0x36: {  	_ =	sfence.sel $0xFFFF  }
0x37: {  	[dreg:$0x0] =	wrdreg $0xFFFFFFFF;
	(pc) =	sbr.abs _section_cstart, $3  }
0x38: {  	[dreg:$0x1] =	wrdreg $0xFFFFFFFF  }
0x39: {  	_ =	task.clear_ibuf [dreg:s7], $0x2FFFF;
	_ =	strace $0x9FFFFFFF  }
0x3a: {  	(tm) =	ssettm $0x7FFFFFFF  }
0x3b: {  	_ =	shalt  }
tec
execute0_lowered:
.L_overlay_start_1:
0x0: {  	(tag) =	ssettag $0x1  }
0x1: {  	s0 =	srdreg.scid;
	s2 =	rddreg [dreg:$0x0]  }
0x2: {  	s5 =	rddreg [dreg:$0x1];
	s1 =	stileid.u32  }
0x3: {  	s4 =	simm.s32 $0x1;
	s6 =	simm.s32 $0x2;
	s15 =	simm.s32 $0x0  }
0x4: {  	p0 =	por $0x0, $0x0;
	s8 =	simm.s32 $0x80;
	s0 =	sshll.u32 s0, $0x4  }
0x5: {  	s14 =	simm.s32 $0x0;
	s9 =	simm.s32 $0x0;
	s3 =	sand.u32 $0x10, s0  }
.Ltmp0:
0x6: {  	s10 =	simm.s32 $0x0;
	s3 =	sor.u32 s1, s3;
	(pc) =	sbr.rel .LBB1_1-.Ltmp0, $4  }
0x7: {  	s0 =	rddreg [dreg:$0x2];
	_ =	strace $0x80000047;
	s3 =	sshll.u32 s3, $0x7  }
0x8: {  	s12 =	simm.s32 $0x0;
	[sflag:s4] =	ssyncpa.u1 $0x0;
	s7 =	ssub.s32 $0xF4200, s3  }
0x9: {  	s13 =	simm.s32 $0x0;
	[sflag:s6] =	ssyncpa.u1 $0x0;
	s6 =	sshrl.u32 s7, $0xC  }
0xa: {  	s5 =	sadd.s32 $0xA00, s5;
	s11 =	smov.u32 s3;
	s7 =	sadd.s32 $0x2, s6  }
.LBB1_5:
0xb: {  	p1 =	slt.u32 s13, $0x2  }
0xc: {  	s17 =	smov.u32 s15;
	p2 =	sgt.s32 @!p1 s15, $0xF41C0;
	s16 =	sshra.s32 @!p1 s15, $0x1F  }
0xd: {  	p3 =	sgt.s32 @!p1 s14, $0x40;
	s18 =	sshra.s32 @!p1 s14, $0x1F;
	p2 =	por !p2, p1  }
0xe: {  	s15 =	sand.u32 @!p1 s16, s15;
	p3 =	por !p3, p1;
	s16 =	smov.u32 s14  }
0xf: {  	s14 =	sand.u32 @!p1 s18, s14;
	s17 =	simm.s32 @p2 $0xF41C0;
	s16 =	simm.s32 @p3 $0x40  }
0x10: {  	s15 =	ssub.s32 @!p1 s17, s15;
	s14 =	ssub.s32 @!p1 s16, s14  }
0x11: {  	s18 =	smov.u32 s12;
	s16 =	sadd.s32 @!p1 $0xFFF0BE40, s15;
	s17 =	sadd.s32 @!p1 $0xFFFFFFC0, s14  }
0x12: {  	s15 =	ssub.s32 @!p1 $0xF4240, s15;
	p2 =	sgt.s32 @!p1 s16, $0x7F;
	p3 =	sgt.s32 @!p1 s17, $0x3F  }
0x13: {  	s14 =	ssub.s32 @!p1 $0x80, s14;
	p2 =	por !p2, p1;
	p3 =	por !p3, p1  }
0x14: {  	s16 =	sadd.s32 $0x1000, s11;
	s15 =	simm.s32 @!p2 $0x0;
	s14 =	simm.s32 @!p3 $0x0  }
0x15: {  	p2 =	sgt.s32 s16, $0xF423F;
	s14 =	smul.u32 @!p1 s14, s15;
	s15 =	sadd.s32 $0x40, s12  }
0x16: {  	s18 =	smov.u32 @p2 s15  }
0x17: {  	s16 =	smov.u32 @p2 s3;
	p2 =	sgt.s32 s18, $0x3F  }
0x18: {  	s18 =	simm.s32 @p2 $0x0;
	p2 =	sne.s32 s13, s7  }
.Ltmp1:
0x19: {  	p0 =	por !p0, !p0;
	s17 =	simm.s32 @!p1 $0x2;
	(pc) =	sbr.rel @!p2 .LBB1_6-.Ltmp1, $4  }
0x1a: {  	s15 =	smov.u32 s9;
	s9 =	smov.u32 s11;
	s14 =	sand.u32 @!p1 $0x3FFFFFFF, s14  }
0x1b: {  	s11 =	smov.u32 s16;
	_ =	swait.ge @!p1 [sflag:s17], s14;
	s19 =	ssub.s32 @!p1 $0x0, s14  }
0x1c: {  	s14 =	smov.u32 s10;
	s13 =	sadd.s32 $0x1, s13;
	[sflag:s17] =	ssyncset.done @!p1 $0x0  }
0x1d: {  	s10 =	smov.u32 s12;
	s12 =	smov.u32 s18;
	[sflag:s17] =	ssyncadd.s32 @!p1 s19  }
.LBB1_1:
0x1e: {  	p1 =	sgt.u32 s13, s6  }
0x1f: {  	s16 =	sshrl.u32 @!p1 s12, $0x3  }
0x20: {  	s17 =	sshll.u32 @!p1 s11, $0x3;
	s16 =	smul.u32 @!p1 $0x7A1400, s16  }
0x21: {  	s18 =	sshll.u32 @!p1 s12, $0x7;
	s17 =	sand.u32 @!p1 $0xFFFFFC00, s17  }
0x22: {  	s16 =	sadd.s32 @!p1 s16, s17;
	s17 =	sand.u32 @!p1 $0x380, s18  }
0x23: {  	s18 =	sand.u32 @!p1 $0x7F, s11;
	s16 =	sor.u32 @!p1 s17, s16  }
0x24: {  	s17 =	sor.u32 @!p1 s18, s16  }
0x25: {  	s18 =	smulhi.u32 @!p1 $0x218D6287, s17;
	_ =	sdelay $0x1  }
0x26: {  	s16 =	smulhi.u32 @!p1 $0x218D6287, s16;
	s18 =	sshrl.u32 @!p1 s18, $0x11  }
0x27: {  	s18 =	smul.u32 @!p1 $0xF4280, s18  }
0x28: {  	s19 =	sxor.u32 @!p1 $0xFFFFFFFF, s13;
	s16 =	sshrl.u32 @!p1 s16, $0x11  }
0x29: {  	s19 =	sshll.u32 @!p1 s19, $0xD;
	s16 =	sand.u32 @!p1 $0x3F, s16;
	s17 =	ssub.s32 @!p1 s17, s18  }
0x2a: {  	s16 =	smul.u32 @!p1 $0x1E850, s16;
	s18 =	sshrl.u32 @!p1 s17, $0x3;
	s17 =	sand.u32 @!p1 $0x7, s17  }
0x2b: {  	s19 =	sand.u32 @!p1 $0x2000, s19;
	s18 =	sadd.s32 @!p1 s2, s18;
	s17 =	sshll.u32 @!p1 s17, $0x12  }
0x2c: {  	s16 =	sadd.s32 @!p1 s16, s18;
	s17 =	sor.u32 @!p1 $0x400, s17;
	s18 =	simm.s32 @!p1 $0x7A1400  }
0x2d: {  	[tilespmem:s19], [sflag:$0x1] =	stream.strided.gather @!p1 [hbm4b:s16+s17], $0x2000, s18, s17, $0x38;
	[tilespmem:$0x8100] =	vst v63  }
0x2e: {  	p1 =	seq.s32 s13, $0x0  }
0x2f: {  	p2 =	sge.u32 @!p1 s13, s7  }
0x30: {  	p1 =	por p1, p2  }
.Ltmp2:
0x31: {  	_ = 	snop;
	(pc) =	sbr.rel @p1 .LBB1_5-.Ltmp2, $1  }
0x32: {  	_ =	sdelay $0x3  }
0x33: {  	s16 =	simm.s32 $0x1  }
0x34: {  	_ =	swait.ge [sflag:s4], $0x2000;
	s16 =	simm.s32 @!p0 $0x0  }
0x35: {  	[sflag:s4] =	ssyncset.done $0x0;
	s17 =	sshll.u32 s16, $0xD  }
0x36: {  	[sflag:s4] =	ssyncadd.s32 $0xFFFFE000;
	s17 =	sor.u32 $0x40, s17  }
0x37: {  	s16 =	smul.u32 $0x8200, s16;
	v0 =	vld [tilespmem:s17+$0x30]  }
0x38: {  	v1 =	vld [tilespmem:s17+$0xFFFFFFD0]  }
0x39: {  	s16 =	sshrl.u32 s16, $0x2;
	v5 =	vld [tilespmem:s17+$0xFFFFFFE0]  }
0x3a: {  	v6 =	vld [tilespmem:s17+$0xFFFFFFF0];
	s19 =	sor.u32 $0x4000, s16  }
0x3b: {  	s31 =	sand.u32 $0x1, s13;
	v4 =	vld [tilespmem:s17+$0x0];
	s18 =	sadd.s32 $0x0, s19  }
0x3c: {  	v3 =	vld [tilespmem:s17+$0x10];
	s16 =	smul.u32 $0x8200, s31;
	[tilespmem:s18+$0x1C70 ss:$0x41] =	vst.msk $0xffff, v0  }
0x3d: {  	v2 =	vld [tilespmem:s17+$0x20];
	[tilespmem:s18+$0x410 ss:$0x41] =	vst.msk $0xffff, v1  }
0x3e: {  	s16 =	sshrl.u32 s16, $0x2;
	v1 =	vld [tilespmem:s17+$0xFFFFFFC0];
	[tilespmem:s18+$0x820 ss:$0x41] =	vst.msk $0xffff, v5;
	s17 =	sadd.s32 $0x80, s17  }
0x3f: {  	s20 =	simm.s32 $0x4;
	s21 =	simm.s32 $0x8;
	s16 =	sor.u32 $0x4000, s16;
	[tilespmem:s18+$0xC30 ss:$0x41] =	vst.msk $0xffff, v6;
	v0 =	vld [tilespmem:s17+$0x30]  }
.LBB1_3:
0x40: {  	p1 =	sne.s32 s21, $0xFC;
	v5 =	vld [tilespmem:s17+$0xFFFFFFD0];
	[tilespmem:s18+$0x1040 ss:$0x41] =	vst.msk $0xffff, v4  }
0x41: {  	v6 =	vld [tilespmem:s17+$0xFFFFFFE0];
	[tilespmem:s18+$0x1450 ss:$0x41] =	vst.msk $0xffff, v3  }
0x42: {  	s22 =	sshra.s32 s20, $0x2;
	s20 =	smov.u32 s21;
	v7 =	vld [tilespmem:s17+$0xFFFFFFF0];
	[tilespmem:s18+$0x1860 ss:$0x41] =	vst.msk $0xffff, v2  }
.Ltmp3:
0x43: {  	v4 =	vld [tilespmem:s17+$0x0];
	[tilespmem:s18+$0x0 ss:$0x41] =	vst.msk $0xffff, v1;
	s18 =	sadd.s32 s22, s19;
	(pc) =	sbr.rel @p1 .LBB1_3-.Ltmp3, $4  }
0x44: {  	v3 =	vld [tilespmem:s17+$0x10];
	[tilespmem:s18+$0x1C70 ss:$0x41] =	vst.msk $0xffff, v0  }
0x45: {  	[tilespmem:s18+$0x410 ss:$0x41] =	vst.msk $0xffff, v5;
	v2 =	vld [tilespmem:s17+$0x20]  }
0x46: {  	v1 =	vld [tilespmem:s17+$0xFFFFFFC0];
	[tilespmem:s18+$0x820 ss:$0x41] =	vst.msk $0xffff, v6;
	s17 =	sadd.s32 $0x80, s17  }
0x47: {  	s21 =	sadd.s32 $0x4, s21;
	v0 =	vld [tilespmem:s17+$0x30];
	[tilespmem:s18+$0xC30 ss:$0x41] =	vst.msk $0xffff, v7  }
0x48: {  	s21 =	sshll.u32 s9, $0x7;
	s22 =	sshll.u32 s10, $0x3;
	s20 =	sshra.s32 s20, $0x2  }
0x49: {  	p1 =	sgt.s32 s9, $0xF41C0;
	s30 =	sshra.s32 s9, $0x1F;
	s25 =	sshra.s32 s10, $0x1F  }
0x4a: {  	v5 =	vld [tilespmem:s17+$0xFFFFFFD0];
	s28 =	sshrl.u32 s10, $0x3;
	s23 =	sand.u32 $0xFFFFFC00, s21;
	s22 =	sand.u32 $0xFFFFFC00, s22  }
0x4b: {  	[tilespmem:s18+$0x1040 ss:$0x41] =	vst.msk $0xffff, v4;
	v58 =	vld [tilespmem:s17+$0xFFFFFFE0];
	s21 =	sand.u32 $0x380, s21;
	s19 =	sadd.s32 s20, s19;
	s22 =	sadd.s32 s22, s23  }
0x4c: {  	v59 =	vld [tilespmem:s17+$0xFFFFFFF0];
	[tilespmem:s18+$0x1450 ss:$0x41] =	vst.msk $0xffff, v3;
	s29 =	sor.u32 s21, s22;
	s21 =	smov.u32 s9;
	s22 =	sand.u32 s30, s9  }
0x4d: {  	v60 =	vld [tilespmem:s17+$0x0];
	[tilespmem:s18+$0x1860 ss:$0x41] =	vst.msk $0xffff, v2;
	s30 =	sand.u32 $0x7, s10;
	s20 =	sshrl.u32 s29, $0x7;
	s21 =	simm.s32 @!p1 $0xF41C0  }
0x4e: {  	v61 =	vld [tilespmem:s17+$0x10];
	[tilespmem:s18+$0x0 ss:$0x41] =	vst.msk $0xffff, v1;
	p1 =	sgt.s32 s10, $0x40;
	s24 =	ssub.s32 s21, s22;
	s21 =	smov.u32 s10  }
0x4f: {  	v62 =	vld [tilespmem:s17+$0x20];
	[tilespmem:s19+$0x1C70 ss:$0x41] =	vst.msk $0xffff, v0;
	s31 =	smulhi.u32 $0x218DEF5, s20;
	s22 =	sand.u32 s25, s10;
	s21 =	simm.s32 @!p1 $0x40  }
0x50: {  	v63 =	vld [tilespmem:s17+$0xFFFFFFC0];
	[tilespmem:s19+$0x410 ss:$0x41] =	vst.msk $0xffff, v5;
	s26 =	sadd.s32 $0xFFF0BE40, s24;
	s17 =	ssub.s32 $0xF4240, s24;
	s21 =	ssub.s32 s21, s22  }
0x51: {  	[tilespmem:s19+$0x820 ss:$0x41] =	vst.msk $0xffff, v58;
	s23 =	sshrl.u32 s31, $0xD;
	p1 =	sgt.s32 s26, $0x7F;
	s27 =	sadd.s32 $0xFFFFFFC0, s21  }
0x52: {  	[tilespmem:s19+$0xC30 ss:$0x41] =	vst.msk $0xffff, v59;
	s23 =	smul.u32 $0xF4240, s23;
	s18 =	ssub.s32 $0x80, s21;
	p2 =	sgt.s32 s27, $0x3F  }
.Ltmp4:
0x53: {  	[tilespmem:s19+$0x1040 ss:$0x41] =	vst.msk $0xffff, v60;
	s17 =	simm.s32 @p1 $0x0;
	s18 =	simm.s32 @p2 $0x0;
	(pc) =	sbr.rel .LBB1_5-.Ltmp4, $4  }
0x54: {  	s29 =	sand.u32 $0xF, s28;
	[tilespmem:s19+$0x1450 ss:$0x41] =	vst.msk $0xffff, v61;
	s20 =	ssub.s32 s20, s23;
	s17 =	smul.u32 s18, s17  }
0x55: {  	[tilespmem:s19+$0x1860 ss:$0x41] =	vst.msk $0xffff, v62;
	s21 =	sshll.u32 s30, $0x12;
	s20 =	sshll.u32 s20, $0x4;
	s18 =	sadd.s32 s5, s29  }
0x56: {  	[tilespmem:s19+$0x0 ss:$0x41] =	vst.msk $0xffff, v63;
	s31 =	sor.u32 $0x40, s21;
	s18 =	sadd.s32 s20, s18;
	s17 =	sand.u32 $0x3FFFFFFF, s17  }
0x57: {  	[hbm4b:s18+s31] =	stream.strided.scatter [tilespmem:s16], [sflag:$0x2], s17, s8, s31, $0x18;
	[tilespmem:$0x8100] =	vst v63  }
.LBB1_6:
0x58: {  	_ =	sfence.sel $0x180000  }
0x59: {  	s2 =	simm.s32 $0x1;
	[bflag:$0x0] =	sbarrier.arrive $0xFFFF  }
0x5a: {  	s31 =	simm.s32 $0x2;
	[sflag:s2] =	ssyncpa.u1 $0x1  }
0x5b: {  	[sflag:s31] =	ssyncpa.u1 $0x1  }
0x5c: {  	p0 =	sne.s32 s1, $0x0;
	_ =	strace $0x90000047  }
0x5d: {  	s0 =	sadd.s32 @!p0 $0x100000, s0;
	[bflag:$0x2] =	sbarrier.arrive $0xFFFF  }
0x5e: {  	[sflag:s0] =	ssyncadd.tile.s32 @!p0 $0x1;
	_ =	shalt  }
.Lfunc_end1:
_tile_overlayer_lowered:
.L_overlay_start_2:
0x5f: {  	(tag) =	ssettag $0x2  }
0x60: {  	s0 =	rddreg [dreg:$0x0];
	s2 =	stileid.u32  }
0x61: {  	s1 =	rddreg [dreg:$0x1];
	p0 =	sne.s32 s2, $0x0  }
0x62: {  	s3 =	rddreg [dreg:$0x2];
	[bflag:$0x3] =	sbarrier.arrive $0xFFFF;
	s2 =	simm.s32 @!p0 $0x1C01  }
0x63: {  	[timem:s3], [sflag:s2] =	dma.local @!p0 [hbm:s0], s1  }
0x64: {  	s0 =	simm.s32 @!p0 $0x1  }
0x65: {  	_ =	swait.ge @!p0 [sflag:s0], s1  }
0x66: {  	s1 =	ssub.s32 @!p0 $0x0, s1;
	[sflag:s0] =	ssyncset.done @!p0 $0x0  }
0x67: {  	[sflag:s0] =	ssyncadd.s32 @!p0 s1  }
0x68: {  	[bflag:$0x3] =	sbarrier.arrive $0xFFFF  }
0x69: {  	_ =	shalt  }

</sc_bundles>
